<compile_context>
chip_gen: v7x
topology: tpu7x:2x2x1
jax: 0.10.2.dev20260603
libtpu: 0.0.44.dev20260713+nightly
codegen_flags: <defaults>
</compile_context>

<pallas_src>
import functools

import jax
import jax.numpy as jnp
from jax import lax
from jax.experimental import pallas as pl
from jax.experimental.pallas import tpu as pltpu
from jax.experimental.pallas import tpu_sc as plsc

NC = 2
NS = 16
CH = 128
MROW = 10240
RPT = MROW // NS
BN = 512


def _sc_mesh():
    return plsc.VectorSubcoreMesh(core_axis_name="c", subcore_axis_name="s")


DEGW = 128


def _make_deg_kernel(K):

    @functools.partial(
        pl.kernel,
        out_type=jax.ShapeDtypeStruct((NC, MROW, DEGW), jnp.float32),
        mesh=_sc_mesh(),
        scratch_types=[
            pltpu.VMEM((CH,), jnp.int32),
            pltpu.VMEM((CH, DEGW), jnp.float32),
            pltpu.VMEM((CH, DEGW), jnp.float32),
            pltpu.VMEM_SHARED((MROW, DEGW), jnp.float32),
        ],
    )
    def deg_kernel(dstr, ones_hbm, zeros_hbm, out_hbm, didx, ones_v, buf, acc):
        c = lax.axis_index("c")
        s = lax.axis_index("s")
        pltpu.sync_copy(ones_hbm, ones_v)
        pltpu.sync_copy(zeros_hbm, buf)
        for k in range(RPT // CH):
            pltpu.sync_copy(buf, acc.at[pl.ds(s * RPT + k * CH, CH)])
        plsc.subcore_barrier()

        def body(j, carry):
            pltpu.sync_copy(dstr.at[c, s, j], didx)
            pltpu.sync_copy(ones_v, acc.at[didx], add=True)
            return carry

        lax.fori_loop(0, K, body, 0)
        plsc.subcore_barrier()
        for k in range(RPT // CH):
            r0 = s * RPT + k * CH
            pltpu.sync_copy(acc.at[pl.ds(r0, CH)], buf)
            pltpu.sync_copy(buf, out_hbm.at[c, pl.ds(r0, CH)])

    return deg_kernel


def _make_spass_kernel(K, D):

    @functools.partial(
        pl.kernel,
        out_type=jax.ShapeDtypeStruct((NC, MROW, D), jnp.float32),
        mesh=_sc_mesh(),
        scratch_types=[
            pltpu.VMEM((CH,), jnp.int32),
            pltpu.VMEM((CH,), jnp.int32),
            pltpu.VMEM((CH, D), jnp.float32),
            pltpu.VMEM_SHARED((MROW, D), jnp.float32),
            pltpu.SemaphoreType.DMA,
        ],
    )
    def spass(t_hbm, srcr, dstr, zrows_hbm, out_hbm, sidx, didx, rows, acc, sem):
        c = lax.axis_index("c")
        s = lax.axis_index("s")
        pltpu.sync_copy(zrows_hbm, rows)
        for k in range(RPT // CH):
            pltpu.sync_copy(rows, acc.at[pl.ds(s * RPT + k * CH, CH)])
        plsc.subcore_barrier()

        def body(j, carry):
            pltpu.sync_copy(srcr.at[c, s, j], sidx)
            pltpu.sync_copy(dstr.at[c, s, j], didx)
            pltpu.async_copy(t_hbm.at[sidx], rows, sem).wait()
            pltpu.sync_copy(rows, acc.at[didx], add=True)
            return carry

        lax.fori_loop(0, K, body, 0)
        plsc.subcore_barrier()
        for k in range(RPT // CH):
            r0 = s * RPT + k * CH
            pltpu.sync_copy(acc.at[pl.ds(r0, CH)], rows)
            pltpu.sync_copy(rows, out_hbm.at[c, pl.ds(r0, CH)])

    return spass


def _rowspec(d=128):
    return pl.BlockSpec((BN, d), lambda i: (i, 0))


def _pairspec(d=128):
    return pl.BlockSpec((NC, BN, d), lambda i: (0, i, 0))


def _fullspec(shape):
    n = len(shape)
    return pl.BlockSpec(shape, lambda i, _n=n: (0,) * _n)


def _prep_body(deg_ref, x_ref, dis_ref, t0_ref):
    deg = deg_ref[0, :, 0:1] + deg_ref[1, :, 0:1]
    dis = jnp.where(deg > 0.0, lax.rsqrt(jnp.maximum(deg, 1.0)), 0.0)
    d = jnp.broadcast_to(dis, (BN, 128))
    dis_ref[...] = d
    t0_ref[...] = d * x_ref[...]


def _mid_body(s_ref, dis_ref, u_ref, a_ref):
    ssum = s_ref[0] + s_ref[1]
    d = dis_ref[...]
    a_ref[...] = d * ssum
    u_ref[...] = (d * d) * ssum


def _ln(h, g, b):
    mu = jnp.mean(h, axis=-1, keepdims=True)
    var = jnp.mean((h - mu) ** 2, axis=-1, keepdims=True)
    return (h - mu) * lax.rsqrt(var + 1e-5) * g + b


def _gamma_block(x_ref, a_ref, s_ref, dis_ref, w0_ref, w1_ref, w2_ref, g_ref, b_ref):
    d = dis_ref[...]
    a2 = d * (s_ref[0] + s_ref[1])
    h = jnp.dot(x_ref[...], w0_ref[...], preferred_element_type=jnp.float32)
    h = h + jnp.dot(a_ref[...], w1_ref[...], preferred_element_type=jnp.float32)
    h = h + jnp.dot(a2, w2_ref[...], preferred_element_type=jnp.float32)
    return _ln(h, g_ref[...], b_ref[...])


def _layer_body(x_ref, a_ref, s_ref, dis_ref, w0_ref, w1_ref, w2_ref, g_ref,
                b_ref, h_ref, t_ref):
    hn = _gamma_block(x_ref, a_ref, s_ref, dis_ref, w0_ref, w1_ref, w2_ref,
                      g_ref, b_ref)
    h_ref[...] = hn
    t_ref[...] = dis_ref[...] * hn


def _final_body(x_ref, a_ref, s_ref, dis_ref, w0_ref, w1_ref, w2_ref, g_ref,
                b_ref, lw_ref, lb_ref, out_ref):
    hn = _gamma_block(x_ref, a_ref, s_ref, dis_ref, w0_ref, w1_ref, w2_ref,
                      g_ref, b_ref)
    logits = jnp.dot(hn, lw_ref[...], preferred_element_type=jnp.float32)
    logits = logits + lb_ref[...]
    m = jnp.max(logits, axis=-1, keepdims=True)
    lse = jnp.log(jnp.sum(jnp.exp(logits - m), axis=-1, keepdims=True)) + m
    out_ref[...] = logits - lse


def kernel(x, edge_index, W0_0, W0_1, W0_2, W1_0, W1_1, W1_2, ln0_g, ln0_b,
           ln1_g, ln1_b, linW, linb):
    n, d_in = x.shape
    e = edge_index.shape[1]
    grid = (MROW // BN,)
    k_per_tile = pl.cdiv(e, NC * NS * CH)
    ep = NC * NS * CH * k_per_tile
    pad = ep - e

    src = jnp.concatenate(
        [edge_index[0], jnp.zeros((pad,), jnp.int32)]).reshape(NC, NS, k_per_tile, CH)
    dst_pad = n + (jnp.arange(pad, dtype=jnp.int32) % (MROW - n))
    dst = jnp.concatenate(
        [edge_index[1], dst_pad]).reshape(NC, NS, k_per_tile, CH)
    xp = jnp.pad(x, ((0, MROW - n), (0, 0)))
    ones16 = jnp.ones((CH, DEGW), jnp.float32)
    zeros16 = jnp.zeros((CH, DEGW), jnp.float32)
    zrows = jnp.zeros((CH, d_in), jnp.float32)
    g0 = ln0_g.reshape(1, -1)
    b0 = ln0_b.reshape(1, -1)
    g1 = ln1_g.reshape(1, -1)
    b1 = ln1_b.reshape(1, -1)
    lb = linb.reshape(1, -1)

    deg2 = _make_deg_kernel(k_per_tile)(dst, ones16, zeros16)

    dis, t0 = pl.pallas_call(
        _prep_body,
        grid=grid,
        in_specs=[_pairspec(DEGW), _rowspec()],
        out_specs=[_rowspec(), _rowspec()],
        out_shape=[jax.ShapeDtypeStruct((MROW, 128), jnp.float32)] * 2,
    )(deg2, xp)

    spass = _make_spass_kernel(k_per_tile, d_in)

    def mid(spartial):
        return pl.pallas_call(
            _mid_body,
            grid=grid,
            in_specs=[_pairspec(), _rowspec()],
            out_specs=[_rowspec(), _rowspec()],
            out_shape=[jax.ShapeDtypeStruct((MROW, 128), jnp.float32)] * 2,
        )(spartial, dis)

    s1 = spass(t0, src, dst, zrows)
    u1, a1 = mid(s1)
    s2 = spass(u1, src, dst, zrows)

    h1, t1 = pl.pallas_call(
        _layer_body,
        grid=grid,
        in_specs=[_rowspec(), _rowspec(), _pairspec(), _rowspec(),
                  _fullspec((128, 128)), _fullspec((128, 128)),
                  _fullspec((128, 128)), _fullspec((1, 128)),
                  _fullspec((1, 128))],
        out_specs=[_rowspec(), _rowspec()],
        out_shape=[jax.ShapeDtypeStruct((MROW, 128), jnp.float32)] * 2,
    )(xp, a1, s2, dis, W0_0, W0_1, W0_2, g0, b0)

    s3 = spass(t1, src, dst, zrows)
    u2, a3 = mid(s3)
    s4 = spass(u2, src, dst, zrows)

    out = pl.pallas_call(
        _final_body,
        grid=grid,
        in_specs=[_rowspec(), _rowspec(), _pairspec(), _rowspec(),
                  _fullspec((128, 128)), _fullspec((128, 128)),
                  _fullspec((128, 128)), _fullspec((1, 128)),
                  _fullspec((1, 128)), _fullspec((128, 128)),
                  _fullspec((1, 128))],
        out_specs=_rowspec(),
        out_shape=jax.ShapeDtypeStruct((MROW, 128), jnp.float32),
    )(h1, a3, s4, dis, W1_0, W1_1, W1_2, g1, b1, linW, lb)

    return out[:n]

# --- scband reference (transcript-rebuilt; emitter-appended) ---
"""Pipeline reference for scband-gamma-gnn-14370960572512 (READ-ONLY COPY).

The authoritative reference and input builder live on the scoring server;
editing this copy changes nothing except your own understanding.
"""

import jax, jax.numpy as jnp
import numpy as np

N = 10000
E = 320000
D = 128
H = 128
O = 128

def setup_inputs(seed: int = 0):
    key = jax.random.key(seed)
    ks = jax.random.split(key, 12)
    s_in = 1.0 / np.sqrt(D)
    s_h = 1.0 / np.sqrt(H)
    inp = {}
    inp["x"] = jax.random.normal(ks[0], (N, D), dtype=jnp.float32)
    inp["edge_index"] = jax.random.randint(ks[1], (2, E), 0, N, dtype=jnp.int32)
    inp["W0_0"] = jax.random.normal(ks[2], (D, H), dtype=jnp.float32) * s_in
    inp["W0_1"] = jax.random.normal(ks[3], (D, H), dtype=jnp.float32) * s_in
    inp["W0_2"] = jax.random.normal(ks[4], (D, H), dtype=jnp.float32) * s_in
    inp["W1_0"] = jax.random.normal(ks[5], (H, H), dtype=jnp.float32) * s_h
    inp["W1_1"] = jax.random.normal(ks[6], (H, H), dtype=jnp.float32) * s_h
    inp["W1_2"] = jax.random.normal(ks[7], (H, H), dtype=jnp.float32) * s_h
    inp["ln0_g"] = jnp.ones((H,), dtype=jnp.float32)
    inp["ln0_b"] = jnp.zeros((H,), dtype=jnp.float32)
    inp["ln1_g"] = jnp.ones((H,), dtype=jnp.float32)
    inp["ln1_b"] = jnp.zeros((H,), dtype=jnp.float32)
    inp["linW"] = jax.random.normal(ks[8], (H, O), dtype=jnp.float32) * s_h
    inp["linb"] = jnp.zeros((O,), dtype=jnp.float32)
    return inp

def _layer_norm(h, g, b):
    mu = jnp.mean(h, axis=-1, keepdims=True)
    var = jnp.mean((h - mu) ** 2, axis=-1, keepdims=True)
    return (h - mu) / jnp.sqrt(var + 1e-5) * g + b

def reference(x, edge_index, W0_0, W0_1, W0_2, W1_0, W1_1, W1_2, ln0_g, ln0_b, ln1_g, ln1_b, linW, linb):
    # eval mode: dropout is identity
    n = x.shape[0]
    src = edge_index[0]
    dst = edge_index[1]
    ones = jnp.ones((edge_index.shape[1],), dtype=jnp.float32)
    deg = jax.ops.segment_sum(ones, dst, num_segments=n)
    dis = jnp.where(deg > 0, jax.lax.rsqrt(jnp.maximum(deg, 1.0)), 0.0)
    norm = dis[src] * dis[dst]

    def propagate(h):
        return jax.ops.segment_sum(h[src] * norm[:, None], dst, num_segments=n)

    def gamma(h, Ws):
        # GAMMA polynomial conv: sum_p (A_hat^p h) W_p for powers [0,1,2], num_iterations=1
        out = h @ Ws[0]
        hp = h
        for p in range(1, len(Ws)):
            hp = propagate(hp)
            out = out + hp @ Ws[p]
        return out

    h = gamma(x, [W0_0, W0_1, W0_2])
    h = _layer_norm(h, ln0_g, ln0_b)
    h = gamma(h, [W1_0, W1_1, W1_2])
    h = _layer_norm(h, ln1_g, ln1_b)
    logits = h @ linW + linb
    return jax.nn.log_softmax(logits, axis=1)

if __name__ == "__main__":
    import jax
    _d = setup_inputs()
    print(jax.jit(kernel)(*tuple(_d.values())))

</pallas_src>

<mosaic_0001>
#map = affine_map<(d0, d1) -> (0, 0)>
#map1 = affine_map<(d0, d1) -> (0, 0, 0, 0)>
#map2 = affine_map<(d0, d1) -> (0, 0, 0)>
module attributes {stable_mosaic.version = 14 : i64} {
  func.func @spass(%arg0: i32, %arg1: i32, %arg2: memref<10240x128xf32, #tpu.memory_space<hbm>>, %arg3: memref<2x16x79x128xi32, #tpu.memory_space<hbm>>, %arg4: memref<2x16x79x128xi32, #tpu.memory_space<hbm>>, %arg5: memref<128x128xf32, #tpu.memory_space<hbm>>, %arg6: memref<2x10240x128xf32, #tpu.memory_space<hbm>>, %arg7: memref<128xi32, #tpu.memory_space<vmem>>, %arg8: memref<128xi32, #tpu.memory_space<vmem>>, %arg9: memref<128x128xf32, #tpu.memory_space<vmem>>, %arg10: memref<10240x128xf32, #tpu.memory_space<vmem_shared>>, %arg11: memref<!tpu.dma_semaphore, #tpu.memory_space<semaphore_mem>>) attributes {dimension_semantics = [#tpu.dimension_semantics<core_parallel>, #tpu.dimension_semantics<subcore_parallel>], iteration_bounds = array<i64: 2, 16>, scalar_prefetch = 0 : i64, scratch_operands = 5 : i64, tpu.core_type = #tpu.core_type<sc_vector_subcore>, window_params = [{transform_indices = #map}, {transform_indices = #map1}, {transform_indices = #map1}, {transform_indices = #map}, {transform_indices = #map2}]} {
    "tpu.region"() ({
      %run_scoped3A = tpu.sem_alloc : memref<!tpu.dma_semaphore, #tpu.memory_space<semaphore_mem>>
      tpu.enqueue_dma source(%arg5 : memref<128x128xf32, #tpu.memory_space<hbm>>) target(%arg9 : memref<128x128xf32, #tpu.memory_space<vmem>>) target_semaphore(%run_scoped3A : memref<!tpu.dma_semaphore, #tpu.memory_space<semaphore_mem>>)
      tpu.wait_dma2 semaphore(%run_scoped3A : memref<!tpu.dma_semaphore, #tpu.memory_space<semaphore_mem>>) src(%arg5 : memref<128x128xf32, #tpu.memory_space<hbm>>) dst(%arg9 : memref<128x128xf32, #tpu.memory_space<vmem>>)
      tpu.yield
    }) : () -> ()
    %mul3A = arith.constant 640 : i32
    %mul3A_0 = arith.muli %arg1, %mul3A : i32
    %add3A = arith.constant 0 : i32
    %add3A_1 = arith.addi %mul3A_0, %add3A : i32
    "tpu.region"() ({
      %run_scoped3A = tpu.sem_alloc : memref<!tpu.dma_semaphore, #tpu.memory_space<semaphore_mem>>
      %dma_start3A = arith.constant 0 : i32
      %dma_start3A_44 = tpu.memref_slice %arg10[%add3A_1, %dma_start3A] : memref<10240x128xf32, #tpu.memory_space<vmem_shared>> -> memref<128x128xf32, #tpu.memory_space<vmem_shared>>
      %dma_start3A_45 = arith.constant 0 : i32
      %dma_start3A_46 = tpu.memref_slice %arg10[%add3A_1, %dma_start3A_45] : memref<10240x128xf32, #tpu.memory_space<vmem_shared>> -> memref<128x128xf32, #tpu.memory_space<vmem_shared>>
      tpu.enqueue_dma source(%arg9 : memref<128x128xf32, #tpu.memory_space<vmem>>) target(%dma_start3A_46 : memref<128x128xf32, #tpu.memory_space<vmem_shared>>) target_semaphore(%run_scoped3A : memref<!tpu.dma_semaphore, #tpu.memory_space<semaphore_mem>>)
      %dma_wait3A = arith.constant 0 : i32
      %dma_wait3A_47 = tpu.memref_slice %arg10[%add3A_1, %dma_wait3A] : memref<10240x128xf32, #tpu.memory_space<vmem_shared>> -> memref<128x128xf32, #tpu.memory_space<vmem_shared>>
      %dma_wait3A_48 = arith.constant 0 : i32
      %dma_wait3A_49 = tpu.memref_slice %arg10[%add3A_1, %dma_wait3A_48] : memref<10240x128xf32, #tpu.memory_space<vmem_shared>> -> memref<128x128xf32, #tpu.memory_space<vmem_shared>>
      tpu.wait_dma2 semaphore(%run_scoped3A : memref<!tpu.dma_semaphore, #tpu.memory_space<semaphore_mem>>) src(%arg9 : memref<128x128xf32, #tpu.memory_space<vmem>>) dst(%dma_wait3A_49 : memref<128x128xf32, #tpu.memory_space<vmem_shared>>)
      tpu.yield
    }) : () -> ()
    %mul3A_2 = arith.constant 640 : i32
    %mul3A_3 = arith.muli %arg1, %mul3A_2 : i32
    %add3A_4 = arith.constant 128 : i32
    %add3A_5 = arith.addi %mul3A_3, %add3A_4 : i32
    "tpu.region"() ({
      %run_scoped3A = tpu.sem_alloc : memref<!tpu.dma_semaphore, #tpu.memory_space<semaphore_mem>>
      %dma_start3A = arith.constant 0 : i32
      %dma_start3A_44 = tpu.memref_slice %arg10[%add3A_5, %dma_start3A] : memref<10240x128xf32, #tpu.memory_space<vmem_shared>> -> memref<128x128xf32, #tpu.memory_space<vmem_shared>>
      %dma_start3A_45 = arith.constant 0 : i32
      %dma_start3A_46 = tpu.memref_slice %arg10[%add3A_5, %dma_start3A_45] : memref<10240x128xf32, #tpu.memory_space<vmem_shared>> -> memref<128x128xf32, #tpu.memory_space<vmem_shared>>
      tpu.enqueue_dma source(%arg9 : memref<128x128xf32, #tpu.memory_space<vmem>>) target(%dma_start3A_46 : memref<128x128xf32, #tpu.memory_space<vmem_shared>>) target_semaphore(%run_scoped3A : memref<!tpu.dma_semaphore, #tpu.memory_space<semaphore_mem>>)
      %dma_wait3A = arith.constant 0 : i32
      %dma_wait3A_47 = tpu.memref_slice %arg10[%add3A_5, %dma_wait3A] : memref<10240x128xf32, #tpu.memory_space<vmem_shared>> -> memref<128x128xf32, #tpu.memory_space<vmem_shared>>
      %dma_wait3A_48 = arith.constant 0 : i32
      %dma_wait3A_49 = tpu.memref_slice %arg10[%add3A_5, %dma_wait3A_48] : memref<10240x128xf32, #tpu.memory_space<vmem_shared>> -> memref<128x128xf32, #tpu.memory_space<vmem_shared>>
      tpu.wait_dma2 semaphore(%run_scoped3A : memref<!tpu.dma_semaphore, #tpu.memory_space<semaphore_mem>>) src(%arg9 : memref<128x128xf32, #tpu.memory_space<vmem>>) dst(%dma_wait3A_49 : memref<128x128xf32, #tpu.memory_space<vmem_shared>>)
      tpu.yield
    }) : () -> ()
    %mul3A_6 = arith.constant 640 : i32
    %mul3A_7 = arith.muli %arg1, %mul3A_6 : i32
    %add3A_8 = arith.constant 256 : i32
    %add3A_9 = arith.addi %mul3A_7, %add3A_8 : i32
    "tpu.region"() ({
      %run_scoped3A = tpu.sem_alloc : memref<!tpu.dma_semaphore, #tpu.memory_space<semaphore_mem>>
      %dma_start3A = arith.constant 0 : i32
      %dma_start3A_44 = tpu.memref_slice %arg10[%add3A_9, %dma_start3A] : memref<10240x128xf32, #tpu.memory_space<vmem_shared>> -> memref<128x128xf32, #tpu.memory_space<vmem_shared>>
      %dma_start3A_45 = arith.constant 0 : i32
      %dma_start3A_46 = tpu.memref_slice %arg10[%add3A_9, %dma_start3A_45] : memref<10240x128xf32, #tpu.memory_space<vmem_shared>> -> memref<128x128xf32, #tpu.memory_space<vmem_shared>>
      tpu.enqueue_dma source(%arg9 : memref<128x128xf32, #tpu.memory_space<vmem>>) target(%dma_start3A_46 : memref<128x128xf32, #tpu.memory_space<vmem_shared>>) target_semaphore(%run_scoped3A : memref<!tpu.dma_semaphore, #tpu.memory_space<semaphore_mem>>)
      %dma_wait3A = arith.constant 0 : i32
      %dma_wait3A_47 = tpu.memref_slice %arg10[%add3A_9, %dma_wait3A] : memref<10240x128xf32, #tpu.memory_space<vmem_shared>> -> memref<128x128xf32, #tpu.memory_space<vmem_shared>>
      %dma_wait3A_48 = arith.constant 0 : i32
      %dma_wait3A_49 = tpu.memref_slice %arg10[%add3A_9, %dma_wait3A_48] : memref<10240x128xf32, #tpu.memory_space<vmem_shared>> -> memref<128x128xf32, #tpu.memory_space<vmem_shared>>
      tpu.wait_dma2 semaphore(%run_scoped3A : memref<!tpu.dma_semaphore, #tpu.memory_space<semaphore_mem>>) src(%arg9 : memref<128x128xf32, #tpu.memory_space<vmem>>) dst(%dma_wait3A_49 : memref<128x128xf32, #tpu.memory_space<vmem_shared>>)
      tpu.yield
    }) : () -> ()
    %mul3A_10 = arith.constant 640 : i32
    %mul3A_11 = arith.muli %arg1, %mul3A_10 : i32
    %add3A_12 = arith.constant 384 : i32
    %add3A_13 = arith.addi %mul3A_11, %add3A_12 : i32
    "tpu.region"() ({
      %run_scoped3A = tpu.sem_alloc : memref<!tpu.dma_semaphore, #tpu.memory_space<semaphore_mem>>
      %dma_start3A = arith.constant 0 : i32
      %dma_start3A_44 = tpu.memref_slice %arg10[%add3A_13, %dma_start3A] : memref<10240x128xf32, #tpu.memory_space<vmem_shared>> -> memref<128x128xf32, #tpu.memory_space<vmem_shared>>
      %dma_start3A_45 = arith.constant 0 : i32
      %dma_start3A_46 = tpu.memref_slice %arg10[%add3A_13, %dma_start3A_45] : memref<10240x128xf32, #tpu.memory_space<vmem_shared>> -> memref<128x128xf32, #tpu.memory_space<vmem_shared>>
      tpu.enqueue_dma source(%arg9 : memref<128x128xf32, #tpu.memory_space<vmem>>) target(%dma_start3A_46 : memref<128x128xf32, #tpu.memory_space<vmem_shared>>) target_semaphore(%run_scoped3A : memref<!tpu.dma_semaphore, #tpu.memory_space<semaphore_mem>>)
      %dma_wait3A = arith.constant 0 : i32
      %dma_wait3A_47 = tpu.memref_slice %arg10[%add3A_13, %dma_wait3A] : memref<10240x128xf32, #tpu.memory_space<vmem_shared>> -> memref<128x128xf32, #tpu.memory_space<vmem_shared>>
      %dma_wait3A_48 = arith.constant 0 : i32
      %dma_wait3A_49 = tpu.memref_slice %arg10[%add3A_13, %dma_wait3A_48] : memref<10240x128xf32, #tpu.memory_space<vmem_shared>> -> memref<128x128xf32, #tpu.memory_space<vmem_shared>>
      tpu.wait_dma2 semaphore(%run_scoped3A : memref<!tpu.dma_semaphore, #tpu.memory_space<semaphore_mem>>) src(%arg9 : memref<128x128xf32, #tpu.memory_space<vmem>>) dst(%dma_wait3A_49 : memref<128x128xf32, #tpu.memory_space<vmem_shared>>)
      tpu.yield
    }) : () -> ()
    %mul3A_14 = arith.constant 640 : i32
    %mul3A_15 = arith.muli %arg1, %mul3A_14 : i32
    %add3A_16 = arith.constant 512 : i32
    %add3A_17 = arith.addi %mul3A_15, %add3A_16 : i32
    "tpu.region"() ({
      %run_scoped3A = tpu.sem_alloc : memref<!tpu.dma_semaphore, #tpu.memory_space<semaphore_mem>>
      %dma_start3A = arith.constant 0 : i32
      %dma_start3A_44 = tpu.memref_slice %arg10[%add3A_17, %dma_start3A] : memref<10240x128xf32, #tpu.memory_space<vmem_shared>> -> memref<128x128xf32, #tpu.memory_space<vmem_shared>>
      %dma_start3A_45 = arith.constant 0 : i32
      %dma_start3A_46 = tpu.memref_slice %arg10[%add3A_17, %dma_start3A_45] : memref<10240x128xf32, #tpu.memory_space<vmem_shared>> -> memref<128x128xf32, #tpu.memory_space<vmem_shared>>
      tpu.enqueue_dma source(%arg9 : memref<128x128xf32, #tpu.memory_space<vmem>>) target(%dma_start3A_46 : memref<128x128xf32, #tpu.memory_space<vmem_shared>>) target_semaphore(%run_scoped3A : memref<!tpu.dma_semaphore, #tpu.memory_space<semaphore_mem>>)
      %dma_wait3A = arith.constant 0 : i32
      %dma_wait3A_47 = tpu.memref_slice %arg10[%add3A_17, %dma_wait3A] : memref<10240x128xf32, #tpu.memory_space<vmem_shared>> -> memref<128x128xf32, #tpu.memory_space<vmem_shared>>
      %dma_wait3A_48 = arith.constant 0 : i32
      %dma_wait3A_49 = tpu.memref_slice %arg10[%add3A_17, %dma_wait3A_48] : memref<10240x128xf32, #tpu.memory_space<vmem_shared>> -> memref<128x128xf32, #tpu.memory_space<vmem_shared>>
      tpu.wait_dma2 semaphore(%run_scoped3A : memref<!tpu.dma_semaphore, #tpu.memory_space<semaphore_mem>>) src(%arg9 : memref<128x128xf32, #tpu.memory_space<vmem>>) dst(%dma_wait3A_49 : memref<128x128xf32, #tpu.memory_space<vmem_shared>>)
      tpu.yield
    }) : () -> ()
    %barrier3A = arith.constant 0 : index
    tpu.barrier barrier_id(%barrier3A)
    %scan3A = arith.constant 0 : i32
    %scan3A_18 = arith.constant 0 : i32
    %scan3A_19 = arith.constant 79 : i32
    %scan3A_20 = arith.addi %scan3A_18, %scan3A_19 : i32
    %scan3A_21 = arith.constant 1 : i32
    scf.for %scan3A_44 = %scan3A_18 to %scan3A_20 step %scan3A_21  : i32 {
      "tpu.region"() ({
        %run_scoped3A = tpu.sem_alloc : memref<!tpu.dma_semaphore, #tpu.memory_space<semaphore_mem>>
        %dma_start3A_49 = arith.constant 0 : i32
        %dma_start3A_50 = tpu.memref_slice %arg3[%arg0, %arg1, %scan3A_44, %dma_start3A_49] : memref<2x16x79x128xi32, #tpu.memory_space<hbm>> -> memref<1x1x1x128xi32, #tpu.memory_space<hbm>>
        %dma_start3A_51 = tpu.memref_squeeze %dma_start3A_50 : memref<1x1x1x128xi32, #tpu.memory_space<hbm>> -> memref<128xi32, #tpu.memory_space<hbm>>
        %dma_start3A_52 = arith.constant 0 : i32
        %dma_start3A_53 = tpu.memref_slice %arg3[%arg0, %arg1, %scan3A_44, %dma_start3A_52] : memref<2x16x79x128xi32, #tpu.memory_space<hbm>> -> memref<1x1x1x128xi32, #tpu.memory_space<hbm>>
        %dma_start3A_54 = tpu.memref_squeeze %dma_start3A_53 : memref<1x1x1x128xi32, #tpu.memory_space<hbm>> -> memref<128xi32, #tpu.memory_space<hbm>>
        tpu.enqueue_dma source(%dma_start3A_54 : memref<128xi32, #tpu.memory_space<hbm>>) target(%arg7 : memref<128xi32, #tpu.memory_space<vmem>>) target_semaphore(%run_scoped3A : memref<!tpu.dma_semaphore, #tpu.memory_space<semaphore_mem>>)
        %dma_wait3A_55 = arith.constant 0 : i32
        %dma_wait3A_56 = tpu.memref_slice %arg3[%arg0, %arg1, %scan3A_44, %dma_wait3A_55] : memref<2x16x79x128xi32, #tpu.memory_space<hbm>> -> memref<1x1x1x128xi32, #tpu.memory_space<hbm>>
        %dma_wait3A_57 = tpu.memref_squeeze %dma_wait3A_56 : memref<1x1x1x128xi32, #tpu.memory_space<hbm>> -> memref<128xi32, #tpu.memory_space<hbm>>
        %dma_wait3A_58 = arith.constant 0 : i32
        %dma_wait3A_59 = tpu.memref_slice %arg3[%arg0, %arg1, %scan3A_44, %dma_wait3A_58] : memref<2x16x79x128xi32, #tpu.memory_space<hbm>> -> memref<1x1x1x128xi32, #tpu.memory_space<hbm>>
        %dma_wait3A_60 = tpu.memref_squeeze %dma_wait3A_59 : memref<1x1x1x128xi32, #tpu.memory_space<hbm>> -> memref<128xi32, #tpu.memory_space<hbm>>
        tpu.wait_dma2 semaphore(%run_scoped3A : memref<!tpu.dma_semaphore, #tpu.memory_space<semaphore_mem>>) src(%dma_wait3A_60 : memref<128xi32, #tpu.memory_space<hbm>>) dst(%arg7 : memref<128xi32, #tpu.memory_space<vmem>>)
        tpu.yield
      }) : () -> ()
      "tpu.region"() ({
        %run_scoped3A = tpu.sem_alloc : memref<!tpu.dma_semaphore, #tpu.memory_space<semaphore_mem>>
        %dma_start3A_49 = arith.constant 0 : i32
        %dma_start3A_50 = tpu.memref_slice %arg4[%arg0, %arg1, %scan3A_44, %dma_start3A_49] : memref<2x16x79x128xi32, #tpu.memory_space<hbm>> -> memref<1x1x1x128xi32, #tpu.memory_space<hbm>>
        %dma_start3A_51 = tpu.memref_squeeze %dma_start3A_50 : memref<1x1x1x128xi32, #tpu.memory_space<hbm>> -> memref<128xi32, #tpu.memory_space<hbm>>
        %dma_start3A_52 = arith.constant 0 : i32
        %dma_start3A_53 = tpu.memref_slice %arg4[%arg0, %arg1, %scan3A_44, %dma_start3A_52] : memref<2x16x79x128xi32, #tpu.memory_space<hbm>> -> memref<1x1x1x128xi32, #tpu.memory_space<hbm>>
        %dma_start3A_54 = tpu.memref_squeeze %dma_start3A_53 : memref<1x1x1x128xi32, #tpu.memory_space<hbm>> -> memref<128xi32, #tpu.memory_space<hbm>>
        tpu.enqueue_dma source(%dma_start3A_54 : memref<128xi32, #tpu.memory_space<hbm>>) target(%arg8 : memref<128xi32, #tpu.memory_space<vmem>>) target_semaphore(%run_scoped3A : memref<!tpu.dma_semaphore, #tpu.memory_space<semaphore_mem>>)
        %dma_wait3A_55 = arith.constant 0 : i32
        %dma_wait3A_56 = tpu.memref_slice %arg4[%arg0, %arg1, %scan3A_44, %dma_wait3A_55] : memref<2x16x79x128xi32, #tpu.memory_space<hbm>> -> memref<1x1x1x128xi32, #tpu.memory_space<hbm>>
        %dma_wait3A_57 = tpu.memref_squeeze %dma_wait3A_56 : memref<1x1x1x128xi32, #tpu.memory_space<hbm>> -> memref<128xi32, #tpu.memory_space<hbm>>
        %dma_wait3A_58 = arith.constant 0 : i32
        %dma_wait3A_59 = tpu.memref_slice %arg4[%arg0, %arg1, %scan3A_44, %dma_wait3A_58] : memref<2x16x79x128xi32, #tpu.memory_space<hbm>> -> memref<1x1x1x128xi32, #tpu.memory_space<hbm>>
        %dma_wait3A_60 = tpu.memref_squeeze %dma_wait3A_59 : memref<1x1x1x128xi32, #tpu.memory_space<hbm>> -> memref<128xi32, #tpu.memory_space<hbm>>
        tpu.wait_dma2 semaphore(%run_scoped3A : memref<!tpu.dma_semaphore, #tpu.memory_space<semaphore_mem>>) src(%dma_wait3A_60 : memref<128xi32, #tpu.memory_space<hbm>>) dst(%arg8 : memref<128xi32, #tpu.memory_space<vmem>>)
        tpu.yield
      }) : () -> ()
      %dma_start3A = arith.constant 0 : i32
      %dma_start3A_45 = arith.constant 0 : i32
      %dma_start3A_46 = tpu.memref_slice %arg2[%dma_start3A, %dma_start3A_45] : memref<10240x128xf32, #tpu.memory_space<hbm>> -> memref<10240x128xf32, #tpu.memory_space<hbm>>
      tpu.enqueue_indirect_dma source(%dma_start3A_46 : memref<10240x128xf32, #tpu.memory_space<hbm>>) target(%arg9 : memref<128x128xf32, #tpu.memory_space<vmem>>) offsets(%arg7 : memref<128xi32, #tpu.memory_space<vmem>>) semaphore(%arg11 : memref<!tpu.dma_semaphore, #tpu.memory_space<semaphore_mem>>)
      %dma_wait3A = arith.constant 0 : i32
      %dma_wait3A_47 = arith.constant 0 : i32
      %dma_wait3A_48 = tpu.memref_slice %arg2[%dma_wait3A, %dma_wait3A_47] : memref<10240x128xf32, #tpu.memory_space<hbm>> -> memref<10240x128xf32, #tpu.memory_space<hbm>>
      tpu.wait_indirect_dma semaphore(%arg11 : memref<!tpu.dma_semaphore, #tpu.memory_space<semaphore_mem>>) src(%dma_wait3A_48 : memref<10240x128xf32, #tpu.memory_space<hbm>>) dst(%arg9 : memref<128x128xf32, #tpu.memory_space<vmem>>)
      "tpu.region"() ({
        %run_scoped3A = tpu.sem_alloc : memref<!tpu.dma_semaphore, #tpu.memory_space<semaphore_mem>>
        %dma_start3A_49 = arith.constant 0 : i32
        %dma_start3A_50 = arith.constant 0 : i32
        %dma_start3A_51 = tpu.memref_slice %arg10[%dma_start3A_49, %dma_start3A_50] : memref<10240x128xf32, #tpu.memory_space<vmem_shared>> -> memref<10240x128xf32, #tpu.memory_space<vmem_shared>>
        tpu.enqueue_indirect_dma source(%arg9 : memref<128x128xf32, #tpu.memory_space<vmem>>) target(%dma_start3A_51 : memref<10240x128xf32, #tpu.memory_space<vmem_shared>>) offsets(%arg8 : memref<128xi32, #tpu.memory_space<vmem>>) semaphore(%run_scoped3A : memref<!tpu.dma_semaphore, #tpu.memory_space<semaphore_mem>>) {add = true}
        %dma_wait3A_52 = arith.constant 0 : i32
        %dma_wait3A_53 = arith.constant 0 : i32
        %dma_wait3A_54 = tpu.memref_slice %arg10[%dma_wait3A_52, %dma_wait3A_53] : memref<10240x128xf32, #tpu.memory_space<vmem_shared>> -> memref<10240x128xf32, #tpu.memory_space<vmem_shared>>
        tpu.wait_indirect_dma semaphore(%run_scoped3A : memref<!tpu.dma_semaphore, #tpu.memory_space<semaphore_mem>>) src(%arg9 : memref<128x128xf32, #tpu.memory_space<vmem>>) dst(%dma_wait3A_54 : memref<10240x128xf32, #tpu.memory_space<vmem_shared>>)
        tpu.yield
      }) : () -> ()
    }
    %scan3A_22 = arith.constant 79 : i32
    %barrier3A_23 = arith.constant 0 : index
    tpu.barrier barrier_id(%barrier3A_23)
    %mul3A_24 = arith.constant 640 : i32
    %mul3A_25 = arith.muli %arg1, %mul3A_24 : i32
    %add3A_26 = arith.constant 0 : i32
    %add3A_27 = arith.addi %mul3A_25, %add3A_26 : i32
    "tpu.region"() ({
      %run_scoped3A = tpu.sem_alloc : memref<!tpu.dma_semaphore, #tpu.memory_space<semaphore_mem>>
      %dma_start3A = arith.constant 0 : i32
      %dma_start3A_44 = tpu.memref_slice %arg10[%add3A_27, %dma_start3A] : memref<10240x128xf32, #tpu.memory_space<vmem_shared>> -> memref<128x128xf32, #tpu.memory_space<vmem_shared>>
      %dma_start3A_45 = arith.constant 0 : i32
      %dma_start3A_46 = tpu.memref_slice %arg10[%add3A_27, %dma_start3A_45] : memref<10240x128xf32, #tpu.memory_space<vmem_shared>> -> memref<128x128xf32, #tpu.memory_space<vmem_shared>>
      tpu.enqueue_dma source(%dma_start3A_46 : memref<128x128xf32, #tpu.memory_space<vmem_shared>>) target(%arg9 : memref<128x128xf32, #tpu.memory_space<vmem>>) target_semaphore(%run_scoped3A : memref<!tpu.dma_semaphore, #tpu.memory_space<semaphore_mem>>)
      %dma_wait3A = arith.constant 0 : i32
      %dma_wait3A_47 = tpu.memref_slice %arg10[%add3A_27, %dma_wait3A] : memref<10240x128xf32, #tpu.memory_space<vmem_shared>> -> memref<128x128xf32, #tpu.memory_space<vmem_shared>>
      %dma_wait3A_48 = arith.constant 0 : i32
      %dma_wait3A_49 = tpu.memref_slice %arg10[%add3A_27, %dma_wait3A_48] : memref<10240x128xf32, #tpu.memory_space<vmem_shared>> -> memref<128x128xf32, #tpu.memory_space<vmem_shared>>
      tpu.wait_dma2 semaphore(%run_scoped3A : memref<!tpu.dma_semaphore, #tpu.memory_space<semaphore_mem>>) src(%dma_wait3A_49 : memref<128x128xf32, #tpu.memory_space<vmem_shared>>) dst(%arg9 : memref<128x128xf32, #tpu.memory_space<vmem>>)
      tpu.yield
    }) : () -> ()
    "tpu.region"() ({
      %run_scoped3A = tpu.sem_alloc : memref<!tpu.dma_semaphore, #tpu.memory_space<semaphore_mem>>
      %dma_start3A = arith.constant 0 : i32
      %dma_start3A_44 = tpu.memref_slice %arg6[%arg0, %add3A_27, %dma_start3A] : memref<2x10240x128xf32, #tpu.memory_space<hbm>> -> memref<1x128x128xf32, #tpu.memory_space<hbm>>
      %dma_start3A_45 = tpu.memref_squeeze %dma_start3A_44 : memref<1x128x128xf32, #tpu.memory_space<hbm>> -> memref<128x128xf32, #tpu.memory_space<hbm>>
      %dma_start3A_46 = arith.constant 0 : i32
      %dma_start3A_47 = tpu.memref_slice %arg6[%arg0, %add3A_27, %dma_start3A_46] : memref<2x10240x128xf32, #tpu.memory_space<hbm>> -> memref<1x128x128xf32, #tpu.memory_space<hbm>>
      %dma_start3A_48 = tpu.memref_squeeze %dma_start3A_47 : memref<1x128x128xf32, #tpu.memory_space<hbm>> -> memref<128x128xf32, #tpu.memory_space<hbm>>
      tpu.enqueue_dma source(%arg9 : memref<128x128xf32, #tpu.memory_space<vmem>>) target(%dma_start3A_48 : memref<128x128xf32, #tpu.memory_space<hbm>>) target_semaphore(%run_scoped3A : memref<!tpu.dma_semaphore, #tpu.memory_space<semaphore_mem>>)
      %dma_wait3A = arith.constant 0 : i32
      %dma_wait3A_49 = tpu.memref_slice %arg6[%arg0, %add3A_27, %dma_wait3A] : memref<2x10240x128xf32, #tpu.memory_space<hbm>> -> memref<1x128x128xf32, #tpu.memory_space<hbm>>
      %dma_wait3A_50 = tpu.memref_squeeze %dma_wait3A_49 : memref<1x128x128xf32, #tpu.memory_space<hbm>> -> memref<128x128xf32, #tpu.memory_space<hbm>>
      %dma_wait3A_51 = arith.constant 0 : i32
      %dma_wait3A_52 = tpu.memref_slice %arg6[%arg0, %add3A_27, %dma_wait3A_51] : memref<2x10240x128xf32, #tpu.memory_space<hbm>> -> memref<1x128x128xf32, #tpu.memory_space<hbm>>
      %dma_wait3A_53 = tpu.memref_squeeze %dma_wait3A_52 : memref<1x128x128xf32, #tpu.memory_space<hbm>> -> memref<128x128xf32, #tpu.memory_space<hbm>>
      tpu.wait_dma2 semaphore(%run_scoped3A : memref<!tpu.dma_semaphore, #tpu.memory_space<semaphore_mem>>) src(%arg9 : memref<128x128xf32, #tpu.memory_space<vmem>>) dst(%dma_wait3A_53 : memref<128x128xf32, #tpu.memory_space<hbm>>)
      tpu.yield
    }) : () -> ()
    %mul3A_28 = arith.constant 640 : i32
    %mul3A_29 = arith.muli %arg1, %mul3A_28 : i32
    %add3A_30 = arith.constant 128 : i32
    %add3A_31 = arith.addi %mul3A_29, %add3A_30 : i32
    "tpu.region"() ({
      %run_scoped3A = tpu.sem_alloc : memref<!tpu.dma_semaphore, #tpu.memory_space<semaphore_mem>>
      %dma_start3A = arith.constant 0 : i32
      %dma_start3A_44 = tpu.memref_slice %arg10[%add3A_31, %dma_start3A] : memref<10240x128xf32, #tpu.memory_space<vmem_shared>> -> memref<128x128xf32, #tpu.memory_space<vmem_shared>>
      %dma_start3A_45 = arith.constant 0 : i32
      %dma_start3A_46 = tpu.memref_slice %arg10[%add3A_31, %dma_start3A_45] : memref<10240x128xf32, #tpu.memory_space<vmem_shared>> -> memref<128x128xf32, #tpu.memory_space<vmem_shared>>
      tpu.enqueue_dma source(%dma_start3A_46 : memref<128x128xf32, #tpu.memory_space<vmem_shared>>) target(%arg9 : memref<128x128xf32, #tpu.memory_space<vmem>>) target_semaphore(%run_scoped3A : memref<!tpu.dma_semaphore, #tpu.memory_space<semaphore_mem>>)
      %dma_wait3A = arith.constant 0 : i32
      %dma_wait3A_47 = tpu.memref_slice %arg10[%add3A_31, %dma_wait3A] : memref<10240x128xf32, #tpu.memory_space<vmem_shared>> -> memref<128x128xf32, #tpu.memory_space<vmem_shared>>
      %dma_wait3A_48 = arith.constant 0 : i32
      %dma_wait3A_49 = tpu.memref_slice %arg10[%add3A_31, %dma_wait3A_48] : memref<10240x128xf32, #tpu.memory_space<vmem_shared>> -> memref<128x128xf32, #tpu.memory_space<vmem_shared>>
      tpu.wait_dma2 semaphore(%run_scoped3A : memref<!tpu.dma_semaphore, #tpu.memory_space<semaphore_mem>>) src(%dma_wait3A_49 : memref<128x128xf32, #tpu.memory_space<vmem_shared>>) dst(%arg9 : memref<128x128xf32, #tpu.memory_space<vmem>>)
      tpu.yield
    }) : () -> ()
    "tpu.region"() ({
      %run_scoped3A = tpu.sem_alloc : memref<!tpu.dma_semaphore, #tpu.memory_space<semaphore_mem>>
      %dma_start3A = arith.constant 0 : i32
      %dma_start3A_44 = tpu.memref_slice %arg6[%arg0, %add3A_31, %dma_start3A] : memref<2x10240x128xf32, #tpu.memory_space<hbm>> -> memref<1x128x128xf32, #tpu.memory_space<hbm>>
      %dma_start3A_45 = tpu.memref_squeeze %dma_start3A_44 : memref<1x128x128xf32, #tpu.memory_space<hbm>> -> memref<128x128xf32, #tpu.memory_space<hbm>>
      %dma_start3A_46 = arith.constant 0 : i32
      %dma_start3A_47 = tpu.memref_slice %arg6[%arg0, %add3A_31, %dma_start3A_46] : memref<2x10240x128xf32, #tpu.memory_space<hbm>> -> memref<1x128x128xf32, #tpu.memory_space<hbm>>
      %dma_start3A_48 = tpu.memref_squeeze %dma_start3A_47 : memref<1x128x128xf32, #tpu.memory_space<hbm>> -> memref<128x128xf32, #tpu.memory_space<hbm>>
      tpu.enqueue_dma source(%arg9 : memref<128x128xf32, #tpu.memory_space<vmem>>) target(%dma_start3A_48 : memref<128x128xf32, #tpu.memory_space<hbm>>) target_semaphore(%run_scoped3A : memref<!tpu.dma_semaphore, #tpu.memory_space<semaphore_mem>>)
      %dma_wait3A = arith.constant 0 : i32
      %dma_wait3A_49 = tpu.memref_slice %arg6[%arg0, %add3A_31, %dma_wait3A] : memref<2x10240x128xf32, #tpu.memory_space<hbm>> -> memref<1x128x128xf32, #tpu.memory_space<hbm>>
      %dma_wait3A_50 = tpu.memref_squeeze %dma_wait3A_49 : memref<1x128x128xf32, #tpu.memory_space<hbm>> -> memref<128x128xf32, #tpu.memory_space<hbm>>
      %dma_wait3A_51 = arith.constant 0 : i32
      %dma_wait3A_52 = tpu.memref_slice %arg6[%arg0, %add3A_31, %dma_wait3A_51] : memref<2x10240x128xf32, #tpu.memory_space<hbm>> -> memref<1x128x128xf32, #tpu.memory_space<hbm>>
      %dma_wait3A_53 = tpu.memref_squeeze %dma_wait3A_52 : memref<1x128x128xf32, #tpu.memory_space<hbm>> -> memref<128x128xf32, #tpu.memory_space<hbm>>
      tpu.wait_dma2 semaphore(%run_scoped3A : memref<!tpu.dma_semaphore, #tpu.memory_space<semaphore_mem>>) src(%arg9 : memref<128x128xf32, #tpu.memory_space<vmem>>) dst(%dma_wait3A_53 : memref<128x128xf32, #tpu.memory_space<hbm>>)
      tpu.yield
    }) : () -> ()
    %mul3A_32 = arith.constant 640 : i32
    %mul3A_33 = arith.muli %arg1, %mul3A_32 : i32
    %add3A_34 = arith.constant 256 : i32
    %add3A_35 = arith.addi %mul3A_33, %add3A_34 : i32
    "tpu.region"() ({
      %run_scoped3A = tpu.sem_alloc : memref<!tpu.dma_semaphore, #tpu.memory_space<semaphore_mem>>
      %dma_start3A = arith.constant 0 : i32
      %dma_start3A_44 = tpu.memref_slice %arg10[%add3A_35, %dma_start3A] : memref<10240x128xf32, #tpu.memory_space<vmem_shared>> -> memref<128x128xf32, #tpu.memory_space<vmem_shared>>
      %dma_start3A_45 = arith.constant 0 : i32
      %dma_start3A_46 = tpu.memref_slice %arg10[%add3A_35, %dma_start3A_45] : memref<10240x128xf32, #tpu.memory_space<vmem_shared>> -> memref<128x128xf32, #tpu.memory_space<vmem_shared>>
      tpu.enqueue_dma source(%dma_start3A_46 : memref<128x128xf32, #tpu.memory_space<vmem_shared>>) target(%arg9 : memref<128x128xf32, #tpu.memory_space<vmem>>) target_semaphore(%run_scoped3A : memref<!tpu.dma_semaphore, #tpu.memory_space<semaphore_mem>>)
      %dma_wait3A = arith.constant 0 : i32
      %dma_wait3A_47 = tpu.memref_slice %arg10[%add3A_35, %dma_wait3A] : memref<10240x128xf32, #tpu.memory_space<vmem_shared>> -> memref<128x128xf32, #tpu.memory_space<vmem_shared>>
      %dma_wait3A_48 = arith.constant 0 : i32
      %dma_wait3A_49 = tpu.memref_slice %arg10[%add3A_35, %dma_wait3A_48] : memref<10240x128xf32, #tpu.memory_space<vmem_shared>> -> memref<128x128xf32, #tpu.memory_space<vmem_shared>>
      tpu.wait_dma2 semaphore(%run_scoped3A : memref<!tpu.dma_semaphore, #tpu.memory_space<semaphore_mem>>) src(%dma_wait3A_49 : memref<128x128xf32, #tpu.memory_space<vmem_shared>>) dst(%arg9 : memref<128x128xf32, #tpu.memory_space<vmem>>)
      tpu.yield
    }) : () -> ()
    "tpu.region"() ({
      %run_scoped3A = tpu.sem_alloc : memref<!tpu.dma_semaphore, #tpu.memory_space<semaphore_mem>>
      %dma_start3A = arith.constant 0 : i32
      %dma_start3A_44 = tpu.memref_slice %arg6[%arg0, %add3A_35, %dma_start3A] : memref<2x10240x128xf32, #tpu.memory_space<hbm>> -> memref<1x128x128xf32, #tpu.memory_space<hbm>>
      %dma_start3A_45 = tpu.memref_squeeze %dma_start3A_44 : memref<1x128x128xf32, #tpu.memory_space<hbm>> -> memref<128x128xf32, #tpu.memory_space<hbm>>
      %dma_start3A_46 = arith.constant 0 : i32
      %dma_start3A_47 = tpu.memref_slice %arg6[%arg0, %add3A_35, %dma_start3A_46] : memref<2x10240x128xf32, #tpu.memory_space<hbm>> -> memref<1x128x128xf32, #tpu.memory_space<hbm>>
      %dma_start3A_48 = tpu.memref_squeeze %dma_start3A_47 : memref<1x128x128xf32, #tpu.memory_space<hbm>> -> memref<128x128xf32, #tpu.memory_space<hbm>>
      tpu.enqueue_dma source(%arg9 : memref<128x128xf32, #tpu.memory_space<vmem>>) target(%dma_start3A_48 : memref<128x128xf32, #tpu.memory_space<hbm>>) target_semaphore(%run_scoped3A : memref<!tpu.dma_semaphore, #tpu.memory_space<semaphore_mem>>)
      %dma_wait3A = arith.constant 0 : i32
      %dma_wait3A_49 = tpu.memref_slice %arg6[%arg0, %add3A_35, %dma_wait3A] : memref<2x10240x128xf32, #tpu.memory_space<hbm>> -> memref<1x128x128xf32, #tpu.memory_space<hbm>>
      %dma_wait3A_50 = tpu.memref_squeeze %dma_wait3A_49 : memref<1x128x128xf32, #tpu.memory_space<hbm>> -> memref<128x128xf32, #tpu.memory_space<hbm>>
      %dma_wait3A_51 = arith.constant 0 : i32
      %dma_wait3A_52 = tpu.memref_slice %arg6[%arg0, %add3A_35, %dma_wait3A_51] : memref<2x10240x128xf32, #tpu.memory_space<hbm>> -> memref<1x128x128xf32, #tpu.memory_space<hbm>>
      %dma_wait3A_53 = tpu.memref_squeeze %dma_wait3A_52 : memref<1x128x128xf32, #tpu.memory_space<hbm>> -> memref<128x128xf32, #tpu.memory_space<hbm>>
      tpu.wait_dma2 semaphore(%run_scoped3A : memref<!tpu.dma_semaphore, #tpu.memory_space<semaphore_mem>>) src(%arg9 : memref<128x128xf32, #tpu.memory_space<vmem>>) dst(%dma_wait3A_53 : memref<128x128xf32, #tpu.memory_space<hbm>>)
      tpu.yield
    }) : () -> ()
    %mul3A_36 = arith.constant 640 : i32
    %mul3A_37 = arith.muli %arg1, %mul3A_36 : i32
    %add3A_38 = arith.constant 384 : i32
    %add3A_39 = arith.addi %mul3A_37, %add3A_38 : i32
    "tpu.region"() ({
      %run_scoped3A = tpu.sem_alloc : memref<!tpu.dma_semaphore, #tpu.memory_space<semaphore_mem>>
      %dma_start3A = arith.constant 0 : i32
      %dma_start3A_44 = tpu.memref_slice %arg10[%add3A_39, %dma_start3A] : memref<10240x128xf32, #tpu.memory_space<vmem_shared>> -> memref<128x128xf32, #tpu.memory_space<vmem_shared>>
      %dma_start3A_45 = arith.constant 0 : i32
      %dma_start3A_46 = tpu.memref_slice %arg10[%add3A_39, %dma_start3A_45] : memref<10240x128xf32, #tpu.memory_space<vmem_shared>> -> memref<128x128xf32, #tpu.memory_space<vmem_shared>>
      tpu.enqueue_dma source(%dma_start3A_46 : memref<128x128xf32, #tpu.memory_space<vmem_shared>>) target(%arg9 : memref<128x128xf32, #tpu.memory_space<vmem>>) target_semaphore(%run_scoped3A : memref<!tpu.dma_semaphore, #tpu.memory_space<semaphore_mem>>)
      %dma_wait3A = arith.constant 0 : i32
      %dma_wait3A_47 = tpu.memref_slice %arg10[%add3A_39, %dma_wait3A] : memref<10240x128xf32, #tpu.memory_space<vmem_shared>> -> memref<128x128xf32, #tpu.memory_space<vmem_shared>>
      %dma_wait3A_48 = arith.constant 0 : i32
      %dma_wait3A_49 = tpu.memref_slice %arg10[%add3A_39, %dma_wait3A_48] : memref<10240x128xf32, #tpu.memory_space<vmem_shared>> -> memref<128x128xf32, #tpu.memory_space<vmem_shared>>
      tpu.wait_dma2 semaphore(%run_scoped3A : memref<!tpu.dma_semaphore, #tpu.memory_space<semaphore_mem>>) src(%dma_wait3A_49 : memref<128x128xf32, #tpu.memory_space<vmem_shared>>) dst(%arg9 : memref<128x128xf32, #tpu.memory_space<vmem>>)
      tpu.yield
    }) : () -> ()
    "tpu.region"() ({
      %run_scoped3A = tpu.sem_alloc : memref<!tpu.dma_semaphore, #tpu.memory_space<semaphore_mem>>
      %dma_start3A = arith.constant 0 : i32
      %dma_start3A_44 = tpu.memref_slice %arg6[%arg0, %add3A_39, %dma_start3A] : memref<2x10240x128xf32, #tpu.memory_space<hbm>> -> memref<1x128x128xf32, #tpu.memory_space<hbm>>
      %dma_start3A_45 = tpu.memref_squeeze %dma_start3A_44 : memref<1x128x128xf32, #tpu.memory_space<hbm>> -> memref<128x128xf32, #tpu.memory_space<hbm>>
      %dma_start3A_46 = arith.constant 0 : i32
      %dma_start3A_47 = tpu.memref_slice %arg6[%arg0, %add3A_39, %dma_start3A_46] : memref<2x10240x128xf32, #tpu.memory_space<hbm>> -> memref<1x128x128xf32, #tpu.memory_space<hbm>>
      %dma_start3A_48 = tpu.memref_squeeze %dma_start3A_47 : memref<1x128x128xf32, #tpu.memory_space<hbm>> -> memref<128x128xf32, #tpu.memory_space<hbm>>
      tpu.enqueue_dma source(%arg9 : memref<128x128xf32, #tpu.memory_space<vmem>>) target(%dma_start3A_48 : memref<128x128xf32, #tpu.memory_space<hbm>>) target_semaphore(%run_scoped3A : memref<!tpu.dma_semaphore, #tpu.memory_space<semaphore_mem>>)
      %dma_wait3A = arith.constant 0 : i32
      %dma_wait3A_49 = tpu.memref_slice %arg6[%arg0, %add3A_39, %dma_wait3A] : memref<2x10240x128xf32, #tpu.memory_space<hbm>> -> memref<1x128x128xf32, #tpu.memory_space<hbm>>
      %dma_wait3A_50 = tpu.memref_squeeze %dma_wait3A_49 : memref<1x128x128xf32, #tpu.memory_space<hbm>> -> memref<128x128xf32, #tpu.memory_space<hbm>>
      %dma_wait3A_51 = arith.constant 0 : i32
      %dma_wait3A_52 = tpu.memref_slice %arg6[%arg0, %add3A_39, %dma_wait3A_51] : memref<2x10240x128xf32, #tpu.memory_space<hbm>> -> memref<1x128x128xf32, #tpu.memory_space<hbm>>
      %dma_wait3A_53 = tpu.memref_squeeze %dma_wait3A_52 : memref<1x128x128xf32, #tpu.memory_space<hbm>> -> memref<128x128xf32, #tpu.memory_space<hbm>>
      tpu.wait_dma2 semaphore(%run_scoped3A : memref<!tpu.dma_semaphore, #tpu.memory_space<semaphore_mem>>) src(%arg9 : memref<128x128xf32, #tpu.memory_space<vmem>>) dst(%dma_wait3A_53 : memref<128x128xf32, #tpu.memory_space<hbm>>)
      tpu.yield
    }) : () -> ()
    %mul3A_40 = arith.constant 640 : i32
    %mul3A_41 = arith.muli %arg1, %mul3A_40 : i32
    %add3A_42 = arith.constant 512 : i32
    %add3A_43 = arith.addi %mul3A_41, %add3A_42 : i32
    "tpu.region"() ({
      %run_scoped3A = tpu.sem_alloc : memref<!tpu.dma_semaphore, #tpu.memory_space<semaphore_mem>>
      %dma_start3A = arith.constant 0 : i32
      %dma_start3A_44 = tpu.memref_slice %arg10[%add3A_43, %dma_start3A] : memref<10240x128xf32, #tpu.memory_space<vmem_shared>> -> memref<128x128xf32, #tpu.memory_space<vmem_shared>>
      %dma_start3A_45 = arith.constant 0 : i32
      %dma_start3A_46 = tpu.memref_slice %arg10[%add3A_43, %dma_start3A_45] : memref<10240x128xf32, #tpu.memory_space<vmem_shared>> -> memref<128x128xf32, #tpu.memory_space<vmem_shared>>
      tpu.enqueue_dma source(%dma_start3A_46 : memref<128x128xf32, #tpu.memory_space<vmem_shared>>) target(%arg9 : memref<128x128xf32, #tpu.memory_space<vmem>>) target_semaphore(%run_scoped3A : memref<!tpu.dma_semaphore, #tpu.memory_space<semaphore_mem>>)
      %dma_wait3A = arith.constant 0 : i32
      %dma_wait3A_47 = tpu.memref_slice %arg10[%add3A_43, %dma_wait3A] : memref<10240x128xf32, #tpu.memory_space<vmem_shared>> -> memref<128x128xf32, #tpu.memory_space<vmem_shared>>
      %dma_wait3A_48 = arith.constant 0 : i32
      %dma_wait3A_49 = tpu.memref_slice %arg10[%add3A_43, %dma_wait3A_48] : memref<10240x128xf32, #tpu.memory_space<vmem_shared>> -> memref<128x128xf32, #tpu.memory_space<vmem_shared>>
      tpu.wait_dma2 semaphore(%run_scoped3A : memref<!tpu.dma_semaphore, #tpu.memory_space<semaphore_mem>>) src(%dma_wait3A_49 : memref<128x128xf32, #tpu.memory_space<vmem_shared>>) dst(%arg9 : memref<128x128xf32, #tpu.memory_space<vmem>>)
      tpu.yield
    }) : () -> ()
    "tpu.region"() ({
      %run_scoped3A = tpu.sem_alloc : memref<!tpu.dma_semaphore, #tpu.memory_space<semaphore_mem>>
      %dma_start3A = arith.constant 0 : i32
      %dma_start3A_44 = tpu.memref_slice %arg6[%arg0, %add3A_43, %dma_start3A] : memref<2x10240x128xf32, #tpu.memory_space<hbm>> -> memref<1x128x128xf32, #tpu.memory_space<hbm>>
      %dma_start3A_45 = tpu.memref_squeeze %dma_start3A_44 : memref<1x128x128xf32, #tpu.memory_space<hbm>> -> memref<128x128xf32, #tpu.memory_space<hbm>>
      %dma_start3A_46 = arith.constant 0 : i32
      %dma_start3A_47 = tpu.memref_slice %arg6[%arg0, %add3A_43, %dma_start3A_46] : memref<2x10240x128xf32, #tpu.memory_space<hbm>> -> memref<1x128x128xf32, #tpu.memory_space<hbm>>
      %dma_start3A_48 = tpu.memref_squeeze %dma_start3A_47 : memref<1x128x128xf32, #tpu.memory_space<hbm>> -> memref<128x128xf32, #tpu.memory_space<hbm>>
      tpu.enqueue_dma source(%arg9 : memref<128x128xf32, #tpu.memory_space<vmem>>) target(%dma_start3A_48 : memref<128x128xf32, #tpu.memory_space<hbm>>) target_semaphore(%run_scoped3A : memref<!tpu.dma_semaphore, #tpu.memory_space<semaphore_mem>>)
      %dma_wait3A = arith.constant 0 : i32
      %dma_wait3A_49 = tpu.memref_slice %arg6[%arg0, %add3A_43, %dma_wait3A] : memref<2x10240x128xf32, #tpu.memory_space<hbm>> -> memref<1x128x128xf32, #tpu.memory_space<hbm>>
      %dma_wait3A_50 = tpu.memref_squeeze %dma_wait3A_49 : memref<1x128x128xf32, #tpu.memory_space<hbm>> -> memref<128x128xf32, #tpu.memory_space<hbm>>
      %dma_wait3A_51 = arith.constant 0 : i32
      %dma_wait3A_52 = tpu.memref_slice %arg6[%arg0, %add3A_43, %dma_wait3A_51] : memref<2x10240x128xf32, #tpu.memory_space<hbm>> -> memref<1x128x128xf32, #tpu.memory_space<hbm>>
      %dma_wait3A_53 = tpu.memref_squeeze %dma_wait3A_52 : memref<1x128x128xf32, #tpu.memory_space<hbm>> -> memref<128x128xf32, #tpu.memory_space<hbm>>
      tpu.wait_dma2 semaphore(%run_scoped3A : memref<!tpu.dma_semaphore, #tpu.memory_space<semaphore_mem>>) src(%arg9 : memref<128x128xf32, #tpu.memory_space<vmem>>) dst(%dma_wait3A_53 : memref<128x128xf32, #tpu.memory_space<hbm>>)
      tpu.yield
    }) : () -> ()
    return
  }
}

#map = affine_map<(d0, d1) -> (0, 0, 0, 0)>
#map1 = affine_map<(d0, d1) -> (0, 0)>
#map2 = affine_map<(d0, d1) -> (0, 0, 0)>
module attributes {stable_mosaic.version = 14 : i64} {
  func.func @deg_kernel(%arg0: i32, %arg1: i32, %arg2: memref<2x16x79x128xi32, #tpu.memory_space<hbm>>, %arg3: memref<128x128xf32, #tpu.memory_space<hbm>>, %arg4: memref<128x128xf32, #tpu.memory_space<hbm>>, %arg5: memref<2x10240x128xf32, #tpu.memory_space<hbm>>, %arg6: memref<128xi32, #tpu.memory_space<vmem>>, %arg7: memref<128x128xf32, #tpu.memory_space<vmem>>, %arg8: memref<128x128xf32, #tpu.memory_space<vmem>>, %arg9: memref<10240x128xf32, #tpu.memory_space<vmem_shared>>) attributes {dimension_semantics = [#tpu.dimension_semantics<core_parallel>, #tpu.dimension_semantics<subcore_parallel>], iteration_bounds = array<i64: 2, 16>, scalar_prefetch = 0 : i64, scratch_operands = 4 : i64, tpu.core_type = #tpu.core_type<sc_vector_subcore>, window_params = [{transform_indices = #map}, {transform_indices = #map1}, {transform_indices = #map1}, {transform_indices = #map2}]} {
    "tpu.region"() ({
      %run_scoped3A = tpu.sem_alloc : memref<!tpu.dma_semaphore, #tpu.memory_space<semaphore_mem>>
      tpu.enqueue_dma source(%arg3 : memref<128x128xf32, #tpu.memory_space<hbm>>) target(%arg7 : memref<128x128xf32, #tpu.memory_space<vmem>>) target_semaphore(%run_scoped3A : memref<!tpu.dma_semaphore, #tpu.memory_space<semaphore_mem>>)
      tpu.wait_dma2 semaphore(%run_scoped3A : memref<!tpu.dma_semaphore, #tpu.memory_space<semaphore_mem>>) src(%arg3 : memref<128x128xf32, #tpu.memory_space<hbm>>) dst(%arg7 : memref<128x128xf32, #tpu.memory_space<vmem>>)
      tpu.yield
    }) : () -> ()
    "tpu.region"() ({
      %run_scoped3A = tpu.sem_alloc : memref<!tpu.dma_semaphore, #tpu.memory_space<semaphore_mem>>
      tpu.enqueue_dma source(%arg4 : memref<128x128xf32, #tpu.memory_space<hbm>>) target(%arg8 : memref<128x128xf32, #tpu.memory_space<vmem>>) target_semaphore(%run_scoped3A : memref<!tpu.dma_semaphore, #tpu.memory_space<semaphore_mem>>)
      tpu.wait_dma2 semaphore(%run_scoped3A : memref<!tpu.dma_semaphore, #tpu.memory_space<semaphore_mem>>) src(%arg4 : memref<128x128xf32, #tpu.memory_space<hbm>>) dst(%arg8 : memref<128x128xf32, #tpu.memory_space<vmem>>)
      tpu.yield
    }) : () -> ()
    %mul3A = arith.constant 640 : i32
    %mul3A_0 = arith.muli %arg1, %mul3A : i32
    %add3A = arith.constant 0 : i32
    %add3A_1 = arith.addi %mul3A_0, %add3A : i32
    "tpu.region"() ({
      %run_scoped3A = tpu.sem_alloc : memref<!tpu.dma_semaphore, #tpu.memory_space<semaphore_mem>>
      %dma_start3A = arith.constant 0 : i32
      %dma_start3A_44 = tpu.memref_slice %arg9[%add3A_1, %dma_start3A] : memref<10240x128xf32, #tpu.memory_space<vmem_shared>> -> memref<128x128xf32, #tpu.memory_space<vmem_shared>>
      %dma_start3A_45 = arith.constant 0 : i32
      %dma_start3A_46 = tpu.memref_slice %arg9[%add3A_1, %dma_start3A_45] : memref<10240x128xf32, #tpu.memory_space<vmem_shared>> -> memref<128x128xf32, #tpu.memory_space<vmem_shared>>
      tpu.enqueue_dma source(%arg8 : memref<128x128xf32, #tpu.memory_space<vmem>>) target(%dma_start3A_46 : memref<128x128xf32, #tpu.memory_space<vmem_shared>>) target_semaphore(%run_scoped3A : memref<!tpu.dma_semaphore, #tpu.memory_space<semaphore_mem>>)
      %dma_wait3A = arith.constant 0 : i32
      %dma_wait3A_47 = tpu.memref_slice %arg9[%add3A_1, %dma_wait3A] : memref<10240x128xf32, #tpu.memory_space<vmem_shared>> -> memref<128x128xf32, #tpu.memory_space<vmem_shared>>
      %dma_wait3A_48 = arith.constant 0 : i32
      %dma_wait3A_49 = tpu.memref_slice %arg9[%add3A_1, %dma_wait3A_48] : memref<10240x128xf32, #tpu.memory_space<vmem_shared>> -> memref<128x128xf32, #tpu.memory_space<vmem_shared>>
      tpu.wait_dma2 semaphore(%run_scoped3A : memref<!tpu.dma_semaphore, #tpu.memory_space<semaphore_mem>>) src(%arg8 : memref<128x128xf32, #tpu.memory_space<vmem>>) dst(%dma_wait3A_49 : memref<128x128xf32, #tpu.memory_space<vmem_shared>>)
      tpu.yield
    }) : () -> ()
    %mul3A_2 = arith.constant 640 : i32
    %mul3A_3 = arith.muli %arg1, %mul3A_2 : i32
    %add3A_4 = arith.constant 128 : i32
    %add3A_5 = arith.addi %mul3A_3, %add3A_4 : i32
    "tpu.region"() ({
      %run_scoped3A = tpu.sem_alloc : memref<!tpu.dma_semaphore, #tpu.memory_space<semaphore_mem>>
      %dma_start3A = arith.constant 0 : i32
      %dma_start3A_44 = tpu.memref_slice %arg9[%add3A_5, %dma_start3A] : memref<10240x128xf32, #tpu.memory_space<vmem_shared>> -> memref<128x128xf32, #tpu.memory_space<vmem_shared>>
      %dma_start3A_45 = arith.constant 0 : i32
      %dma_start3A_46 = tpu.memref_slice %arg9[%add3A_5, %dma_start3A_45] : memref<10240x128xf32, #tpu.memory_space<vmem_shared>> -> memref<128x128xf32, #tpu.memory_space<vmem_shared>>
      tpu.enqueue_dma source(%arg8 : memref<128x128xf32, #tpu.memory_space<vmem>>) target(%dma_start3A_46 : memref<128x128xf32, #tpu.memory_space<vmem_shared>>) target_semaphore(%run_scoped3A : memref<!tpu.dma_semaphore, #tpu.memory_space<semaphore_mem>>)
      %dma_wait3A = arith.constant 0 : i32
      %dma_wait3A_47 = tpu.memref_slice %arg9[%add3A_5, %dma_wait3A] : memref<10240x128xf32, #tpu.memory_space<vmem_shared>> -> memref<128x128xf32, #tpu.memory_space<vmem_shared>>
      %dma_wait3A_48 = arith.constant 0 : i32
      %dma_wait3A_49 = tpu.memref_slice %arg9[%add3A_5, %dma_wait3A_48] : memref<10240x128xf32, #tpu.memory_space<vmem_shared>> -> memref<128x128xf32, #tpu.memory_space<vmem_shared>>
      tpu.wait_dma2 semaphore(%run_scoped3A : memref<!tpu.dma_semaphore, #tpu.memory_space<semaphore_mem>>) src(%arg8 : memref<128x128xf32, #tpu.memory_space<vmem>>) dst(%dma_wait3A_49 : memref<128x128xf32, #tpu.memory_space<vmem_shared>>)
      tpu.yield
    }) : () -> ()
    %mul3A_6 = arith.constant 640 : i32
    %mul3A_7 = arith.muli %arg1, %mul3A_6 : i32
    %add3A_8 = arith.constant 256 : i32
    %add3A_9 = arith.addi %mul3A_7, %add3A_8 : i32
    "tpu.region"() ({
      %run_scoped3A = tpu.sem_alloc : memref<!tpu.dma_semaphore, #tpu.memory_space<semaphore_mem>>
      %dma_start3A = arith.constant 0 : i32
      %dma_start3A_44 = tpu.memref_slice %arg9[%add3A_9, %dma_start3A] : memref<10240x128xf32, #tpu.memory_space<vmem_shared>> -> memref<128x128xf32, #tpu.memory_space<vmem_shared>>
      %dma_start3A_45 = arith.constant 0 : i32
      %dma_start3A_46 = tpu.memref_slice %arg9[%add3A_9, %dma_start3A_45] : memref<10240x128xf32, #tpu.memory_space<vmem_shared>> -> memref<128x128xf32, #tpu.memory_space<vmem_shared>>
      tpu.enqueue_dma source(%arg8 : memref<128x128xf32, #tpu.memory_space<vmem>>) target(%dma_start3A_46 : memref<128x128xf32, #tpu.memory_space<vmem_shared>>) target_semaphore(%run_scoped3A : memref<!tpu.dma_semaphore, #tpu.memory_space<semaphore_mem>>)
      %dma_wait3A = arith.constant 0 : i32
      %dma_wait3A_47 = tpu.memref_slice %arg9[%add3A_9, %dma_wait3A] : memref<10240x128xf32, #tpu.memory_space<vmem_shared>> -> memref<128x128xf32, #tpu.memory_space<vmem_shared>>
      %dma_wait3A_48 = arith.constant 0 : i32
      %dma_wait3A_49 = tpu.memref_slice %arg9[%add3A_9, %dma_wait3A_48] : memref<10240x128xf32, #tpu.memory_space<vmem_shared>> -> memref<128x128xf32, #tpu.memory_space<vmem_shared>>
      tpu.wait_dma2 semaphore(%run_scoped3A : memref<!tpu.dma_semaphore, #tpu.memory_space<semaphore_mem>>) src(%arg8 : memref<128x128xf32, #tpu.memory_space<vmem>>) dst(%dma_wait3A_49 : memref<128x128xf32, #tpu.memory_space<vmem_shared>>)
      tpu.yield
    }) : () -> ()
    %mul3A_10 = arith.constant 640 : i32
    %mul3A_11 = arith.muli %arg1, %mul3A_10 : i32
    %add3A_12 = arith.constant 384 : i32
    %add3A_13 = arith.addi %mul3A_11, %add3A_12 : i32
    "tpu.region"() ({
      %run_scoped3A = tpu.sem_alloc : memref<!tpu.dma_semaphore, #tpu.memory_space<semaphore_mem>>
      %dma_start3A = arith.constant 0 : i32
      %dma_start3A_44 = tpu.memref_slice %arg9[%add3A_13, %dma_start3A] : memref<10240x128xf32, #tpu.memory_space<vmem_shared>> -> memref<128x128xf32, #tpu.memory_space<vmem_shared>>
      %dma_start3A_45 = arith.constant 0 : i32
      %dma_start3A_46 = tpu.memref_slice %arg9[%add3A_13, %dma_start3A_45] : memref<10240x128xf32, #tpu.memory_space<vmem_shared>> -> memref<128x128xf32, #tpu.memory_space<vmem_shared>>
      tpu.enqueue_dma source(%arg8 : memref<128x128xf32, #tpu.memory_space<vmem>>) target(%dma_start3A_46 : memref<128x128xf32, #tpu.memory_space<vmem_shared>>) target_semaphore(%run_scoped3A : memref<!tpu.dma_semaphore, #tpu.memory_space<semaphore_mem>>)
      %dma_wait3A = arith.constant 0 : i32
      %dma_wait3A_47 = tpu.memref_slice %arg9[%add3A_13, %dma_wait3A] : memref<10240x128xf32, #tpu.memory_space<vmem_shared>> -> memref<128x128xf32, #tpu.memory_space<vmem_shared>>
      %dma_wait3A_48 = arith.constant 0 : i32
      %dma_wait3A_49 = tpu.memref_slice %arg9[%add3A_13, %dma_wait3A_48] : memref<10240x128xf32, #tpu.memory_space<vmem_shared>> -> memref<128x128xf32, #tpu.memory_space<vmem_shared>>
      tpu.wait_dma2 semaphore(%run_scoped3A : memref<!tpu.dma_semaphore, #tpu.memory_space<semaphore_mem>>) src(%arg8 : memref<128x128xf32, #tpu.memory_space<vmem>>) dst(%dma_wait3A_49 : memref<128x128xf32, #tpu.memory_space<vmem_shared>>)
      tpu.yield
    }) : () -> ()
    %mul3A_14 = arith.constant 640 : i32
    %mul3A_15 = arith.muli %arg1, %mul3A_14 : i32
    %add3A_16 = arith.constant 512 : i32
    %add3A_17 = arith.addi %mul3A_15, %add3A_16 : i32
    "tpu.region"() ({
      %run_scoped3A = tpu.sem_alloc : memref<!tpu.dma_semaphore, #tpu.memory_space<semaphore_mem>>
      %dma_start3A = arith.constant 0 : i32
      %dma_start3A_44 = tpu.memref_slice %arg9[%add3A_17, %dma_start3A] : memref<10240x128xf32, #tpu.memory_space<vmem_shared>> -> memref<128x128xf32, #tpu.memory_space<vmem_shared>>
      %dma_start3A_45 = arith.constant 0 : i32
      %dma_start3A_46 = tpu.memref_slice %arg9[%add3A_17, %dma_start3A_45] : memref<10240x128xf32, #tpu.memory_space<vmem_shared>> -> memref<128x128xf32, #tpu.memory_space<vmem_shared>>
      tpu.enqueue_dma source(%arg8 : memref<128x128xf32, #tpu.memory_space<vmem>>) target(%dma_start3A_46 : memref<128x128xf32, #tpu.memory_space<vmem_shared>>) target_semaphore(%run_scoped3A : memref<!tpu.dma_semaphore, #tpu.memory_space<semaphore_mem>>)
      %dma_wait3A = arith.constant 0 : i32
      %dma_wait3A_47 = tpu.memref_slice %arg9[%add3A_17, %dma_wait3A] : memref<10240x128xf32, #tpu.memory_space<vmem_shared>> -> memref<128x128xf32, #tpu.memory_space<vmem_shared>>
      %dma_wait3A_48 = arith.constant 0 : i32
      %dma_wait3A_49 = tpu.memref_slice %arg9[%add3A_17, %dma_wait3A_48] : memref<10240x128xf32, #tpu.memory_space<vmem_shared>> -> memref<128x128xf32, #tpu.memory_space<vmem_shared>>
      tpu.wait_dma2 semaphore(%run_scoped3A : memref<!tpu.dma_semaphore, #tpu.memory_space<semaphore_mem>>) src(%arg8 : memref<128x128xf32, #tpu.memory_space<vmem>>) dst(%dma_wait3A_49 : memref<128x128xf32, #tpu.memory_space<vmem_shared>>)
      tpu.yield
    }) : () -> ()
    %barrier3A = arith.constant 0 : index
    tpu.barrier barrier_id(%barrier3A)
    %scan3A = arith.constant 0 : i32
    %scan3A_18 = arith.constant 0 : i32
    %scan3A_19 = arith.constant 79 : i32
    %scan3A_20 = arith.addi %scan3A_18, %scan3A_19 : i32
    %scan3A_21 = arith.constant 1 : i32
    scf.for %scan3A_44 = %scan3A_18 to %scan3A_20 step %scan3A_21  : i32 {
      "tpu.region"() ({
        %run_scoped3A = tpu.sem_alloc : memref<!tpu.dma_semaphore, #tpu.memory_space<semaphore_mem>>
        %dma_start3A = arith.constant 0 : i32
        %dma_start3A_45 = tpu.memref_slice %arg2[%arg0, %arg1, %scan3A_44, %dma_start3A] : memref<2x16x79x128xi32, #tpu.memory_space<hbm>> -> memref<1x1x1x128xi32, #tpu.memory_space<hbm>>
        %dma_start3A_46 = tpu.memref_squeeze %dma_start3A_45 : memref<1x1x1x128xi32, #tpu.memory_space<hbm>> -> memref<128xi32, #tpu.memory_space<hbm>>
        %dma_start3A_47 = arith.constant 0 : i32
        %dma_start3A_48 = tpu.memref_slice %arg2[%arg0, %arg1, %scan3A_44, %dma_start3A_47] : memref<2x16x79x128xi32, #tpu.memory_space<hbm>> -> memref<1x1x1x128xi32, #tpu.memory_space<hbm>>
        %dma_start3A_49 = tpu.memref_squeeze %dma_start3A_48 : memref<1x1x1x128xi32, #tpu.memory_space<hbm>> -> memref<128xi32, #tpu.memory_space<hbm>>
        tpu.enqueue_dma source(%dma_start3A_49 : memref<128xi32, #tpu.memory_space<hbm>>) target(%arg6 : memref<128xi32, #tpu.memory_space<vmem>>) target_semaphore(%run_scoped3A : memref<!tpu.dma_semaphore, #tpu.memory_space<semaphore_mem>>)
        %dma_wait3A = arith.constant 0 : i32
        %dma_wait3A_50 = tpu.memref_slice %arg2[%arg0, %arg1, %scan3A_44, %dma_wait3A] : memref<2x16x79x128xi32, #tpu.memory_space<hbm>> -> memref<1x1x1x128xi32, #tpu.memory_space<hbm>>
        %dma_wait3A_51 = tpu.memref_squeeze %dma_wait3A_50 : memref<1x1x1x128xi32, #tpu.memory_space<hbm>> -> memref<128xi32, #tpu.memory_space<hbm>>
        %dma_wait3A_52 = arith.constant 0 : i32
        %dma_wait3A_53 = tpu.memref_slice %arg2[%arg0, %arg1, %scan3A_44, %dma_wait3A_52] : memref<2x16x79x128xi32, #tpu.memory_space<hbm>> -> memref<1x1x1x128xi32, #tpu.memory_space<hbm>>
        %dma_wait3A_54 = tpu.memref_squeeze %dma_wait3A_53 : memref<1x1x1x128xi32, #tpu.memory_space<hbm>> -> memref<128xi32, #tpu.memory_space<hbm>>
        tpu.wait_dma2 semaphore(%run_scoped3A : memref<!tpu.dma_semaphore, #tpu.memory_space<semaphore_mem>>) src(%dma_wait3A_54 : memref<128xi32, #tpu.memory_space<hbm>>) dst(%arg6 : memref<128xi32, #tpu.memory_space<vmem>>)
        tpu.yield
      }) : () -> ()
      "tpu.region"() ({
        %run_scoped3A = tpu.sem_alloc : memref<!tpu.dma_semaphore, #tpu.memory_space<semaphore_mem>>
        %dma_start3A = arith.constant 0 : i32
        %dma_start3A_45 = arith.constant 0 : i32
        %dma_start3A_46 = tpu.memref_slice %arg9[%dma_start3A, %dma_start3A_45] : memref<10240x128xf32, #tpu.memory_space<vmem_shared>> -> memref<10240x128xf32, #tpu.memory_space<vmem_shared>>
        tpu.enqueue_indirect_dma source(%arg7 : memref<128x128xf32, #tpu.memory_space<vmem>>) target(%dma_start3A_46 : memref<10240x128xf32, #tpu.memory_space<vmem_shared>>) offsets(%arg6 : memref<128xi32, #tpu.memory_space<vmem>>) semaphore(%run_scoped3A : memref<!tpu.dma_semaphore, #tpu.memory_space<semaphore_mem>>) {add = true}
        %dma_wait3A = arith.constant 0 : i32
        %dma_wait3A_47 = arith.constant 0 : i32
        %dma_wait3A_48 = tpu.memref_slice %arg9[%dma_wait3A, %dma_wait3A_47] : memref<10240x128xf32, #tpu.memory_space<vmem_shared>> -> memref<10240x128xf32, #tpu.memory_space<vmem_shared>>
        tpu.wait_indirect_dma semaphore(%run_scoped3A : memref<!tpu.dma_semaphore, #tpu.memory_space<semaphore_mem>>) src(%arg7 : memref<128x128xf32, #tpu.memory_space<vmem>>) dst(%dma_wait3A_48 : memref<10240x128xf32, #tpu.memory_space<vmem_shared>>)
        tpu.yield
      }) : () -> ()
    }
    %scan3A_22 = arith.constant 79 : i32
    %barrier3A_23 = arith.constant 0 : index
    tpu.barrier barrier_id(%barrier3A_23)
    %mul3A_24 = arith.constant 640 : i32
    %mul3A_25 = arith.muli %arg1, %mul3A_24 : i32
    %add3A_26 = arith.constant 0 : i32
    %add3A_27 = arith.addi %mul3A_25, %add3A_26 : i32
    "tpu.region"() ({
      %run_scoped3A = tpu.sem_alloc : memref<!tpu.dma_semaphore, #tpu.memory_space<semaphore_mem>>
      %dma_start3A = arith.constant 0 : i32
      %dma_start3A_44 = tpu.memref_slice %arg9[%add3A_27, %dma_start3A] : memref<10240x128xf32, #tpu.memory_space<vmem_shared>> -> memref<128x128xf32, #tpu.memory_space<vmem_shared>>
      %dma_start3A_45 = arith.constant 0 : i32
      %dma_start3A_46 = tpu.memref_slice %arg9[%add3A_27, %dma_start3A_45] : memref<10240x128xf32, #tpu.memory_space<vmem_shared>> -> memref<128x128xf32, #tpu.memory_space<vmem_shared>>
      tpu.enqueue_dma source(%dma_start3A_46 : memref<128x128xf32, #tpu.memory_space<vmem_shared>>) target(%arg8 : memref<128x128xf32, #tpu.memory_space<vmem>>) target_semaphore(%run_scoped3A : memref<!tpu.dma_semaphore, #tpu.memory_space<semaphore_mem>>)
      %dma_wait3A = arith.constant 0 : i32
      %dma_wait3A_47 = tpu.memref_slice %arg9[%add3A_27, %dma_wait3A] : memref<10240x128xf32, #tpu.memory_space<vmem_shared>> -> memref<128x128xf32, #tpu.memory_space<vmem_shared>>
      %dma_wait3A_48 = arith.constant 0 : i32
      %dma_wait3A_49 = tpu.memref_slice %arg9[%add3A_27, %dma_wait3A_48] : memref<10240x128xf32, #tpu.memory_space<vmem_shared>> -> memref<128x128xf32, #tpu.memory_space<vmem_shared>>
      tpu.wait_dma2 semaphore(%run_scoped3A : memref<!tpu.dma_semaphore, #tpu.memory_space<semaphore_mem>>) src(%dma_wait3A_49 : memref<128x128xf32, #tpu.memory_space<vmem_shared>>) dst(%arg8 : memref<128x128xf32, #tpu.memory_space<vmem>>)
      tpu.yield
    }) : () -> ()
    "tpu.region"() ({
      %run_scoped3A = tpu.sem_alloc : memref<!tpu.dma_semaphore, #tpu.memory_space<semaphore_mem>>
      %dma_start3A = arith.constant 0 : i32
      %dma_start3A_44 = tpu.memref_slice %arg5[%arg0, %add3A_27, %dma_start3A] : memref<2x10240x128xf32, #tpu.memory_space<hbm>> -> memref<1x128x128xf32, #tpu.memory_space<hbm>>
      %dma_start3A_45 = tpu.memref_squeeze %dma_start3A_44 : memref<1x128x128xf32, #tpu.memory_space<hbm>> -> memref<128x128xf32, #tpu.memory_space<hbm>>
      %dma_start3A_46 = arith.constant 0 : i32
      %dma_start3A_47 = tpu.memref_slice %arg5[%arg0, %add3A_27, %dma_start3A_46] : memref<2x10240x128xf32, #tpu.memory_space<hbm>> -> memref<1x128x128xf32, #tpu.memory_space<hbm>>
      %dma_start3A_48 = tpu.memref_squeeze %dma_start3A_47 : memref<1x128x128xf32, #tpu.memory_space<hbm>> -> memref<128x128xf32, #tpu.memory_space<hbm>>
      tpu.enqueue_dma source(%arg8 : memref<128x128xf32, #tpu.memory_space<vmem>>) target(%dma_start3A_48 : memref<128x128xf32, #tpu.memory_space<hbm>>) target_semaphore(%run_scoped3A : memref<!tpu.dma_semaphore, #tpu.memory_space<semaphore_mem>>)
      %dma_wait3A = arith.constant 0 : i32
      %dma_wait3A_49 = tpu.memref_slice %arg5[%arg0, %add3A_27, %dma_wait3A] : memref<2x10240x128xf32, #tpu.memory_space<hbm>> -> memref<1x128x128xf32, #tpu.memory_space<hbm>>
      %dma_wait3A_50 = tpu.memref_squeeze %dma_wait3A_49 : memref<1x128x128xf32, #tpu.memory_space<hbm>> -> memref<128x128xf32, #tpu.memory_space<hbm>>
      %dma_wait3A_51 = arith.constant 0 : i32
      %dma_wait3A_52 = tpu.memref_slice %arg5[%arg0, %add3A_27, %dma_wait3A_51] : memref<2x10240x128xf32, #tpu.memory_space<hbm>> -> memref<1x128x128xf32, #tpu.memory_space<hbm>>
      %dma_wait3A_53 = tpu.memref_squeeze %dma_wait3A_52 : memref<1x128x128xf32, #tpu.memory_space<hbm>> -> memref<128x128xf32, #tpu.memory_space<hbm>>
      tpu.wait_dma2 semaphore(%run_scoped3A : memref<!tpu.dma_semaphore, #tpu.memory_space<semaphore_mem>>) src(%arg8 : memref<128x128xf32, #tpu.memory_space<vmem>>) dst(%dma_wait3A_53 : memref<128x128xf32, #tpu.memory_space<hbm>>)
      tpu.yield
    }) : () -> ()
    %mul3A_28 = arith.constant 640 : i32
    %mul3A_29 = arith.muli %arg1, %mul3A_28 : i32
    %add3A_30 = arith.constant 128 : i32
    %add3A_31 = arith.addi %mul3A_29, %add3A_30 : i32
    "tpu.region"() ({
      %run_scoped3A = tpu.sem_alloc : memref<!tpu.dma_semaphore, #tpu.memory_space<semaphore_mem>>
      %dma_start3A = arith.constant 0 : i32
      %dma_start3A_44 = tpu.memref_slice %arg9[%add3A_31, %dma_start3A] : memref<10240x128xf32, #tpu.memory_space<vmem_shared>> -> memref<128x128xf32, #tpu.memory_space<vmem_shared>>
      %dma_start3A_45 = arith.constant 0 : i32
      %dma_start3A_46 = tpu.memref_slice %arg9[%add3A_31, %dma_start3A_45] : memref<10240x128xf32, #tpu.memory_space<vmem_shared>> -> memref<128x128xf32, #tpu.memory_space<vmem_shared>>
      tpu.enqueue_dma source(%dma_start3A_46 : memref<128x128xf32, #tpu.memory_space<vmem_shared>>) target(%arg8 : memref<128x128xf32, #tpu.memory_space<vmem>>) target_semaphore(%run_scoped3A : memref<!tpu.dma_semaphore, #tpu.memory_space<semaphore_mem>>)
      %dma_wait3A = arith.constant 0 : i32
      %dma_wait3A_47 = tpu.memref_slice %arg9[%add3A_31, %dma_wait3A] : memref<10240x128xf32, #tpu.memory_space<vmem_shared>> -> memref<128x128xf32, #tpu.memory_space<vmem_shared>>
      %dma_wait3A_48 = arith.constant 0 : i32
      %dma_wait3A_49 = tpu.memref_slice %arg9[%add3A_31, %dma_wait3A_48] : memref<10240x128xf32, #tpu.memory_space<vmem_shared>> -> memref<128x128xf32, #tpu.memory_space<vmem_shared>>
      tpu.wait_dma2 semaphore(%run_scoped3A : memref<!tpu.dma_semaphore, #tpu.memory_space<semaphore_mem>>) src(%dma_wait3A_49 : memref<128x128xf32, #tpu.memory_space<vmem_shared>>) dst(%arg8 : memref<128x128xf32, #tpu.memory_space<vmem>>)
      tpu.yield
    }) : () -> ()
    "tpu.region"() ({
      %run_scoped3A = tpu.sem_alloc : memref<!tpu.dma_semaphore, #tpu.memory_space<semaphore_mem>>
      %dma_start3A = arith.constant 0 : i32
      %dma_start3A_44 = tpu.memref_slice %arg5[%arg0, %add3A_31, %dma_start3A] : memref<2x10240x128xf32, #tpu.memory_space<hbm>> -> memref<1x128x128xf32, #tpu.memory_space<hbm>>
      %dma_start3A_45 = tpu.memref_squeeze %dma_start3A_44 : memref<1x128x128xf32, #tpu.memory_space<hbm>> -> memref<128x128xf32, #tpu.memory_space<hbm>>
      %dma_start3A_46 = arith.constant 0 : i32
      %dma_start3A_47 = tpu.memref_slice %arg5[%arg0, %add3A_31, %dma_start3A_46] : memref<2x10240x128xf32, #tpu.memory_space<hbm>> -> memref<1x128x128xf32, #tpu.memory_space<hbm>>
      %dma_start3A_48 = tpu.memref_squeeze %dma_start3A_47 : memref<1x128x128xf32, #tpu.memory_space<hbm>> -> memref<128x128xf32, #tpu.memory_space<hbm>>
      tpu.enqueue_dma source(%arg8 : memref<128x128xf32, #tpu.memory_space<vmem>>) target(%dma_start3A_48 : memref<128x128xf32, #tpu.memory_space<hbm>>) target_semaphore(%run_scoped3A : memref<!tpu.dma_semaphore, #tpu.memory_space<semaphore_mem>>)
      %dma_wait3A = arith.constant 0 : i32
      %dma_wait3A_49 = tpu.memref_slice %arg5[%arg0, %add3A_31, %dma_wait3A] : memref<2x10240x128xf32, #tpu.memory_space<hbm>> -> memref<1x128x128xf32, #tpu.memory_space<hbm>>
      %dma_wait3A_50 = tpu.memref_squeeze %dma_wait3A_49 : memref<1x128x128xf32, #tpu.memory_space<hbm>> -> memref<128x128xf32, #tpu.memory_space<hbm>>
      %dma_wait3A_51 = arith.constant 0 : i32
      %dma_wait3A_52 = tpu.memref_slice %arg5[%arg0, %add3A_31, %dma_wait3A_51] : memref<2x10240x128xf32, #tpu.memory_space<hbm>> -> memref<1x128x128xf32, #tpu.memory_space<hbm>>
      %dma_wait3A_53 = tpu.memref_squeeze %dma_wait3A_52 : memref<1x128x128xf32, #tpu.memory_space<hbm>> -> memref<128x128xf32, #tpu.memory_space<hbm>>
      tpu.wait_dma2 semaphore(%run_scoped3A : memref<!tpu.dma_semaphore, #tpu.memory_space<semaphore_mem>>) src(%arg8 : memref<128x128xf32, #tpu.memory_space<vmem>>) dst(%dma_wait3A_53 : memref<128x128xf32, #tpu.memory_space<hbm>>)
      tpu.yield
    }) : () -> ()
    %mul3A_32 = arith.constant 640 : i32
    %mul3A_33 = arith.muli %arg1, %mul3A_32 : i32
    %add3A_34 = arith.constant 256 : i32
    %add3A_35 = arith.addi %mul3A_33, %add3A_34 : i32
    "tpu.region"() ({
      %run_scoped3A = tpu.sem_alloc : memref<!tpu.dma_semaphore, #tpu.memory_space<semaphore_mem>>
      %dma_start3A = arith.constant 0 : i32
      %dma_start3A_44 = tpu.memref_slice %arg9[%add3A_35, %dma_start3A] : memref<10240x128xf32, #tpu.memory_space<vmem_shared>> -> memref<128x128xf32, #tpu.memory_space<vmem_shared>>
      %dma_start3A_45 = arith.constant 0 : i32
      %dma_start3A_46 = tpu.memref_slice %arg9[%add3A_35, %dma_start3A_45] : memref<10240x128xf32, #tpu.memory_space<vmem_shared>> -> memref<128x128xf32, #tpu.memory_space<vmem_shared>>
      tpu.enqueue_dma source(%dma_start3A_46 : memref<128x128xf32, #tpu.memory_space<vmem_shared>>) target(%arg8 : memref<128x128xf32, #tpu.memory_space<vmem>>) target_semaphore(%run_scoped3A : memref<!tpu.dma_semaphore, #tpu.memory_space<semaphore_mem>>)
      %dma_wait3A = arith.constant 0 : i32
      %dma_wait3A_47 = tpu.memref_slice %arg9[%add3A_35, %dma_wait3A] : memref<10240x128xf32, #tpu.memory_space<vmem_shared>> -> memref<128x128xf32, #tpu.memory_space<vmem_shared>>
      %dma_wait3A_48 = arith.constant 0 : i32
      %dma_wait3A_49 = tpu.memref_slice %arg9[%add3A_35, %dma_wait3A_48] : memref<10240x128xf32, #tpu.memory_space<vmem_shared>> -> memref<128x128xf32, #tpu.memory_space<vmem_shared>>
      tpu.wait_dma2 semaphore(%run_scoped3A : memref<!tpu.dma_semaphore, #tpu.memory_space<semaphore_mem>>) src(%dma_wait3A_49 : memref<128x128xf32, #tpu.memory_space<vmem_shared>>) dst(%arg8 : memref<128x128xf32, #tpu.memory_space<vmem>>)
      tpu.yield
    }) : () -> ()
    "tpu.region"() ({
      %run_scoped3A = tpu.sem_alloc : memref<!tpu.dma_semaphore, #tpu.memory_space<semaphore_mem>>
      %dma_start3A = arith.constant 0 : i32
      %dma_start3A_44 = tpu.memref_slice %arg5[%arg0, %add3A_35, %dma_start3A] : memref<2x10240x128xf32, #tpu.memory_space<hbm>> -> memref<1x128x128xf32, #tpu.memory_space<hbm>>
      %dma_start3A_45 = tpu.memref_squeeze %dma_start3A_44 : memref<1x128x128xf32, #tpu.memory_space<hbm>> -> memref<128x128xf32, #tpu.memory_space<hbm>>
      %dma_start3A_46 = arith.constant 0 : i32
      %dma_start3A_47 = tpu.memref_slice %arg5[%arg0, %add3A_35, %dma_start3A_46] : memref<2x10240x128xf32, #tpu.memory_space<hbm>> -> memref<1x128x128xf32, #tpu.memory_space<hbm>>
      %dma_start3A_48 = tpu.memref_squeeze %dma_start3A_47 : memref<1x128x128xf32, #tpu.memory_space<hbm>> -> memref<128x128xf32, #tpu.memory_space<hbm>>
      tpu.enqueue_dma source(%arg8 : memref<128x128xf32, #tpu.memory_space<vmem>>) target(%dma_start3A_48 : memref<128x128xf32, #tpu.memory_space<hbm>>) target_semaphore(%run_scoped3A : memref<!tpu.dma_semaphore, #tpu.memory_space<semaphore_mem>>)
      %dma_wait3A = arith.constant 0 : i32
      %dma_wait3A_49 = tpu.memref_slice %arg5[%arg0, %add3A_35, %dma_wait3A] : memref<2x10240x128xf32, #tpu.memory_space<hbm>> -> memref<1x128x128xf32, #tpu.memory_space<hbm>>
      %dma_wait3A_50 = tpu.memref_squeeze %dma_wait3A_49 : memref<1x128x128xf32, #tpu.memory_space<hbm>> -> memref<128x128xf32, #tpu.memory_space<hbm>>
      %dma_wait3A_51 = arith.constant 0 : i32
      %dma_wait3A_52 = tpu.memref_slice %arg5[%arg0, %add3A_35, %dma_wait3A_51] : memref<2x10240x128xf32, #tpu.memory_space<hbm>> -> memref<1x128x128xf32, #tpu.memory_space<hbm>>
      %dma_wait3A_53 = tpu.memref_squeeze %dma_wait3A_52 : memref<1x128x128xf32, #tpu.memory_space<hbm>> -> memref<128x128xf32, #tpu.memory_space<hbm>>
      tpu.wait_dma2 semaphore(%run_scoped3A : memref<!tpu.dma_semaphore, #tpu.memory_space<semaphore_mem>>) src(%arg8 : memref<128x128xf32, #tpu.memory_space<vmem>>) dst(%dma_wait3A_53 : memref<128x128xf32, #tpu.memory_space<hbm>>)
      tpu.yield
    }) : () -> ()
    %mul3A_36 = arith.constant 640 : i32
    %mul3A_37 = arith.muli %arg1, %mul3A_36 : i32
    %add3A_38 = arith.constant 384 : i32
    %add3A_39 = arith.addi %mul3A_37, %add3A_38 : i32
    "tpu.region"() ({
      %run_scoped3A = tpu.sem_alloc : memref<!tpu.dma_semaphore, #tpu.memory_space<semaphore_mem>>
      %dma_start3A = arith.constant 0 : i32
      %dma_start3A_44 = tpu.memref_slice %arg9[%add3A_39, %dma_start3A] : memref<10240x128xf32, #tpu.memory_space<vmem_shared>> -> memref<128x128xf32, #tpu.memory_space<vmem_shared>>
      %dma_start3A_45 = arith.constant 0 : i32
      %dma_start3A_46 = tpu.memref_slice %arg9[%add3A_39, %dma_start3A_45] : memref<10240x128xf32, #tpu.memory_space<vmem_shared>> -> memref<128x128xf32, #tpu.memory_space<vmem_shared>>
      tpu.enqueue_dma source(%dma_start3A_46 : memref<128x128xf32, #tpu.memory_space<vmem_shared>>) target(%arg8 : memref<128x128xf32, #tpu.memory_space<vmem>>) target_semaphore(%run_scoped3A : memref<!tpu.dma_semaphore, #tpu.memory_space<semaphore_mem>>)
      %dma_wait3A = arith.constant 0 : i32
      %dma_wait3A_47 = tpu.memref_slice %arg9[%add3A_39, %dma_wait3A] : memref<10240x128xf32, #tpu.memory_space<vmem_shared>> -> memref<128x128xf32, #tpu.memory_space<vmem_shared>>
      %dma_wait3A_48 = arith.constant 0 : i32
      %dma_wait3A_49 = tpu.memref_slice %arg9[%add3A_39, %dma_wait3A_48] : memref<10240x128xf32, #tpu.memory_space<vmem_shared>> -> memref<128x128xf32, #tpu.memory_space<vmem_shared>>
      tpu.wait_dma2 semaphore(%run_scoped3A : memref<!tpu.dma_semaphore, #tpu.memory_space<semaphore_mem>>) src(%dma_wait3A_49 : memref<128x128xf32, #tpu.memory_space<vmem_shared>>) dst(%arg8 : memref<128x128xf32, #tpu.memory_space<vmem>>)
      tpu.yield
    }) : () -> ()
    "tpu.region"() ({
      %run_scoped3A = tpu.sem_alloc : memref<!tpu.dma_semaphore, #tpu.memory_space<semaphore_mem>>
      %dma_start3A = arith.constant 0 : i32
      %dma_start3A_44 = tpu.memref_slice %arg5[%arg0, %add3A_39, %dma_start3A] : memref<2x10240x128xf32, #tpu.memory_space<hbm>> -> memref<1x128x128xf32, #tpu.memory_space<hbm>>
      %dma_start3A_45 = tpu.memref_squeeze %dma_start3A_44 : memref<1x128x128xf32, #tpu.memory_space<hbm>> -> memref<128x128xf32, #tpu.memory_space<hbm>>
      %dma_start3A_46 = arith.constant 0 : i32
      %dma_start3A_47 = tpu.memref_slice %arg5[%arg0, %add3A_39, %dma_start3A_46] : memref<2x10240x128xf32, #tpu.memory_space<hbm>> -> memref<1x128x128xf32, #tpu.memory_space<hbm>>
      %dma_start3A_48 = tpu.memref_squeeze %dma_start3A_47 : memref<1x128x128xf32, #tpu.memory_space<hbm>> -> memref<128x128xf32, #tpu.memory_space<hbm>>
      tpu.enqueue_dma source(%arg8 : memref<128x128xf32, #tpu.memory_space<vmem>>) target(%dma_start3A_48 : memref<128x128xf32, #tpu.memory_space<hbm>>) target_semaphore(%run_scoped3A : memref<!tpu.dma_semaphore, #tpu.memory_space<semaphore_mem>>)
      %dma_wait3A = arith.constant 0 : i32
      %dma_wait3A_49 = tpu.memref_slice %arg5[%arg0, %add3A_39, %dma_wait3A] : memref<2x10240x128xf32, #tpu.memory_space<hbm>> -> memref<1x128x128xf32, #tpu.memory_space<hbm>>
      %dma_wait3A_50 = tpu.memref_squeeze %dma_wait3A_49 : memref<1x128x128xf32, #tpu.memory_space<hbm>> -> memref<128x128xf32, #tpu.memory_space<hbm>>
      %dma_wait3A_51 = arith.constant 0 : i32
      %dma_wait3A_52 = tpu.memref_slice %arg5[%arg0, %add3A_39, %dma_wait3A_51] : memref<2x10240x128xf32, #tpu.memory_space<hbm>> -> memref<1x128x128xf32, #tpu.memory_space<hbm>>
      %dma_wait3A_53 = tpu.memref_squeeze %dma_wait3A_52 : memref<1x128x128xf32, #tpu.memory_space<hbm>> -> memref<128x128xf32, #tpu.memory_space<hbm>>
      tpu.wait_dma2 semaphore(%run_scoped3A : memref<!tpu.dma_semaphore, #tpu.memory_space<semaphore_mem>>) src(%arg8 : memref<128x128xf32, #tpu.memory_space<vmem>>) dst(%dma_wait3A_53 : memref<128x128xf32, #tpu.memory_space<hbm>>)
      tpu.yield
    }) : () -> ()
    %mul3A_40 = arith.constant 640 : i32
    %mul3A_41 = arith.muli %arg1, %mul3A_40 : i32
    %add3A_42 = arith.constant 512 : i32
    %add3A_43 = arith.addi %mul3A_41, %add3A_42 : i32
    "tpu.region"() ({
      %run_scoped3A = tpu.sem_alloc : memref<!tpu.dma_semaphore, #tpu.memory_space<semaphore_mem>>
      %dma_start3A = arith.constant 0 : i32
      %dma_start3A_44 = tpu.memref_slice %arg9[%add3A_43, %dma_start3A] : memref<10240x128xf32, #tpu.memory_space<vmem_shared>> -> memref<128x128xf32, #tpu.memory_space<vmem_shared>>
      %dma_start3A_45 = arith.constant 0 : i32
      %dma_start3A_46 = tpu.memref_slice %arg9[%add3A_43, %dma_start3A_45] : memref<10240x128xf32, #tpu.memory_space<vmem_shared>> -> memref<128x128xf32, #tpu.memory_space<vmem_shared>>
      tpu.enqueue_dma source(%dma_start3A_46 : memref<128x128xf32, #tpu.memory_space<vmem_shared>>) target(%arg8 : memref<128x128xf32, #tpu.memory_space<vmem>>) target_semaphore(%run_scoped3A : memref<!tpu.dma_semaphore, #tpu.memory_space<semaphore_mem>>)
      %dma_wait3A = arith.constant 0 : i32
      %dma_wait3A_47 = tpu.memref_slice %arg9[%add3A_43, %dma_wait3A] : memref<10240x128xf32, #tpu.memory_space<vmem_shared>> -> memref<128x128xf32, #tpu.memory_space<vmem_shared>>
      %dma_wait3A_48 = arith.constant 0 : i32
      %dma_wait3A_49 = tpu.memref_slice %arg9[%add3A_43, %dma_wait3A_48] : memref<10240x128xf32, #tpu.memory_space<vmem_shared>> -> memref<128x128xf32, #tpu.memory_space<vmem_shared>>
      tpu.wait_dma2 semaphore(%run_scoped3A : memref<!tpu.dma_semaphore, #tpu.memory_space<semaphore_mem>>) src(%dma_wait3A_49 : memref<128x128xf32, #tpu.memory_space<vmem_shared>>) dst(%arg8 : memref<128x128xf32, #tpu.memory_space<vmem>>)
      tpu.yield
    }) : () -> ()
    "tpu.region"() ({
      %run_scoped3A = tpu.sem_alloc : memref<!tpu.dma_semaphore, #tpu.memory_space<semaphore_mem>>
      %dma_start3A = arith.constant 0 : i32
      %dma_start3A_44 = tpu.memref_slice %arg5[%arg0, %add3A_43, %dma_start3A] : memref<2x10240x128xf32, #tpu.memory_space<hbm>> -> memref<1x128x128xf32, #tpu.memory_space<hbm>>
      %dma_start3A_45 = tpu.memref_squeeze %dma_start3A_44 : memref<1x128x128xf32, #tpu.memory_space<hbm>> -> memref<128x128xf32, #tpu.memory_space<hbm>>
      %dma_start3A_46 = arith.constant 0 : i32
      %dma_start3A_47 = tpu.memref_slice %arg5[%arg0, %add3A_43, %dma_start3A_46] : memref<2x10240x128xf32, #tpu.memory_space<hbm>> -> memref<1x128x128xf32, #tpu.memory_space<hbm>>
      %dma_start3A_48 = tpu.memref_squeeze %dma_start3A_47 : memref<1x128x128xf32, #tpu.memory_space<hbm>> -> memref<128x128xf32, #tpu.memory_space<hbm>>
      tpu.enqueue_dma source(%arg8 : memref<128x128xf32, #tpu.memory_space<vmem>>) target(%dma_start3A_48 : memref<128x128xf32, #tpu.memory_space<hbm>>) target_semaphore(%run_scoped3A : memref<!tpu.dma_semaphore, #tpu.memory_space<semaphore_mem>>)
      %dma_wait3A = arith.constant 0 : i32
      %dma_wait3A_49 = tpu.memref_slice %arg5[%arg0, %add3A_43, %dma_wait3A] : memref<2x10240x128xf32, #tpu.memory_space<hbm>> -> memref<1x128x128xf32, #tpu.memory_space<hbm>>
      %dma_wait3A_50 = tpu.memref_squeeze %dma_wait3A_49 : memref<1x128x128xf32, #tpu.memory_space<hbm>> -> memref<128x128xf32, #tpu.memory_space<hbm>>
      %dma_wait3A_51 = arith.constant 0 : i32
      %dma_wait3A_52 = tpu.memref_slice %arg5[%arg0, %add3A_43, %dma_wait3A_51] : memref<2x10240x128xf32, #tpu.memory_space<hbm>> -> memref<1x128x128xf32, #tpu.memory_space<hbm>>
      %dma_wait3A_53 = tpu.memref_squeeze %dma_wait3A_52 : memref<1x128x128xf32, #tpu.memory_space<hbm>> -> memref<128x128xf32, #tpu.memory_space<hbm>>
      tpu.wait_dma2 semaphore(%run_scoped3A : memref<!tpu.dma_semaphore, #tpu.memory_space<semaphore_mem>>) src(%arg8 : memref<128x128xf32, #tpu.memory_space<vmem>>) dst(%dma_wait3A_53 : memref<128x128xf32, #tpu.memory_space<hbm>>)
      tpu.yield
    }) : () -> ()
    return
  }
}

#map = affine_map<(d0, d1) -> (0, 0)>
#map1 = affine_map<(d0, d1) -> (0, 0, 0, 0)>
#map2 = affine_map<(d0, d1) -> (0, 0, 0)>
module attributes {stable_mosaic.version = 14 : i64} {
  func.func @spass(%arg0: i32, %arg1: i32, %arg2: memref<10240x128xf32, #tpu.memory_space<hbm>>, %arg3: memref<2x16x79x128xi32, #tpu.memory_space<hbm>>, %arg4: memref<2x16x79x128xi32, #tpu.memory_space<hbm>>, %arg5: memref<128x128xf32, #tpu.memory_space<hbm>>, %arg6: memref<2x10240x128xf32, #tpu.memory_space<hbm>>, %arg7: memref<128xi32, #tpu.memory_space<vmem>>, %arg8: memref<128xi32, #tpu.memory_space<vmem>>, %arg9: memref<128x128xf32, #tpu.memory_space<vmem>>, %arg10: memref<10240x128xf32, #tpu.memory_space<vmem_shared>>, %arg11: memref<!tpu.dma_semaphore, #tpu.memory_space<semaphore_mem>>) attributes {dimension_semantics = [#tpu.dimension_semantics<core_parallel>, #tpu.dimension_semantics<subcore_parallel>], iteration_bounds = array<i64: 2, 16>, scalar_prefetch = 0 : i64, scratch_operands = 5 : i64, tpu.core_type = #tpu.core_type<sc_vector_subcore>, window_params = [{transform_indices = #map}, {transform_indices = #map1}, {transform_indices = #map1}, {transform_indices = #map}, {transform_indices = #map2}]} {
    "tpu.region"() ({
      %run_scoped3A = tpu.sem_alloc : memref<!tpu.dma_semaphore, #tpu.memory_space<semaphore_mem>>
      tpu.enqueue_dma source(%arg5 : memref<128x128xf32, #tpu.memory_space<hbm>>) target(%arg9 : memref<128x128xf32, #tpu.memory_space<vmem>>) target_semaphore(%run_scoped3A : memref<!tpu.dma_semaphore, #tpu.memory_space<semaphore_mem>>)
      tpu.wait_dma2 semaphore(%run_scoped3A : memref<!tpu.dma_semaphore, #tpu.memory_space<semaphore_mem>>) src(%arg5 : memref<128x128xf32, #tpu.memory_space<hbm>>) dst(%arg9 : memref<128x128xf32, #tpu.memory_space<vmem>>)
      tpu.yield
    }) : () -> ()
    %mul3A = arith.constant 640 : i32
    %mul3A_0 = arith.muli %arg1, %mul3A : i32
    %add3A = arith.constant 0 : i32
    %add3A_1 = arith.addi %mul3A_0, %add3A : i32
    "tpu.region"() ({
      %run_scoped3A = tpu.sem_alloc : memref<!tpu.dma_semaphore, #tpu.memory_space<semaphore_mem>>
      %dma_start3A = arith.constant 0 : i32
      %dma_start3A_44 = tpu.memref_slice %arg10[%add3A_1, %dma_start3A] : memref<10240x128xf32, #tpu.memory_space<vmem_shared>> -> memref<128x128xf32, #tpu.memory_space<vmem_shared>>
      %dma_start3A_45 = arith.constant 0 : i32
      %dma_start3A_46 = tpu.memref_slice %arg10[%add3A_1, %dma_start3A_45] : memref<10240x128xf32, #tpu.memory_space<vmem_shared>> -> memref<128x128xf32, #tpu.memory_space<vmem_shared>>
      tpu.enqueue_dma source(%arg9 : memref<128x128xf32, #tpu.memory_space<vmem>>) target(%dma_start3A_46 : memref<128x128xf32, #tpu.memory_space<vmem_shared>>) target_semaphore(%run_scoped3A : memref<!tpu.dma_semaphore, #tpu.memory_space<semaphore_mem>>)
      %dma_wait3A = arith.constant 0 : i32
      %dma_wait3A_47 = tpu.memref_slice %arg10[%add3A_1, %dma_wait3A] : memref<10240x128xf32, #tpu.memory_space<vmem_shared>> -> memref<128x128xf32, #tpu.memory_space<vmem_shared>>
      %dma_wait3A_48 = arith.constant 0 : i32
      %dma_wait3A_49 = tpu.memref_slice %arg10[%add3A_1, %dma_wait3A_48] : memref<10240x128xf32, #tpu.memory_space<vmem_shared>> -> memref<128x128xf32, #tpu.memory_space<vmem_shared>>
      tpu.wait_dma2 semaphore(%run_scoped3A : memref<!tpu.dma_semaphore, #tpu.memory_space<semaphore_mem>>) src(%arg9 : memref<128x128xf32, #tpu.memory_space<vmem>>) dst(%dma_wait3A_49 : memref<128x128xf32, #tpu.memory_space<vmem_shared>>)
      tpu.yield
    }) : () -> ()
    %mul3A_2 = arith.constant 640 : i32
    %mul3A_3 = arith.muli %arg1, %mul3A_2 : i32
    %add3A_4 = arith.constant 128 : i32
    %add3A_5 = arith.addi %mul3A_3, %add3A_4 : i32
    "tpu.region"() ({
      %run_scoped3A = tpu.sem_alloc : memref<!tpu.dma_semaphore, #tpu.memory_space<semaphore_mem>>
      %dma_start3A = arith.constant 0 : i32
      %dma_start3A_44 = tpu.memref_slice %arg10[%add3A_5, %dma_start3A] : memref<10240x128xf32, #tpu.memory_space<vmem_shared>> -> memref<128x128xf32, #tpu.memory_space<vmem_shared>>
      %dma_start3A_45 = arith.constant 0 : i32
      %dma_start3A_46 = tpu.memref_slice %arg10[%add3A_5, %dma_start3A_45] : memref<10240x128xf32, #tpu.memory_space<vmem_shared>> -> memref<128x128xf32, #tpu.memory_space<vmem_shared>>
      tpu.enqueue_dma source(%arg9 : memref<128x128xf32, #tpu.memory_space<vmem>>) target(%dma_start3A_46 : memref<128x128xf32, #tpu.memory_space<vmem_shared>>) target_semaphore(%run_scoped3A : memref<!tpu.dma_semaphore, #tpu.memory_space<semaphore_mem>>)
      %dma_wait3A = arith.constant 0 : i32
      %dma_wait3A_47 = tpu.memref_slice %arg10[%add3A_5, %dma_wait3A] : memref<10240x128xf32, #tpu.memory_space<vmem_shared>> -> memref<128x128xf32, #tpu.memory_space<vmem_shared>>
      %dma_wait3A_48 = arith.constant 0 : i32
      %dma_wait3A_49 = tpu.memref_slice %arg10[%add3A_5, %dma_wait3A_48] : memref<10240x128xf32, #tpu.memory_space<vmem_shared>> -> memref<128x128xf32, #tpu.memory_space<vmem_shared>>
      tpu.wait_dma2 semaphore(%run_scoped3A : memref<!tpu.dma_semaphore, #tpu.memory_space<semaphore_mem>>) src(%arg9 : memref<128x128xf32, #tpu.memory_space<vmem>>) dst(%dma_wait3A_49 : memref<128x128xf32, #tpu.memory_space<vmem_shared>>)
      tpu.yield
    }) : () -> ()
    %mul3A_6 = arith.constant 640 : i32
    %mul3A_7 = arith.muli %arg1, %mul3A_6 : i32
    %add3A_8 = arith.constant 256 : i32
    %add3A_9 = arith.addi %mul3A_7, %add3A_8 : i32
    "tpu.region"() ({
      %run_scoped3A = tpu.sem_alloc : memref<!tpu.dma_semaphore, #tpu.memory_space<semaphore_mem>>
      %dma_start3A = arith.constant 0 : i32
      %dma_start3A_44 = tpu.memref_slice %arg10[%add3A_9, %dma_start3A] : memref<10240x128xf32, #tpu.memory_space<vmem_shared>> -> memref<128x128xf32, #tpu.memory_space<vmem_shared>>
      %dma_start3A_45 = arith.constant 0 : i32
      %dma_start3A_46 = tpu.memref_slice %arg10[%add3A_9, %dma_start3A_45] : memref<10240x128xf32, #tpu.memory_space<vmem_shared>> -> memref<128x128xf32, #tpu.memory_space<vmem_shared>>
      tpu.enqueue_dma source(%arg9 : memref<128x128xf32, #tpu.memory_space<vmem>>) target(%dma_start3A_46 : memref<128x128xf32, #tpu.memory_space<vmem_shared>>) target_semaphore(%run_scoped3A : memref<!tpu.dma_semaphore, #tpu.memory_space<semaphore_mem>>)
      %dma_wait3A = arith.constant 0 : i32
      %dma_wait3A_47 = tpu.memref_slice %arg10[%add3A_9, %dma_wait3A] : memref<10240x128xf32, #tpu.memory_space<vmem_shared>> -> memref<128x128xf32, #tpu.memory_space<vmem_shared>>
      %dma_wait3A_48 = arith.constant 0 : i32
      %dma_wait3A_49 = tpu.memref_slice %arg10[%add3A_9, %dma_wait3A_48] : memref<10240x128xf32, #tpu.memory_space<vmem_shared>> -> memref<128x128xf32, #tpu.memory_space<vmem_shared>>
      tpu.wait_dma2 semaphore(%run_scoped3A : memref<!tpu.dma_semaphore, #tpu.memory_space<semaphore_mem>>) src(%arg9 : memref<128x128xf32, #tpu.memory_space<vmem>>) dst(%dma_wait3A_49 : memref<128x128xf32, #tpu.memory_space<vmem_shared>>)
      tpu.yield
    }) : () -> ()
    %mul3A_10 = arith.constant 640 : i32
    %mul3A_11 = arith.muli %arg1, %mul3A_10 : i32
    %add3A_12 = arith.constant 384 : i32
    %add3A_13 = arith.addi %mul3A_11, %add3A_12 : i32
    "tpu.region"() ({
      %run_scoped3A = tpu.sem_alloc : memref<!tpu.dma_semaphore, #tpu.memory_space<semaphore_mem>>
      %dma_start3A = arith.constant 0 : i32
      %dma_start3A_44 = tpu.memref_slice %arg10[%add3A_13, %dma_start3A] : memref<10240x128xf32, #tpu.memory_space<vmem_shared>> -> memref<128x128xf32, #tpu.memory_space<vmem_shared>>
      %dma_start3A_45 = arith.constant 0 : i32
      %dma_start3A_46 = tpu.memref_slice %arg10[%add3A_13, %dma_start3A_45] : memref<10240x128xf32, #tpu.memory_space<vmem_shared>> -> memref<128x128xf32, #tpu.memory_space<vmem_shared>>
      tpu.enqueue_dma source(%arg9 : memref<128x128xf32, #tpu.memory_space<vmem>>) target(%dma_start3A_46 : memref<128x128xf32, #tpu.memory_space<vmem_shared>>) target_semaphore(%run_scoped3A : memref<!tpu.dma_semaphore, #tpu.memory_space<semaphore_mem>>)
      %dma_wait3A = arith.constant 0 : i32
      %dma_wait3A_47 = tpu.memref_slice %arg10[%add3A_13, %dma_wait3A] : memref<10240x128xf32, #tpu.memory_space<vmem_shared>> -> memref<128x128xf32, #tpu.memory_space<vmem_shared>>
      %dma_wait3A_48 = arith.constant 0 : i32
      %dma_wait3A_49 = tpu.memref_slice %arg10[%add3A_13, %dma_wait3A_48] : memref<10240x128xf32, #tpu.memory_space<vmem_shared>> -> memref<128x128xf32, #tpu.memory_space<vmem_shared>>
      tpu.wait_dma2 semaphore(%run_scoped3A : memref<!tpu.dma_semaphore, #tpu.memory_space<semaphore_mem>>) src(%arg9 : memref<128x128xf32, #tpu.memory_space<vmem>>) dst(%dma_wait3A_49 : memref<128x128xf32, #tpu.memory_space<vmem_shared>>)
      tpu.yield
    }) : () -> ()
    %mul3A_14 = arith.constant 640 : i32
    %mul3A_15 = arith.muli %arg1, %mul3A_14 : i32
    %add3A_16 = arith.constant 512 : i32
    %add3A_17 = arith.addi %mul3A_15, %add3A_16 : i32
    "tpu.region"() ({
      %run_scoped3A = tpu.sem_alloc : memref<!tpu.dma_semaphore, #tpu.memory_space<semaphore_mem>>
      %dma_start3A = arith.constant 0 : i32
      %dma_start3A_44 = tpu.memref_slice %arg10[%add3A_17, %dma_start3A] : memref<10240x128xf32, #tpu.memory_space<vmem_shared>> -> memref<128x128xf32, #tpu.memory_space<vmem_shared>>
      %dma_start3A_45 = arith.constant 0 : i32
      %dma_start3A_46 = tpu.memref_slice %arg10[%add3A_17, %dma_start3A_45] : memref<10240x128xf32, #tpu.memory_space<vmem_shared>> -> memref<128x128xf32, #tpu.memory_space<vmem_shared>>
      tpu.enqueue_dma source(%arg9 : memref<128x128xf32, #tpu.memory_space<vmem>>) target(%dma_start3A_46 : memref<128x128xf32, #tpu.memory_space<vmem_shared>>) target_semaphore(%run_scoped3A : memref<!tpu.dma_semaphore, #tpu.memory_space<semaphore_mem>>)
      %dma_wait3A = arith.constant 0 : i32
      %dma_wait3A_47 = tpu.memref_slice %arg10[%add3A_17, %dma_wait3A] : memref<10240x128xf32, #tpu.memory_space<vmem_shared>> -> memref<128x128xf32, #tpu.memory_space<vmem_shared>>
      %dma_wait3A_48 = arith.constant 0 : i32
      %dma_wait3A_49 = tpu.memref_slice %arg10[%add3A_17, %dma_wait3A_48] : memref<10240x128xf32, #tpu.memory_space<vmem_shared>> -> memref<128x128xf32, #tpu.memory_space<vmem_shared>>
      tpu.wait_dma2 semaphore(%run_scoped3A : memref<!tpu.dma_semaphore, #tpu.memory_space<semaphore_mem>>) src(%arg9 : memref<128x128xf32, #tpu.memory_space<vmem>>) dst(%dma_wait3A_49 : memref<128x128xf32, #tpu.memory_space<vmem_shared>>)
      tpu.yield
    }) : () -> ()
    %barrier3A = arith.constant 0 : index
    tpu.barrier barrier_id(%barrier3A)
    %scan3A = arith.constant 0 : i32
    %scan3A_18 = arith.constant 0 : i32
    %scan3A_19 = arith.constant 79 : i32
    %scan3A_20 = arith.addi %scan3A_18, %scan3A_19 : i32
    %scan3A_21 = arith.constant 1 : i32
    scf.for %scan3A_44 = %scan3A_18 to %scan3A_20 step %scan3A_21  : i32 {
      "tpu.region"() ({
        %run_scoped3A = tpu.sem_alloc : memref<!tpu.dma_semaphore, #tpu.memory_space<semaphore_mem>>
        %dma_start3A_49 = arith.constant 0 : i32
        %dma_start3A_50 = tpu.memref_slice %arg3[%arg0, %arg1, %scan3A_44, %dma_start3A_49] : memref<2x16x79x128xi32, #tpu.memory_space<hbm>> -> memref<1x1x1x128xi32, #tpu.memory_space<hbm>>
        %dma_start3A_51 = tpu.memref_squeeze %dma_start3A_50 : memref<1x1x1x128xi32, #tpu.memory_space<hbm>> -> memref<128xi32, #tpu.memory_space<hbm>>
        %dma_start3A_52 = arith.constant 0 : i32
        %dma_start3A_53 = tpu.memref_slice %arg3[%arg0, %arg1, %scan3A_44, %dma_start3A_52] : memref<2x16x79x128xi32, #tpu.memory_space<hbm>> -> memref<1x1x1x128xi32, #tpu.memory_space<hbm>>
        %dma_start3A_54 = tpu.memref_squeeze %dma_start3A_53 : memref<1x1x1x128xi32, #tpu.memory_space<hbm>> -> memref<128xi32, #tpu.memory_space<hbm>>
        tpu.enqueue_dma source(%dma_start3A_54 : memref<128xi32, #tpu.memory_space<hbm>>) target(%arg7 : memref<128xi32, #tpu.memory_space<vmem>>) target_semaphore(%run_scoped3A : memref<!tpu.dma_semaphore, #tpu.memory_space<semaphore_mem>>)
        %dma_wait3A_55 = arith.constant 0 : i32
        %dma_wait3A_56 = tpu.memref_slice %arg3[%arg0, %arg1, %scan3A_44, %dma_wait3A_55] : memref<2x16x79x128xi32, #tpu.memory_space<hbm>> -> memref<1x1x1x128xi32, #tpu.memory_space<hbm>>
        %dma_wait3A_57 = tpu.memref_squeeze %dma_wait3A_56 : memref<1x1x1x128xi32, #tpu.memory_space<hbm>> -> memref<128xi32, #tpu.memory_space<hbm>>
        %dma_wait3A_58 = arith.constant 0 : i32
        %dma_wait3A_59 = tpu.memref_slice %arg3[%arg0, %arg1, %scan3A_44, %dma_wait3A_58] : memref<2x16x79x128xi32, #tpu.memory_space<hbm>> -> memref<1x1x1x128xi32, #tpu.memory_space<hbm>>
        %dma_wait3A_60 = tpu.memref_squeeze %dma_wait3A_59 : memref<1x1x1x128xi32, #tpu.memory_space<hbm>> -> memref<128xi32, #tpu.memory_space<hbm>>
        tpu.wait_dma2 semaphore(%run_scoped3A : memref<!tpu.dma_semaphore, #tpu.memory_space<semaphore_mem>>) src(%dma_wait3A_60 : memref<128xi32, #tpu.memory_space<hbm>>) dst(%arg7 : memref<128xi32, #tpu.memory_space<vmem>>)
        tpu.yield
      }) : () -> ()
      "tpu.region"() ({
        %run_scoped3A = tpu.sem_alloc : memref<!tpu.dma_semaphore, #tpu.memory_space<semaphore_mem>>
        %dma_start3A_49 = arith.constant 0 : i32
        %dma_start3A_50 = tpu.memref_slice %arg4[%arg0, %arg1, %scan3A_44, %dma_start3A_49] : memref<2x16x79x128xi32, #tpu.memory_space<hbm>> -> memref<1x1x1x128xi32, #tpu.memory_space<hbm>>
        %dma_start3A_51 = tpu.memref_squeeze %dma_start3A_50 : memref<1x1x1x128xi32, #tpu.memory_space<hbm>> -> memref<128xi32, #tpu.memory_space<hbm>>
        %dma_start3A_52 = arith.constant 0 : i32
        %dma_start3A_53 = tpu.memref_slice %arg4[%arg0, %arg1, %scan3A_44, %dma_start3A_52] : memref<2x16x79x128xi32, #tpu.memory_space<hbm>> -> memref<1x1x1x128xi32, #tpu.memory_space<hbm>>
        %dma_start3A_54 = tpu.memref_squeeze %dma_start3A_53 : memref<1x1x1x128xi32, #tpu.memory_space<hbm>> -> memref<128xi32, #tpu.memory_space<hbm>>
        tpu.enqueue_dma source(%dma_start3A_54 : memref<128xi32, #tpu.memory_space<hbm>>) target(%arg8 : memref<128xi32, #tpu.memory_space<vmem>>) target_semaphore(%run_scoped3A : memref<!tpu.dma_semaphore, #tpu.memory_space<semaphore_mem>>)
        %dma_wait3A_55 = arith.constant 0 : i32
        %dma_wait3A_56 = tpu.memref_slice %arg4[%arg0, %arg1, %scan3A_44, %dma_wait3A_55] : memref<2x16x79x128xi32, #tpu.memory_space<hbm>> -> memref<1x1x1x128xi32, #tpu.memory_space<hbm>>
        %dma_wait3A_57 = tpu.memref_squeeze %dma_wait3A_56 : memref<1x1x1x128xi32, #tpu.memory_space<hbm>> -> memref<128xi32, #tpu.memory_space<hbm>>
        %dma_wait3A_58 = arith.constant 0 : i32
        %dma_wait3A_59 = tpu.memref_slice %arg4[%arg0, %arg1, %scan3A_44, %dma_wait3A_58] : memref<2x16x79x128xi32, #tpu.memory_space<hbm>> -> memref<1x1x1x128xi32, #tpu.memory_space<hbm>>
        %dma_wait3A_60 = tpu.memref_squeeze %dma_wait3A_59 : memref<1x1x1x128xi32, #tpu.memory_space<hbm>> -> memref<128xi32, #tpu.memory_space<hbm>>
        tpu.wait_dma2 semaphore(%run_scoped3A : memref<!tpu.dma_semaphore, #tpu.memory_space<semaphore_mem>>) src(%dma_wait3A_60 : memref<128xi32, #tpu.memory_space<hbm>>) dst(%arg8 : memref<128xi32, #tpu.memory_space<vmem>>)
        tpu.yield
      }) : () -> ()
      %dma_start3A = arith.constant 0 : i32
      %dma_start3A_45 = arith.constant 0 : i32
      %dma_start3A_46 = tpu.memref_slice %arg2[%dma_start3A, %dma_start3A_45] : memref<10240x128xf32, #tpu.memory_space<hbm>> -> memref<10240x128xf32, #tpu.memory_space<hbm>>
      tpu.enqueue_indirect_dma source(%dma_start3A_46 : memref<10240x128xf32, #tpu.memory_space<hbm>>) target(%arg9 : memref<128x128xf32, #tpu.memory_space<vmem>>) offsets(%arg7 : memref<128xi32, #tpu.memory_space<vmem>>) semaphore(%arg11 : memref<!tpu.dma_semaphore, #tpu.memory_space<semaphore_mem>>)
      %dma_wait3A = arith.constant 0 : i32
      %dma_wait3A_47 = arith.constant 0 : i32
      %dma_wait3A_48 = tpu.memref_slice %arg2[%dma_wait3A, %dma_wait3A_47] : memref<10240x128xf32, #tpu.memory_space<hbm>> -> memref<10240x128xf32, #tpu.memory_space<hbm>>
      tpu.wait_indirect_dma semaphore(%arg11 : memref<!tpu.dma_semaphore, #tpu.memory_space<semaphore_mem>>) src(%dma_wait3A_48 : memref<10240x128xf32, #tpu.memory_space<hbm>>) dst(%arg9 : memref<128x128xf32, #tpu.memory_space<vmem>>)
      "tpu.region"() ({
        %run_scoped3A = tpu.sem_alloc : memref<!tpu.dma_semaphore, #tpu.memory_space<semaphore_mem>>
        %dma_start3A_49 = arith.constant 0 : i32
        %dma_start3A_50 = arith.constant 0 : i32
        %dma_start3A_51 = tpu.memref_slice %arg10[%dma_start3A_49, %dma_start3A_50] : memref<10240x128xf32, #tpu.memory_space<vmem_shared>> -> memref<10240x128xf32, #tpu.memory_space<vmem_shared>>
        tpu.enqueue_indirect_dma source(%arg9 : memref<128x128xf32, #tpu.memory_space<vmem>>) target(%dma_start3A_51 : memref<10240x128xf32, #tpu.memory_space<vmem_shared>>) offsets(%arg8 : memref<128xi32, #tpu.memory_space<vmem>>) semaphore(%run_scoped3A : memref<!tpu.dma_semaphore, #tpu.memory_space<semaphore_mem>>) {add = true}
        %dma_wait3A_52 = arith.constant 0 : i32
        %dma_wait3A_53 = arith.constant 0 : i32
        %dma_wait3A_54 = tpu.memref_slice %arg10[%dma_wait3A_52, %dma_wait3A_53] : memref<10240x128xf32, #tpu.memory_space<vmem_shared>> -> memref<10240x128xf32, #tpu.memory_space<vmem_shared>>
        tpu.wait_indirect_dma semaphore(%run_scoped3A : memref<!tpu.dma_semaphore, #tpu.memory_space<semaphore_mem>>) src(%arg9 : memref<128x128xf32, #tpu.memory_space<vmem>>) dst(%dma_wait3A_54 : memref<10240x128xf32, #tpu.memory_space<vmem_shared>>)
        tpu.yield
      }) : () -> ()
    }
    %scan3A_22 = arith.constant 79 : i32
    %barrier3A_23 = arith.constant 0 : index
    tpu.barrier barrier_id(%barrier3A_23)
    %mul3A_24 = arith.constant 640 : i32
    %mul3A_25 = arith.muli %arg1, %mul3A_24 : i32
    %add3A_26 = arith.constant 0 : i32
    %add3A_27 = arith.addi %mul3A_25, %add3A_26 : i32
    "tpu.region"() ({
      %run_scoped3A = tpu.sem_alloc : memref<!tpu.dma_semaphore, #tpu.memory_space<semaphore_mem>>
      %dma_start3A = arith.constant 0 : i32
      %dma_start3A_44 = tpu.memref_slice %arg10[%add3A_27, %dma_start3A] : memref<10240x128xf32, #tpu.memory_space<vmem_shared>> -> memref<128x128xf32, #tpu.memory_space<vmem_shared>>
      %dma_start3A_45 = arith.constant 0 : i32
      %dma_start3A_46 = tpu.memref_slice %arg10[%add3A_27, %dma_start3A_45] : memref<10240x128xf32, #tpu.memory_space<vmem_shared>> -> memref<128x128xf32, #tpu.memory_space<vmem_shared>>
      tpu.enqueue_dma source(%dma_start3A_46 : memref<128x128xf32, #tpu.memory_space<vmem_shared>>) target(%arg9 : memref<128x128xf32, #tpu.memory_space<vmem>>) target_semaphore(%run_scoped3A : memref<!tpu.dma_semaphore, #tpu.memory_space<semaphore_mem>>)
      %dma_wait3A = arith.constant 0 : i32
      %dma_wait3A_47 = tpu.memref_slice %arg10[%add3A_27, %dma_wait3A] : memref<10240x128xf32, #tpu.memory_space<vmem_shared>> -> memref<128x128xf32, #tpu.memory_space<vmem_shared>>
      %dma_wait3A_48 = arith.constant 0 : i32
      %dma_wait3A_49 = tpu.memref_slice %arg10[%add3A_27, %dma_wait3A_48] : memref<10240x128xf32, #tpu.memory_space<vmem_shared>> -> memref<128x128xf32, #tpu.memory_space<vmem_shared>>
      tpu.wait_dma2 semaphore(%run_scoped3A : memref<!tpu.dma_semaphore, #tpu.memory_space<semaphore_mem>>) src(%dma_wait3A_49 : memref<128x128xf32, #tpu.memory_space<vmem_shared>>) dst(%arg9 : memref<128x128xf32, #tpu.memory_space<vmem>>)
      tpu.yield
    }) : () -> ()
    "tpu.region"() ({
      %run_scoped3A = tpu.sem_alloc : memref<!tpu.dma_semaphore, #tpu.memory_space<semaphore_mem>>
      %dma_start3A = arith.constant 0 : i32
      %dma_start3A_44 = tpu.memref_slice %arg6[%arg0, %add3A_27, %dma_start3A] : memref<2x10240x128xf32, #tpu.memory_space<hbm>> -> memref<1x128x128xf32, #tpu.memory_space<hbm>>
      %dma_start3A_45 = tpu.memref_squeeze %dma_start3A_44 : memref<1x128x128xf32, #tpu.memory_space<hbm>> -> memref<128x128xf32, #tpu.memory_space<hbm>>
      %dma_start3A_46 = arith.constant 0 : i32
      %dma_start3A_47 = tpu.memref_slice %arg6[%arg0, %add3A_27, %dma_start3A_46] : memref<2x10240x128xf32, #tpu.memory_space<hbm>> -> memref<1x128x128xf32, #tpu.memory_space<hbm>>
      %dma_start3A_48 = tpu.memref_squeeze %dma_start3A_47 : memref<1x128x128xf32, #tpu.memory_space<hbm>> -> memref<128x128xf32, #tpu.memory_space<hbm>>
      tpu.enqueue_dma source(%arg9 : memref<128x128xf32, #tpu.memory_space<vmem>>) target(%dma_start3A_48 : memref<128x128xf32, #tpu.memory_space<hbm>>) target_semaphore(%run_scoped3A : memref<!tpu.dma_semaphore, #tpu.memory_space<semaphore_mem>>)
      %dma_wait3A = arith.constant 0 : i32
      %dma_wait3A_49 = tpu.memref_slice %arg6[%arg0, %add3A_27, %dma_wait3A] : memref<2x10240x128xf32, #tpu.memory_space<hbm>> -> memref<1x128x128xf32, #tpu.memory_space<hbm>>
      %dma_wait3A_50 = tpu.memref_squeeze %dma_wait3A_49 : memref<1x128x128xf32, #tpu.memory_space<hbm>> -> memref<128x128xf32, #tpu.memory_space<hbm>>
      %dma_wait3A_51 = arith.constant 0 : i32
      %dma_wait3A_52 = tpu.memref_slice %arg6[%arg0, %add3A_27, %dma_wait3A_51] : memref<2x10240x128xf32, #tpu.memory_space<hbm>> -> memref<1x128x128xf32, #tpu.memory_space<hbm>>
      %dma_wait3A_53 = tpu.memref_squeeze %dma_wait3A_52 : memref<1x128x128xf32, #tpu.memory_space<hbm>> -> memref<128x128xf32, #tpu.memory_space<hbm>>
      tpu.wait_dma2 semaphore(%run_scoped3A : memref<!tpu.dma_semaphore, #tpu.memory_space<semaphore_mem>>) src(%arg9 : memref<128x128xf32, #tpu.memory_space<vmem>>) dst(%dma_wait3A_53 : memref<128x128xf32, #tpu.memory_space<hbm>>)
      tpu.yield
    }) : () -> ()
    %mul3A_28 = arith.constant 640 : i32
    %mul3A_29 = arith.muli %arg1, %mul3A_28 : i32
    %add3A_30 = arith.constant 128 : i32
    %add3A_31 = arith.addi %mul3A_29, %add3A_30 : i32
    "tpu.region"() ({
      %run_scoped3A = tpu.sem_alloc : memref<!tpu.dma_semaphore, #tpu.memory_space<semaphore_mem>>
      %dma_start3A = arith.constant 0 : i32
      %dma_start3A_44 = tpu.memref_slice %arg10[%add3A_31, %dma_start3A] : memref<10240x128xf32, #tpu.memory_space<vmem_shared>> -> memref<128x128xf32, #tpu.memory_space<vmem_shared>>
      %dma_start3A_45 = arith.constant 0 : i32
      %dma_start3A_46 = tpu.memref_slice %arg10[%add3A_31, %dma_start3A_45] : memref<10240x128xf32, #tpu.memory_space<vmem_shared>> -> memref<128x128xf32, #tpu.memory_space<vmem_shared>>
      tpu.enqueue_dma source(%dma_start3A_46 : memref<128x128xf32, #tpu.memory_space<vmem_shared>>) target(%arg9 : memref<128x128xf32, #tpu.memory_space<vmem>>) target_semaphore(%run_scoped3A : memref<!tpu.dma_semaphore, #tpu.memory_space<semaphore_mem>>)
      %dma_wait3A = arith.constant 0 : i32
      %dma_wait3A_47 = tpu.memref_slice %arg10[%add3A_31, %dma_wait3A] : memref<10240x128xf32, #tpu.memory_space<vmem_shared>> -> memref<128x128xf32, #tpu.memory_space<vmem_shared>>
      %dma_wait3A_48 = arith.constant 0 : i32
      %dma_wait3A_49 = tpu.memref_slice %arg10[%add3A_31, %dma_wait3A_48] : memref<10240x128xf32, #tpu.memory_space<vmem_shared>> -> memref<128x128xf32, #tpu.memory_space<vmem_shared>>
      tpu.wait_dma2 semaphore(%run_scoped3A : memref<!tpu.dma_semaphore, #tpu.memory_space<semaphore_mem>>) src(%dma_wait3A_49 : memref<128x128xf32, #tpu.memory_space<vmem_shared>>) dst(%arg9 : memref<128x128xf32, #tpu.memory_space<vmem>>)
      tpu.yield
    }) : () -> ()
    "tpu.region"() ({
      %run_scoped3A = tpu.sem_alloc : memref<!tpu.dma_semaphore, #tpu.memory_space<semaphore_mem>>
      %dma_start3A = arith.constant 0 : i32
      %dma_start3A_44 = tpu.memref_slice %arg6[%arg0, %add3A_31, %dma_start3A] : memref<2x10240x128xf32, #tpu.memory_space<hbm>> -> memref<1x128x128xf32, #tpu.memory_space<hbm>>
      %dma_start3A_45 = tpu.memref_squeeze %dma_start3A_44 : memref<1x128x128xf32, #tpu.memory_space<hbm>> -> memref<128x128xf32, #tpu.memory_space<hbm>>
      %dma_start3A_46 = arith.constant 0 : i32
      %dma_start3A_47 = tpu.memref_slice %arg6[%arg0, %add3A_31, %dma_start3A_46] : memref<2x10240x128xf32, #tpu.memory_space<hbm>> -> memref<1x128x128xf32, #tpu.memory_space<hbm>>
      %dma_start3A_48 = tpu.memref_squeeze %dma_start3A_47 : memref<1x128x128xf32, #tpu.memory_space<hbm>> -> memref<128x128xf32, #tpu.memory_space<hbm>>
      tpu.enqueue_dma source(%arg9 : memref<128x128xf32, #tpu.memory_space<vmem>>) target(%dma_start3A_48 : memref<128x128xf32, #tpu.memory_space<hbm>>) target_semaphore(%run_scoped3A : memref<!tpu.dma_semaphore, #tpu.memory_space<semaphore_mem>>)
      %dma_wait3A = arith.constant 0 : i32
      %dma_wait3A_49 = tpu.memref_slice %arg6[%arg0, %add3A_31, %dma_wait3A] : memref<2x10240x128xf32, #tpu.memory_space<hbm>> -> memref<1x128x128xf32, #tpu.memory_space<hbm>>
      %dma_wait3A_50 = tpu.memref_squeeze %dma_wait3A_49 : memref<1x128x128xf32, #tpu.memory_space<hbm>> -> memref<128x128xf32, #tpu.memory_space<hbm>>
      %dma_wait3A_51 = arith.constant 0 : i32
      %dma_wait3A_52 = tpu.memref_slice %arg6[%arg0, %add3A_31, %dma_wait3A_51] : memref<2x10240x128xf32, #tpu.memory_space<hbm>> -> memref<1x128x128xf32, #tpu.memory_space<hbm>>
      %dma_wait3A_53 = tpu.memref_squeeze %dma_wait3A_52 : memref<1x128x128xf32, #tpu.memory_space<hbm>> -> memref<128x128xf32, #tpu.memory_space<hbm>>
      tpu.wait_dma2 semaphore(%run_scoped3A : memref<!tpu.dma_semaphore, #tpu.memory_space<semaphore_mem>>) src(%arg9 : memref<128x128xf32, #tpu.memory_space<vmem>>) dst(%dma_wait3A_53 : memref<128x128xf32, #tpu.memory_space<hbm>>)
      tpu.yield
    }) : () -> ()
    %mul3A_32 = arith.constant 640 : i32
    %mul3A_33 = arith.muli %arg1, %mul3A_32 : i32
    %add3A_34 = arith.constant 256 : i32
    %add3A_35 = arith.addi %mul3A_33, %add3A_34 : i32
    "tpu.region"() ({
      %run_scoped3A = tpu.sem_alloc : memref<!tpu.dma_semaphore, #tpu.memory_space<semaphore_mem>>
      %dma_start3A = arith.constant 0 : i32
      %dma_start3A_44 = tpu.memref_slice %arg10[%add3A_35, %dma_start3A] : memref<10240x128xf32, #tpu.memory_space<vmem_shared>> -> memref<128x128xf32, #tpu.memory_space<vmem_shared>>
      %dma_start3A_45 = arith.constant 0 : i32
      %dma_start3A_46 = tpu.memref_slice %arg10[%add3A_35, %dma_start3A_45] : memref<10240x128xf32, #tpu.memory_space<vmem_shared>> -> memref<128x128xf32, #tpu.memory_space<vmem_shared>>
      tpu.enqueue_dma source(%dma_start3A_46 : memref<128x128xf32, #tpu.memory_space<vmem_shared>>) target(%arg9 : memref<128x128xf32, #tpu.memory_space<vmem>>) target_semaphore(%run_scoped3A : memref<!tpu.dma_semaphore, #tpu.memory_space<semaphore_mem>>)
      %dma_wait3A = arith.constant 0 : i32
      %dma_wait3A_47 = tpu.memref_slice %arg10[%add3A_35, %dma_wait3A] : memref<10240x128xf32, #tpu.memory_space<vmem_shared>> -> memref<128x128xf32, #tpu.memory_space<vmem_shared>>
      %dma_wait3A_48 = arith.constant 0 : i32
      %dma_wait3A_49 = tpu.memref_slice %arg10[%add3A_35, %dma_wait3A_48] : memref<10240x128xf32, #tpu.memory_space<vmem_shared>> -> memref<128x128xf32, #tpu.memory_space<vmem_shared>>
      tpu.wait_dma2 semaphore(%run_scoped3A : memref<!tpu.dma_semaphore, #tpu.memory_space<semaphore_mem>>) src(%dma_wait3A_49 : memref<128x128xf32, #tpu.memory_space<vmem_shared>>) dst(%arg9 : memref<128x128xf32, #tpu.memory_space<vmem>>)
      tpu.yield
    }) : () -> ()
    "tpu.region"() ({
      %run_scoped3A = tpu.sem_alloc : memref<!tpu.dma_semaphore, #tpu.memory_space<semaphore_mem>>
      %dma_start3A = arith.constant 0 : i32
      %dma_start3A_44 = tpu.memref_slice %arg6[%arg0, %add3A_35, %dma_start3A] : memref<2x10240x128xf32, #tpu.memory_space<hbm>> -> memref<1x128x128xf32, #tpu.memory_space<hbm>>
      %dma_start3A_45 = tpu.memref_squeeze %dma_start3A_44 : memref<1x128x128xf32, #tpu.memory_space<hbm>> -> memref<128x128xf32, #tpu.memory_space<hbm>>
      %dma_start3A_46 = arith.constant 0 : i32
      %dma_start3A_47 = tpu.memref_slice %arg6[%arg0, %add3A_35, %dma_start3A_46] : memref<2x10240x128xf32, #tpu.memory_space<hbm>> -> memref<1x128x128xf32, #tpu.memory_space<hbm>>
      %dma_start3A_48 = tpu.memref_squeeze %dma_start3A_47 : memref<1x128x128xf32, #tpu.memory_space<hbm>> -> memref<128x128xf32, #tpu.memory_space<hbm>>
      tpu.enqueue_dma source(%arg9 : memref<128x128xf32, #tpu.memory_space<vmem>>) target(%dma_start3A_48 : memref<128x128xf32, #tpu.memory_space<hbm>>) target_semaphore(%run_scoped3A : memref<!tpu.dma_semaphore, #tpu.memory_space<semaphore_mem>>)
      %dma_wait3A = arith.constant 0 : i32
      %dma_wait3A_49 = tpu.memref_slice %arg6[%arg0, %add3A_35, %dma_wait3A] : memref<2x10240x128xf32, #tpu.memory_space<hbm>> -> memref<1x128x128xf32, #tpu.memory_space<hbm>>
      %dma_wait3A_50 = tpu.memref_squeeze %dma_wait3A_49 : memref<1x128x128xf32, #tpu.memory_space<hbm>> -> memref<128x128xf32, #tpu.memory_space<hbm>>
      %dma_wait3A_51 = arith.constant 0 : i32
      %dma_wait3A_52 = tpu.memref_slice %arg6[%arg0, %add3A_35, %dma_wait3A_51] : memref<2x10240x128xf32, #tpu.memory_space<hbm>> -> memref<1x128x128xf32, #tpu.memory_space<hbm>>
      %dma_wait3A_53 = tpu.memref_squeeze %dma_wait3A_52 : memref<1x128x128xf32, #tpu.memory_space<hbm>> -> memref<128x128xf32, #tpu.memory_space<hbm>>
      tpu.wait_dma2 semaphore(%run_scoped3A : memref<!tpu.dma_semaphore, #tpu.memory_space<semaphore_mem>>) src(%arg9 : memref<128x128xf32, #tpu.memory_space<vmem>>) dst(%dma_wait3A_53 : memref<128x128xf32, #tpu.memory_space<hbm>>)
      tpu.yield
    }) : () -> ()
    %mul3A_36 = arith.constant 640 : i32
    %mul3A_37 = arith.muli %arg1, %mul3A_36 : i32
    %add3A_38 = arith.constant 384 : i32
    %add3A_39 = arith.addi %mul3A_37, %add3A_38 : i32
    "tpu.region"() ({
      %run_scoped3A = tpu.sem_alloc : memref<!tpu.dma_semaphore, #tpu.memory_space<semaphore_mem>>
      %dma_start3A = arith.constant 0 : i32
      %dma_start3A_44 = tpu.memref_slice %arg10[%add3A_39, %dma_start3A] : memref<10240x128xf32, #tpu.memory_space<vmem_shared>> -> memref<128x128xf32, #tpu.memory_space<vmem_shared>>
      %dma_start3A_45 = arith.constant 0 : i32
      %dma_start3A_46 = tpu.memref_slice %arg10[%add3A_39, %dma_start3A_45] : memref<10240x128xf32, #tpu.memory_space<vmem_shared>> -> memref<128x128xf32, #tpu.memory_space<vmem_shared>>
      tpu.enqueue_dma source(%dma_start3A_46 : memref<128x128xf32, #tpu.memory_space<vmem_shared>>) target(%arg9 : memref<128x128xf32, #tpu.memory_space<vmem>>) target_semaphore(%run_scoped3A : memref<!tpu.dma_semaphore, #tpu.memory_space<semaphore_mem>>)
      %dma_wait3A = arith.constant 0 : i32
      %dma_wait3A_47 = tpu.memref_slice %arg10[%add3A_39, %dma_wait3A] : memref<10240x128xf32, #tpu.memory_space<vmem_shared>> -> memref<128x128xf32, #tpu.memory_space<vmem_shared>>
      %dma_wait3A_48 = arith.constant 0 : i32
      %dma_wait3A_49 = tpu.memref_slice %arg10[%add3A_39, %dma_wait3A_48] : memref<10240x128xf32, #tpu.memory_space<vmem_shared>> -> memref<128x128xf32, #tpu.memory_space<vmem_shared>>
      tpu.wait_dma2 semaphore(%run_scoped3A : memref<!tpu.dma_semaphore, #tpu.memory_space<semaphore_mem>>) src(%dma_wait3A_49 : memref<128x128xf32, #tpu.memory_space<vmem_shared>>) dst(%arg9 : memref<128x128xf32, #tpu.memory_space<vmem>>)
      tpu.yield
    }) : () -> ()
    "tpu.region"() ({
      %run_scoped3A = tpu.sem_alloc : memref<!tpu.dma_semaphore, #tpu.memory_space<semaphore_mem>>
      %dma_start3A = arith.constant 0 : i32
      %dma_start3A_44 = tpu.memref_slice %arg6[%arg0, %add3A_39, %dma_start3A] : memref<2x10240x128xf32, #tpu.memory_space<hbm>> -> memref<1x128x128xf32, #tpu.memory_space<hbm>>
      %dma_start3A_45 = tpu.memref_squeeze %dma_start3A_44 : memref<1x128x128xf32, #tpu.memory_space<hbm>> -> memref<128x128xf32, #tpu.memory_space<hbm>>
      %dma_start3A_46 = arith.constant 0 : i32
      %dma_start3A_47 = tpu.memref_slice %arg6[%arg0, %add3A_39, %dma_start3A_46] : memref<2x10240x128xf32, #tpu.memory_space<hbm>> -> memref<1x128x128xf32, #tpu.memory_space<hbm>>
      %dma_start3A_48 = tpu.memref_squeeze %dma_start3A_47 : memref<1x128x128xf32, #tpu.memory_space<hbm>> -> memref<128x128xf32, #tpu.memory_space<hbm>>
      tpu.enqueue_dma source(%arg9 : memref<128x128xf32, #tpu.memory_space<vmem>>) target(%dma_start3A_48 : memref<128x128xf32, #tpu.memory_space<hbm>>) target_semaphore(%run_scoped3A : memref<!tpu.dma_semaphore, #tpu.memory_space<semaphore_mem>>)
      %dma_wait3A = arith.constant 0 : i32
      %dma_wait3A_49 = tpu.memref_slice %arg6[%arg0, %add3A_39, %dma_wait3A] : memref<2x10240x128xf32, #tpu.memory_space<hbm>> -> memref<1x128x128xf32, #tpu.memory_space<hbm>>
      %dma_wait3A_50 = tpu.memref_squeeze %dma_wait3A_49 : memref<1x128x128xf32, #tpu.memory_space<hbm>> -> memref<128x128xf32, #tpu.memory_space<hbm>>
      %dma_wait3A_51 = arith.constant 0 : i32
      %dma_wait3A_52 = tpu.memref_slice %arg6[%arg0, %add3A_39, %dma_wait3A_51] : memref<2x10240x128xf32, #tpu.memory_space<hbm>> -> memref<1x128x128xf32, #tpu.memory_space<hbm>>
      %dma_wait3A_53 = tpu.memref_squeeze %dma_wait3A_52 : memref<1x128x128xf32, #tpu.memory_space<hbm>> -> memref<128x128xf32, #tpu.memory_space<hbm>>
      tpu.wait_dma2 semaphore(%run_scoped3A : memref<!tpu.dma_semaphore, #tpu.memory_space<semaphore_mem>>) src(%arg9 : memref<128x128xf32, #tpu.memory_space<vmem>>) dst(%dma_wait3A_53 : memref<128x128xf32, #tpu.memory_space<hbm>>)
      tpu.yield
    }) : () -> ()
    %mul3A_40 = arith.constant 640 : i32
    %mul3A_41 = arith.muli %arg1, %mul3A_40 : i32
    %add3A_42 = arith.constant 512 : i32
    %add3A_43 = arith.addi %mul3A_41, %add3A_42 : i32
    "tpu.region"() ({
      %run_scoped3A = tpu.sem_alloc : memref<!tpu.dma_semaphore, #tpu.memory_space<semaphore_mem>>
      %dma_start3A = arith.constant 0 : i32
      %dma_start3A_44 = tpu.memref_slice %arg10[%add3A_43, %dma_start3A] : memref<10240x128xf32, #tpu.memory_space<vmem_shared>> -> memref<128x128xf32, #tpu.memory_space<vmem_shared>>
      %dma_start3A_45 = arith.constant 0 : i32
      %dma_start3A_46 = tpu.memref_slice %arg10[%add3A_43, %dma_start3A_45] : memref<10240x128xf32, #tpu.memory_space<vmem_shared>> -> memref<128x128xf32, #tpu.memory_space<vmem_shared>>
      tpu.enqueue_dma source(%dma_start3A_46 : memref<128x128xf32, #tpu.memory_space<vmem_shared>>) target(%arg9 : memref<128x128xf32, #tpu.memory_space<vmem>>) target_semaphore(%run_scoped3A : memref<!tpu.dma_semaphore, #tpu.memory_space<semaphore_mem>>)
      %dma_wait3A = arith.constant 0 : i32
      %dma_wait3A_47 = tpu.memref_slice %arg10[%add3A_43, %dma_wait3A] : memref<10240x128xf32, #tpu.memory_space<vmem_shared>> -> memref<128x128xf32, #tpu.memory_space<vmem_shared>>
      %dma_wait3A_48 = arith.constant 0 : i32
      %dma_wait3A_49 = tpu.memref_slice %arg10[%add3A_43, %dma_wait3A_48] : memref<10240x128xf32, #tpu.memory_space<vmem_shared>> -> memref<128x128xf32, #tpu.memory_space<vmem_shared>>
      tpu.wait_dma2 semaphore(%run_scoped3A : memref<!tpu.dma_semaphore, #tpu.memory_space<semaphore_mem>>) src(%dma_wait3A_49 : memref<128x128xf32, #tpu.memory_space<vmem_shared>>) dst(%arg9 : memref<128x128xf32, #tpu.memory_space<vmem>>)
      tpu.yield
    }) : () -> ()
    "tpu.region"() ({
      %run_scoped3A = tpu.sem_alloc : memref<!tpu.dma_semaphore, #tpu.memory_space<semaphore_mem>>
      %dma_start3A = arith.constant 0 : i32
      %dma_start3A_44 = tpu.memref_slice %arg6[%arg0, %add3A_43, %dma_start3A] : memref<2x10240x128xf32, #tpu.memory_space<hbm>> -> memref<1x128x128xf32, #tpu.memory_space<hbm>>
      %dma_start3A_45 = tpu.memref_squeeze %dma_start3A_44 : memref<1x128x128xf32, #tpu.memory_space<hbm>> -> memref<128x128xf32, #tpu.memory_space<hbm>>
      %dma_start3A_46 = arith.constant 0 : i32
      %dma_start3A_47 = tpu.memref_slice %arg6[%arg0, %add3A_43, %dma_start3A_46] : memref<2x10240x128xf32, #tpu.memory_space<hbm>> -> memref<1x128x128xf32, #tpu.memory_space<hbm>>
      %dma_start3A_48 = tpu.memref_squeeze %dma_start3A_47 : memref<1x128x128xf32, #tpu.memory_space<hbm>> -> memref<128x128xf32, #tpu.memory_space<hbm>>
      tpu.enqueue_dma source(%arg9 : memref<128x128xf32, #tpu.memory_space<vmem>>) target(%dma_start3A_48 : memref<128x128xf32, #tpu.memory_space<hbm>>) target_semaphore(%run_scoped3A : memref<!tpu.dma_semaphore, #tpu.memory_space<semaphore_mem>>)
      %dma_wait3A = arith.constant 0 : i32
      %dma_wait3A_49 = tpu.memref_slice %arg6[%arg0, %add3A_43, %dma_wait3A] : memref<2x10240x128xf32, #tpu.memory_space<hbm>> -> memref<1x128x128xf32, #tpu.memory_space<hbm>>
      %dma_wait3A_50 = tpu.memref_squeeze %dma_wait3A_49 : memref<1x128x128xf32, #tpu.memory_space<hbm>> -> memref<128x128xf32, #tpu.memory_space<hbm>>
      %dma_wait3A_51 = arith.constant 0 : i32
      %dma_wait3A_52 = tpu.memref_slice %arg6[%arg0, %add3A_43, %dma_wait3A_51] : memref<2x10240x128xf32, #tpu.memory_space<hbm>> -> memref<1x128x128xf32, #tpu.memory_space<hbm>>
      %dma_wait3A_53 = tpu.memref_squeeze %dma_wait3A_52 : memref<1x128x128xf32, #tpu.memory_space<hbm>> -> memref<128x128xf32, #tpu.memory_space<hbm>>
      tpu.wait_dma2 semaphore(%run_scoped3A : memref<!tpu.dma_semaphore, #tpu.memory_space<semaphore_mem>>) src(%arg9 : memref<128x128xf32, #tpu.memory_space<vmem>>) dst(%dma_wait3A_53 : memref<128x128xf32, #tpu.memory_space<hbm>>)
      tpu.yield
    }) : () -> ()
    return
  }
}

#map = affine_map<(d0, d1) -> (0, 0)>
#map1 = affine_map<(d0, d1) -> (0, 0, 0, 0)>
#map2 = affine_map<(d0, d1) -> (0, 0, 0)>
module attributes {stable_mosaic.version = 14 : i64} {
  func.func @spass(%arg0: i32, %arg1: i32, %arg2: memref<10240x128xf32, #tpu.memory_space<hbm>>, %arg3: memref<2x16x79x128xi32, #tpu.memory_space<hbm>>, %arg4: memref<2x16x79x128xi32, #tpu.memory_space<hbm>>, %arg5: memref<128x128xf32, #tpu.memory_space<hbm>>, %arg6: memref<2x10240x128xf32, #tpu.memory_space<hbm>>, %arg7: memref<128xi32, #tpu.memory_space<vmem>>, %arg8: memref<128xi32, #tpu.memory_space<vmem>>, %arg9: memref<128x128xf32, #tpu.memory_space<vmem>>, %arg10: memref<10240x128xf32, #tpu.memory_space<vmem_shared>>, %arg11: memref<!tpu.dma_semaphore, #tpu.memory_space<semaphore_mem>>) attributes {dimension_semantics = [#tpu.dimension_semantics<core_parallel>, #tpu.dimension_semantics<subcore_parallel>], iteration_bounds = array<i64: 2, 16>, scalar_prefetch = 0 : i64, scratch_operands = 5 : i64, tpu.core_type = #tpu.core_type<sc_vector_subcore>, window_params = [{transform_indices = #map}, {transform_indices = #map1}, {transform_indices = #map1}, {transform_indices = #map}, {transform_indices = #map2}]} {
    "tpu.region"() ({
      %run_scoped3A = tpu.sem_alloc : memref<!tpu.dma_semaphore, #tpu.memory_space<semaphore_mem>>
      tpu.enqueue_dma source(%arg5 : memref<128x128xf32, #tpu.memory_space<hbm>>) target(%arg9 : memref<128x128xf32, #tpu.memory_space<vmem>>) target_semaphore(%run_scoped3A : memref<!tpu.dma_semaphore, #tpu.memory_space<semaphore_mem>>)
      tpu.wait_dma2 semaphore(%run_scoped3A : memref<!tpu.dma_semaphore, #tpu.memory_space<semaphore_mem>>) src(%arg5 : memref<128x128xf32, #tpu.memory_space<hbm>>) dst(%arg9 : memref<128x128xf32, #tpu.memory_space<vmem>>)
      tpu.yield
    }) : () -> ()
    %mul3A = arith.constant 640 : i32
    %mul3A_0 = arith.muli %arg1, %mul3A : i32
    %add3A = arith.constant 0 : i32
    %add3A_1 = arith.addi %mul3A_0, %add3A : i32
    "tpu.region"() ({
      %run_scoped3A = tpu.sem_alloc : memref<!tpu.dma_semaphore, #tpu.memory_space<semaphore_mem>>
      %dma_start3A = arith.constant 0 : i32
      %dma_start3A_44 = tpu.memref_slice %arg10[%add3A_1, %dma_start3A] : memref<10240x128xf32, #tpu.memory_space<vmem_shared>> -> memref<128x128xf32, #tpu.memory_space<vmem_shared>>
      %dma_start3A_45 = arith.constant 0 : i32
      %dma_start3A_46 = tpu.memref_slice %arg10[%add3A_1, %dma_start3A_45] : memref<10240x128xf32, #tpu.memory_space<vmem_shared>> -> memref<128x128xf32, #tpu.memory_space<vmem_shared>>
      tpu.enqueue_dma source(%arg9 : memref<128x128xf32, #tpu.memory_space<vmem>>) target(%dma_start3A_46 : memref<128x128xf32, #tpu.memory_space<vmem_shared>>) target_semaphore(%run_scoped3A : memref<!tpu.dma_semaphore, #tpu.memory_space<semaphore_mem>>)
      %dma_wait3A = arith.constant 0 : i32
      %dma_wait3A_47 = tpu.memref_slice %arg10[%add3A_1, %dma_wait3A] : memref<10240x128xf32, #tpu.memory_space<vmem_shared>> -> memref<128x128xf32, #tpu.memory_space<vmem_shared>>
      %dma_wait3A_48 = arith.constant 0 : i32
      %dma_wait3A_49 = tpu.memref_slice %arg10[%add3A_1, %dma_wait3A_48] : memref<10240x128xf32, #tpu.memory_space<vmem_shared>> -> memref<128x128xf32, #tpu.memory_space<vmem_shared>>
      tpu.wait_dma2 semaphore(%run_scoped3A : memref<!tpu.dma_semaphore, #tpu.memory_space<semaphore_mem>>) src(%arg9 : memref<128x128xf32, #tpu.memory_space<vmem>>) dst(%dma_wait3A_49 : memref<128x128xf32, #tpu.memory_space<vmem_shared>>)
      tpu.yield
    }) : () -> ()
    %mul3A_2 = arith.constant 640 : i32
    %mul3A_3 = arith.muli %arg1, %mul3A_2 : i32
    %add3A_4 = arith.constant 128 : i32
    %add3A_5 = arith.addi %mul3A_3, %add3A_4 : i32
    "tpu.region"() ({
      %run_scoped3A = tpu.sem_alloc : memref<!tpu.dma_semaphore, #tpu.memory_space<semaphore_mem>>
      %dma_start3A = arith.constant 0 : i32
      %dma_start3A_44 = tpu.memref_slice %arg10[%add3A_5, %dma_start3A] : memref<10240x128xf32, #tpu.memory_space<vmem_shared>> -> memref<128x128xf32, #tpu.memory_space<vmem_shared>>
      %dma_start3A_45 = arith.constant 0 : i32
      %dma_start3A_46 = tpu.memref_slice %arg10[%add3A_5, %dma_start3A_45] : memref<10240x128xf32, #tpu.memory_space<vmem_shared>> -> memref<128x128xf32, #tpu.memory_space<vmem_shared>>
      tpu.enqueue_dma source(%arg9 : memref<128x128xf32, #tpu.memory_space<vmem>>) target(%dma_start3A_46 : memref<128x128xf32, #tpu.memory_space<vmem_shared>>) target_semaphore(%run_scoped3A : memref<!tpu.dma_semaphore, #tpu.memory_space<semaphore_mem>>)
      %dma_wait3A = arith.constant 0 : i32
      %dma_wait3A_47 = tpu.memref_slice %arg10[%add3A_5, %dma_wait3A] : memref<10240x128xf32, #tpu.memory_space<vmem_shared>> -> memref<128x128xf32, #tpu.memory_space<vmem_shared>>
      %dma_wait3A_48 = arith.constant 0 : i32
      %dma_wait3A_49 = tpu.memref_slice %arg10[%add3A_5, %dma_wait3A_48] : memref<10240x128xf32, #tpu.memory_space<vmem_shared>> -> memref<128x128xf32, #tpu.memory_space<vmem_shared>>
      tpu.wait_dma2 semaphore(%run_scoped3A : memref<!tpu.dma_semaphore, #tpu.memory_space<semaphore_mem>>) src(%arg9 : memref<128x128xf32, #tpu.memory_space<vmem>>) dst(%dma_wait3A_49 : memref<128x128xf32, #tpu.memory_space<vmem_shared>>)
      tpu.yield
    }) : () -> ()
    %mul3A_6 = arith.constant 640 : i32
    %mul3A_7 = arith.muli %arg1, %mul3A_6 : i32
    %add3A_8 = arith.constant 256 : i32
    %add3A_9 = arith.addi %mul3A_7, %add3A_8 : i32
    "tpu.region"() ({
      %run_scoped3A = tpu.sem_alloc : memref<!tpu.dma_semaphore, #tpu.memory_space<semaphore_mem>>
      %dma_start3A = arith.constant 0 : i32
      %dma_start3A_44 = tpu.memref_slice %arg10[%add3A_9, %dma_start3A] : memref<10240x128xf32, #tpu.memory_space<vmem_shared>> -> memref<128x128xf32, #tpu.memory_space<vmem_shared>>
      %dma_start3A_45 = arith.constant 0 : i32
      %dma_start3A_46 = tpu.memref_slice %arg10[%add3A_9, %dma_start3A_45] : memref<10240x128xf32, #tpu.memory_space<vmem_shared>> -> memref<128x128xf32, #tpu.memory_space<vmem_shared>>
      tpu.enqueue_dma source(%arg9 : memref<128x128xf32, #tpu.memory_space<vmem>>) target(%dma_start3A_46 : memref<128x128xf32, #tpu.memory_space<vmem_shared>>) target_semaphore(%run_scoped3A : memref<!tpu.dma_semaphore, #tpu.memory_space<semaphore_mem>>)
      %dma_wait3A = arith.constant 0 : i32
      %dma_wait3A_47 = tpu.memref_slice %arg10[%add3A_9, %dma_wait3A] : memref<10240x128xf32, #tpu.memory_space<vmem_shared>> -> memref<128x128xf32, #tpu.memory_space<vmem_shared>>
      %dma_wait3A_48 = arith.constant 0 : i32
      %dma_wait3A_49 = tpu.memref_slice %arg10[%add3A_9, %dma_wait3A_48] : memref<10240x128xf32, #tpu.memory_space<vmem_shared>> -> memref<128x128xf32, #tpu.memory_space<vmem_shared>>
      tpu.wait_dma2 semaphore(%run_scoped3A : memref<!tpu.dma_semaphore, #tpu.memory_space<semaphore_mem>>) src(%arg9 : memref<128x128xf32, #tpu.memory_space<vmem>>) dst(%dma_wait3A_49 : memref<128x128xf32, #tpu.memory_space<vmem_shared>>)
      tpu.yield
    }) : () -> ()
    %mul3A_10 = arith.constant 640 : i32
    %mul3A_11 = arith.muli %arg1, %mul3A_10 : i32
    %add3A_12 = arith.constant 384 : i32
    %add3A_13 = arith.addi %mul3A_11, %add3A_12 : i32
    "tpu.region"() ({
      %run_scoped3A = tpu.sem_alloc : memref<!tpu.dma_semaphore, #tpu.memory_space<semaphore_mem>>
      %dma_start3A = arith.constant 0 : i32
      %dma_start3A_44 = tpu.memref_slice %arg10[%add3A_13, %dma_start3A] : memref<10240x128xf32, #tpu.memory_space<vmem_shared>> -> memref<128x128xf32, #tpu.memory_space<vmem_shared>>
      %dma_start3A_45 = arith.constant 0 : i32
      %dma_start3A_46 = tpu.memref_slice %arg10[%add3A_13, %dma_start3A_45] : memref<10240x128xf32, #tpu.memory_space<vmem_shared>> -> memref<128x128xf32, #tpu.memory_space<vmem_shared>>
      tpu.enqueue_dma source(%arg9 : memref<128x128xf32, #tpu.memory_space<vmem>>) target(%dma_start3A_46 : memref<128x128xf32, #tpu.memory_space<vmem_shared>>) target_semaphore(%run_scoped3A : memref<!tpu.dma_semaphore, #tpu.memory_space<semaphore_mem>>)
      %dma_wait3A = arith.constant 0 : i32
      %dma_wait3A_47 = tpu.memref_slice %arg10[%add3A_13, %dma_wait3A] : memref<10240x128xf32, #tpu.memory_space<vmem_shared>> -> memref<128x128xf32, #tpu.memory_space<vmem_shared>>
      %dma_wait3A_48 = arith.constant 0 : i32
      %dma_wait3A_49 = tpu.memref_slice %arg10[%add3A_13, %dma_wait3A_48] : memref<10240x128xf32, #tpu.memory_space<vmem_shared>> -> memref<128x128xf32, #tpu.memory_space<vmem_shared>>
      tpu.wait_dma2 semaphore(%run_scoped3A : memref<!tpu.dma_semaphore, #tpu.memory_space<semaphore_mem>>) src(%arg9 : memref<128x128xf32, #tpu.memory_space<vmem>>) dst(%dma_wait3A_49 : memref<128x128xf32, #tpu.memory_space<vmem_shared>>)
      tpu.yield
    }) : () -> ()
    %mul3A_14 = arith.constant 640 : i32
    %mul3A_15 = arith.muli %arg1, %mul3A_14 : i32
    %add3A_16 = arith.constant 512 : i32
    %add3A_17 = arith.addi %mul3A_15, %add3A_16 : i32
    "tpu.region"() ({
      %run_scoped3A = tpu.sem_alloc : memref<!tpu.dma_semaphore, #tpu.memory_space<semaphore_mem>>
      %dma_start3A = arith.constant 0 : i32
      %dma_start3A_44 = tpu.memref_slice %arg10[%add3A_17, %dma_start3A] : memref<10240x128xf32, #tpu.memory_space<vmem_shared>> -> memref<128x128xf32, #tpu.memory_space<vmem_shared>>
      %dma_start3A_45 = arith.constant 0 : i32
      %dma_start3A_46 = tpu.memref_slice %arg10[%add3A_17, %dma_start3A_45] : memref<10240x128xf32, #tpu.memory_space<vmem_shared>> -> memref<128x128xf32, #tpu.memory_space<vmem_shared>>
      tpu.enqueue_dma source(%arg9 : memref<128x128xf32, #tpu.memory_space<vmem>>) target(%dma_start3A_46 : memref<128x128xf32, #tpu.memory_space<vmem_shared>>) target_semaphore(%run_scoped3A : memref<!tpu.dma_semaphore, #tpu.memory_space<semaphore_mem>>)
      %dma_wait3A = arith.constant 0 : i32
      %dma_wait3A_47 = tpu.memref_slice %arg10[%add3A_17, %dma_wait3A] : memref<10240x128xf32, #tpu.memory_space<vmem_shared>> -> memref<128x128xf32, #tpu.memory_space<vmem_shared>>
      %dma_wait3A_48 = arith.constant 0 : i32
      %dma_wait3A_49 = tpu.memref_slice %arg10[%add3A_17, %dma_wait3A_48] : memref<10240x128xf32, #tpu.memory_space<vmem_shared>> -> memref<128x128xf32, #tpu.memory_space<vmem_shared>>
      tpu.wait_dma2 semaphore(%run_scoped3A : memref<!tpu.dma_semaphore, #tpu.memory_space<semaphore_mem>>) src(%arg9 : memref<128x128xf32, #tpu.memory_space<vmem>>) dst(%dma_wait3A_49 : memref<128x128xf32, #tpu.memory_space<vmem_shared>>)
      tpu.yield
    }) : () -> ()
    %barrier3A = arith.constant 0 : index
    tpu.barrier barrier_id(%barrier3A)
    %scan3A = arith.constant 0 : i32
    %scan3A_18 = arith.constant 0 : i32
    %scan3A_19 = arith.constant 79 : i32
    %scan3A_20 = arith.addi %scan3A_18, %scan3A_19 : i32
    %scan3A_21 = arith.constant 1 : i32
    scf.for %scan3A_44 = %scan3A_18 to %scan3A_20 step %scan3A_21  : i32 {
      "tpu.region"() ({
        %run_scoped3A = tpu.sem_alloc : memref<!tpu.dma_semaphore, #tpu.memory_space<semaphore_mem>>
        %dma_start3A_49 = arith.constant 0 : i32
        %dma_start3A_50 = tpu.memref_slice %arg3[%arg0, %arg1, %scan3A_44, %dma_start3A_49] : memref<2x16x79x128xi32, #tpu.memory_space<hbm>> -> memref<1x1x1x128xi32, #tpu.memory_space<hbm>>
        %dma_start3A_51 = tpu.memref_squeeze %dma_start3A_50 : memref<1x1x1x128xi32, #tpu.memory_space<hbm>> -> memref<128xi32, #tpu.memory_space<hbm>>
        %dma_start3A_52 = arith.constant 0 : i32
        %dma_start3A_53 = tpu.memref_slice %arg3[%arg0, %arg1, %scan3A_44, %dma_start3A_52] : memref<2x16x79x128xi32, #tpu.memory_space<hbm>> -> memref<1x1x1x128xi32, #tpu.memory_space<hbm>>
        %dma_start3A_54 = tpu.memref_squeeze %dma_start3A_53 : memref<1x1x1x128xi32, #tpu.memory_space<hbm>> -> memref<128xi32, #tpu.memory_space<hbm>>
        tpu.enqueue_dma source(%dma_start3A_54 : memref<128xi32, #tpu.memory_space<hbm>>) target(%arg7 : memref<128xi32, #tpu.memory_space<vmem>>) target_semaphore(%run_scoped3A : memref<!tpu.dma_semaphore, #tpu.memory_space<semaphore_mem>>)
        %dma_wait3A_55 = arith.constant 0 : i32
        %dma_wait3A_56 = tpu.memref_slice %arg3[%arg0, %arg1, %scan3A_44, %dma_wait3A_55] : memref<2x16x79x128xi32, #tpu.memory_space<hbm>> -> memref<1x1x1x128xi32, #tpu.memory_space<hbm>>
        %dma_wait3A_57 = tpu.memref_squeeze %dma_wait3A_56 : memref<1x1x1x128xi32, #tpu.memory_space<hbm>> -> memref<128xi32, #tpu.memory_space<hbm>>
        %dma_wait3A_58 = arith.constant 0 : i32
        %dma_wait3A_59 = tpu.memref_slice %arg3[%arg0, %arg1, %scan3A_44, %dma_wait3A_58] : memref<2x16x79x128xi32, #tpu.memory_space<hbm>> -> memref<1x1x1x128xi32, #tpu.memory_space<hbm>>
        %dma_wait3A_60 = tpu.memref_squeeze %dma_wait3A_59 : memref<1x1x1x128xi32, #tpu.memory_space<hbm>> -> memref<128xi32, #tpu.memory_space<hbm>>
        tpu.wait_dma2 semaphore(%run_scoped3A : memref<!tpu.dma_semaphore, #tpu.memory_space<semaphore_mem>>) src(%dma_wait3A_60 : memref<128xi32, #tpu.memory_space<hbm>>) dst(%arg7 : memref<128xi32, #tpu.memory_space<vmem>>)
        tpu.yield
      }) : () -> ()
      "tpu.region"() ({
        %run_scoped3A = tpu.sem_alloc : memref<!tpu.dma_semaphore, #tpu.memory_space<semaphore_mem>>
        %dma_start3A_49 = arith.constant 0 : i32
        %dma_start3A_50 = tpu.memref_slice %arg4[%arg0, %arg1, %scan3A_44, %dma_start3A_49] : memref<2x16x79x128xi32, #tpu.memory_space<hbm>> -> memref<1x1x1x128xi32, #tpu.memory_space<hbm>>
        %dma_start3A_51 = tpu.memref_squeeze %dma_start3A_50 : memref<1x1x1x128xi32, #tpu.memory_space<hbm>> -> memref<128xi32, #tpu.memory_space<hbm>>
        %dma_start3A_52 = arith.constant 0 : i32
        %dma_start3A_53 = tpu.memref_slice %arg4[%arg0, %arg1, %scan3A_44, %dma_start3A_52] : memref<2x16x79x128xi32, #tpu.memory_space<hbm>> -> memref<1x1x1x128xi32, #tpu.memory_space<hbm>>
        %dma_start3A_54 = tpu.memref_squeeze %dma_start3A_53 : memref<1x1x1x128xi32, #tpu.memory_space<hbm>> -> memref<128xi32, #tpu.memory_space<hbm>>
        tpu.enqueue_dma source(%dma_start3A_54 : memref<128xi32, #tpu.memory_space<hbm>>) target(%arg8 : memref<128xi32, #tpu.memory_space<vmem>>) target_semaphore(%run_scoped3A : memref<!tpu.dma_semaphore, #tpu.memory_space<semaphore_mem>>)
        %dma_wait3A_55 = arith.constant 0 : i32
        %dma_wait3A_56 = tpu.memref_slice %arg4[%arg0, %arg1, %scan3A_44, %dma_wait3A_55] : memref<2x16x79x128xi32, #tpu.memory_space<hbm>> -> memref<1x1x1x128xi32, #tpu.memory_space<hbm>>
        %dma_wait3A_57 = tpu.memref_squeeze %dma_wait3A_56 : memref<1x1x1x128xi32, #tpu.memory_space<hbm>> -> memref<128xi32, #tpu.memory_space<hbm>>
        %dma_wait3A_58 = arith.constant 0 : i32
        %dma_wait3A_59 = tpu.memref_slice %arg4[%arg0, %arg1, %scan3A_44, %dma_wait3A_58] : memref<2x16x79x128xi32, #tpu.memory_space<hbm>> -> memref<1x1x1x128xi32, #tpu.memory_space<hbm>>
        %dma_wait3A_60 = tpu.memref_squeeze %dma_wait3A_59 : memref<1x1x1x128xi32, #tpu.memory_space<hbm>> -> memref<128xi32, #tpu.memory_space<hbm>>
        tpu.wait_dma2 semaphore(%run_scoped3A : memref<!tpu.dma_semaphore, #tpu.memory_space<semaphore_mem>>) src(%dma_wait3A_60 : memref<128xi32, #tpu.memory_space<hbm>>) dst(%arg8 : memref<128xi32, #tpu.memory_space<vmem>>)
        tpu.yield
      }) : () -> ()
      %dma_start3A = arith.constant 0 : i32
      %dma_start3A_45 = arith.constant 0 : i32
      %dma_start3A_46 = tpu.memref_slice %arg2[%dma_start3A, %dma_start3A_45] : memref<10240x128xf32, #tpu.memory_space<hbm>> -> memref<10240x128xf32, #tpu.memory_space<hbm>>
      tpu.enqueue_indirect_dma source(%dma_start3A_46 : memref<10240x128xf32, #tpu.memory_space<hbm>>) target(%arg9 : memref<128x128xf32, #tpu.memory_space<vmem>>) offsets(%arg7 : memref<128xi32, #tpu.memory_space<vmem>>) semaphore(%arg11 : memref<!tpu.dma_semaphore, #tpu.memory_space<semaphore_mem>>)
      %dma_wait3A = arith.constant 0 : i32
      %dma_wait3A_47 = arith.constant 0 : i32
      %dma_wait3A_48 = tpu.memref_slice %arg2[%dma_wait3A, %dma_wait3A_47] : memref<10240x128xf32, #tpu.memory_space<hbm>> -> memref<10240x128xf32, #tpu.memory_space<hbm>>
      tpu.wait_indirect_dma semaphore(%arg11 : memref<!tpu.dma_semaphore, #tpu.memory_space<semaphore_mem>>) src(%dma_wait3A_48 : memref<10240x128xf32, #tpu.memory_space<hbm>>) dst(%arg9 : memref<128x128xf32, #tpu.memory_space<vmem>>)
      "tpu.region"() ({
        %run_scoped3A = tpu.sem_alloc : memref<!tpu.dma_semaphore, #tpu.memory_space<semaphore_mem>>
        %dma_start3A_49 = arith.constant 0 : i32
        %dma_start3A_50 = arith.constant 0 : i32
        %dma_start3A_51 = tpu.memref_slice %arg10[%dma_start3A_49, %dma_start3A_50] : memref<10240x128xf32, #tpu.memory_space<vmem_shared>> -> memref<10240x128xf32, #tpu.memory_space<vmem_shared>>
        tpu.enqueue_indirect_dma source(%arg9 : memref<128x128xf32, #tpu.memory_space<vmem>>) target(%dma_start3A_51 : memref<10240x128xf32, #tpu.memory_space<vmem_shared>>) offsets(%arg8 : memref<128xi32, #tpu.memory_space<vmem>>) semaphore(%run_scoped3A : memref<!tpu.dma_semaphore, #tpu.memory_space<semaphore_mem>>) {add = true}
        %dma_wait3A_52 = arith.constant 0 : i32
        %dma_wait3A_53 = arith.constant 0 : i32
        %dma_wait3A_54 = tpu.memref_slice %arg10[%dma_wait3A_52, %dma_wait3A_53] : memref<10240x128xf32, #tpu.memory_space<vmem_shared>> -> memref<10240x128xf32, #tpu.memory_space<vmem_shared>>
        tpu.wait_indirect_dma semaphore(%run_scoped3A : memref<!tpu.dma_semaphore, #tpu.memory_space<semaphore_mem>>) src(%arg9 : memref<128x128xf32, #tpu.memory_space<vmem>>) dst(%dma_wait3A_54 : memref<10240x128xf32, #tpu.memory_space<vmem_shared>>)
        tpu.yield
      }) : () -> ()
    }
    %scan3A_22 = arith.constant 79 : i32
    %barrier3A_23 = arith.constant 0 : index
    tpu.barrier barrier_id(%barrier3A_23)
    %mul3A_24 = arith.constant 640 : i32
    %mul3A_25 = arith.muli %arg1, %mul3A_24 : i32
    %add3A_26 = arith.constant 0 : i32
    %add3A_27 = arith.addi %mul3A_25, %add3A_26 : i32
    "tpu.region"() ({
      %run_scoped3A = tpu.sem_alloc : memref<!tpu.dma_semaphore, #tpu.memory_space<semaphore_mem>>
      %dma_start3A = arith.constant 0 : i32
      %dma_start3A_44 = tpu.memref_slice %arg10[%add3A_27, %dma_start3A] : memref<10240x128xf32, #tpu.memory_space<vmem_shared>> -> memref<128x128xf32, #tpu.memory_space<vmem_shared>>
      %dma_start3A_45 = arith.constant 0 : i32
      %dma_start3A_46 = tpu.memref_slice %arg10[%add3A_27, %dma_start3A_45] : memref<10240x128xf32, #tpu.memory_space<vmem_shared>> -> memref<128x128xf32, #tpu.memory_space<vmem_shared>>
      tpu.enqueue_dma source(%dma_start3A_46 : memref<128x128xf32, #tpu.memory_space<vmem_shared>>) target(%arg9 : memref<128x128xf32, #tpu.memory_space<vmem>>) target_semaphore(%run_scoped3A : memref<!tpu.dma_semaphore, #tpu.memory_space<semaphore_mem>>)
      %dma_wait3A = arith.constant 0 : i32
      %dma_wait3A_47 = tpu.memref_slice %arg10[%add3A_27, %dma_wait3A] : memref<10240x128xf32, #tpu.memory_space<vmem_shared>> -> memref<128x128xf32, #tpu.memory_space<vmem_shared>>
      %dma_wait3A_48 = arith.constant 0 : i32
      %dma_wait3A_49 = tpu.memref_slice %arg10[%add3A_27, %dma_wait3A_48] : memref<10240x128xf32, #tpu.memory_space<vmem_shared>> -> memref<128x128xf32, #tpu.memory_space<vmem_shared>>
      tpu.wait_dma2 semaphore(%run_scoped3A : memref<!tpu.dma_semaphore, #tpu.memory_space<semaphore_mem>>) src(%dma_wait3A_49 : memref<128x128xf32, #tpu.memory_space<vmem_shared>>) dst(%arg9 : memref<128x128xf32, #tpu.memory_space<vmem>>)
      tpu.yield
    }) : () -> ()
    "tpu.region"() ({
      %run_scoped3A = tpu.sem_alloc : memref<!tpu.dma_semaphore, #tpu.memory_space<semaphore_mem>>
      %dma_start3A = arith.constant 0 : i32
      %dma_start3A_44 = tpu.memref_slice %arg6[%arg0, %add3A_27, %dma_start3A] : memref<2x10240x128xf32, #tpu.memory_space<hbm>> -> memref<1x128x128xf32, #tpu.memory_space<hbm>>
      %dma_start3A_45 = tpu.memref_squeeze %dma_start3A_44 : memref<1x128x128xf32, #tpu.memory_space<hbm>> -> memref<128x128xf32, #tpu.memory_space<hbm>>
      %dma_start3A_46 = arith.constant 0 : i32
      %dma_start3A_47 = tpu.memref_slice %arg6[%arg0, %add3A_27, %dma_start3A_46] : memref<2x10240x128xf32, #tpu.memory_space<hbm>> -> memref<1x128x128xf32, #tpu.memory_space<hbm>>
      %dma_start3A_48 = tpu.memref_squeeze %dma_start3A_47 : memref<1x128x128xf32, #tpu.memory_space<hbm>> -> memref<128x128xf32, #tpu.memory_space<hbm>>
      tpu.enqueue_dma source(%arg9 : memref<128x128xf32, #tpu.memory_space<vmem>>) target(%dma_start3A_48 : memref<128x128xf32, #tpu.memory_space<hbm>>) target_semaphore(%run_scoped3A : memref<!tpu.dma_semaphore, #tpu.memory_space<semaphore_mem>>)
      %dma_wait3A = arith.constant 0 : i32
      %dma_wait3A_49 = tpu.memref_slice %arg6[%arg0, %add3A_27, %dma_wait3A] : memref<2x10240x128xf32, #tpu.memory_space<hbm>> -> memref<1x128x128xf32, #tpu.memory_space<hbm>>
      %dma_wait3A_50 = tpu.memref_squeeze %dma_wait3A_49 : memref<1x128x128xf32, #tpu.memory_space<hbm>> -> memref<128x128xf32, #tpu.memory_space<hbm>>
      %dma_wait3A_51 = arith.constant 0 : i32
      %dma_wait3A_52 = tpu.memref_slice %arg6[%arg0, %add3A_27, %dma_wait3A_51] : memref<2x10240x128xf32, #tpu.memory_space<hbm>> -> memref<1x128x128xf32, #tpu.memory_space<hbm>>
      %dma_wait3A_53 = tpu.memref_squeeze %dma_wait3A_52 : memref<1x128x128xf32, #tpu.memory_space<hbm>> -> memref<128x128xf32, #tpu.memory_space<hbm>>
      tpu.wait_dma2 semaphore(%run_scoped3A : memref<!tpu.dma_semaphore, #tpu.memory_space<semaphore_mem>>) src(%arg9 : memref<128x128xf32, #tpu.memory_space<vmem>>) dst(%dma_wait3A_53 : memref<128x128xf32, #tpu.memory_space<hbm>>)
      tpu.yield
    }) : () -> ()
    %mul3A_28 = arith.constant 640 : i32
    %mul3A_29 = arith.muli %arg1, %mul3A_28 : i32
    %add3A_30 = arith.constant 128 : i32
    %add3A_31 = arith.addi %mul3A_29, %add3A_30 : i32
    "tpu.region"() ({
      %run_scoped3A = tpu.sem_alloc : memref<!tpu.dma_semaphore, #tpu.memory_space<semaphore_mem>>
      %dma_start3A = arith.constant 0 : i32
      %dma_start3A_44 = tpu.memref_slice %arg10[%add3A_31, %dma_start3A] : memref<10240x128xf32, #tpu.memory_space<vmem_shared>> -> memref<128x128xf32, #tpu.memory_space<vmem_shared>>
      %dma_start3A_45 = arith.constant 0 : i32
      %dma_start3A_46 = tpu.memref_slice %arg10[%add3A_31, %dma_start3A_45] : memref<10240x128xf32, #tpu.memory_space<vmem_shared>> -> memref<128x128xf32, #tpu.memory_space<vmem_shared>>
      tpu.enqueue_dma source(%dma_start3A_46 : memref<128x128xf32, #tpu.memory_space<vmem_shared>>) target(%arg9 : memref<128x128xf32, #tpu.memory_space<vmem>>) target_semaphore(%run_scoped3A : memref<!tpu.dma_semaphore, #tpu.memory_space<semaphore_mem>>)
      %dma_wait3A = arith.constant 0 : i32
      %dma_wait3A_47 = tpu.memref_slice %arg10[%add3A_31, %dma_wait3A] : memref<10240x128xf32, #tpu.memory_space<vmem_shared>> -> memref<128x128xf32, #tpu.memory_space<vmem_shared>>
      %dma_wait3A_48 = arith.constant 0 : i32
      %dma_wait3A_49 = tpu.memref_slice %arg10[%add3A_31, %dma_wait3A_48] : memref<10240x128xf32, #tpu.memory_space<vmem_shared>> -> memref<128x128xf32, #tpu.memory_space<vmem_shared>>
      tpu.wait_dma2 semaphore(%run_scoped3A : memref<!tpu.dma_semaphore, #tpu.memory_space<semaphore_mem>>) src(%dma_wait3A_49 : memref<128x128xf32, #tpu.memory_space<vmem_shared>>) dst(%arg9 : memref<128x128xf32, #tpu.memory_space<vmem>>)
      tpu.yield
    }) : () -> ()
    "tpu.region"() ({
      %run_scoped3A = tpu.sem_alloc : memref<!tpu.dma_semaphore, #tpu.memory_space<semaphore_mem>>
      %dma_start3A = arith.constant 0 : i32
      %dma_start3A_44 = tpu.memref_slice %arg6[%arg0, %add3A_31, %dma_start3A] : memref<2x10240x128xf32, #tpu.memory_space<hbm>> -> memref<1x128x128xf32, #tpu.memory_space<hbm>>
      %dma_start3A_45 = tpu.memref_squeeze %dma_start3A_44 : memref<1x128x128xf32, #tpu.memory_space<hbm>> -> memref<128x128xf32, #tpu.memory_space<hbm>>
      %dma_start3A_46 = arith.constant 0 : i32
      %dma_start3A_47 = tpu.memref_slice %arg6[%arg0, %add3A_31, %dma_start3A_46] : memref<2x10240x128xf32, #tpu.memory_space<hbm>> -> memref<1x128x128xf32, #tpu.memory_space<hbm>>
      %dma_start3A_48 = tpu.memref_squeeze %dma_start3A_47 : memref<1x128x128xf32, #tpu.memory_space<hbm>> -> memref<128x128xf32, #tpu.memory_space<hbm>>
      tpu.enqueue_dma source(%arg9 : memref<128x128xf32, #tpu.memory_space<vmem>>) target(%dma_start3A_48 : memref<128x128xf32, #tpu.memory_space<hbm>>) target_semaphore(%run_scoped3A : memref<!tpu.dma_semaphore, #tpu.memory_space<semaphore_mem>>)
      %dma_wait3A = arith.constant 0 : i32
      %dma_wait3A_49 = tpu.memref_slice %arg6[%arg0, %add3A_31, %dma_wait3A] : memref<2x10240x128xf32, #tpu.memory_space<hbm>> -> memref<1x128x128xf32, #tpu.memory_space<hbm>>
      %dma_wait3A_50 = tpu.memref_squeeze %dma_wait3A_49 : memref<1x128x128xf32, #tpu.memory_space<hbm>> -> memref<128x128xf32, #tpu.memory_space<hbm>>
      %dma_wait3A_51 = arith.constant 0 : i32
      %dma_wait3A_52 = tpu.memref_slice %arg6[%arg0, %add3A_31, %dma_wait3A_51] : memref<2x10240x128xf32, #tpu.memory_space<hbm>> -> memref<1x128x128xf32, #tpu.memory_space<hbm>>
      %dma_wait3A_53 = tpu.memref_squeeze %dma_wait3A_52 : memref<1x128x128xf32, #tpu.memory_space<hbm>> -> memref<128x128xf32, #tpu.memory_space<hbm>>
      tpu.wait_dma2 semaphore(%run_scoped3A : memref<!tpu.dma_semaphore, #tpu.memory_space<semaphore_mem>>) src(%arg9 : memref<128x128xf32, #tpu.memory_space<vmem>>) dst(%dma_wait3A_53 : memref<128x128xf32, #tpu.memory_space<hbm>>)
      tpu.yield
    }) : () -> ()
    %mul3A_32 = arith.constant 640 : i32
    %mul3A_33 = arith.muli %arg1, %mul3A_32 : i32
    %add3A_34 = arith.constant 256 : i32
    %add3A_35 = arith.addi %mul3A_33, %add3A_34 : i32
    "tpu.region"() ({
      %run_scoped3A = tpu.sem_alloc : memref<!tpu.dma_semaphore, #tpu.memory_space<semaphore_mem>>
      %dma_start3A = arith.constant 0 : i32
      %dma_start3A_44 = tpu.memref_slice %arg10[%add3A_35, %dma_start3A] : memref<10240x128xf32, #tpu.memory_space<vmem_shared>> -> memref<128x128xf32, #tpu.memory_space<vmem_shared>>
      %dma_start3A_45 = arith.constant 0 : i32
      %dma_start3A_46 = tpu.memref_slice %arg10[%add3A_35, %dma_start3A_45] : memref<10240x128xf32, #tpu.memory_space<vmem_shared>> -> memref<128x128xf32, #tpu.memory_space<vmem_shared>>
      tpu.enqueue_dma source(%dma_start3A_46 : memref<128x128xf32, #tpu.memory_space<vmem_shared>>) target(%arg9 : memref<128x128xf32, #tpu.memory_space<vmem>>) target_semaphore(%run_scoped3A : memref<!tpu.dma_semaphore, #tpu.memory_space<semaphore_mem>>)
      %dma_wait3A = arith.constant 0 : i32
      %dma_wait3A_47 = tpu.memref_slice %arg10[%add3A_35, %dma_wait3A] : memref<10240x128xf32, #tpu.memory_space<vmem_shared>> -> memref<128x128xf32, #tpu.memory_space<vmem_shared>>
      %dma_wait3A_48 = arith.constant 0 : i32
      %dma_wait3A_49 = tpu.memref_slice %arg10[%add3A_35, %dma_wait3A_48] : memref<10240x128xf32, #tpu.memory_space<vmem_shared>> -> memref<128x128xf32, #tpu.memory_space<vmem_shared>>
      tpu.wait_dma2 semaphore(%run_scoped3A : memref<!tpu.dma_semaphore, #tpu.memory_space<semaphore_mem>>) src(%dma_wait3A_49 : memref<128x128xf32, #tpu.memory_space<vmem_shared>>) dst(%arg9 : memref<128x128xf32, #tpu.memory_space<vmem>>)
      tpu.yield
    }) : () -> ()
    "tpu.region"() ({
      %run_scoped3A = tpu.sem_alloc : memref<!tpu.dma_semaphore, #tpu.memory_space<semaphore_mem>>
      %dma_start3A = arith.constant 0 : i32
      %dma_start3A_44 = tpu.memref_slice %arg6[%arg0, %add3A_35, %dma_start3A] : memref<2x10240x128xf32, #tpu.memory_space<hbm>> -> memref<1x128x128xf32, #tpu.memory_space<hbm>>
      %dma_start3A_45 = tpu.memref_squeeze %dma_start3A_44 : memref<1x128x128xf32, #tpu.memory_space<hbm>> -> memref<128x128xf32, #tpu.memory_space<hbm>>
      %dma_start3A_46 = arith.constant 0 : i32
      %dma_start3A_47 = tpu.memref_slice %arg6[%arg0, %add3A_35, %dma_start3A_46] : memref<2x10240x128xf32, #tpu.memory_space<hbm>> -> memref<1x128x128xf32, #tpu.memory_space<hbm>>
      %dma_start3A_48 = tpu.memref_squeeze %dma_start3A_47 : memref<1x128x128xf32, #tpu.memory_space<hbm>> -> memref<128x128xf32, #tpu.memory_space<hbm>>
      tpu.enqueue_dma source(%arg9 : memref<128x128xf32, #tpu.memory_space<vmem>>) target(%dma_start3A_48 : memref<128x128xf32, #tpu.memory_space<hbm>>) target_semaphore(%run_scoped3A : memref<!tpu.dma_semaphore, #tpu.memory_space<semaphore_mem>>)
      %dma_wait3A = arith.constant 0 : i32
      %dma_wait3A_49 = tpu.memref_slice %arg6[%arg0, %add3A_35, %dma_wait3A] : memref<2x10240x128xf32, #tpu.memory_space<hbm>> -> memref<1x128x128xf32, #tpu.memory_space<hbm>>
      %dma_wait3A_50 = tpu.memref_squeeze %dma_wait3A_49 : memref<1x128x128xf32, #tpu.memory_space<hbm>> -> memref<128x128xf32, #tpu.memory_space<hbm>>
      %dma_wait3A_51 = arith.constant 0 : i32
      %dma_wait3A_52 = tpu.memref_slice %arg6[%arg0, %add3A_35, %dma_wait3A_51] : memref<2x10240x128xf32, #tpu.memory_space<hbm>> -> memref<1x128x128xf32, #tpu.memory_space<hbm>>
      %dma_wait3A_53 = tpu.memref_squeeze %dma_wait3A_52 : memref<1x128x128xf32, #tpu.memory_space<hbm>> -> memref<128x128xf32, #tpu.memory_space<hbm>>
      tpu.wait_dma2 semaphore(%run_scoped3A : memref<!tpu.dma_semaphore, #tpu.memory_space<semaphore_mem>>) src(%arg9 : memref<128x128xf32, #tpu.memory_space<vmem>>) dst(%dma_wait3A_53 : memref<128x128xf32, #tpu.memory_space<hbm>>)
      tpu.yield
    }) : () -> ()
    %mul3A_36 = arith.constant 640 : i32
    %mul3A_37 = arith.muli %arg1, %mul3A_36 : i32
    %add3A_38 = arith.constant 384 : i32
    %add3A_39 = arith.addi %mul3A_37, %add3A_38 : i32
    "tpu.region"() ({
      %run_scoped3A = tpu.sem_alloc : memref<!tpu.dma_semaphore, #tpu.memory_space<semaphore_mem>>
      %dma_start3A = arith.constant 0 : i32
      %dma_start3A_44 = tpu.memref_slice %arg10[%add3A_39, %dma_start3A] : memref<10240x128xf32, #tpu.memory_space<vmem_shared>> -> memref<128x128xf32, #tpu.memory_space<vmem_shared>>
      %dma_start3A_45 = arith.constant 0 : i32
      %dma_start3A_46 = tpu.memref_slice %arg10[%add3A_39, %dma_start3A_45] : memref<10240x128xf32, #tpu.memory_space<vmem_shared>> -> memref<128x128xf32, #tpu.memory_space<vmem_shared>>
      tpu.enqueue_dma source(%dma_start3A_46 : memref<128x128xf32, #tpu.memory_space<vmem_shared>>) target(%arg9 : memref<128x128xf32, #tpu.memory_space<vmem>>) target_semaphore(%run_scoped3A : memref<!tpu.dma_semaphore, #tpu.memory_space<semaphore_mem>>)
      %dma_wait3A = arith.constant 0 : i32
      %dma_wait3A_47 = tpu.memref_slice %arg10[%add3A_39, %dma_wait3A] : memref<10240x128xf32, #tpu.memory_space<vmem_shared>> -> memref<128x128xf32, #tpu.memory_space<vmem_shared>>
      %dma_wait3A_48 = arith.constant 0 : i32
      %dma_wait3A_49 = tpu.memref_slice %arg10[%add3A_39, %dma_wait3A_48] : memref<10240x128xf32, #tpu.memory_space<vmem_shared>> -> memref<128x128xf32, #tpu.memory_space<vmem_shared>>
      tpu.wait_dma2 semaphore(%run_scoped3A : memref<!tpu.dma_semaphore, #tpu.memory_space<semaphore_mem>>) src(%dma_wait3A_49 : memref<128x128xf32, #tpu.memory_space<vmem_shared>>) dst(%arg9 : memref<128x128xf32, #tpu.memory_space<vmem>>)
      tpu.yield
    }) : () -> ()
    "tpu.region"() ({
      %run_scoped3A = tpu.sem_alloc : memref<!tpu.dma_semaphore, #tpu.memory_space<semaphore_mem>>
      %dma_start3A = arith.constant 0 : i32
      %dma_start3A_44 = tpu.memref_slice %arg6[%arg0, %add3A_39, %dma_start3A] : memref<2x10240x128xf32, #tpu.memory_space<hbm>> -> memref<1x128x128xf32, #tpu.memory_space<hbm>>
      %dma_start3A_45 = tpu.memref_squeeze %dma_start3A_44 : memref<1x128x128xf32, #tpu.memory_space<hbm>> -> memref<128x128xf32, #tpu.memory_space<hbm>>
      %dma_start3A_46 = arith.constant 0 : i32
      %dma_start3A_47 = tpu.memref_slice %arg6[%arg0, %add3A_39, %dma_start3A_46] : memref<2x10240x128xf32, #tpu.memory_space<hbm>> -> memref<1x128x128xf32, #tpu.memory_space<hbm>>
      %dma_start3A_48 = tpu.memref_squeeze %dma_start3A_47 : memref<1x128x128xf32, #tpu.memory_space<hbm>> -> memref<128x128xf32, #tpu.memory_space<hbm>>
      tpu.enqueue_dma source(%arg9 : memref<128x128xf32, #tpu.memory_space<vmem>>) target(%dma_start3A_48 : memref<128x128xf32, #tpu.memory_space<hbm>>) target_semaphore(%run_scoped3A : memref<!tpu.dma_semaphore, #tpu.memory_space<semaphore_mem>>)
      %dma_wait3A = arith.constant 0 : i32
      %dma_wait3A_49 = tpu.memref_slice %arg6[%arg0, %add3A_39, %dma_wait3A] : memref<2x10240x128xf32, #tpu.memory_space<hbm>> -> memref<1x128x128xf32, #tpu.memory_space<hbm>>
      %dma_wait3A_50 = tpu.memref_squeeze %dma_wait3A_49 : memref<1x128x128xf32, #tpu.memory_space<hbm>> -> memref<128x128xf32, #tpu.memory_space<hbm>>
      %dma_wait3A_51 = arith.constant 0 : i32
      %dma_wait3A_52 = tpu.memref_slice %arg6[%arg0, %add3A_39, %dma_wait3A_51] : memref<2x10240x128xf32, #tpu.memory_space<hbm>> -> memref<1x128x128xf32, #tpu.memory_space<hbm>>
      %dma_wait3A_53 = tpu.memref_squeeze %dma_wait3A_52 : memref<1x128x128xf32, #tpu.memory_space<hbm>> -> memref<128x128xf32, #tpu.memory_space<hbm>>
      tpu.wait_dma2 semaphore(%run_scoped3A : memref<!tpu.dma_semaphore, #tpu.memory_space<semaphore_mem>>) src(%arg9 : memref<128x128xf32, #tpu.memory_space<vmem>>) dst(%dma_wait3A_53 : memref<128x128xf32, #tpu.memory_space<hbm>>)
      tpu.yield
    }) : () -> ()
    %mul3A_40 = arith.constant 640 : i32
    %mul3A_41 = arith.muli %arg1, %mul3A_40 : i32
    %add3A_42 = arith.constant 512 : i32
    %add3A_43 = arith.addi %mul3A_41, %add3A_42 : i32
    "tpu.region"() ({
      %run_scoped3A = tpu.sem_alloc : memref<!tpu.dma_semaphore, #tpu.memory_space<semaphore_mem>>
      %dma_start3A = arith.constant 0 : i32
      %dma_start3A_44 = tpu.memref_slice %arg10[%add3A_43, %dma_start3A] : memref<10240x128xf32, #tpu.memory_space<vmem_shared>> -> memref<128x128xf32, #tpu.memory_space<vmem_shared>>
      %dma_start3A_45 = arith.constant 0 : i32
      %dma_start3A_46 = tpu.memref_slice %arg10[%add3A_43, %dma_start3A_45] : memref<10240x128xf32, #tpu.memory_space<vmem_shared>> -> memref<128x128xf32, #tpu.memory_space<vmem_shared>>
      tpu.enqueue_dma source(%dma_start3A_46 : memref<128x128xf32, #tpu.memory_space<vmem_shared>>) target(%arg9 : memref<128x128xf32, #tpu.memory_space<vmem>>) target_semaphore(%run_scoped3A : memref<!tpu.dma_semaphore, #tpu.memory_space<semaphore_mem>>)
      %dma_wait3A = arith.constant 0 : i32
      %dma_wait3A_47 = tpu.memref_slice %arg10[%add3A_43, %dma_wait3A] : memref<10240x128xf32, #tpu.memory_space<vmem_shared>> -> memref<128x128xf32, #tpu.memory_space<vmem_shared>>
      %dma_wait3A_48 = arith.constant 0 : i32
      %dma_wait3A_49 = tpu.memref_slice %arg10[%add3A_43, %dma_wait3A_48] : memref<10240x128xf32, #tpu.memory_space<vmem_shared>> -> memref<128x128xf32, #tpu.memory_space<vmem_shared>>
      tpu.wait_dma2 semaphore(%run_scoped3A : memref<!tpu.dma_semaphore, #tpu.memory_space<semaphore_mem>>) src(%dma_wait3A_49 : memref<128x128xf32, #tpu.memory_space<vmem_shared>>) dst(%arg9 : memref<128x128xf32, #tpu.memory_space<vmem>>)
      tpu.yield
    }) : () -> ()
    "tpu.region"() ({
      %run_scoped3A = tpu.sem_alloc : memref<!tpu.dma_semaphore, #tpu.memory_space<semaphore_mem>>
      %dma_start3A = arith.constant 0 : i32
      %dma_start3A_44 = tpu.memref_slice %arg6[%arg0, %add3A_43, %dma_start3A] : memref<2x10240x128xf32, #tpu.memory_space<hbm>> -> memref<1x128x128xf32, #tpu.memory_space<hbm>>
      %dma_start3A_45 = tpu.memref_squeeze %dma_start3A_44 : memref<1x128x128xf32, #tpu.memory_space<hbm>> -> memref<128x128xf32, #tpu.memory_space<hbm>>
      %dma_start3A_46 = arith.constant 0 : i32
      %dma_start3A_47 = tpu.memref_slice %arg6[%arg0, %add3A_43, %dma_start3A_46] : memref<2x10240x128xf32, #tpu.memory_space<hbm>> -> memref<1x128x128xf32, #tpu.memory_space<hbm>>
      %dma_start3A_48 = tpu.memref_squeeze %dma_start3A_47 : memref<1x128x128xf32, #tpu.memory_space<hbm>> -> memref<128x128xf32, #tpu.memory_space<hbm>>
      tpu.enqueue_dma source(%arg9 : memref<128x128xf32, #tpu.memory_space<vmem>>) target(%dma_start3A_48 : memref<128x128xf32, #tpu.memory_space<hbm>>) target_semaphore(%run_scoped3A : memref<!tpu.dma_semaphore, #tpu.memory_space<semaphore_mem>>)
      %dma_wait3A = arith.constant 0 : i32
      %dma_wait3A_49 = tpu.memref_slice %arg6[%arg0, %add3A_43, %dma_wait3A] : memref<2x10240x128xf32, #tpu.memory_space<hbm>> -> memref<1x128x128xf32, #tpu.memory_space<hbm>>
      %dma_wait3A_50 = tpu.memref_squeeze %dma_wait3A_49 : memref<1x128x128xf32, #tpu.memory_space<hbm>> -> memref<128x128xf32, #tpu.memory_space<hbm>>
      %dma_wait3A_51 = arith.constant 0 : i32
      %dma_wait3A_52 = tpu.memref_slice %arg6[%arg0, %add3A_43, %dma_wait3A_51] : memref<2x10240x128xf32, #tpu.memory_space<hbm>> -> memref<1x128x128xf32, #tpu.memory_space<hbm>>
      %dma_wait3A_53 = tpu.memref_squeeze %dma_wait3A_52 : memref<1x128x128xf32, #tpu.memory_space<hbm>> -> memref<128x128xf32, #tpu.memory_space<hbm>>
      tpu.wait_dma2 semaphore(%run_scoped3A : memref<!tpu.dma_semaphore, #tpu.memory_space<semaphore_mem>>) src(%arg9 : memref<128x128xf32, #tpu.memory_space<vmem>>) dst(%dma_wait3A_53 : memref<128x128xf32, #tpu.memory_space<hbm>>)
      tpu.yield
    }) : () -> ()
    return
  }
}

#map = affine_map<(d0, d1) -> (0, 0)>
#map1 = affine_map<(d0, d1) -> (0, 0, 0, 0)>
#map2 = affine_map<(d0, d1) -> (0, 0, 0)>
module attributes {stable_mosaic.version = 14 : i64} {
  func.func @spass(%arg0: i32, %arg1: i32, %arg2: memref<10240x128xf32, #tpu.memory_space<hbm>>, %arg3: memref<2x16x79x128xi32, #tpu.memory_space<hbm>>, %arg4: memref<2x16x79x128xi32, #tpu.memory_space<hbm>>, %arg5: memref<128x128xf32, #tpu.memory_space<hbm>>, %arg6: memref<2x10240x128xf32, #tpu.memory_space<hbm>>, %arg7: memref<128xi32, #tpu.memory_space<vmem>>, %arg8: memref<128xi32, #tpu.memory_space<vmem>>, %arg9: memref<128x128xf32, #tpu.memory_space<vmem>>, %arg10: memref<10240x128xf32, #tpu.memory_space<vmem_shared>>, %arg11: memref<!tpu.dma_semaphore, #tpu.memory_space<semaphore_mem>>) attributes {dimension_semantics = [#tpu.dimension_semantics<core_parallel>, #tpu.dimension_semantics<subcore_parallel>], iteration_bounds = array<i64: 2, 16>, scalar_prefetch = 0 : i64, scratch_operands = 5 : i64, tpu.core_type = #tpu.core_type<sc_vector_subcore>, window_params = [{transform_indices = #map}, {transform_indices = #map1}, {transform_indices = #map1}, {transform_indices = #map}, {transform_indices = #map2}]} {
    "tpu.region"() ({
      %run_scoped3A = tpu.sem_alloc : memref<!tpu.dma_semaphore, #tpu.memory_space<semaphore_mem>>
      tpu.enqueue_dma source(%arg5 : memref<128x128xf32, #tpu.memory_space<hbm>>) target(%arg9 : memref<128x128xf32, #tpu.memory_space<vmem>>) target_semaphore(%run_scoped3A : memref<!tpu.dma_semaphore, #tpu.memory_space<semaphore_mem>>)
      tpu.wait_dma2 semaphore(%run_scoped3A : memref<!tpu.dma_semaphore, #tpu.memory_space<semaphore_mem>>) src(%arg5 : memref<128x128xf32, #tpu.memory_space<hbm>>) dst(%arg9 : memref<128x128xf32, #tpu.memory_space<vmem>>)
      tpu.yield
    }) : () -> ()
    %mul3A = arith.constant 640 : i32
    %mul3A_0 = arith.muli %arg1, %mul3A : i32
    %add3A = arith.constant 0 : i32
    %add3A_1 = arith.addi %mul3A_0, %add3A : i32
    "tpu.region"() ({
      %run_scoped3A = tpu.sem_alloc : memref<!tpu.dma_semaphore, #tpu.memory_space<semaphore_mem>>
      %dma_start3A = arith.constant 0 : i32
      %dma_start3A_44 = tpu.memref_slice %arg10[%add3A_1, %dma_start3A] : memref<10240x128xf32, #tpu.memory_space<vmem_shared>> -> memref<128x128xf32, #tpu.memory_space<vmem_shared>>
      %dma_start3A_45 = arith.constant 0 : i32
      %dma_start3A_46 = tpu.memref_slice %arg10[%add3A_1, %dma_start3A_45] : memref<10240x128xf32, #tpu.memory_space<vmem_shared>> -> memref<128x128xf32, #tpu.memory_space<vmem_shared>>
      tpu.enqueue_dma source(%arg9 : memref<128x128xf32, #tpu.memory_space<vmem>>) target(%dma_start3A_46 : memref<128x128xf32, #tpu.memory_space<vmem_shared>>) target_semaphore(%run_scoped3A : memref<!tpu.dma_semaphore, #tpu.memory_space<semaphore_mem>>)
      %dma_wait3A = arith.constant 0 : i32
      %dma_wait3A_47 = tpu.memref_slice %arg10[%add3A_1, %dma_wait3A] : memref<10240x128xf32, #tpu.memory_space<vmem_shared>> -> memref<128x128xf32, #tpu.memory_space<vmem_shared>>
      %dma_wait3A_48 = arith.constant 0 : i32
      %dma_wait3A_49 = tpu.memref_slice %arg10[%add3A_1, %dma_wait3A_48] : memref<10240x128xf32, #tpu.memory_space<vmem_shared>> -> memref<128x128xf32, #tpu.memory_space<vmem_shared>>
      tpu.wait_dma2 semaphore(%run_scoped3A : memref<!tpu.dma_semaphore, #tpu.memory_space<semaphore_mem>>) src(%arg9 : memref<128x128xf32, #tpu.memory_space<vmem>>) dst(%dma_wait3A_49 : memref<128x128xf32, #tpu.memory_space<vmem_shared>>)
      tpu.yield
    }) : () -> ()
    %mul3A_2 = arith.constant 640 : i32
    %mul3A_3 = arith.muli %arg1, %mul3A_2 : i32
    %add3A_4 = arith.constant 128 : i32
    %add3A_5 = arith.addi %mul3A_3, %add3A_4 : i32
    "tpu.region"() ({
      %run_scoped3A = tpu.sem_alloc : memref<!tpu.dma_semaphore, #tpu.memory_space<semaphore_mem>>
      %dma_start3A = arith.constant 0 : i32
      %dma_start3A_44 = tpu.memref_slice %arg10[%add3A_5, %dma_start3A] : memref<10240x128xf32, #tpu.memory_space<vmem_shared>> -> memref<128x128xf32, #tpu.memory_space<vmem_shared>>
      %dma_start3A_45 = arith.constant 0 : i32
      %dma_start3A_46 = tpu.memref_slice %arg10[%add3A_5, %dma_start3A_45] : memref<10240x128xf32, #tpu.memory_space<vmem_shared>> -> memref<128x128xf32, #tpu.memory_space<vmem_shared>>
      tpu.enqueue_dma source(%arg9 : memref<128x128xf32, #tpu.memory_space<vmem>>) target(%dma_start3A_46 : memref<128x128xf32, #tpu.memory_space<vmem_shared>>) target_semaphore(%run_scoped3A : memref<!tpu.dma_semaphore, #tpu.memory_space<semaphore_mem>>)
      %dma_wait3A = arith.constant 0 : i32
      %dma_wait3A_47 = tpu.memref_slice %arg10[%add3A_5, %dma_wait3A] : memref<10240x128xf32, #tpu.memory_space<vmem_shared>> -> memref<128x128xf32, #tpu.memory_space<vmem_shared>>
      %dma_wait3A_48 = arith.constant 0 : i32
      %dma_wait3A_49 = tpu.memref_slice %arg10[%add3A_5, %dma_wait3A_48] : memref<10240x128xf32, #tpu.memory_space<vmem_shared>> -> memref<128x128xf32, #tpu.memory_space<vmem_shared>>
      tpu.wait_dma2 semaphore(%run_scoped3A : memref<!tpu.dma_semaphore, #tpu.memory_space<semaphore_mem>>) src(%arg9 : memref<128x128xf32, #tpu.memory_space<vmem>>) dst(%dma_wait3A_49 : memref<128x128xf32, #tpu.memory_space<vmem_shared>>)
      tpu.yield
    }) : () -> ()
    %mul3A_6 = arith.constant 640 : i32
    %mul3A_7 = arith.muli %arg1, %mul3A_6 : i32
    %add3A_8 = arith.constant 256 : i32
    %add3A_9 = arith.addi %mul3A_7, %add3A_8 : i32
    "tpu.region"() ({
      %run_scoped3A = tpu.sem_alloc : memref<!tpu.dma_semaphore, #tpu.memory_space<semaphore_mem>>
      %dma_start3A = arith.constant 0 : i32
      %dma_start3A_44 = tpu.memref_slice %arg10[%add3A_9, %dma_start3A] : memref<10240x128xf32, #tpu.memory_space<vmem_shared>> -> memref<128x128xf32, #tpu.memory_space<vmem_shared>>
      %dma_start3A_45 = arith.constant 0 : i32
      %dma_start3A_46 = tpu.memref_slice %arg10[%add3A_9, %dma_start3A_45] : memref<10240x128xf32, #tpu.memory_space<vmem_shared>> -> memref<128x128xf32, #tpu.memory_space<vmem_shared>>
      tpu.enqueue_dma source(%arg9 : memref<128x128xf32, #tpu.memory_space<vmem>>) target(%dma_start3A_46 : memref<128x128xf32, #tpu.memory_space<vmem_shared>>) target_semaphore(%run_scoped3A : memref<!tpu.dma_semaphore, #tpu.memory_space<semaphore_mem>>)
      %dma_wait3A = arith.constant 0 : i32
      %dma_wait3A_47 = tpu.memref_slice %arg10[%add3A_9, %dma_wait3A] : memref<10240x128xf32, #tpu.memory_space<vmem_shared>> -> memref<128x128xf32, #tpu.memory_space<vmem_shared>>
      %dma_wait3A_48 = arith.constant 0 : i32
      %dma_wait3A_49 = tpu.memref_slice %arg10[%add3A_9, %dma_wait3A_48] : memref<10240x128xf32, #tpu.memory_space<vmem_shared>> -> memref<128x128xf32, #tpu.memory_space<vmem_shared>>
      tpu.wait_dma2 semaphore(%run_scoped3A : memref<!tpu.dma_semaphore, #tpu.memory_space<semaphore_mem>>) src(%arg9 : memref<128x128xf32, #tpu.memory_space<vmem>>) dst(%dma_wait3A_49 : memref<128x128xf32, #tpu.memory_space<vmem_shared>>)
      tpu.yield
    }) : () -> ()
    %mul3A_10 = arith.constant 640 : i32
    %mul3A_11 = arith.muli %arg1, %mul3A_10 : i32
    %add3A_12 = arith.constant 384 : i32
    %add3A_13 = arith.addi %mul3A_11, %add3A_12 : i32
    "tpu.region"() ({
      %run_scoped3A = tpu.sem_alloc : memref<!tpu.dma_semaphore, #tpu.memory_space<semaphore_mem>>
      %dma_start3A = arith.constant 0 : i32
      %dma_start3A_44 = tpu.memref_slice %arg10[%add3A_13, %dma_start3A] : memref<10240x128xf32, #tpu.memory_space<vmem_shared>> -> memref<128x128xf32, #tpu.memory_space<vmem_shared>>
      %dma_start3A_45 = arith.constant 0 : i32
      %dma_start3A_46 = tpu.memref_slice %arg10[%add3A_13, %dma_start3A_45] : memref<10240x128xf32, #tpu.memory_space<vmem_shared>> -> memref<128x128xf32, #tpu.memory_space<vmem_shared>>
      tpu.enqueue_dma source(%arg9 : memref<128x128xf32, #tpu.memory_space<vmem>>) target(%dma_start3A_46 : memref<128x128xf32, #tpu.memory_space<vmem_shared>>) target_semaphore(%run_scoped3A : memref<!tpu.dma_semaphore, #tpu.memory_space<semaphore_mem>>)
      %dma_wait3A = arith.constant 0 : i32
      %dma_wait3A_47 = tpu.memref_slice %arg10[%add3A_13, %dma_wait3A] : memref<10240x128xf32, #tpu.memory_space<vmem_shared>> -> memref<128x128xf32, #tpu.memory_space<vmem_shared>>
      %dma_wait3A_48 = arith.constant 0 : i32
      %dma_wait3A_49 = tpu.memref_slice %arg10[%add3A_13, %dma_wait3A_48] : memref<10240x128xf32, #tpu.memory_space<vmem_shared>> -> memref<128x128xf32, #tpu.memory_space<vmem_shared>>
      tpu.wait_dma2 semaphore(%run_scoped3A : memref<!tpu.dma_semaphore, #tpu.memory_space<semaphore_mem>>) src(%arg9 : memref<128x128xf32, #tpu.memory_space<vmem>>) dst(%dma_wait3A_49 : memref<128x128xf32, #tpu.memory_space<vmem_shared>>)
      tpu.yield
    }) : () -> ()
    %mul3A_14 = arith.constant 640 : i32
    %mul3A_15 = arith.muli %arg1, %mul3A_14 : i32
    %add3A_16 = arith.constant 512 : i32
    %add3A_17 = arith.addi %mul3A_15, %add3A_16 : i32
    "tpu.region"() ({
      %run_scoped3A = tpu.sem_alloc : memref<!tpu.dma_semaphore, #tpu.memory_space<semaphore_mem>>
      %dma_start3A = arith.constant 0 : i32
      %dma_start3A_44 = tpu.memref_slice %arg10[%add3A_17, %dma_start3A] : memref<10240x128xf32, #tpu.memory_space<vmem_shared>> -> memref<128x128xf32, #tpu.memory_space<vmem_shared>>
      %dma_start3A_45 = arith.constant 0 : i32
      %dma_start3A_46 = tpu.memref_slice %arg10[%add3A_17, %dma_start3A_45] : memref<10240x128xf32, #tpu.memory_space<vmem_shared>> -> memref<128x128xf32, #tpu.memory_space<vmem_shared>>
      tpu.enqueue_dma source(%arg9 : memref<128x128xf32, #tpu.memory_space<vmem>>) target(%dma_start3A_46 : memref<128x128xf32, #tpu.memory_space<vmem_shared>>) target_semaphore(%run_scoped3A : memref<!tpu.dma_semaphore, #tpu.memory_space<semaphore_mem>>)
      %dma_wait3A = arith.constant 0 : i32
      %dma_wait3A_47 = tpu.memref_slice %arg10[%add3A_17, %dma_wait3A] : memref<10240x128xf32, #tpu.memory_space<vmem_shared>> -> memref<128x128xf32, #tpu.memory_space<vmem_shared>>
      %dma_wait3A_48 = arith.constant 0 : i32
      %dma_wait3A_49 = tpu.memref_slice %arg10[%add3A_17, %dma_wait3A_48] : memref<10240x128xf32, #tpu.memory_space<vmem_shared>> -> memref<128x128xf32, #tpu.memory_space<vmem_shared>>
      tpu.wait_dma2 semaphore(%run_scoped3A : memref<!tpu.dma_semaphore, #tpu.memory_space<semaphore_mem>>) src(%arg9 : memref<128x128xf32, #tpu.memory_space<vmem>>) dst(%dma_wait3A_49 : memref<128x128xf32, #tpu.memory_space<vmem_shared>>)
      tpu.yield
    }) : () -> ()
    %barrier3A = arith.constant 0 : index
    tpu.barrier barrier_id(%barrier3A)
    %scan3A = arith.constant 0 : i32
    %scan3A_18 = arith.constant 0 : i32
    %scan3A_19 = arith.constant 79 : i32
    %scan3A_20 = arith.addi %scan3A_18, %scan3A_19 : i32
    %scan3A_21 = arith.constant 1 : i32
    scf.for %scan3A_44 = %scan3A_18 to %scan3A_20 step %scan3A_21  : i32 {
      "tpu.region"() ({
        %run_scoped3A = tpu.sem_alloc : memref<!tpu.dma_semaphore, #tpu.memory_space<semaphore_mem>>
        %dma_start3A_49 = arith.constant 0 : i32
        %dma_start3A_50 = tpu.memref_slice %arg3[%arg0, %arg1, %scan3A_44, %dma_start3A_49] : memref<2x16x79x128xi32, #tpu.memory_space<hbm>> -> memref<1x1x1x128xi32, #tpu.memory_space<hbm>>
        %dma_start3A_51 = tpu.memref_squeeze %dma_start3A_50 : memref<1x1x1x128xi32, #tpu.memory_space<hbm>> -> memref<128xi32, #tpu.memory_space<hbm>>
        %dma_start3A_52 = arith.constant 0 : i32
        %dma_start3A_53 = tpu.memref_slice %arg3[%arg0, %arg1, %scan3A_44, %dma_start3A_52] : memref<2x16x79x128xi32, #tpu.memory_space<hbm>> -> memref<1x1x1x128xi32, #tpu.memory_space<hbm>>
        %dma_start3A_54 = tpu.memref_squeeze %dma_start3A_53 : memref<1x1x1x128xi32, #tpu.memory_space<hbm>> -> memref<128xi32, #tpu.memory_space<hbm>>
        tpu.enqueue_dma source(%dma_start3A_54 : memref<128xi32, #tpu.memory_space<hbm>>) target(%arg7 : memref<128xi32, #tpu.memory_space<vmem>>) target_semaphore(%run_scoped3A : memref<!tpu.dma_semaphore, #tpu.memory_space<semaphore_mem>>)
        %dma_wait3A_55 = arith.constant 0 : i32
        %dma_wait3A_56 = tpu.memref_slice %arg3[%arg0, %arg1, %scan3A_44, %dma_wait3A_55] : memref<2x16x79x128xi32, #tpu.memory_space<hbm>> -> memref<1x1x1x128xi32, #tpu.memory_space<hbm>>
        %dma_wait3A_57 = tpu.memref_squeeze %dma_wait3A_56 : memref<1x1x1x128xi32, #tpu.memory_space<hbm>> -> memref<128xi32, #tpu.memory_space<hbm>>
        %dma_wait3A_58 = arith.constant 0 : i32
        %dma_wait3A_59 = tpu.memref_slice %arg3[%arg0, %arg1, %scan3A_44, %dma_wait3A_58] : memref<2x16x79x128xi32, #tpu.memory_space<hbm>> -> memref<1x1x1x128xi32, #tpu.memory_space<hbm>>
        %dma_wait3A_60 = tpu.memref_squeeze %dma_wait3A_59 : memref<1x1x1x128xi32, #tpu.memory_space<hbm>> -> memref<128xi32, #tpu.memory_space<hbm>>
        tpu.wait_dma2 semaphore(%run_scoped3A : memref<!tpu.dma_semaphore, #tpu.memory_space<semaphore_mem>>) src(%dma_wait3A_60 : memref<128xi32, #tpu.memory_space<hbm>>) dst(%arg7 : memref<128xi32, #tpu.memory_space<vmem>>)
        tpu.yield
      }) : () -> ()
      "tpu.region"() ({
        %run_scoped3A = tpu.sem_alloc : memref<!tpu.dma_semaphore, #tpu.memory_space<semaphore_mem>>
        %dma_start3A_49 = arith.constant 0 : i32
        %dma_start3A_50 = tpu.memref_slice %arg4[%arg0, %arg1, %scan3A_44, %dma_start3A_49] : memref<2x16x79x128xi32, #tpu.memory_space<hbm>> -> memref<1x1x1x128xi32, #tpu.memory_space<hbm>>
        %dma_start3A_51 = tpu.memref_squeeze %dma_start3A_50 : memref<1x1x1x128xi32, #tpu.memory_space<hbm>> -> memref<128xi32, #tpu.memory_space<hbm>>
        %dma_start3A_52 = arith.constant 0 : i32
        %dma_start3A_53 = tpu.memref_slice %arg4[%arg0, %arg1, %scan3A_44, %dma_start3A_52] : memref<2x16x79x128xi32, #tpu.memory_space<hbm>> -> memref<1x1x1x128xi32, #tpu.memory_space<hbm>>
        %dma_start3A_54 = tpu.memref_squeeze %dma_start3A_53 : memref<1x1x1x128xi32, #tpu.memory_space<hbm>> -> memref<128xi32, #tpu.memory_space<hbm>>
        tpu.enqueue_dma source(%dma_start3A_54 : memref<128xi32, #tpu.memory_space<hbm>>) target(%arg8 : memref<128xi32, #tpu.memory_space<vmem>>) target_semaphore(%run_scoped3A : memref<!tpu.dma_semaphore, #tpu.memory_space<semaphore_mem>>)
        %dma_wait3A_55 = arith.constant 0 : i32
        %dma_wait3A_56 = tpu.memref_slice %arg4[%arg0, %arg1, %scan3A_44, %dma_wait3A_55] : memref<2x16x79x128xi32, #tpu.memory_space<hbm>> -> memref<1x1x1x128xi32, #tpu.memory_space<hbm>>
        %dma_wait3A_57 = tpu.memref_squeeze %dma_wait3A_56 : memref<1x1x1x128xi32, #tpu.memory_space<hbm>> -> memref<128xi32, #tpu.memory_space<hbm>>
        %dma_wait3A_58 = arith.constant 0 : i32
        %dma_wait3A_59 = tpu.memref_slice %arg4[%arg0, %arg1, %scan3A_44, %dma_wait3A_58] : memref<2x16x79x128xi32, #tpu.memory_space<hbm>> -> memref<1x1x1x128xi32, #tpu.memory_space<hbm>>
        %dma_wait3A_60 = tpu.memref_squeeze %dma_wait3A_59 : memref<1x1x1x128xi32, #tpu.memory_space<hbm>> -> memref<128xi32, #tpu.memory_space<hbm>>
        tpu.wait_dma2 semaphore(%run_scoped3A : memref<!tpu.dma_semaphore, #tpu.memory_space<semaphore_mem>>) src(%dma_wait3A_60 : memref<128xi32, #tpu.memory_space<hbm>>) dst(%arg8 : memref<128xi32, #tpu.memory_space<vmem>>)
        tpu.yield
      }) : () -> ()
      %dma_start3A = arith.constant 0 : i32
      %dma_start3A_45 = arith.constant 0 : i32
      %dma_start3A_46 = tpu.memref_slice %arg2[%dma_start3A, %dma_start3A_45] : memref<10240x128xf32, #tpu.memory_space<hbm>> -> memref<10240x128xf32, #tpu.memory_space<hbm>>
      tpu.enqueue_indirect_dma source(%dma_start3A_46 : memref<10240x128xf32, #tpu.memory_space<hbm>>) target(%arg9 : memref<128x128xf32, #tpu.memory_space<vmem>>) offsets(%arg7 : memref<128xi32, #tpu.memory_space<vmem>>) semaphore(%arg11 : memref<!tpu.dma_semaphore, #tpu.memory_space<semaphore_mem>>)
      %dma_wait3A = arith.constant 0 : i32
      %dma_wait3A_47 = arith.constant 0 : i32
      %dma_wait3A_48 = tpu.memref_slice %arg2[%dma_wait3A, %dma_wait3A_47] : memref<10240x128xf32, #tpu.memory_space<hbm>> -> memref<10240x128xf32, #tpu.memory_space<hbm>>
      tpu.wait_indirect_dma semaphore(%arg11 : memref<!tpu.dma_semaphore, #tpu.memory_space<semaphore_mem>>) src(%dma_wait3A_48 : memref<10240x128xf32, #tpu.memory_space<hbm>>) dst(%arg9 : memref<128x128xf32, #tpu.memory_space<vmem>>)
      "tpu.region"() ({
        %run_scoped3A = tpu.sem_alloc : memref<!tpu.dma_semaphore, #tpu.memory_space<semaphore_mem>>
        %dma_start3A_49 = arith.constant 0 : i32
        %dma_start3A_50 = arith.constant 0 : i32
        %dma_start3A_51 = tpu.memref_slice %arg10[%dma_start3A_49, %dma_start3A_50] : memref<10240x128xf32, #tpu.memory_space<vmem_shared>> -> memref<10240x128xf32, #tpu.memory_space<vmem_shared>>
        tpu.enqueue_indirect_dma source(%arg9 : memref<128x128xf32, #tpu.memory_space<vmem>>) target(%dma_start3A_51 : memref<10240x128xf32, #tpu.memory_space<vmem_shared>>) offsets(%arg8 : memref<128xi32, #tpu.memory_space<vmem>>) semaphore(%run_scoped3A : memref<!tpu.dma_semaphore, #tpu.memory_space<semaphore_mem>>) {add = true}
        %dma_wait3A_52 = arith.constant 0 : i32
        %dma_wait3A_53 = arith.constant 0 : i32
        %dma_wait3A_54 = tpu.memref_slice %arg10[%dma_wait3A_52, %dma_wait3A_53] : memref<10240x128xf32, #tpu.memory_space<vmem_shared>> -> memref<10240x128xf32, #tpu.memory_space<vmem_shared>>
        tpu.wait_indirect_dma semaphore(%run_scoped3A : memref<!tpu.dma_semaphore, #tpu.memory_space<semaphore_mem>>) src(%arg9 : memref<128x128xf32, #tpu.memory_space<vmem>>) dst(%dma_wait3A_54 : memref<10240x128xf32, #tpu.memory_space<vmem_shared>>)
        tpu.yield
      }) : () -> ()
    }
    %scan3A_22 = arith.constant 79 : i32
    %barrier3A_23 = arith.constant 0 : index
    tpu.barrier barrier_id(%barrier3A_23)
    %mul3A_24 = arith.constant 640 : i32
    %mul3A_25 = arith.muli %arg1, %mul3A_24 : i32
    %add3A_26 = arith.constant 0 : i32
    %add3A_27 = arith.addi %mul3A_25, %add3A_26 : i32
    "tpu.region"() ({
      %run_scoped3A = tpu.sem_alloc : memref<!tpu.dma_semaphore, #tpu.memory_space<semaphore_mem>>
      %dma_start3A = arith.constant 0 : i32
      %dma_start3A_44 = tpu.memref_slice %arg10[%add3A_27, %dma_start3A] : memref<10240x128xf32, #tpu.memory_space<vmem_shared>> -> memref<128x128xf32, #tpu.memory_space<vmem_shared>>
      %dma_start3A_45 = arith.constant 0 : i32
      %dma_start3A_46 = tpu.memref_slice %arg10[%add3A_27, %dma_start3A_45] : memref<10240x128xf32, #tpu.memory_space<vmem_shared>> -> memref<128x128xf32, #tpu.memory_space<vmem_shared>>
      tpu.enqueue_dma source(%dma_start3A_46 : memref<128x128xf32, #tpu.memory_space<vmem_shared>>) target(%arg9 : memref<128x128xf32, #tpu.memory_space<vmem>>) target_semaphore(%run_scoped3A : memref<!tpu.dma_semaphore, #tpu.memory_space<semaphore_mem>>)
      %dma_wait3A = arith.constant 0 : i32
      %dma_wait3A_47 = tpu.memref_slice %arg10[%add3A_27, %dma_wait3A] : memref<10240x128xf32, #tpu.memory_space<vmem_shared>> -> memref<128x128xf32, #tpu.memory_space<vmem_shared>>
      %dma_wait3A_48 = arith.constant 0 : i32
      %dma_wait3A_49 = tpu.memref_slice %arg10[%add3A_27, %dma_wait3A_48] : memref<10240x128xf32, #tpu.memory_space<vmem_shared>> -> memref<128x128xf32, #tpu.memory_space<vmem_shared>>
      tpu.wait_dma2 semaphore(%run_scoped3A : memref<!tpu.dma_semaphore, #tpu.memory_space<semaphore_mem>>) src(%dma_wait3A_49 : memref<128x128xf32, #tpu.memory_space<vmem_shared>>) dst(%arg9 : memref<128x128xf32, #tpu.memory_space<vmem>>)
      tpu.yield
    }) : () -> ()
    "tpu.region"() ({
      %run_scoped3A = tpu.sem_alloc : memref<!tpu.dma_semaphore, #tpu.memory_space<semaphore_mem>>
      %dma_start3A = arith.constant 0 : i32
      %dma_start3A_44 = tpu.memref_slice %arg6[%arg0, %add3A_27, %dma_start3A] : memref<2x10240x128xf32, #tpu.memory_space<hbm>> -> memref<1x128x128xf32, #tpu.memory_space<hbm>>
      %dma_start3A_45 = tpu.memref_squeeze %dma_start3A_44 : memref<1x128x128xf32, #tpu.memory_space<hbm>> -> memref<128x128xf32, #tpu.memory_space<hbm>>
      %dma_start3A_46 = arith.constant 0 : i32
      %dma_start3A_47 = tpu.memref_slice %arg6[%arg0, %add3A_27, %dma_start3A_46] : memref<2x10240x128xf32, #tpu.memory_space<hbm>> -> memref<1x128x128xf32, #tpu.memory_space<hbm>>
      %dma_start3A_48 = tpu.memref_squeeze %dma_start3A_47 : memref<1x128x128xf32, #tpu.memory_space<hbm>> -> memref<128x128xf32, #tpu.memory_space<hbm>>
      tpu.enqueue_dma source(%arg9 : memref<128x128xf32, #tpu.memory_space<vmem>>) target(%dma_start3A_48 : memref<128x128xf32, #tpu.memory_space<hbm>>) target_semaphore(%run_scoped3A : memref<!tpu.dma_semaphore, #tpu.memory_space<semaphore_mem>>)
      %dma_wait3A = arith.constant 0 : i32
      %dma_wait3A_49 = tpu.memref_slice %arg6[%arg0, %add3A_27, %dma_wait3A] : memref<2x10240x128xf32, #tpu.memory_space<hbm>> -> memref<1x128x128xf32, #tpu.memory_space<hbm>>
      %dma_wait3A_50 = tpu.memref_squeeze %dma_wait3A_49 : memref<1x128x128xf32, #tpu.memory_space<hbm>> -> memref<128x128xf32, #tpu.memory_space<hbm>>
      %dma_wait3A_51 = arith.constant 0 : i32
      %dma_wait3A_52 = tpu.memref_slice %arg6[%arg0, %add3A_27, %dma_wait3A_51] : memref<2x10240x128xf32, #tpu.memory_space<hbm>> -> memref<1x128x128xf32, #tpu.memory_space<hbm>>
      %dma_wait3A_53 = tpu.memref_squeeze %dma_wait3A_52 : memref<1x128x128xf32, #tpu.memory_space<hbm>> -> memref<128x128xf32, #tpu.memory_space<hbm>>
      tpu.wait_dma2 semaphore(%run_scoped3A : memref<!tpu.dma_semaphore, #tpu.memory_space<semaphore_mem>>) src(%arg9 : memref<128x128xf32, #tpu.memory_space<vmem>>) dst(%dma_wait3A_53 : memref<128x128xf32, #tpu.memory_space<hbm>>)
      tpu.yield
    }) : () -> ()
    %mul3A_28 = arith.constant 640 : i32
    %mul3A_29 = arith.muli %arg1, %mul3A_28 : i32
    %add3A_30 = arith.constant 128 : i32
    %add3A_31 = arith.addi %mul3A_29, %add3A_30 : i32
    "tpu.region"() ({
      %run_scoped3A = tpu.sem_alloc : memref<!tpu.dma_semaphore, #tpu.memory_space<semaphore_mem>>
      %dma_start3A = arith.constant 0 : i32
      %dma_start3A_44 = tpu.memref_slice %arg10[%add3A_31, %dma_start3A] : memref<10240x128xf32, #tpu.memory_space<vmem_shared>> -> memref<128x128xf32, #tpu.memory_space<vmem_shared>>
      %dma_start3A_45 = arith.constant 0 : i32
      %dma_start3A_46 = tpu.memref_slice %arg10[%add3A_31, %dma_start3A_45] : memref<10240x128xf32, #tpu.memory_space<vmem_shared>> -> memref<128x128xf32, #tpu.memory_space<vmem_shared>>
      tpu.enqueue_dma source(%dma_start3A_46 : memref<128x128xf32, #tpu.memory_space<vmem_shared>>) target(%arg9 : memref<128x128xf32, #tpu.memory_space<vmem>>) target_semaphore(%run_scoped3A : memref<!tpu.dma_semaphore, #tpu.memory_space<semaphore_mem>>)
      %dma_wait3A = arith.constant 0 : i32
      %dma_wait3A_47 = tpu.memref_slice %arg10[%add3A_31, %dma_wait3A] : memref<10240x128xf32, #tpu.memory_space<vmem_shared>> -> memref<128x128xf32, #tpu.memory_space<vmem_shared>>
      %dma_wait3A_48 = arith.constant 0 : i32
      %dma_wait3A_49 = tpu.memref_slice %arg10[%add3A_31, %dma_wait3A_48] : memref<10240x128xf32, #tpu.memory_space<vmem_shared>> -> memref<128x128xf32, #tpu.memory_space<vmem_shared>>
      tpu.wait_dma2 semaphore(%run_scoped3A : memref<!tpu.dma_semaphore, #tpu.memory_space<semaphore_mem>>) src(%dma_wait3A_49 : memref<128x128xf32, #tpu.memory_space<vmem_shared>>) dst(%arg9 : memref<128x128xf32, #tpu.memory_space<vmem>>)
      tpu.yield
    }) : () -> ()
    "tpu.region"() ({
      %run_scoped3A = tpu.sem_alloc : memref<!tpu.dma_semaphore, #tpu.memory_space<semaphore_mem>>
      %dma_start3A = arith.constant 0 : i32
      %dma_start3A_44 = tpu.memref_slice %arg6[%arg0, %add3A_31, %dma_start3A] : memref<2x10240x128xf32, #tpu.memory_space<hbm>> -> memref<1x128x128xf32, #tpu.memory_space<hbm>>
      %dma_start3A_45 = tpu.memref_squeeze %dma_start3A_44 : memref<1x128x128xf32, #tpu.memory_space<hbm>> -> memref<128x128xf32, #tpu.memory_space<hbm>>
      %dma_start3A_46 = arith.constant 0 : i32
      %dma_start3A_47 = tpu.memref_slice %arg6[%arg0, %add3A_31, %dma_start3A_46] : memref<2x10240x128xf32, #tpu.memory_space<hbm>> -> memref<1x128x128xf32, #tpu.memory_space<hbm>>
      %dma_start3A_48 = tpu.memref_squeeze %dma_start3A_47 : memref<1x128x128xf32, #tpu.memory_space<hbm>> -> memref<128x128xf32, #tpu.memory_space<hbm>>
      tpu.enqueue_dma source(%arg9 : memref<128x128xf32, #tpu.memory_space<vmem>>) target(%dma_start3A_48 : memref<128x128xf32, #tpu.memory_space<hbm>>) target_semaphore(%run_scoped3A : memref<!tpu.dma_semaphore, #tpu.memory_space<semaphore_mem>>)
      %dma_wait3A = arith.constant 0 : i32
      %dma_wait3A_49 = tpu.memref_slice %arg6[%arg0, %add3A_31, %dma_wait3A] : memref<2x10240x128xf32, #tpu.memory_space<hbm>> -> memref<1x128x128xf32, #tpu.memory_space<hbm>>
      %dma_wait3A_50 = tpu.memref_squeeze %dma_wait3A_49 : memref<1x128x128xf32, #tpu.memory_space<hbm>> -> memref<128x128xf32, #tpu.memory_space<hbm>>
      %dma_wait3A_51 = arith.constant 0 : i32
      %dma_wait3A_52 = tpu.memref_slice %arg6[%arg0, %add3A_31, %dma_wait3A_51] : memref<2x10240x128xf32, #tpu.memory_space<hbm>> -> memref<1x128x128xf32, #tpu.memory_space<hbm>>
      %dma_wait3A_53 = tpu.memref_squeeze %dma_wait3A_52 : memref<1x128x128xf32, #tpu.memory_space<hbm>> -> memref<128x128xf32, #tpu.memory_space<hbm>>
      tpu.wait_dma2 semaphore(%run_scoped3A : memref<!tpu.dma_semaphore, #tpu.memory_space<semaphore_mem>>) src(%arg9 : memref<128x128xf32, #tpu.memory_space<vmem>>) dst(%dma_wait3A_53 : memref<128x128xf32, #tpu.memory_space<hbm>>)
      tpu.yield
    }) : () -> ()
    %mul3A_32 = arith.constant 640 : i32
    %mul3A_33 = arith.muli %arg1, %mul3A_32 : i32
    %add3A_34 = arith.constant 256 : i32
    %add3A_35 = arith.addi %mul3A_33, %add3A_34 : i32
    "tpu.region"() ({
      %run_scoped3A = tpu.sem_alloc : memref<!tpu.dma_semaphore, #tpu.memory_space<semaphore_mem>>
      %dma_start3A = arith.constant 0 : i32
      %dma_start3A_44 = tpu.memref_slice %arg10[%add3A_35, %dma_start3A] : memref<10240x128xf32, #tpu.memory_space<vmem_shared>> -> memref<128x128xf32, #tpu.memory_space<vmem_shared>>
      %dma_start3A_45 = arith.constant 0 : i32
      %dma_start3A_46 = tpu.memref_slice %arg10[%add3A_35, %dma_start3A_45] : memref<10240x128xf32, #tpu.memory_space<vmem_shared>> -> memref<128x128xf32, #tpu.memory_space<vmem_shared>>
      tpu.enqueue_dma source(%dma_start3A_46 : memref<128x128xf32, #tpu.memory_space<vmem_shared>>) target(%arg9 : memref<128x128xf32, #tpu.memory_space<vmem>>) target_semaphore(%run_scoped3A : memref<!tpu.dma_semaphore, #tpu.memory_space<semaphore_mem>>)
      %dma_wait3A = arith.constant 0 : i32
      %dma_wait3A_47 = tpu.memref_slice %arg10[%add3A_35, %dma_wait3A] : memref<10240x128xf32, #tpu.memory_space<vmem_shared>> -> memref<128x128xf32, #tpu.memory_space<vmem_shared>>
      %dma_wait3A_48 = arith.constant 0 : i32
      %dma_wait3A_49 = tpu.memref_slice %arg10[%add3A_35, %dma_wait3A_48] : memref<10240x128xf32, #tpu.memory_space<vmem_shared>> -> memref<128x128xf32, #tpu.memory_space<vmem_shared>>
      tpu.wait_dma2 semaphore(%run_scoped3A : memref<!tpu.dma_semaphore, #tpu.memory_space<semaphore_mem>>) src(%dma_wait3A_49 : memref<128x128xf32, #tpu.memory_space<vmem_shared>>) dst(%arg9 : memref<128x128xf32, #tpu.memory_space<vmem>>)
      tpu.yield
    }) : () -> ()
    "tpu.region"() ({
      %run_scoped3A = tpu.sem_alloc : memref<!tpu.dma_semaphore, #tpu.memory_space<semaphore_mem>>
      %dma_start3A = arith.constant 0 : i32
      %dma_start3A_44 = tpu.memref_slice %arg6[%arg0, %add3A_35, %dma_start3A] : memref<2x10240x128xf32, #tpu.memory_space<hbm>> -> memref<1x128x128xf32, #tpu.memory_space<hbm>>
      %dma_start3A_45 = tpu.memref_squeeze %dma_start3A_44 : memref<1x128x128xf32, #tpu.memory_space<hbm>> -> memref<128x128xf32, #tpu.memory_space<hbm>>
      %dma_start3A_46 = arith.constant 0 : i32
      %dma_start3A_47 = tpu.memref_slice %arg6[%arg0, %add3A_35, %dma_start3A_46] : memref<2x10240x128xf32, #tpu.memory_space<hbm>> -> memref<1x128x128xf32, #tpu.memory_space<hbm>>
      %dma_start3A_48 = tpu.memref_squeeze %dma_start3A_47 : memref<1x128x128xf32, #tpu.memory_space<hbm>> -> memref<128x128xf32, #tpu.memory_space<hbm>>
      tpu.enqueue_dma source(%arg9 : memref<128x128xf32, #tpu.memory_space<vmem>>) target(%dma_start3A_48 : memref<128x128xf32, #tpu.memory_space<hbm>>) target_semaphore(%run_scoped3A : memref<!tpu.dma_semaphore, #tpu.memory_space<semaphore_mem>>)
      %dma_wait3A = arith.constant 0 : i32
      %dma_wait3A_49 = tpu.memref_slice %arg6[%arg0, %add3A_35, %dma_wait3A] : memref<2x10240x128xf32, #tpu.memory_space<hbm>> -> memref<1x128x128xf32, #tpu.memory_space<hbm>>
      %dma_wait3A_50 = tpu.memref_squeeze %dma_wait3A_49 : memref<1x128x128xf32, #tpu.memory_space<hbm>> -> memref<128x128xf32, #tpu.memory_space<hbm>>
      %dma_wait3A_51 = arith.constant 0 : i32
      %dma_wait3A_52 = tpu.memref_slice %arg6[%arg0, %add3A_35, %dma_wait3A_51] : memref<2x10240x128xf32, #tpu.memory_space<hbm>> -> memref<1x128x128xf32, #tpu.memory_space<hbm>>
      %dma_wait3A_53 = tpu.memref_squeeze %dma_wait3A_52 : memref<1x128x128xf32, #tpu.memory_space<hbm>> -> memref<128x128xf32, #tpu.memory_space<hbm>>
      tpu.wait_dma2 semaphore(%run_scoped3A : memref<!tpu.dma_semaphore, #tpu.memory_space<semaphore_mem>>) src(%arg9 : memref<128x128xf32, #tpu.memory_space<vmem>>) dst(%dma_wait3A_53 : memref<128x128xf32, #tpu.memory_space<hbm>>)
      tpu.yield
    }) : () -> ()
    %mul3A_36 = arith.constant 640 : i32
    %mul3A_37 = arith.muli %arg1, %mul3A_36 : i32
    %add3A_38 = arith.constant 384 : i32
    %add3A_39 = arith.addi %mul3A_37, %add3A_38 : i32
    "tpu.region"() ({
      %run_scoped3A = tpu.sem_alloc : memref<!tpu.dma_semaphore, #tpu.memory_space<semaphore_mem>>
      %dma_start3A = arith.constant 0 : i32
      %dma_start3A_44 = tpu.memref_slice %arg10[%add3A_39, %dma_start3A] : memref<10240x128xf32, #tpu.memory_space<vmem_shared>> -> memref<128x128xf32, #tpu.memory_space<vmem_shared>>
      %dma_start3A_45 = arith.constant 0 : i32
      %dma_start3A_46 = tpu.memref_slice %arg10[%add3A_39, %dma_start3A_45] : memref<10240x128xf32, #tpu.memory_space<vmem_shared>> -> memref<128x128xf32, #tpu.memory_space<vmem_shared>>
      tpu.enqueue_dma source(%dma_start3A_46 : memref<128x128xf32, #tpu.memory_space<vmem_shared>>) target(%arg9 : memref<128x128xf32, #tpu.memory_space<vmem>>) target_semaphore(%run_scoped3A : memref<!tpu.dma_semaphore, #tpu.memory_space<semaphore_mem>>)
      %dma_wait3A = arith.constant 0 : i32
      %dma_wait3A_47 = tpu.memref_slice %arg10[%add3A_39, %dma_wait3A] : memref<10240x128xf32, #tpu.memory_space<vmem_shared>> -> memref<128x128xf32, #tpu.memory_space<vmem_shared>>
      %dma_wait3A_48 = arith.constant 0 : i32
      %dma_wait3A_49 = tpu.memref_slice %arg10[%add3A_39, %dma_wait3A_48] : memref<10240x128xf32, #tpu.memory_space<vmem_shared>> -> memref<128x128xf32, #tpu.memory_space<vmem_shared>>
      tpu.wait_dma2 semaphore(%run_scoped3A : memref<!tpu.dma_semaphore, #tpu.memory_space<semaphore_mem>>) src(%dma_wait3A_49 : memref<128x128xf32, #tpu.memory_space<vmem_shared>>) dst(%arg9 : memref<128x128xf32, #tpu.memory_space<vmem>>)
      tpu.yield
    }) : () -> ()
    "tpu.region"() ({
      %run_scoped3A = tpu.sem_alloc : memref<!tpu.dma_semaphore, #tpu.memory_space<semaphore_mem>>
      %dma_start3A = arith.constant 0 : i32
      %dma_start3A_44 = tpu.memref_slice %arg6[%arg0, %add3A_39, %dma_start3A] : memref<2x10240x128xf32, #tpu.memory_space<hbm>> -> memref<1x128x128xf32, #tpu.memory_space<hbm>>
      %dma_start3A_45 = tpu.memref_squeeze %dma_start3A_44 : memref<1x128x128xf32, #tpu.memory_space<hbm>> -> memref<128x128xf32, #tpu.memory_space<hbm>>
      %dma_start3A_46 = arith.constant 0 : i32
      %dma_start3A_47 = tpu.memref_slice %arg6[%arg0, %add3A_39, %dma_start3A_46] : memref<2x10240x128xf32, #tpu.memory_space<hbm>> -> memref<1x128x128xf32, #tpu.memory_space<hbm>>
      %dma_start3A_48 = tpu.memref_squeeze %dma_start3A_47 : memref<1x128x128xf32, #tpu.memory_space<hbm>> -> memref<128x128xf32, #tpu.memory_space<hbm>>
      tpu.enqueue_dma source(%arg9 : memref<128x128xf32, #tpu.memory_space<vmem>>) target(%dma_start3A_48 : memref<128x128xf32, #tpu.memory_space<hbm>>) target_semaphore(%run_scoped3A : memref<!tpu.dma_semaphore, #tpu.memory_space<semaphore_mem>>)
      %dma_wait3A = arith.constant 0 : i32
      %dma_wait3A_49 = tpu.memref_slice %arg6[%arg0, %add3A_39, %dma_wait3A] : memref<2x10240x128xf32, #tpu.memory_space<hbm>> -> memref<1x128x128xf32, #tpu.memory_space<hbm>>
      %dma_wait3A_50 = tpu.memref_squeeze %dma_wait3A_49 : memref<1x128x128xf32, #tpu.memory_space<hbm>> -> memref<128x128xf32, #tpu.memory_space<hbm>>
      %dma_wait3A_51 = arith.constant 0 : i32
      %dma_wait3A_52 = tpu.memref_slice %arg6[%arg0, %add3A_39, %dma_wait3A_51] : memref<2x10240x128xf32, #tpu.memory_space<hbm>> -> memref<1x128x128xf32, #tpu.memory_space<hbm>>
      %dma_wait3A_53 = tpu.memref_squeeze %dma_wait3A_52 : memref<1x128x128xf32, #tpu.memory_space<hbm>> -> memref<128x128xf32, #tpu.memory_space<hbm>>
      tpu.wait_dma2 semaphore(%run_scoped3A : memref<!tpu.dma_semaphore, #tpu.memory_space<semaphore_mem>>) src(%arg9 : memref<128x128xf32, #tpu.memory_space<vmem>>) dst(%dma_wait3A_53 : memref<128x128xf32, #tpu.memory_space<hbm>>)
      tpu.yield
    }) : () -> ()
    %mul3A_40 = arith.constant 640 : i32
    %mul3A_41 = arith.muli %arg1, %mul3A_40 : i32
    %add3A_42 = arith.constant 512 : i32
    %add3A_43 = arith.addi %mul3A_41, %add3A_42 : i32
    "tpu.region"() ({
      %run_scoped3A = tpu.sem_alloc : memref<!tpu.dma_semaphore, #tpu.memory_space<semaphore_mem>>
      %dma_start3A = arith.constant 0 : i32
      %dma_start3A_44 = tpu.memref_slice %arg10[%add3A_43, %dma_start3A] : memref<10240x128xf32, #tpu.memory_space<vmem_shared>> -> memref<128x128xf32, #tpu.memory_space<vmem_shared>>
      %dma_start3A_45 = arith.constant 0 : i32
      %dma_start3A_46 = tpu.memref_slice %arg10[%add3A_43, %dma_start3A_45] : memref<10240x128xf32, #tpu.memory_space<vmem_shared>> -> memref<128x128xf32, #tpu.memory_space<vmem_shared>>
      tpu.enqueue_dma source(%dma_start3A_46 : memref<128x128xf32, #tpu.memory_space<vmem_shared>>) target(%arg9 : memref<128x128xf32, #tpu.memory_space<vmem>>) target_semaphore(%run_scoped3A : memref<!tpu.dma_semaphore, #tpu.memory_space<semaphore_mem>>)
      %dma_wait3A = arith.constant 0 : i32
      %dma_wait3A_47 = tpu.memref_slice %arg10[%add3A_43, %dma_wait3A] : memref<10240x128xf32, #tpu.memory_space<vmem_shared>> -> memref<128x128xf32, #tpu.memory_space<vmem_shared>>
      %dma_wait3A_48 = arith.constant 0 : i32
      %dma_wait3A_49 = tpu.memref_slice %arg10[%add3A_43, %dma_wait3A_48] : memref<10240x128xf32, #tpu.memory_space<vmem_shared>> -> memref<128x128xf32, #tpu.memory_space<vmem_shared>>
      tpu.wait_dma2 semaphore(%run_scoped3A : memref<!tpu.dma_semaphore, #tpu.memory_space<semaphore_mem>>) src(%dma_wait3A_49 : memref<128x128xf32, #tpu.memory_space<vmem_shared>>) dst(%arg9 : memref<128x128xf32, #tpu.memory_space<vmem>>)
      tpu.yield
    }) : () -> ()
    "tpu.region"() ({
      %run_scoped3A = tpu.sem_alloc : memref<!tpu.dma_semaphore, #tpu.memory_space<semaphore_mem>>
      %dma_start3A = arith.constant 0 : i32
      %dma_start3A_44 = tpu.memref_slice %arg6[%arg0, %add3A_43, %dma_start3A] : memref<2x10240x128xf32, #tpu.memory_space<hbm>> -> memref<1x128x128xf32, #tpu.memory_space<hbm>>
      %dma_start3A_45 = tpu.memref_squeeze %dma_start3A_44 : memref<1x128x128xf32, #tpu.memory_space<hbm>> -> memref<128x128xf32, #tpu.memory_space<hbm>>
      %dma_start3A_46 = arith.constant 0 : i32
      %dma_start3A_47 = tpu.memref_slice %arg6[%arg0, %add3A_43, %dma_start3A_46] : memref<2x10240x128xf32, #tpu.memory_space<hbm>> -> memref<1x128x128xf32, #tpu.memory_space<hbm>>
      %dma_start3A_48 = tpu.memref_squeeze %dma_start3A_47 : memref<1x128x128xf32, #tpu.memory_space<hbm>> -> memref<128x128xf32, #tpu.memory_space<hbm>>
      tpu.enqueue_dma source(%arg9 : memref<128x128xf32, #tpu.memory_space<vmem>>) target(%dma_start3A_48 : memref<128x128xf32, #tpu.memory_space<hbm>>) target_semaphore(%run_scoped3A : memref<!tpu.dma_semaphore, #tpu.memory_space<semaphore_mem>>)
      %dma_wait3A = arith.constant 0 : i32
      %dma_wait3A_49 = tpu.memref_slice %arg6[%arg0, %add3A_43, %dma_wait3A] : memref<2x10240x128xf32, #tpu.memory_space<hbm>> -> memref<1x128x128xf32, #tpu.memory_space<hbm>>
      %dma_wait3A_50 = tpu.memref_squeeze %dma_wait3A_49 : memref<1x128x128xf32, #tpu.memory_space<hbm>> -> memref<128x128xf32, #tpu.memory_space<hbm>>
      %dma_wait3A_51 = arith.constant 0 : i32
      %dma_wait3A_52 = tpu.memref_slice %arg6[%arg0, %add3A_43, %dma_wait3A_51] : memref<2x10240x128xf32, #tpu.memory_space<hbm>> -> memref<1x128x128xf32, #tpu.memory_space<hbm>>
      %dma_wait3A_53 = tpu.memref_squeeze %dma_wait3A_52 : memref<1x128x128xf32, #tpu.memory_space<hbm>> -> memref<128x128xf32, #tpu.memory_space<hbm>>
      tpu.wait_dma2 semaphore(%run_scoped3A : memref<!tpu.dma_semaphore, #tpu.memory_space<semaphore_mem>>) src(%arg9 : memref<128x128xf32, #tpu.memory_space<vmem>>) dst(%dma_wait3A_53 : memref<128x128xf32, #tpu.memory_space<hbm>>)
      tpu.yield
    }) : () -> ()
    return
  }
}

module attributes {stable_mosaic.version = 14 : i64} {
  func.func @_prep_body(%arg0: i32, %arg1: memref<2x512x128xf32, #tpu.memory_space<vmem>>, %arg2: memref<512x128xf32, #tpu.memory_space<vmem>>, %arg3: memref<512x128xf32, #tpu.memory_space<vmem>>, %arg4: memref<512x128xf32, #tpu.memory_space<vmem>>) attributes {dimension_semantics = [#tpu.dimension_semantics<arbitrary>], iteration_bounds = array<i64: 20>, scalar_prefetch = 0 : i64, scratch_operands = 0 : i64, tpu.core_type = #tpu.core_type<tc>, window_params = [{transform_indices = @transform_0, window_bounds = array<i64: 2, 512, 128>}, {transform_indices = @transform_1, window_bounds = array<i64: 512, 128>}, {transform_indices = @transform_2, window_bounds = array<i64: 512, 128>}, {transform_indices = @transform_3, window_bounds = array<i64: 512, 128>}]} {
    %get3A = arith.constant 0 : index
    %get3A_0 = arith.constant 0 : index
    %get3A_1 = arith.constant 0 : index
    %get3A_2 = vector.load %arg1[%get3A, %get3A_0, %get3A_1] : memref<2x512x128xf32, #tpu.memory_space<vmem>>, vector<1x512x1xf32>
    %get3A_3 = vector.shape_cast %get3A_2 : vector<1x512x1xf32> to vector<512x1xf32>
    %get3A_4 = arith.constant 1 : index
    %get3A_5 = arith.constant 0 : index
    %get3A_6 = arith.constant 0 : index
    %get3A_7 = vector.load %arg1[%get3A_4, %get3A_5, %get3A_6] : memref<2x512x128xf32, #tpu.memory_space<vmem>>, vector<1x512x1xf32>
    %get3A_8 = vector.shape_cast %get3A_7 : vector<1x512x1xf32> to vector<512x1xf32>
    %add3A = arith.addf %get3A_3, %get3A_8 : vector<512x1xf32>
    %gt3A = arith.constant 0.000000e+00 : f32
    %gt3A_9 = vector.broadcast %gt3A : f32 to vector<512x1xf32>
    %gt3A_10 = arith.cmpf ogt, %add3A, %gt3A_9 : vector<512x1xf32>
    %max3A = arith.constant 1.000000e+00 : f32
    %max3A_11 = vector.broadcast %max3A : f32 to vector<512x1xf32>
    %max3A_12 = arith.maximumf %add3A, %max3A_11 : vector<512x1xf32>
    %rsqrt3A = math.rsqrt %max3A_12 : vector<512x1xf32>
    %jit3A = arith.constant 0.000000e+00 : f32
    %broadcast_in_dim3A = vector.broadcast %jit3A : f32 to vector<512x1xf32>
    %select_n3A = arith.select %gt3A_10, %rsqrt3A, %broadcast_in_dim3A : vector<512x1xi1>, vector<512x1xf32>
    %broadcast_in_dim3A_13 = vector.shape_cast %select_n3A : vector<512x1xf32> to vector<512x1xf32>
    %broadcast_in_dim3A_14 = vector.broadcast %broadcast_in_dim3A_13 : vector<512x1xf32> to vector<512x128xf32>
    %swap3A = arith.constant 0 : index
    %swap3A_15 = arith.constant 0 : index
    %swap3A_16 = vector.load %arg3[%swap3A, %swap3A_15] : memref<512x128xf32, #tpu.memory_space<vmem>>, vector<512x128xf32>
    tpu.vector_store %arg3[%swap3A, %swap3A_15], %broadcast_in_dim3A_14 {strides = array<i32>} : memref<512x128xf32, #tpu.memory_space<vmem>>, vector<512x128xf32>,
    %get3A_17 = arith.constant 0 : index
    %get3A_18 = arith.constant 0 : index
    %get3A_19 = vector.load %arg2[%get3A_17, %get3A_18] : memref<512x128xf32, #tpu.memory_space<vmem>>, vector<512x128xf32>
    %mul3A = arith.mulf %broadcast_in_dim3A_14, %get3A_19 : vector<512x128xf32>
    %swap3A_20 = arith.constant 0 : index
    %swap3A_21 = arith.constant 0 : index
    %swap3A_22 = vector.load %arg4[%swap3A_20, %swap3A_21] : memref<512x128xf32, #tpu.memory_space<vmem>>, vector<512x128xf32>
    tpu.vector_store %arg4[%swap3A_20, %swap3A_21], %mul3A {strides = array<i32>} : memref<512x128xf32, #tpu.memory_space<vmem>>, vector<512x128xf32>,
    return
  }
  func.func @transform_0(%arg0: i32) -> (i32, i32, i32) {
    %c0_i32 = arith.constant 0 : i32
    %c0_i32_0 = arith.constant 0 : i32
    %c0_i32_1 = arith.constant 0 : i32
    return %c0_i32, %arg0, %c0_i32_0 : i32, i32, i32
  }
  func.func @transform_1(%arg0: i32) -> (i32, i32) {
    %c0_i32 = arith.constant 0 : i32
    %c0_i32_0 = arith.constant 0 : i32
    return %arg0, %c0_i32 : i32, i32
  }
  func.func @transform_2(%arg0: i32) -> (i32, i32) {
    %c0_i32 = arith.constant 0 : i32
    %c0_i32_0 = arith.constant 0 : i32
    return %arg0, %c0_i32 : i32, i32
  }
  func.func @transform_3(%arg0: i32) -> (i32, i32) {
    %c0_i32 = arith.constant 0 : i32
    %c0_i32_0 = arith.constant 0 : i32
    return %arg0, %c0_i32 : i32, i32
  }
}

module attributes {stable_mosaic.version = 14 : i64} {
  func.func @_mid_body(%arg0: i32, %arg1: memref<2x512x128xf32, #tpu.memory_space<vmem>>, %arg2: memref<512x128xf32, #tpu.memory_space<vmem>>, %arg3: memref<512x128xf32, #tpu.memory_space<vmem>>, %arg4: memref<512x128xf32, #tpu.memory_space<vmem>>) attributes {dimension_semantics = [#tpu.dimension_semantics<arbitrary>], iteration_bounds = array<i64: 20>, scalar_prefetch = 0 : i64, scratch_operands = 0 : i64, tpu.core_type = #tpu.core_type<tc>, window_params = [{transform_indices = @transform_0, window_bounds = array<i64: 2, 512, 128>}, {transform_indices = @transform_1, window_bounds = array<i64: 512, 128>}, {transform_indices = @transform_2, window_bounds = array<i64: 512, 128>}, {transform_indices = @transform_3, window_bounds = array<i64: 512, 128>}]} {
    %get3A = arith.constant 0 : index
    %get3A_0 = arith.constant 0 : index
    %get3A_1 = arith.constant 0 : index
    %get3A_2 = vector.load %arg1[%get3A, %get3A_0, %get3A_1] : memref<2x512x128xf32, #tpu.memory_space<vmem>>, vector<1x512x128xf32>
    %get3A_3 = vector.shape_cast %get3A_2 : vector<1x512x128xf32> to vector<512x128xf32>
    %get3A_4 = arith.constant 1 : index
    %get3A_5 = arith.constant 0 : index
    %get3A_6 = arith.constant 0 : index
    %get3A_7 = vector.load %arg1[%get3A_4, %get3A_5, %get3A_6] : memref<2x512x128xf32, #tpu.memory_space<vmem>>, vector<1x512x128xf32>
    %get3A_8 = vector.shape_cast %get3A_7 : vector<1x512x128xf32> to vector<512x128xf32>
    %add3A = arith.addf %get3A_3, %get3A_8 : vector<512x128xf32>
    %get3A_9 = arith.constant 0 : index
    %get3A_10 = arith.constant 0 : index
    %get3A_11 = vector.load %arg2[%get3A_9, %get3A_10] : memref<512x128xf32, #tpu.memory_space<vmem>>, vector<512x128xf32>
    %mul3A = arith.mulf %get3A_11, %add3A : vector<512x128xf32>
    %swap3A = arith.constant 0 : index
    %swap3A_12 = arith.constant 0 : index
    %swap3A_13 = vector.load %arg4[%swap3A, %swap3A_12] : memref<512x128xf32, #tpu.memory_space<vmem>>, vector<512x128xf32>
    tpu.vector_store %arg4[%swap3A, %swap3A_12], %mul3A {strides = array<i32>} : memref<512x128xf32, #tpu.memory_space<vmem>>, vector<512x128xf32>,
    %mul3A_14 = arith.mulf %get3A_11, %get3A_11 : vector<512x128xf32>
    %mul3A_15 = arith.mulf %mul3A_14, %add3A : vector<512x128xf32>
    %swap3A_16 = arith.constant 0 : index
    %swap3A_17 = arith.constant 0 : index
    %swap3A_18 = vector.load %arg3[%swap3A_16, %swap3A_17] : memref<512x128xf32, #tpu.memory_space<vmem>>, vector<512x128xf32>
    tpu.vector_store %arg3[%swap3A_16, %swap3A_17], %mul3A_15 {strides = array<i32>} : memref<512x128xf32, #tpu.memory_space<vmem>>, vector<512x128xf32>,
    return
  }
  func.func @transform_0(%arg0: i32) -> (i32, i32, i32) {
    %c0_i32 = arith.constant 0 : i32
    %c0_i32_0 = arith.constant 0 : i32
    %c0_i32_1 = arith.constant 0 : i32
    return %c0_i32, %arg0, %c0_i32_0 : i32, i32, i32
  }
  func.func @transform_1(%arg0: i32) -> (i32, i32) {
    %c0_i32 = arith.constant 0 : i32
    %c0_i32_0 = arith.constant 0 : i32
    return %arg0, %c0_i32 : i32, i32
  }
  func.func @transform_2(%arg0: i32) -> (i32, i32) {
    %c0_i32 = arith.constant 0 : i32
    %c0_i32_0 = arith.constant 0 : i32
    return %arg0, %c0_i32 : i32, i32
  }
  func.func @transform_3(%arg0: i32) -> (i32, i32) {
    %c0_i32 = arith.constant 0 : i32
    %c0_i32_0 = arith.constant 0 : i32
    return %arg0, %c0_i32 : i32, i32
  }
}

module attributes {stable_mosaic.version = 14 : i64} {
  func.func @_layer_body(%arg0: i32, %arg1: memref<512x128xf32, #tpu.memory_space<vmem>>, %arg2: memref<512x128xf32, #tpu.memory_space<vmem>>, %arg3: memref<2x512x128xf32, #tpu.memory_space<vmem>>, %arg4: memref<512x128xf32, #tpu.memory_space<vmem>>, %arg5: memref<128x128xf32, #tpu.memory_space<vmem>>, %arg6: memref<128x128xf32, #tpu.memory_space<vmem>>, %arg7: memref<128x128xf32, #tpu.memory_space<vmem>>, %arg8: memref<1x128xf32, #tpu.memory_space<vmem>>, %arg9: memref<1x128xf32, #tpu.memory_space<vmem>>, %arg10: memref<512x128xf32, #tpu.memory_space<vmem>>, %arg11: memref<512x128xf32, #tpu.memory_space<vmem>>) attributes {dimension_semantics = [#tpu.dimension_semantics<arbitrary>], iteration_bounds = array<i64: 20>, scalar_prefetch = 0 : i64, scratch_operands = 0 : i64, tpu.core_type = #tpu.core_type<tc>, window_params = [{transform_indices = @transform_0, window_bounds = array<i64: 512, 128>}, {transform_indices = @transform_1, window_bounds = array<i64: 512, 128>}, {transform_indices = @transform_2, window_bounds = array<i64: 2, 512, 128>}, {transform_indices = @transform_3, window_bounds = array<i64: 512, 128>}, {pipeline_mode = #tpu.pipeline_mode<synchronous>, transform_indices = @transform_4, window_bounds = array<i64: 128, 128>}, {pipeline_mode = #tpu.pipeline_mode<synchronous>, transform_indices = @transform_5, window_bounds = array<i64: 128, 128>}, {pipeline_mode = #tpu.pipeline_mode<synchronous>, transform_indices = @transform_6, window_bounds = array<i64: 128, 128>}, {pipeline_mode = #tpu.pipeline_mode<synchronous>, transform_indices = @transform_7, window_bounds = array<i64: 1, 128>}, {pipeline_mode = #tpu.pipeline_mode<synchronous>, transform_indices = @transform_8, window_bounds = array<i64: 1, 128>}, {transform_indices = @transform_9, window_bounds = array<i64: 512, 128>}, {transform_indices = @transform_10, window_bounds = array<i64: 512, 128>}]} {
    %get3A = arith.constant 0 : index
    %get3A_0 = arith.constant 0 : index
    %get3A_1 = vector.load %arg4[%get3A, %get3A_0] : memref<512x128xf32, #tpu.memory_space<vmem>>, vector<512x128xf32>
    %get3A_2 = arith.constant 0 : index
    %get3A_3 = arith.constant 0 : index
    %get3A_4 = arith.constant 0 : index
    %get3A_5 = vector.load %arg3[%get3A_2, %get3A_3, %get3A_4] : memref<2x512x128xf32, #tpu.memory_space<vmem>>, vector<1x512x128xf32>
    %get3A_6 = vector.shape_cast %get3A_5 : vector<1x512x128xf32> to vector<512x128xf32>
    %get3A_7 = arith.constant 1 : index
    %get3A_8 = arith.constant 0 : index
    %get3A_9 = arith.constant 0 : index
    %get3A_10 = vector.load %arg3[%get3A_7, %get3A_8, %get3A_9] : memref<2x512x128xf32, #tpu.memory_space<vmem>>, vector<1x512x128xf32>
    %get3A_11 = vector.shape_cast %get3A_10 : vector<1x512x128xf32> to vector<512x128xf32>
    %add3A = arith.addf %get3A_6, %get3A_11 : vector<512x128xf32>
    %mul3A = arith.mulf %get3A_1, %add3A : vector<512x128xf32>
    %get3A_12 = arith.constant 0 : index
    %get3A_13 = arith.constant 0 : index
    %get3A_14 = vector.load %arg1[%get3A_12, %get3A_13] : memref<512x128xf32, #tpu.memory_space<vmem>>, vector<512x128xf32>
    %get3A_15 = arith.constant 0 : index
    %get3A_16 = arith.constant 0 : index
    %get3A_17 = vector.load %arg5[%get3A_15, %get3A_16] : memref<128x128xf32, #tpu.memory_space<vmem>>, vector<128x128xf32>
    %dot_general3A = arith.constant dense<0.000000e+00> : vector<512x128xf32>
    %dot_general3A_18 = tpu.matmul %get3A_14, %get3A_17, %dot_general3A {dimension_numbers = #tpu.dot_dimension_numbers<[1], [0], [0], [1], [0, 0, 1, 1], [], []>, transpose_lhs_hint = false} : vector<512x128xf32>, vector<128x128xf32>, vector<512x128xf32> -> vector<512x128xf32>
    %get3A_19 = arith.constant 0 : index
    %get3A_20 = arith.constant 0 : index
    %get3A_21 = vector.load %arg2[%get3A_19, %get3A_20] : memref<512x128xf32, #tpu.memory_space<vmem>>, vector<512x128xf32>
    %get3A_22 = arith.constant 0 : index
    %get3A_23 = arith.constant 0 : index
    %get3A_24 = vector.load %arg6[%get3A_22, %get3A_23] : memref<128x128xf32, #tpu.memory_space<vmem>>, vector<128x128xf32>
    %dot_general3A_25 = arith.constant dense<0.000000e+00> : vector<512x128xf32>
    %dot_general3A_26 = tpu.matmul %get3A_21, %get3A_24, %dot_general3A_25 {dimension_numbers = #tpu.dot_dimension_numbers<[1], [0], [0], [1], [0, 0, 1, 1], [], []>, transpose_lhs_hint = false} : vector<512x128xf32>, vector<128x128xf32>, vector<512x128xf32> -> vector<512x128xf32>
    %add3A_27 = arith.addf %dot_general3A_18, %dot_general3A_26 : vector<512x128xf32>
    %get3A_28 = arith.constant 0 : index
    %get3A_29 = arith.constant 0 : index
    %get3A_30 = vector.load %arg7[%get3A_28, %get3A_29] : memref<128x128xf32, #tpu.memory_space<vmem>>, vector<128x128xf32>
    %dot_general3A_31 = arith.constant dense<0.000000e+00> : vector<512x128xf32>
    %dot_general3A_32 = tpu.matmul %mul3A, %get3A_30, %dot_general3A_31 {dimension_numbers = #tpu.dot_dimension_numbers<[1], [0], [0], [1], [0, 0, 1, 1], [], []>, transpose_lhs_hint = false} : vector<512x128xf32>, vector<128x128xf32>, vector<512x128xf32> -> vector<512x128xf32>
    %add3A_33 = arith.addf %add3A_27, %dot_general3A_32 : vector<512x128xf32>
    %get3A_34 = arith.constant 0 : index
    %get3A_35 = arith.constant 0 : index
    %get3A_36 = vector.load %arg8[%get3A_34, %get3A_35] : memref<1x128xf32, #tpu.memory_space<vmem>>, vector<1x128xf32>
    %get3A_37 = arith.constant 0 : index
    %get3A_38 = arith.constant 0 : index
    %get3A_39 = vector.load %arg9[%get3A_37, %get3A_38] : memref<1x128xf32, #tpu.memory_space<vmem>>, vector<1x128xf32>
    %reduce_sum3A = arith.constant dense<0.000000e+00> : vector<512xf32>
    %reduce_sum3A_40 = vector.multi_reduction <add>, %add3A_33, %reduce_sum3A [1] : vector<512x128xf32> to vector<512xf32>
    %broadcast_in_dim3A = vector.shape_cast %reduce_sum3A_40 : vector<512xf32> to vector<512x1xf32>
    %div3A = arith.constant 1.280000e+02 : f32
    %div3A_41 = vector.broadcast %div3A : f32 to vector<512x1xf32>
    %div3A_42 = arith.divf %broadcast_in_dim3A, %div3A_41 : vector<512x1xf32>
    %sub3A = vector.broadcast %div3A_42 : vector<512x1xf32> to vector<512x128xf32>
    %sub3A_43 = arith.subf %add3A_33, %sub3A : vector<512x128xf32>
    %integer_pow3A = arith.mulf %sub3A_43, %sub3A_43 : vector<512x128xf32>
    %reduce_sum3A_44 = arith.constant dense<0.000000e+00> : vector<512xf32>
    %reduce_sum3A_45 = vector.multi_reduction <add>, %integer_pow3A, %reduce_sum3A_44 [1] : vector<512x128xf32> to vector<512xf32>
    %broadcast_in_dim3A_46 = vector.shape_cast %reduce_sum3A_45 : vector<512xf32> to vector<512x1xf32>
    %div3A_47 = arith.constant 1.280000e+02 : f32
    %div3A_48 = vector.broadcast %div3A_47 : f32 to vector<512x1xf32>
    %div3A_49 = arith.divf %broadcast_in_dim3A_46, %div3A_48 : vector<512x1xf32>
    %sub3A_50 = vector.broadcast %div3A_42 : vector<512x1xf32> to vector<512x128xf32>
    %sub3A_51 = arith.subf %add3A_33, %sub3A_50 : vector<512x128xf32>
    %add3A_52 = arith.constant 9.99999974E-6 : f32
    %add3A_53 = vector.broadcast %add3A_52 : f32 to vector<512x1xf32>
    %add3A_54 = arith.addf %div3A_49, %add3A_53 : vector<512x1xf32>
    %rsqrt3A = math.rsqrt %add3A_54 : vector<512x1xf32>
    %mul3A_55 = vector.broadcast %rsqrt3A : vector<512x1xf32> to vector<512x128xf32>
    %mul3A_56 = arith.mulf %sub3A_51, %mul3A_55 : vector<512x128xf32>
    %mul3A_57 = vector.broadcast %get3A_36 : vector<1x128xf32> to vector<512x128xf32>
    %mul3A_58 = arith.mulf %mul3A_56, %mul3A_57 : vector<512x128xf32>
    %add3A_59 = vector.broadcast %get3A_39 : vector<1x128xf32> to vector<512x128xf32>
    %add3A_60 = arith.addf %mul3A_58, %add3A_59 : vector<512x128xf32>
    %swap3A = arith.constant 0 : index
    %swap3A_61 = arith.constant 0 : index
    %swap3A_62 = vector.load %arg10[%swap3A, %swap3A_61] : memref<512x128xf32, #tpu.memory_space<vmem>>, vector<512x128xf32>
    tpu.vector_store %arg10[%swap3A, %swap3A_61], %add3A_60 {strides = array<i32>} : memref<512x128xf32, #tpu.memory_space<vmem>>, vector<512x128xf32>,
    %get3A_63 = arith.constant 0 : index
    %get3A_64 = arith.constant 0 : index
    %get3A_65 = vector.load %arg4[%get3A_63, %get3A_64] : memref<512x128xf32, #tpu.memory_space<vmem>>, vector<512x128xf32>
    %mul3A_66 = arith.mulf %get3A_65, %add3A_60 : vector<512x128xf32>
    %swap3A_67 = arith.constant 0 : index
    %swap3A_68 = arith.constant 0 : index
    %swap3A_69 = vector.load %arg11[%swap3A_67, %swap3A_68] : memref<512x128xf32, #tpu.memory_space<vmem>>, vector<512x128xf32>
    tpu.vector_store %arg11[%swap3A_67, %swap3A_68], %mul3A_66 {strides = array<i32>} : memref<512x128xf32, #tpu.memory_space<vmem>>, vector<512x128xf32>,
    return
  }
  func.func @transform_0(%arg0: i32) -> (i32, i32) {
    %c0_i32 = arith.constant 0 : i32
    %c0_i32_0 = arith.constant 0 : i32
    return %arg0, %c0_i32 : i32, i32
  }
  func.func @transform_1(%arg0: i32) -> (i32, i32) {
    %c0_i32 = arith.constant 0 : i32
    %c0_i32_0 = arith.constant 0 : i32
    return %arg0, %c0_i32 : i32, i32
  }
  func.func @transform_2(%arg0: i32) -> (i32, i32, i32) {
    %c0_i32 = arith.constant 0 : i32
    %c0_i32_0 = arith.constant 0 : i32
    %c0_i32_1 = arith.constant 0 : i32
    return %c0_i32, %arg0, %c0_i32_0 : i32, i32, i32
  }
  func.func @transform_3(%arg0: i32) -> (i32, i32) {
    %c0_i32 = arith.constant 0 : i32
    %c0_i32_0 = arith.constant 0 : i32
    return %arg0, %c0_i32 : i32, i32
  }
  func.func @transform_4(%arg0: i32) -> (i32, i32) {
    %c0_i32 = arith.constant 0 : i32
    %c0_i32_0 = arith.constant 0 : i32
    %c0_i32_1 = arith.constant 0 : i32
    return %c0_i32, %c0_i32_0 : i32, i32
  }
  func.func @transform_5(%arg0: i32) -> (i32, i32) {
    %c0_i32 = arith.constant 0 : i32
    %c0_i32_0 = arith.constant 0 : i32
    %c0_i32_1 = arith.constant 0 : i32
    return %c0_i32, %c0_i32_0 : i32, i32
  }
  func.func @transform_6(%arg0: i32) -> (i32, i32) {
    %c0_i32 = arith.constant 0 : i32
    %c0_i32_0 = arith.constant 0 : i32
    %c0_i32_1 = arith.constant 0 : i32
    return %c0_i32, %c0_i32_0 : i32, i32
  }
  func.func @transform_7(%arg0: i32) -> (i32, i32) {
    %c0_i32 = arith.constant 0 : i32
    %c0_i32_0 = arith.constant 0 : i32
    %c0_i32_1 = arith.constant 0 : i32
    return %c0_i32, %c0_i32_0 : i32, i32
  }
  func.func @transform_8(%arg0: i32) -> (i32, i32) {
    %c0_i32 = arith.constant 0 : i32
    %c0_i32_0 = arith.constant 0 : i32
    %c0_i32_1 = arith.constant 0 : i32
    return %c0_i32, %c0_i32_0 : i32, i32
  }
  func.func @transform_9(%arg0: i32) -> (i32, i32) {
    %c0_i32 = arith.constant 0 : i32
    %c0_i32_0 = arith.constant 0 : i32
    return %arg0, %c0_i32 : i32, i32
  }
  func.func @transform_10(%arg0: i32) -> (i32, i32) {
    %c0_i32 = arith.constant 0 : i32
    %c0_i32_0 = arith.constant 0 : i32
    return %arg0, %c0_i32 : i32, i32
  }
}

module attributes {stable_mosaic.version = 14 : i64} {
  func.func @_final_body(%arg0: i32, %arg1: memref<512x128xf32, #tpu.memory_space<vmem>>, %arg2: memref<512x128xf32, #tpu.memory_space<vmem>>, %arg3: memref<2x512x128xf32, #tpu.memory_space<vmem>>, %arg4: memref<512x128xf32, #tpu.memory_space<vmem>>, %arg5: memref<128x128xf32, #tpu.memory_space<vmem>>, %arg6: memref<128x128xf32, #tpu.memory_space<vmem>>, %arg7: memref<128x128xf32, #tpu.memory_space<vmem>>, %arg8: memref<1x128xf32, #tpu.memory_space<vmem>>, %arg9: memref<1x128xf32, #tpu.memory_space<vmem>>, %arg10: memref<128x128xf32, #tpu.memory_space<vmem>>, %arg11: memref<1x128xf32, #tpu.memory_space<vmem>>, %arg12: memref<512x128xf32, #tpu.memory_space<vmem>>) attributes {dimension_semantics = [#tpu.dimension_semantics<arbitrary>], iteration_bounds = array<i64: 20>, scalar_prefetch = 0 : i64, scratch_operands = 0 : i64, tpu.core_type = #tpu.core_type<tc>, window_params = [{transform_indices = @transform_0, window_bounds = array<i64: 512, 128>}, {transform_indices = @transform_1, window_bounds = array<i64: 512, 128>}, {transform_indices = @transform_2, window_bounds = array<i64: 2, 512, 128>}, {transform_indices = @transform_3, window_bounds = array<i64: 512, 128>}, {pipeline_mode = #tpu.pipeline_mode<synchronous>, transform_indices = @transform_4, window_bounds = array<i64: 128, 128>}, {pipeline_mode = #tpu.pipeline_mode<synchronous>, transform_indices = @transform_5, window_bounds = array<i64: 128, 128>}, {pipeline_mode = #tpu.pipeline_mode<synchronous>, transform_indices = @transform_6, window_bounds = array<i64: 128, 128>}, {pipeline_mode = #tpu.pipeline_mode<synchronous>, transform_indices = @transform_7, window_bounds = array<i64: 1, 128>}, {pipeline_mode = #tpu.pipeline_mode<synchronous>, transform_indices = @transform_8, window_bounds = array<i64: 1, 128>}, {pipeline_mode = #tpu.pipeline_mode<synchronous>, transform_indices = @transform_9, window_bounds = array<i64: 128, 128>}, {pipeline_mode = #tpu.pipeline_mode<synchronous>, transform_indices = @transform_10, window_bounds = array<i64: 1, 128>}, {transform_indices = @transform_11, window_bounds = array<i64: 512, 128>}]} {
    %get3A = arith.constant 0 : index
    %get3A_0 = arith.constant 0 : index
    %get3A_1 = vector.load %arg4[%get3A, %get3A_0] : memref<512x128xf32, #tpu.memory_space<vmem>>, vector<512x128xf32>
    %get3A_2 = arith.constant 0 : index
    %get3A_3 = arith.constant 0 : index
    %get3A_4 = arith.constant 0 : index
    %get3A_5 = vector.load %arg3[%get3A_2, %get3A_3, %get3A_4] : memref<2x512x128xf32, #tpu.memory_space<vmem>>, vector<1x512x128xf32>
    %get3A_6 = vector.shape_cast %get3A_5 : vector<1x512x128xf32> to vector<512x128xf32>
    %get3A_7 = arith.constant 1 : index
    %get3A_8 = arith.constant 0 : index
    %get3A_9 = arith.constant 0 : index
    %get3A_10 = vector.load %arg3[%get3A_7, %get3A_8, %get3A_9] : memref<2x512x128xf32, #tpu.memory_space<vmem>>, vector<1x512x128xf32>
    %get3A_11 = vector.shape_cast %get3A_10 : vector<1x512x128xf32> to vector<512x128xf32>
    %add3A = arith.addf %get3A_6, %get3A_11 : vector<512x128xf32>
    %mul3A = arith.mulf %get3A_1, %add3A : vector<512x128xf32>
    %get3A_12 = arith.constant 0 : index
    %get3A_13 = arith.constant 0 : index
    %get3A_14 = vector.load %arg1[%get3A_12, %get3A_13] : memref<512x128xf32, #tpu.memory_space<vmem>>, vector<512x128xf32>
    %get3A_15 = arith.constant 0 : index
    %get3A_16 = arith.constant 0 : index
    %get3A_17 = vector.load %arg5[%get3A_15, %get3A_16] : memref<128x128xf32, #tpu.memory_space<vmem>>, vector<128x128xf32>
    %dot_general3A = arith.constant dense<0.000000e+00> : vector<512x128xf32>
    %dot_general3A_18 = tpu.matmul %get3A_14, %get3A_17, %dot_general3A {dimension_numbers = #tpu.dot_dimension_numbers<[1], [0], [0], [1], [0, 0, 1, 1], [], []>, transpose_lhs_hint = false} : vector<512x128xf32>, vector<128x128xf32>, vector<512x128xf32> -> vector<512x128xf32>
    %get3A_19 = arith.constant 0 : index
    %get3A_20 = arith.constant 0 : index
    %get3A_21 = vector.load %arg2[%get3A_19, %get3A_20] : memref<512x128xf32, #tpu.memory_space<vmem>>, vector<512x128xf32>
    %get3A_22 = arith.constant 0 : index
    %get3A_23 = arith.constant 0 : index
    %get3A_24 = vector.load %arg6[%get3A_22, %get3A_23] : memref<128x128xf32, #tpu.memory_space<vmem>>, vector<128x128xf32>
    %dot_general3A_25 = arith.constant dense<0.000000e+00> : vector<512x128xf32>
    %dot_general3A_26 = tpu.matmul %get3A_21, %get3A_24, %dot_general3A_25 {dimension_numbers = #tpu.dot_dimension_numbers<[1], [0], [0], [1], [0, 0, 1, 1], [], []>, transpose_lhs_hint = false} : vector<512x128xf32>, vector<128x128xf32>, vector<512x128xf32> -> vector<512x128xf32>
    %add3A_27 = arith.addf %dot_general3A_18, %dot_general3A_26 : vector<512x128xf32>
    %get3A_28 = arith.constant 0 : index
    %get3A_29 = arith.constant 0 : index
    %get3A_30 = vector.load %arg7[%get3A_28, %get3A_29] : memref<128x128xf32, #tpu.memory_space<vmem>>, vector<128x128xf32>
    %dot_general3A_31 = arith.constant dense<0.000000e+00> : vector<512x128xf32>
    %dot_general3A_32 = tpu.matmul %mul3A, %get3A_30, %dot_general3A_31 {dimension_numbers = #tpu.dot_dimension_numbers<[1], [0], [0], [1], [0, 0, 1, 1], [], []>, transpose_lhs_hint = false} : vector<512x128xf32>, vector<128x128xf32>, vector<512x128xf32> -> vector<512x128xf32>
    %add3A_33 = arith.addf %add3A_27, %dot_general3A_32 : vector<512x128xf32>
    %get3A_34 = arith.constant 0 : index
    %get3A_35 = arith.constant 0 : index
    %get3A_36 = vector.load %arg8[%get3A_34, %get3A_35] : memref<1x128xf32, #tpu.memory_space<vmem>>, vector<1x128xf32>
    %get3A_37 = arith.constant 0 : index
    %get3A_38 = arith.constant 0 : index
    %get3A_39 = vector.load %arg9[%get3A_37, %get3A_38] : memref<1x128xf32, #tpu.memory_space<vmem>>, vector<1x128xf32>
    %reduce_sum3A = arith.constant dense<0.000000e+00> : vector<512xf32>
    %reduce_sum3A_40 = vector.multi_reduction <add>, %add3A_33, %reduce_sum3A [1] : vector<512x128xf32> to vector<512xf32>
    %broadcast_in_dim3A = vector.shape_cast %reduce_sum3A_40 : vector<512xf32> to vector<512x1xf32>
    %div3A = arith.constant 1.280000e+02 : f32
    %div3A_41 = vector.broadcast %div3A : f32 to vector<512x1xf32>
    %div3A_42 = arith.divf %broadcast_in_dim3A, %div3A_41 : vector<512x1xf32>
    %sub3A = vector.broadcast %div3A_42 : vector<512x1xf32> to vector<512x128xf32>
    %sub3A_43 = arith.subf %add3A_33, %sub3A : vector<512x128xf32>
    %integer_pow3A = arith.mulf %sub3A_43, %sub3A_43 : vector<512x128xf32>
    %reduce_sum3A_44 = arith.constant dense<0.000000e+00> : vector<512xf32>
    %reduce_sum3A_45 = vector.multi_reduction <add>, %integer_pow3A, %reduce_sum3A_44 [1] : vector<512x128xf32> to vector<512xf32>
    %broadcast_in_dim3A_46 = vector.shape_cast %reduce_sum3A_45 : vector<512xf32> to vector<512x1xf32>
    %div3A_47 = arith.constant 1.280000e+02 : f32
    %div3A_48 = vector.broadcast %div3A_47 : f32 to vector<512x1xf32>
    %div3A_49 = arith.divf %broadcast_in_dim3A_46, %div3A_48 : vector<512x1xf32>
    %sub3A_50 = vector.broadcast %div3A_42 : vector<512x1xf32> to vector<512x128xf32>
    %sub3A_51 = arith.subf %add3A_33, %sub3A_50 : vector<512x128xf32>
    %add3A_52 = arith.constant 9.99999974E-6 : f32
    %add3A_53 = vector.broadcast %add3A_52 : f32 to vector<512x1xf32>
    %add3A_54 = arith.addf %div3A_49, %add3A_53 : vector<512x1xf32>
    %rsqrt3A = math.rsqrt %add3A_54 : vector<512x1xf32>
    %mul3A_55 = vector.broadcast %rsqrt3A : vector<512x1xf32> to vector<512x128xf32>
    %mul3A_56 = arith.mulf %sub3A_51, %mul3A_55 : vector<512x128xf32>
    %mul3A_57 = vector.broadcast %get3A_36 : vector<1x128xf32> to vector<512x128xf32>
    %mul3A_58 = arith.mulf %mul3A_56, %mul3A_57 : vector<512x128xf32>
    %add3A_59 = vector.broadcast %get3A_39 : vector<1x128xf32> to vector<512x128xf32>
    %add3A_60 = arith.addf %mul3A_58, %add3A_59 : vector<512x128xf32>
    %get3A_61 = arith.constant 0 : index
    %get3A_62 = arith.constant 0 : index
    %get3A_63 = vector.load %arg10[%get3A_61, %get3A_62] : memref<128x128xf32, #tpu.memory_space<vmem>>, vector<128x128xf32>
    %dot_general3A_64 = arith.constant dense<0.000000e+00> : vector<512x128xf32>
    %dot_general3A_65 = tpu.matmul %add3A_60, %get3A_63, %dot_general3A_64 {dimension_numbers = #tpu.dot_dimension_numbers<[1], [0], [0], [1], [0, 0, 1, 1], [], []>, transpose_lhs_hint = false} : vector<512x128xf32>, vector<128x128xf32>, vector<512x128xf32> -> vector<512x128xf32>
    %get3A_66 = arith.constant 0 : index
    %get3A_67 = arith.constant 0 : index
    %get3A_68 = vector.load %arg11[%get3A_66, %get3A_67] : memref<1x128xf32, #tpu.memory_space<vmem>>, vector<1x128xf32>
    %add3A_69 = vector.broadcast %get3A_68 : vector<1x128xf32> to vector<512x128xf32>
    %add3A_70 = arith.addf %dot_general3A_65, %add3A_69 : vector<512x128xf32>
    %reduce_max3A = arith.constant dense<0xFF800000> : vector<512xf32>
    %reduce_max3A_71 = vector.multi_reduction <maximumf>, %add3A_70, %reduce_max3A [1] : vector<512x128xf32> to vector<512xf32>
    %broadcast_in_dim3A_72 = vector.shape_cast %reduce_max3A_71 : vector<512xf32> to vector<512x1xf32>
    %sub3A_73 = vector.broadcast %broadcast_in_dim3A_72 : vector<512x1xf32> to vector<512x128xf32>
    %sub3A_74 = arith.subf %add3A_70, %sub3A_73 : vector<512x128xf32>
    %exp3A = math.exp %sub3A_74 : vector<512x128xf32>
    %reduce_sum3A_75 = arith.constant dense<0.000000e+00> : vector<512xf32>
    %reduce_sum3A_76 = vector.multi_reduction <add>, %exp3A, %reduce_sum3A_75 [1] : vector<512x128xf32> to vector<512xf32>
    %broadcast_in_dim3A_77 = vector.shape_cast %reduce_sum3A_76 : vector<512xf32> to vector<512x1xf32>
    %log3A = math.log %broadcast_in_dim3A_77 : vector<512x1xf32>
    %add3A_78 = arith.addf %log3A, %broadcast_in_dim3A_72 : vector<512x1xf32>
    %sub3A_79 = vector.broadcast %add3A_78 : vector<512x1xf32> to vector<512x128xf32>
    %sub3A_80 = arith.subf %add3A_70, %sub3A_79 : vector<512x128xf32>
    %swap3A = arith.constant 0 : index
    %swap3A_81 = arith.constant 0 : index
    %swap3A_82 = vector.load %arg12[%swap3A, %swap3A_81] : memref<512x128xf32, #tpu.memory_space<vmem>>, vector<512x128xf32>
    tpu.vector_store %arg12[%swap3A, %swap3A_81], %sub3A_80 {strides = array<i32>} : memref<512x128xf32, #tpu.memory_space<vmem>>, vector<512x128xf32>,
    return
  }
  func.func @transform_0(%arg0: i32) -> (i32, i32) {
    %c0_i32 = arith.constant 0 : i32
    %c0_i32_0 = arith.constant 0 : i32
    return %arg0, %c0_i32 : i32, i32
  }
  func.func @transform_1(%arg0: i32) -> (i32, i32) {
    %c0_i32 = arith.constant 0 : i32
    %c0_i32_0 = arith.constant 0 : i32
    return %arg0, %c0_i32 : i32, i32
  }
  func.func @transform_2(%arg0: i32) -> (i32, i32, i32) {
    %c0_i32 = arith.constant 0 : i32
    %c0_i32_0 = arith.constant 0 : i32
    %c0_i32_1 = arith.constant 0 : i32
    return %c0_i32, %arg0, %c0_i32_0 : i32, i32, i32
  }
  func.func @transform_3(%arg0: i32) -> (i32, i32) {
    %c0_i32 = arith.constant 0 : i32
    %c0_i32_0 = arith.constant 0 : i32
    return %arg0, %c0_i32 : i32, i32
  }
  func.func @transform_4(%arg0: i32) -> (i32, i32) {
    %c0_i32 = arith.constant 0 : i32
    %c0_i32_0 = arith.constant 0 : i32
    %c0_i32_1 = arith.constant 0 : i32
    return %c0_i32, %c0_i32_0 : i32, i32
  }
  func.func @transform_5(%arg0: i32) -> (i32, i32) {
    %c0_i32 = arith.constant 0 : i32
    %c0_i32_0 = arith.constant 0 : i32
    %c0_i32_1 = arith.constant 0 : i32
    return %c0_i32, %c0_i32_0 : i32, i32
  }
  func.func @transform_6(%arg0: i32) -> (i32, i32) {
    %c0_i32 = arith.constant 0 : i32
    %c0_i32_0 = arith.constant 0 : i32
    %c0_i32_1 = arith.constant 0 : i32
    return %c0_i32, %c0_i32_0 : i32, i32
  }
  func.func @transform_7(%arg0: i32) -> (i32, i32) {
    %c0_i32 = arith.constant 0 : i32
    %c0_i32_0 = arith.constant 0 : i32
    %c0_i32_1 = arith.constant 0 : i32
    return %c0_i32, %c0_i32_0 : i32, i32
  }
  func.func @transform_8(%arg0: i32) -> (i32, i32) {
    %c0_i32 = arith.constant 0 : i32
    %c0_i32_0 = arith.constant 0 : i32
    %c0_i32_1 = arith.constant 0 : i32
    return %c0_i32, %c0_i32_0 : i32, i32
  }
  func.func @transform_9(%arg0: i32) -> (i32, i32) {
    %c0_i32 = arith.constant 0 : i32
    %c0_i32_0 = arith.constant 0 : i32
    %c0_i32_1 = arith.constant 0 : i32
    return %c0_i32, %c0_i32_0 : i32, i32
  }
  func.func @transform_10(%arg0: i32) -> (i32, i32) {
    %c0_i32 = arith.constant 0 : i32
    %c0_i32_0 = arith.constant 0 : i32
    %c0_i32_1 = arith.constant 0 : i32
    return %c0_i32, %c0_i32_0 : i32, i32
  }
  func.func @transform_11(%arg0: i32) -> (i32, i32) {
    %c0_i32 = arith.constant 0 : i32
    %c0_i32_0 = arith.constant 0 : i32
    return %arg0, %c0_i32 : i32, i32
  }
}

</mosaic_0001>

<sc_bundles>
// kernel: kernel.12.cloned.1.call-start
scs
__scs_entry_jumppad:
0x0: {  	(pc) =	sbr.rel $0x88, $3  }
0x1: {  	(tag) =	ssettag $0x0;
	lr =	simm.s32 $0x1  }
0x2: {  	[smem:$0x3F93] =	sst lr;
	_ =	strace $0xD0000000  }
0x3: {  	_ = 	snop  }
0x4: {  	_ = 	snop  }
0x5: {  	_ = 	snop  }
0x6: {  	_ = 	snop  }
0x7: {  	_ = 	snop  }
__scs_overlays_trampoline_lowered:
0x8: {  	[smem:$0x3FA2] =	sst s0  }
0x9: {  	[smem:$0x3FA3] =	sst s1  }
0xa: {  	[smem:$0x3FA4] =	sst s2  }
0xb: {  	[smem:$0x3FA5] =	sst s3  }
0xc: {  	[smem:$0x3FA6] =	sst s4  }
0xd: {  	[smem:$0x3FA7] =	sst s5  }
0xe: {  	[smem:$0x3FA8] =	sst s6  }
0xf: {  	[smem:$0x3FA9] =	sst s7  }
0x10: {  	[smem:$0x3FAA] =	sst s8  }
0x11: {  	[smem:$0x3FAB] =	sst s9;
	s0 =	simm.s32 @!p0 $0x0  }
0x12: {  	s1 =	sld [smem:$0x3F91];
	s0 =	simm.s32 @p0 $0x1  }
0x13: {  	[smem:$0x3FAC] =	sst s0;
	s0 =	simm.s32 @!p1 $0x0  }
0x14: {  	s2 =	sld [smem:$0x3F90];
	s0 =	simm.s32 @p1 $0x1  }
0x15: {  	[smem:$0x3FAD] =	sst s0;
	s0 =	simm.s32 @!p2 $0x0  }
0x16: {  	s3 =	sld [smem:$0x3FDB];
	s0 =	simm.s32 @p2 $0x1  }
0x17: {  	s4 =	simm.s32 $0x1BF5;
	[smem:$0x3FAF] =	sst s0  }
0x18: {  	s0 =	sld [smem:$0x3F92];
	_ =	swait.ge [sflag:s4], $0x0  }
0x19: {  	s7 =	sld [smem:$0x3F93]  }
0x1a: {  	s8 =	sadd.s32 $0xFFFFE003, lr  }
0x1b: {  	s9 =	sadd.s32 $0xFFFFFEF7, lr;
	s5 =	simm.s32 $0xFFFFFFFF;
	p2 =	slt.u32 s8, $0xFFFFF086  }
0x1c: {  	p1 =	slt.u32 s9, $0xF7A;
	s5 =	simm.s32 @!p2 $0x0  }
0x1d: {  	s5 =	simm.s32 @p1 $0x1;
	p0 =	seq.s32 s7, s2  }
0x1e: {  	s7 =	smul.u32 @!p0 $0xF7A, s2;
	p2 =	seq.s32 @!p0 s5, $0x0  }
0x1f: {  	s9 =	smul.u32 $0xF7A, s1;
	s8 =	simm.s32 @!p0 $0x1BF5;
	p2 =	por !p2, p0  }
0x20: {  	[sflag:s8] =	ssyncset.s32 @!p0 $0xFFFFF086;
	s6 =	sadd.s32 @!p0 s3, s7;
	s7 =	simm.s32 @!p0 $0x108  }
0x21: {  	s3 =	sadd.s32 s3, s9;
	s6 =	sadd.s32 @!p0 $0x88, s6;
	s7 =	simm.s32 @p2 $0x1082  }
0x22: {  	[simem:s7], [sflag:s8] =	dma.local @!p0 [hbm:s6], $0xF7A  }
0x23: {  	s9 =	sor.u32 $0xD0000000, s2;
	s6 =	simm.s32 $0x108;
	_ =	swait.ge @!p0 [sflag:s8], $0x0  }
0x24: {  	s3 =	sadd.s32 $0x88, s3;
	s6 =	simm.s32 @!p1 $0x1082;
	[sflag:s4] =	ssyncset.s32 $0xFFFFF086  }
0x25: {  	[simem:s6], [sflag:s4] =	dma.local [hbm:s3], $0xF7A  }
0x26: {  	[smem:$0x3F93] =	sst s1;
	(tag) =	ssettag s2;
	_ =	strace s9  }
0x27: {  	s1 =	sld [smem:$0x3FA3]  }
0x28: {  	s2 =	sld [smem:$0x3FA4]  }
0x29: {  	s4 =	sld [smem:$0x3FA6]  }
0x2a: {  	p0 =	seq.s32 s5, $0x0;
	s5 =	sld [smem:$0x3FA7]  }
0x2b: {  	s6 =	sld [smem:$0x3FA8]  }
0x2c: {  	s7 =	sld [smem:$0x3FA9]  }
0x2d: {  	s3 =	simm.s32 $0x108;
	s8 =	sld [smem:$0x3FAA]  }
0x2e: {  	s3 =	simm.s32 @!p0 $0x1082;
	s9 =	sld [smem:$0x3FAB]  }
0x2f: {  	lr =	sadd.s32 s0, s3;
	s0 =	sld [smem:$0x3FA2]  }
0x30: {  	s3 =	sld [smem:$0x3FA5]  }
0x31: {  	[smem:$0x3FAE] =	sst s10  }
0x32: {  	s10 =	sld [smem:$0x3FAC];
	_ =	sdelay $0x3  }
0x33: {  	p0 =	seq.s32 s10, $0x1;
	s10 =	sld [smem:$0x3FAE];
	_ =	sdelay $0x3  }
0x34: {  	[smem:$0x3FAE] =	sst s10  }
0x35: {  	s10 =	sld [smem:$0x3FAD];
	_ =	sdelay $0x3  }
0x36: {  	p1 =	seq.s32 s10, $0x1;
	s10 =	sld [smem:$0x3FAE];
	_ =	sdelay $0x3  }
0x37: {  	[smem:$0x3FAE] =	sst s10  }
0x38: {  	s10 =	sld [smem:$0x3FAF]  }
0x39: {  	_ = 	snop;
	(pc) =	sbr.ind lr, $3  }
0x3a: {  	_ = 	snop  }
0x3b: {  	_ = 	snop  }
0x3c: {  	p2 =	seq.s32 s10, $0x1;
	s10 =	sld [smem:$0x3FAE]  }
0x3d: {  	_ =	shalt  }
0x3e: {  	_ =	shalt  }
0x3f: {  	_ =	shalt  }
0x40: {  	_ =	shalt  }
0x41: {  	_ =	shalt  }
0x42: {  	_ =	shalt  }
0x43: {  	_ =	shalt  }
0x44: {  	_ =	shalt  }
0x45: {  	_ =	shalt  }
0x46: {  	_ =	shalt  }
0x47: {  	_ =	shalt  }
0x48: {  	_ =	shalt  }
0x49: {  	_ =	shalt  }
0x4a: {  	_ =	shalt  }
0x4b: {  	_ =	shalt  }
0x4c: {  	_ =	shalt  }
0x4d: {  	_ =	shalt  }
0x4e: {  	_ =	shalt  }
0x4f: {  	_ =	shalt  }
0x50: {  	_ =	shalt  }
0x51: {  	_ =	shalt  }
0x52: {  	_ =	shalt  }
0x53: {  	_ =	shalt  }
0x54: {  	_ =	shalt  }
0x55: {  	_ =	shalt  }
0x56: {  	_ =	shalt  }
0x57: {  	_ =	shalt  }
0x58: {  	_ =	shalt  }
0x59: {  	_ =	shalt  }
0x5a: {  	_ =	shalt  }
0x5b: {  	_ =	shalt  }
0x5c: {  	_ =	shalt  }
0x5d: {  	_ =	shalt  }
0x5e: {  	_ =	shalt  }
0x5f: {  	_ =	shalt  }
0x60: {  	_ =	shalt  }
0x61: {  	_ =	shalt  }
0x62: {  	_ =	shalt  }
0x63: {  	_ =	shalt  }
0x64: {  	_ =	shalt  }
0x65: {  	_ =	shalt  }
0x66: {  	_ =	shalt  }
0x67: {  	_ =	shalt  }
0x68: {  	_ =	shalt  }
0x69: {  	_ =	shalt  }
0x6a: {  	_ =	shalt  }
0x6b: {  	_ =	shalt  }
0x6c: {  	_ =	shalt  }
0x6d: {  	_ =	shalt  }
0x6e: {  	_ =	shalt  }
0x6f: {  	_ =	shalt  }
0x70: {  	_ =	shalt  }
0x71: {  	_ =	shalt  }
0x72: {  	_ =	shalt  }
0x73: {  	_ =	shalt  }
0x74: {  	_ =	shalt  }
0x75: {  	_ =	shalt  }
0x76: {  	_ =	shalt  }
0x77: {  	_ =	shalt  }
0x78: {  	_ =	shalt  }
0x79: {  	_ =	shalt  }
0x7a: {  	_ =	shalt  }
0x7b: {  	_ =	shalt  }
0x7c: {  	_ =	shalt  }
0x7d: {  	_ =	shalt  }
0x7e: {  	_ =	shalt  }
0x7f: {  	_ =	shalt  }
0x80: {  	_ =	shalt  }
0x81: {  	_ =	shalt  }
0x82: {  	_ =	shalt  }
0x83: {  	_ =	shalt  }
0x84: {  	_ =	shalt  }
0x85: {  	_ =	shalt  }
0x86: {  	_ =	shalt  }
0x87: {  	_ =	shalt  }
.Lfunc_end0:
.L_simem_size_0:
called_computation_lowered:
.L_overlay_start_0:
0x88: {  	s2 =	sld [smem:$0x3FD9]  }
0x89: {  	s3 =	sld [smem:$0x3FFE];
	_ =	sdelay $0x1  }
0x8a: {  	s1 =	srdreg.scid  }
0x8b: {  	s0 =	sand.u32 $0x1, s1  }
0x8c: {  	s17 =	sshll.u32 s0, $0xA;
	s2 =	sadd.s32 s3, s2  }
0x8d: {  	s2 =	sadd.s32 s2, s17  }
0x8e: {  	[smem:$0x3FBA] =	sst s2  }
0x8f: {  	_ = 	snop  }
0x90: {  	s2 =	sld [smem:$0x3FD0];
	(tm) =	ssettm $0x1  }
0x91: {  	s18 =	sld [smem:$0x3FFB];
	_ =	sdelay $0x3  }
0x92: {  	_ =	strace s18  }
0x93: {  	s3 =	sld [smem:$0x3FFC];
	_ =	sdelay $0x3  }
0x94: {  	_ =	strace s3  }
0x95: {  	s3 =	sld [smem:$0x3FFD];
	_ =	sdelay $0x3  }
0x96: {  	_ =	strace s3  }
0x97: {  	_ =	strace $0x8FFFFFFF  }
0x98: {  	s19 =	sld [smem:$0x3FDB];
	_ =	sdelay $0x1  }
0x99: {  	s4 =	simm.s32 $_scs_section_size  }
0x9a: {  	s5 =	simm.s32 $_size__tile_overlayer_lowered;
	s6 =	simm.s32 $_tile_overlayer_lowered  }
0x9b: {  	s22 =	simm.s32 $0x1BFF;
	s21 =	sshll.u32 s6, $0x1;
	s3 =	sadd.s32 s4, s19  }
0x9c: {  	s7 =	simm.s32 $0x0;
	s20 =	sshll.u32 s5, $0x1;
	s5 =	sadd.s32 s21, s3  }
0x9d: {  	[timem:s7], [sflag:s22] =	dma.local [hbm:s5], s20  }
0x9e: {  	_ =	swait.ge [sflag:s22], s20  }
0x9f: {  	s4 =	ssub.s32 $0x0, s20;
	[sflag:s22] =	ssyncset.done $0x0  }
0xa0: {  	[sflag:s22] =	ssyncadd.s32 s4;
	_ =	sdelay $0x1  }
0xa1: {  	s23 =	simm.s32 $0x1B8B  }
0xa2: {  	_ =	swait.ge [sflag:s23], $0x1  }
0xa3: {  	[sflag:s23] =	ssyncset.done $0x0  }
0xa4: {  	s25 =	simm.s32 $0x1B8E;
	s24 =	sld [smem:$0x3FFE];
	[sflag:s23] =	ssyncadd.s32 $0xFFFFFFFF  }
0xa5: {  	s26 =	simm.s32 $execute0_lowered;
	[smem:$0x3FD2] =	sst s25  }
0xa6: {  	s5 =	sshll.u32 s26, $0x1;
	_ =	strace $0x80000046;
	[dreg:$0x1] =	wrdreg $0xFFFFFFFF  }
0xa7: {  	s28 =	simm.s32 $_size_execute0_lowered;
	s3 =	sadd.s32 s3, s5;
	[dreg:$0x0] =	wrdreg $0x0  }
0xa8: {  	s5 =	sshll.u32 s28, $0x1;
	[dreg:$0x2] =	wrdreg s3  }
0xa9: {  	[dreg:$0x3] =	wrdreg s5  }
0xaa: {  	[dreg:$0x4] =	wrdreg $0xC0  }
0xab: {  	_ =	task [dreg:s7], $0x5FFFF  }
0xac: {  	[dreg:$0x1] =	wrdreg $0xFFFFFFFF  }
0xad: {  	[dreg:$0x0] =	wrdreg $0x60  }
0xae: {  	[dreg:$0x2] =	wrdreg s2  }
0xaf: {  	[dreg:$0x3] =	wrdreg s24  }
0xb0: {  	[dreg:$0x4] =	wrdreg $0x80800  }
0xb1: {  	[dreg:$0x5] =	wrdreg $0x9  }
0xb2: {  	_ =	task.clear_ibuf [dreg:s7], $0x6FFFF;
	_ =	strace $0x90000046  }
0xb3: {  	s29 =	simm.s32 $0x9;
	_ =	strace $0x80000048  }
0xb4: {  	_ =	swait.ge [sflag:s29], $0x1  }
0xb5: {  	[sflag:s29] =	ssyncadd.s32 $0xFFFFFFFF  }
0xb6: {  	_ =	strace $0x90000048  }
0xb7: {  	_ =	sfence  }
0xb8: {  	s30 =	sld [smem:$0x0];
	_ =	sdelay $0x2  }
0xb9: {  	s31 =	sshll.u32 s1, $0xD;
	s1 =	sshrl.u32 s1, $0x2  }
0xba: {  	s3 =	sand.u32 $0x4000, s31;
	s1 =	sadd.s32 s1, s30  }
0xbb: {  	s0 =	sor.u32 s3, s0;
	s1 =	sshll.u32 s1, $0x11  }
0xbc: {  	s0 =	sor.u32 s1, s0  }
0xbd: {  	s0 =	sadd.s32 $0x8F2B, s0  }
0xbe: {  	[sflag:s0] =	ssyncadd.remote.s32 $0x1  }
0xbf: {  	_ =	sfence.sel $0xFFFF  }
0xc0: {  	[dreg:$0x0] =	wrdreg $0xFFFFFFFF;
	(pc) =	sbr.abs _section_cstart, $3  }
0xc1: {  	[dreg:$0x1] =	wrdreg $0xFFFFFFFF  }
0xc2: {  	_ =	task.clear_ibuf [dreg:s7], $0x2FFFF;
	_ =	strace $0x9FFFFFFF  }
0xc3: {  	(tm) =	ssettm $0x7FFFFFFF  }
tec
execute0_lowered:
.L_overlay_start_1:
0x0: {  	(tag) =	ssettag $0x1  }
0x1: {  	s1 =	rddreg [dreg:$0x0]  }
0x2: {  	s7 =	rddreg [dreg:$0x1]  }
0x3: {  	s3 =	rddreg [dreg:$0x2]  }
0x4: {  	s0 =	rddreg [dreg:$0x3];
	s2 =	stileid.u32  }
0x5: {  	s4 =	simm.s32 $0x0;
	s6 =	srdreg.scid;
	s8 =	smul.u32 $0x50000, s2  }
0x6: {  	[smem:$0x7FF] =	sst s4;
	s12 =	smul.u32 $0x14000, s2  }
0x7: {  	s5 =	sadd.s32 $0x4E00, s7;
	s11 =	sand.u32 $0x1, s6;
	s21 =	smul.u32 $0x2800, s2  }
0x8: {  	s6 =	sadd.s32 $0x4600, s7;
	s17 =	sadd.s32 $0x5600, s7;
	s19 =	smul.u32 $0x140000, s11  }
0x9: {  	_ =	strace $0x80000047;
	s30 =	ssub.s32 $0x2, s11;
	s14 =	smul.u32 $0x28000, s11  }
0xa: {  	s9 =	sshrl.u32 s30, $0x1;
	s8 =	sshrl.u32 s8, $0x2;
	s13 =	sadd.s32 $0x4000, s12  }
0xb: {  	s15 =	sadd.s32 $0x8000, s12;
	s16 =	sadd.s32 $0xC000, s12;
	s20 =	sadd.s32 $0x10000, s12  }
0xc: {  	s18 =	ssub.s32 s30, s9;
	s7 =	sadd.s32 s8, s3;
	s8 =	sadd.s32 s13, s3  }
0xd: {  	s9 =	sadd.s32 s15, s3;
	s10 =	sadd.s32 s16, s3;
	s12 =	sadd.s32 s12, s19  }
0xe: {  	s11 =	sadd.s32 s20, s3;
	s23 =	sadd.s32 s19, s13;
	s15 =	sadd.s32 s19, s15  }
0xf: {  	s16 =	sadd.s32 s19, s16;
	s19 =	sadd.s32 s19, s20;
	s20 =	simm.s32 $0x1  }
0x10: {  	s22 =	sshrl.u32 s12, $0x3;
	s12 =	sadd.s32 s21, s14;
	s31 =	sshrl.u32 s23, $0x3  }
0x11: {  	s15 =	sshrl.u32 s15, $0x3;
	s16 =	sshrl.u32 s16, $0x3;
	s19 =	sshrl.u32 s19, $0x3  }
0x12: {  	s18 =	smax.u32 s18, $0x1;
	s21 =	simm.s32 $0x4080;
	s13 =	sadd.s32 s17, s22  }
0x13: {  	s14 =	sadd.s32 s17, s31;
	s15 =	sadd.s32 s17, s15;
	s16 =	sadd.s32 s17, s16  }
0x14: {  	s17 =	sadd.s32 s17, s19;
	s19 =	simm.s32 $0x80;
	s22 =	simm.s32 $0x0  }
.LBB2_1:
0x15: {  	[tilespmem:s19], [sflag:$0x1] =	stream.linear.gather [hbm4b:s5+s4], $0x4000, $0x38;
	[tilespmem:$0x1C080] =	vst v63  }
0x16: {  	_ =	swait.ge [sflag:s20], $0x4000  }
0x17: {  	[sflag:s20] =	ssyncset.done $0x0  }
0x18: {  	[sflag:s20] =	ssyncadd.s32 $0xFFFFC000  }
0x19: {  	[tilespmem:s21], [sflag:$0x1] =	stream.linear.gather [hbm4b:s6+s4], $0x4000, $0x38;
	[tilespmem:$0x1C080] =	vst v63  }
0x1a: {  	_ =	swait.ge [sflag:s20], $0x4000  }
0x1b: {  	[sflag:s20] =	ssyncset.done $0x0  }
0x1c: {  	[sflag:s20] =	ssyncadd.s32 $0xFFFFC000  }
0x1d: {  	[spmem:s7] =	stream.linear.scatter [tilespmem:s21], [sflag:$0x1], $0x4000, $0x38;
	[tilespmem:$0x1C080] =	vst v63  }
0x1e: {  	_ =	swait.ge [sflag:s20], $0x4000  }
0x1f: {  	[sflag:s20] =	ssyncset.done $0x0  }
0x20: {  	[sflag:s20] =	ssyncadd.s32 $0xFFFFC000  }
0x21: {  	[spmem:s8] =	stream.linear.scatter [tilespmem:s21], [sflag:$0x1], $0x4000, $0x38;
	[tilespmem:$0x1C080] =	vst v63  }
0x22: {  	_ =	swait.ge [sflag:s20], $0x4000  }
0x23: {  	[sflag:s20] =	ssyncset.done $0x0  }
0x24: {  	[sflag:s20] =	ssyncadd.s32 $0xFFFFC000  }
0x25: {  	[spmem:s9] =	stream.linear.scatter [tilespmem:s21], [sflag:$0x1], $0x4000, $0x38;
	[tilespmem:$0x1C080] =	vst v63  }
0x26: {  	_ =	swait.ge [sflag:s20], $0x4000  }
0x27: {  	[sflag:s20] =	ssyncset.done $0x0  }
0x28: {  	[sflag:s20] =	ssyncadd.s32 $0xFFFFC000  }
0x29: {  	[spmem:s10] =	stream.linear.scatter [tilespmem:s21], [sflag:$0x1], $0x4000, $0x38;
	[tilespmem:$0x1C080] =	vst v63  }
0x2a: {  	_ =	swait.ge [sflag:s20], $0x4000  }
0x2b: {  	[sflag:s20] =	ssyncset.done $0x0  }
0x2c: {  	s23 =	sand.u32 $0x3C00, s4;
	[sflag:s20] =	ssyncadd.s32 $0xFFFFC000  }
0x2d: {  	[spmem:s11] =	stream.linear.scatter [tilespmem:s21], [sflag:$0x1], $0x4000, $0x38;
	[tilespmem:$0x1C080] =	vst v63  }
0x2e: {  	s24 =	sand.u32 $0x380, s4;
	s23 =	sadd.s32 s23, s12;
	_ =	swait.ge [sflag:s20], $0x4000  }
0x2f: {  	s23 =	sor.u32 s24, s23;
	[sflag:s20] =	ssyncset.done $0x0  }
0x30: {  	s23 =	sshrl.u32 s23, $0x3;
	[sflag:s20] =	ssyncadd.s32 $0xFFFFC000  }
0x31: {  	s23 =	sadd.s32 s1, s23;
	[bflag:$0x0] =	sbarrier.arrive $0xFFFF  }
0x32: {  	[tilespmem:s4], [sflag:$0x1] =	stream.linear.gather [hbm4b:s23+s4], $0x80, $0x38;
	[tilespmem:$0x1C080] =	vst v63  }
0x33: {  	_ =	swait.ge [sflag:s20], $0x80  }
0x34: {  	s30 =	simm.s32 $0x80;
	[sflag:s20] =	ssyncset.done $0x0  }
0x35: {  	s31 =	sand.u32 $0x3C00, s30;
	[sflag:s20] =	ssyncadd.s32 $0xFFFFFF80  }
0x36: {  	[spmem:s3] =	stream.indirect.scatter.add.f32 [tilespmem:s19], [sflag:$0x1], $0x80, s4, s19, $0xb8;
	[tilespmem:$0x1C080] =	vst v63  }
0x37: {  	s25 =	sand.u32 $0x380, s30;
	s24 =	sadd.s32 s31, s12;
	_ =	swait.ge [sflag:s20], $0x4000  }
0x38: {  	s24 =	sor.u32 s25, s24;
	s23 =	simm.s32 $0x100;
	[sflag:s20] =	ssyncset.done $0x0  }
.LBB2_2:
0x39: {  	s24 =	sshrl.u32 s24, $0x3  }
0x3a: {  	[sflag:s20] =	ssyncadd.s32 $0xFFFFC000;
	s25 =	smov.u32 s23;
	s26 =	sadd.s32 $0x80, s23  }
0x3b: {  	p0 =	sne.s32 s23, $0x2700;
	s23 =	sadd.s32 s1, s24  }
0x3c: {  	[tilespmem:s4], [sflag:$0x1] =	stream.linear.gather [hbm4b:s23+s4], $0x80, $0x38;
	[tilespmem:$0x1C080] =	vst v63  }
0x3d: {  	_ =	swait.ge [sflag:s20], $0x80  }
.Ltmp0:
0x3e: {  	[sflag:s20] =	ssyncset.done $0x0;
	(pc) =	sbr.rel @p0 .LBB2_2-.Ltmp0, $4  }
0x3f: {  	s23 =	sand.u32 $0x3C00, s25;
	[sflag:s20] =	ssyncadd.s32 $0xFFFFFF80  }
0x40: {  	[spmem:s3] =	stream.indirect.scatter.add.f32 [tilespmem:s19], [sflag:$0x1], $0x80, s4, s19, $0xb8;
	[tilespmem:$0x1C080] =	vst v63  }
0x41: {  	s24 =	sand.u32 $0x380, s25;
	s23 =	sadd.s32 s23, s12;
	_ =	swait.ge [sflag:s20], $0x4000  }
0x42: {  	s24 =	sor.u32 s24, s23;
	s23 =	smov.u32 s26;
	[sflag:s20] =	ssyncset.done $0x0  }
0x43: {  	s23 =	sshrl.u32 s24, $0x3  }
0x44: {  	[sflag:s20] =	ssyncadd.s32 $0xFFFFC000;
	s23 =	sadd.s32 s1, s23  }
0x45: {  	[tilespmem:s4], [sflag:$0x1] =	stream.linear.gather [hbm4b:s23+s4], $0x80, $0x38;
	[tilespmem:$0x1C080] =	vst v63  }
0x46: {  	_ =	swait.ge [sflag:s20], $0x80  }
0x47: {  	[sflag:s20] =	ssyncset.done $0x0  }
0x48: {  	[sflag:s20] =	ssyncadd.s32 $0xFFFFFF80  }
0x49: {  	[spmem:s3] =	stream.indirect.scatter.add.f32 [tilespmem:s19], [sflag:$0x1], $0x80, s4, s19, $0xb8;
	[tilespmem:$0x1C080] =	vst v63  }
0x4a: {  	_ =	swait.ge [sflag:s20], $0x4000  }
0x4b: {  	[sflag:s20] =	ssyncset.done $0x0  }
0x4c: {  	[sflag:s20] =	ssyncadd.s32 $0xFFFFC000  }
0x4d: {  	[bflag:$0x0] =	sbarrier.arrive $0xFFFF  }
0x4e: {  	[tilespmem:s21], [sflag:$0x1] =	stream.linear.gather [spmem:s7], $0x4000, $0x38;
	[tilespmem:$0x1C080] =	vst v63  }
0x4f: {  	_ =	swait.ge [sflag:s20], $0x4000  }
0x50: {  	[sflag:s20] =	ssyncset.done $0x0  }
0x51: {  	[sflag:s20] =	ssyncadd.s32 $0xFFFFC000  }
0x52: {  	[hbm4b:s13+s4] =	stream.linear.scatter [tilespmem:s21], [sflag:$0x1], $0x4000, $0x38;
	[tilespmem:$0x1C080] =	vst v63  }
0x53: {  	_ =	swait.ge [sflag:s20], $0x4000  }
0x54: {  	[sflag:s20] =	ssyncset.done $0x0  }
0x55: {  	[sflag:s20] =	ssyncadd.s32 $0xFFFFC000  }
0x56: {  	[tilespmem:s21], [sflag:$0x1] =	stream.linear.gather [spmem:s8], $0x4000, $0x38;
	[tilespmem:$0x1C080] =	vst v63  }
0x57: {  	_ =	swait.ge [sflag:s20], $0x4000  }
0x58: {  	[sflag:s20] =	ssyncset.done $0x0  }
0x59: {  	[sflag:s20] =	ssyncadd.s32 $0xFFFFC000  }
0x5a: {  	[hbm4b:s14+s4] =	stream.linear.scatter [tilespmem:s21], [sflag:$0x1], $0x4000, $0x38;
	[tilespmem:$0x1C080] =	vst v63  }
0x5b: {  	_ =	swait.ge [sflag:s20], $0x4000  }
0x5c: {  	[sflag:s20] =	ssyncset.done $0x0  }
0x5d: {  	[sflag:s20] =	ssyncadd.s32 $0xFFFFC000  }
0x5e: {  	[tilespmem:s21], [sflag:$0x1] =	stream.linear.gather [spmem:s9], $0x4000, $0x38;
	[tilespmem:$0x1C080] =	vst v63  }
0x5f: {  	_ =	swait.ge [sflag:s20], $0x4000  }
0x60: {  	[sflag:s20] =	ssyncset.done $0x0  }
0x61: {  	[sflag:s20] =	ssyncadd.s32 $0xFFFFC000  }
0x62: {  	[hbm4b:s15+s4] =	stream.linear.scatter [tilespmem:s21], [sflag:$0x1], $0x4000, $0x38;
	[tilespmem:$0x1C080] =	vst v63  }
0x63: {  	_ =	swait.ge [sflag:s20], $0x4000  }
0x64: {  	[sflag:s20] =	ssyncset.done $0x0  }
0x65: {  	[sflag:s20] =	ssyncadd.s32 $0xFFFFC000  }
0x66: {  	[tilespmem:s21], [sflag:$0x1] =	stream.linear.gather [spmem:s10], $0x4000, $0x38;
	[tilespmem:$0x1C080] =	vst v63  }
0x67: {  	_ =	swait.ge [sflag:s20], $0x4000  }
0x68: {  	[sflag:s20] =	ssyncset.done $0x0  }
0x69: {  	[sflag:s20] =	ssyncadd.s32 $0xFFFFC000  }
0x6a: {  	[hbm4b:s16+s4] =	stream.linear.scatter [tilespmem:s21], [sflag:$0x1], $0x4000, $0x38;
	[tilespmem:$0x1C080] =	vst v63  }
0x6b: {  	_ =	swait.ge [sflag:s20], $0x4000  }
0x6c: {  	[sflag:s20] =	ssyncset.done $0x0  }
0x6d: {  	[sflag:s20] =	ssyncadd.s32 $0xFFFFC000  }
0x6e: {  	[tilespmem:s21], [sflag:$0x1] =	stream.linear.gather [spmem:s11], $0x4000, $0x38;
	[tilespmem:$0x1C080] =	vst v63  }
0x6f: {  	s22 =	sadd.s32 $0x1, s22;
	_ =	swait.ge [sflag:s20], $0x4000  }
0x70: {  	p0 =	sne.s32 s22, s18;
	[sflag:s20] =	ssyncset.done $0x0  }
.Ltmp1:
0x71: {  	[sflag:s20] =	ssyncadd.s32 $0xFFFFC000;
	(pc) =	sbr.rel @p0 .LBB2_1-.Ltmp1, $4  }
0x72: {  	[hbm4b:s17+s4] =	stream.linear.scatter [tilespmem:s21], [sflag:$0x1], $0x4000, $0x38;
	[tilespmem:$0x1C080] =	vst v63  }
0x73: {  	_ =	swait.ge [sflag:s20], $0x4000  }
0x74: {  	[sflag:s20] =	ssyncset.done $0x0  }
0x75: {  	[sflag:s20] =	ssyncadd.s32 $0xFFFFC000  }
0x76: {  	_ =	sfence.sel $0x180000  }
0x77: {  	[bflag:$0x0] =	sbarrier.arrive $0xFFFF  }
0x78: {  	p0 =	sne.s32 s2, $0x0;
	_ =	strace $0x90000047  }
0x79: {  	s0 =	sadd.s32 @!p0 $0x100000, s0;
	[bflag:$0x2] =	sbarrier.arrive $0xFFFF  }
0x7a: {  	[sflag:s0] =	ssyncadd.tile.s32 @!p0 $0x1;
	_ =	shalt  }
.Lfunc_end2:
_tile_overlayer_lowered:
.L_overlay_start_2:
0x7b: {  	(tag) =	ssettag $0x2  }
0x7c: {  	s0 =	rddreg [dreg:$0x0];
	s2 =	stileid.u32  }
0x7d: {  	s1 =	rddreg [dreg:$0x1];
	p0 =	sne.s32 s2, $0x0  }
0x7e: {  	s3 =	rddreg [dreg:$0x2];
	[bflag:$0x3] =	sbarrier.arrive $0xFFFF;
	s2 =	simm.s32 @!p0 $0x1C01  }
0x7f: {  	[timem:s3], [sflag:s2] =	dma.local @!p0 [hbm:s0], s1  }
0x80: {  	s0 =	simm.s32 @!p0 $0x1  }
0x81: {  	_ =	swait.ge @!p0 [sflag:s0], s1  }
0x82: {  	s1 =	ssub.s32 @!p0 $0x0, s1;
	[sflag:s0] =	ssyncset.done @!p0 $0x0  }
0x83: {  	[sflag:s0] =	ssyncadd.s32 @!p0 s1  }
0x84: {  	[bflag:$0x3] =	sbarrier.arrive $0xFFFF  }
0x85: {  	_ =	shalt  }

// kernel: kernel.15.cloned.1.call-start
scs
__scs_entry_jumppad:
0x0: {  	(pc) =	sbr.rel $0x88, $3  }
0x1: {  	(tag) =	ssettag $0x0;
	lr =	simm.s32 $0x1  }
0x2: {  	[smem:$0x3F93] =	sst lr;
	_ =	strace $0xD0000000  }
0x3: {  	_ = 	snop  }
0x4: {  	_ = 	snop  }
0x5: {  	_ = 	snop  }
0x6: {  	_ = 	snop  }
0x7: {  	_ = 	snop  }
__scs_overlays_trampoline_lowered:
0x8: {  	[smem:$0x3FA2] =	sst s0  }
0x9: {  	[smem:$0x3FA3] =	sst s1  }
0xa: {  	[smem:$0x3FA4] =	sst s2  }
0xb: {  	[smem:$0x3FA5] =	sst s3  }
0xc: {  	[smem:$0x3FA6] =	sst s4  }
0xd: {  	[smem:$0x3FA7] =	sst s5  }
0xe: {  	[smem:$0x3FA8] =	sst s6  }
0xf: {  	[smem:$0x3FA9] =	sst s7  }
0x10: {  	[smem:$0x3FAA] =	sst s8  }
0x11: {  	[smem:$0x3FAB] =	sst s9;
	s0 =	simm.s32 @!p0 $0x0  }
0x12: {  	s1 =	sld [smem:$0x3F91];
	s0 =	simm.s32 @p0 $0x1  }
0x13: {  	[smem:$0x3FAC] =	sst s0;
	s0 =	simm.s32 @!p1 $0x0  }
0x14: {  	s2 =	sld [smem:$0x3F90];
	s0 =	simm.s32 @p1 $0x1  }
0x15: {  	[smem:$0x3FAD] =	sst s0;
	s0 =	simm.s32 @!p2 $0x0  }
0x16: {  	s3 =	sld [smem:$0x3FDB];
	s0 =	simm.s32 @p2 $0x1  }
0x17: {  	s4 =	simm.s32 $0x1BF5;
	[smem:$0x3FAF] =	sst s0  }
0x18: {  	s0 =	sld [smem:$0x3F92];
	_ =	swait.ge [sflag:s4], $0x0  }
0x19: {  	s7 =	sld [smem:$0x3F93]  }
0x1a: {  	s8 =	sadd.s32 $0xFFFFE003, lr  }
0x1b: {  	s9 =	sadd.s32 $0xFFFFFEF7, lr;
	s5 =	simm.s32 $0xFFFFFFFF;
	p2 =	slt.u32 s8, $0xFFFFF086  }
0x1c: {  	p1 =	slt.u32 s9, $0xF7A;
	s5 =	simm.s32 @!p2 $0x0  }
0x1d: {  	s5 =	simm.s32 @p1 $0x1;
	p0 =	seq.s32 s7, s2  }
0x1e: {  	s7 =	smul.u32 @!p0 $0xF7A, s2;
	p2 =	seq.s32 @!p0 s5, $0x0  }
0x1f: {  	s9 =	smul.u32 $0xF7A, s1;
	s8 =	simm.s32 @!p0 $0x1BF5;
	p2 =	por !p2, p0  }
0x20: {  	[sflag:s8] =	ssyncset.s32 @!p0 $0xFFFFF086;
	s6 =	sadd.s32 @!p0 s3, s7;
	s7 =	simm.s32 @!p0 $0x108  }
0x21: {  	s3 =	sadd.s32 s3, s9;
	s6 =	sadd.s32 @!p0 $0x88, s6;
	s7 =	simm.s32 @p2 $0x1082  }
0x22: {  	[simem:s7], [sflag:s8] =	dma.local @!p0 [hbm:s6], $0xF7A  }
0x23: {  	s9 =	sor.u32 $0xD0000000, s2;
	s6 =	simm.s32 $0x108;
	_ =	swait.ge @!p0 [sflag:s8], $0x0  }
0x24: {  	s3 =	sadd.s32 $0x88, s3;
	s6 =	simm.s32 @!p1 $0x1082;
	[sflag:s4] =	ssyncset.s32 $0xFFFFF086  }
0x25: {  	[simem:s6], [sflag:s4] =	dma.local [hbm:s3], $0xF7A  }
0x26: {  	[smem:$0x3F93] =	sst s1;
	(tag) =	ssettag s2;
	_ =	strace s9  }
0x27: {  	s1 =	sld [smem:$0x3FA3]  }
0x28: {  	s2 =	sld [smem:$0x3FA4]  }
0x29: {  	s4 =	sld [smem:$0x3FA6]  }
0x2a: {  	p0 =	seq.s32 s5, $0x0;
	s5 =	sld [smem:$0x3FA7]  }
0x2b: {  	s6 =	sld [smem:$0x3FA8]  }
0x2c: {  	s7 =	sld [smem:$0x3FA9]  }
0x2d: {  	s3 =	simm.s32 $0x108;
	s8 =	sld [smem:$0x3FAA]  }
0x2e: {  	s3 =	simm.s32 @!p0 $0x1082;
	s9 =	sld [smem:$0x3FAB]  }
0x2f: {  	lr =	sadd.s32 s0, s3;
	s0 =	sld [smem:$0x3FA2]  }
0x30: {  	s3 =	sld [smem:$0x3FA5]  }
0x31: {  	[smem:$0x3FAE] =	sst s10  }
0x32: {  	s10 =	sld [smem:$0x3FAC];
	_ =	sdelay $0x3  }
0x33: {  	p0 =	seq.s32 s10, $0x1;
	s10 =	sld [smem:$0x3FAE];
	_ =	sdelay $0x3  }
0x34: {  	[smem:$0x3FAE] =	sst s10  }
0x35: {  	s10 =	sld [smem:$0x3FAD];
	_ =	sdelay $0x3  }
0x36: {  	p1 =	seq.s32 s10, $0x1;
	s10 =	sld [smem:$0x3FAE];
	_ =	sdelay $0x3  }
0x37: {  	[smem:$0x3FAE] =	sst s10  }
0x38: {  	s10 =	sld [smem:$0x3FAF]  }
0x39: {  	_ = 	snop;
	(pc) =	sbr.ind lr, $3  }
0x3a: {  	_ = 	snop  }
0x3b: {  	_ = 	snop  }
0x3c: {  	p2 =	seq.s32 s10, $0x1;
	s10 =	sld [smem:$0x3FAE]  }
0x3d: {  	_ =	shalt  }
0x3e: {  	_ =	shalt  }
0x3f: {  	_ =	shalt  }
0x40: {  	_ =	shalt  }
0x41: {  	_ =	shalt  }
0x42: {  	_ =	shalt  }
0x43: {  	_ =	shalt  }
0x44: {  	_ =	shalt  }
0x45: {  	_ =	shalt  }
0x46: {  	_ =	shalt  }
0x47: {  	_ =	shalt  }
0x48: {  	_ =	shalt  }
0x49: {  	_ =	shalt  }
0x4a: {  	_ =	shalt  }
0x4b: {  	_ =	shalt  }
0x4c: {  	_ =	shalt  }
0x4d: {  	_ =	shalt  }
0x4e: {  	_ =	shalt  }
0x4f: {  	_ =	shalt  }
0x50: {  	_ =	shalt  }
0x51: {  	_ =	shalt  }
0x52: {  	_ =	shalt  }
0x53: {  	_ =	shalt  }
0x54: {  	_ =	shalt  }
0x55: {  	_ =	shalt  }
0x56: {  	_ =	shalt  }
0x57: {  	_ =	shalt  }
0x58: {  	_ =	shalt  }
0x59: {  	_ =	shalt  }
0x5a: {  	_ =	shalt  }
0x5b: {  	_ =	shalt  }
0x5c: {  	_ =	shalt  }
0x5d: {  	_ =	shalt  }
0x5e: {  	_ =	shalt  }
0x5f: {  	_ =	shalt  }
0x60: {  	_ =	shalt  }
0x61: {  	_ =	shalt  }
0x62: {  	_ =	shalt  }
0x63: {  	_ =	shalt  }
0x64: {  	_ =	shalt  }
0x65: {  	_ =	shalt  }
0x66: {  	_ =	shalt  }
0x67: {  	_ =	shalt  }
0x68: {  	_ =	shalt  }
0x69: {  	_ =	shalt  }
0x6a: {  	_ =	shalt  }
0x6b: {  	_ =	shalt  }
0x6c: {  	_ =	shalt  }
0x6d: {  	_ =	shalt  }
0x6e: {  	_ =	shalt  }
0x6f: {  	_ =	shalt  }
0x70: {  	_ =	shalt  }
0x71: {  	_ =	shalt  }
0x72: {  	_ =	shalt  }
0x73: {  	_ =	shalt  }
0x74: {  	_ =	shalt  }
0x75: {  	_ =	shalt  }
0x76: {  	_ =	shalt  }
0x77: {  	_ =	shalt  }
0x78: {  	_ =	shalt  }
0x79: {  	_ =	shalt  }
0x7a: {  	_ =	shalt  }
0x7b: {  	_ =	shalt  }
0x7c: {  	_ =	shalt  }
0x7d: {  	_ =	shalt  }
0x7e: {  	_ =	shalt  }
0x7f: {  	_ =	shalt  }
0x80: {  	_ =	shalt  }
0x81: {  	_ =	shalt  }
0x82: {  	_ =	shalt  }
0x83: {  	_ =	shalt  }
0x84: {  	_ =	shalt  }
0x85: {  	_ =	shalt  }
0x86: {  	_ =	shalt  }
0x87: {  	_ =	shalt  }
.Lfunc_end0:
.L_simem_size_0:
called_computation.1_lowered:
.L_overlay_start_0:
0x88: {  	s2 =	sld [smem:$0x3FD9]  }
0x89: {  	s3 =	sld [smem:$0x3FFE];
	_ =	sdelay $0x1  }
0x8a: {  	s1 =	srdreg.scid  }
0x8b: {  	s0 =	sand.u32 $0x1, s1  }
0x8c: {  	s17 =	sshll.u32 s0, $0xA;
	s2 =	sadd.s32 s3, s2  }
0x8d: {  	s2 =	sadd.s32 s2, s17  }
0x8e: {  	[smem:$0x3FBA] =	sst s2  }
0x8f: {  	_ = 	snop  }
0x90: {  	s2 =	sld [smem:$0x3FD0];
	(tm) =	ssettm $0x1  }
0x91: {  	s18 =	sld [smem:$0x3FFB];
	_ =	sdelay $0x3  }
0x92: {  	_ =	strace s18  }
0x93: {  	s3 =	sld [smem:$0x3FFC];
	_ =	sdelay $0x3  }
0x94: {  	_ =	strace s3  }
0x95: {  	s3 =	sld [smem:$0x3FFD];
	_ =	sdelay $0x3  }
0x96: {  	_ =	strace s3  }
0x97: {  	_ =	strace $0x8FFFFFFF  }
0x98: {  	s19 =	sld [smem:$0x3FDB];
	_ =	sdelay $0x1  }
0x99: {  	s4 =	simm.s32 $_scs_section_size  }
0x9a: {  	s5 =	simm.s32 $_size__tile_overlayer_lowered;
	s6 =	simm.s32 $_tile_overlayer_lowered  }
0x9b: {  	s22 =	simm.s32 $0x1BFF;
	s21 =	sshll.u32 s6, $0x1;
	s3 =	sadd.s32 s4, s19  }
0x9c: {  	s7 =	simm.s32 $0x0;
	s20 =	sshll.u32 s5, $0x1;
	s5 =	sadd.s32 s21, s3  }
0x9d: {  	[timem:s7], [sflag:s22] =	dma.local [hbm:s5], s20  }
0x9e: {  	_ =	swait.ge [sflag:s22], s20  }
0x9f: {  	s4 =	ssub.s32 $0x0, s20;
	[sflag:s22] =	ssyncset.done $0x0  }
0xa0: {  	[sflag:s22] =	ssyncadd.s32 s4;
	_ =	sdelay $0x1  }
0xa1: {  	s23 =	simm.s32 $0x1B8B  }
0xa2: {  	_ =	swait.ge [sflag:s23], $0x1  }
0xa3: {  	[sflag:s23] =	ssyncset.done $0x0  }
0xa4: {  	s25 =	simm.s32 $0x1B8E;
	s24 =	sld [smem:$0x3FFE];
	[sflag:s23] =	ssyncadd.s32 $0xFFFFFFFF  }
0xa5: {  	s26 =	simm.s32 $execute0_lowered;
	[smem:$0x3FD2] =	sst s25  }
0xa6: {  	s5 =	sshll.u32 s26, $0x1;
	_ =	strace $0x80000049;
	[dreg:$0x1] =	wrdreg $0xFFFFFFFF  }
0xa7: {  	s28 =	simm.s32 $_size_execute0_lowered;
	s3 =	sadd.s32 s3, s5;
	[dreg:$0x0] =	wrdreg $0x0  }
0xa8: {  	s5 =	sshll.u32 s28, $0x1;
	[dreg:$0x2] =	wrdreg s3  }
0xa9: {  	[dreg:$0x3] =	wrdreg s5  }
0xaa: {  	[dreg:$0x4] =	wrdreg $0xC0  }
0xab: {  	_ =	task [dreg:s7], $0x5FFFF  }
0xac: {  	[dreg:$0x1] =	wrdreg $0xFFFFFFFF  }
0xad: {  	[dreg:$0x0] =	wrdreg $0x60  }
0xae: {  	[dreg:$0x2] =	wrdreg s24  }
0xaf: {  	[dreg:$0x3] =	wrdreg s2  }
0xb0: {  	[dreg:$0x4] =	wrdreg $0x41000  }
0xb1: {  	[dreg:$0x5] =	wrdreg $0x9  }
0xb2: {  	_ =	task.clear_ibuf [dreg:s7], $0x6FFFF;
	_ =	strace $0x90000049  }
0xb3: {  	s29 =	simm.s32 $0x9;
	_ =	strace $0x8000004B  }
0xb4: {  	_ =	swait.ge [sflag:s29], $0x1  }
0xb5: {  	[sflag:s29] =	ssyncadd.s32 $0xFFFFFFFF  }
0xb6: {  	_ =	strace $0x9000004B  }
0xb7: {  	_ =	sfence  }
0xb8: {  	s30 =	sld [smem:$0x0];
	_ =	sdelay $0x2  }
0xb9: {  	s31 =	sshll.u32 s1, $0xD;
	s1 =	sshrl.u32 s1, $0x2  }
0xba: {  	s3 =	sand.u32 $0x4000, s31;
	s1 =	sadd.s32 s1, s30  }
0xbb: {  	s0 =	sor.u32 s3, s0;
	s1 =	sshll.u32 s1, $0x11  }
0xbc: {  	s0 =	sor.u32 s1, s0  }
0xbd: {  	s0 =	sadd.s32 $0x8F2B, s0  }
0xbe: {  	[sflag:s0] =	ssyncadd.remote.s32 $0x1  }
0xbf: {  	_ =	sfence.sel $0xFFFF  }
0xc0: {  	[dreg:$0x0] =	wrdreg $0xFFFFFFFF;
	(pc) =	sbr.abs _section_cstart, $3  }
0xc1: {  	[dreg:$0x1] =	wrdreg $0xFFFFFFFF  }
0xc2: {  	_ =	task.clear_ibuf [dreg:s7], $0x2FFFF;
	_ =	strace $0x9FFFFFFF  }
0xc3: {  	(tm) =	ssettm $0x7FFFFFFF  }
tec
execute0_lowered:
.L_overlay_start_1:
0x0: {  	(tag) =	ssettag $0x1  }
0x1: {  	s8 =	rddreg [dreg:$0x0]  }
0x2: {  	s1 =	rddreg [dreg:$0x1]  }
0x3: {  	s2 =	rddreg [dreg:$0x2]  }
0x4: {  	s0 =	rddreg [dreg:$0x3]  }
0x5: {  	s4 =	simm.s32 $0x0;
	s6 =	srdreg.scid;
	s3 =	stileid.u32  }
0x6: {  	[smem:$0x7FF] =	sst s4;
	s9 =	smul.u32 $0x50000, s3  }
0x7: {  	s5 =	sadd.s32 $0x4E00, s8;
	s12 =	sand.u32 $0x1, s6;
	s13 =	smul.u32 $0x14000, s3  }
0x8: {  	s6 =	sadd.s32 $0x55600, s8;
	s7 =	sadd.s32 $0x4600, s8;
	s22 =	smul.u32 $0x2800, s3  }
0x9: {  	s18 =	sadd.s32 $0x5F600, s8;
	s10 =	ssub.s32 $0x2, s12;
	s20 =	smul.u32 $0x140000, s12  }
0xa: {  	_ =	strace $0x8000004A;
	s15 =	smul.u32 $0x28000, s12;
	s30 =	sshrl.u32 s10, $0x1  }
0xb: {  	s31 =	sshrl.u32 s9, $0x2;
	s14 =	sadd.s32 $0x4000, s13;
	s16 =	sadd.s32 $0x8000, s13  }
0xc: {  	s17 =	sadd.s32 $0xC000, s13;
	s21 =	sadd.s32 $0x10000, s13;
	s19 =	ssub.s32 s10, s30  }
0xd: {  	s8 =	sadd.s32 s31, s2;
	s9 =	sadd.s32 s14, s2;
	s10 =	sadd.s32 s16, s2  }
0xe: {  	s11 =	sadd.s32 s17, s2;
	s13 =	sadd.s32 s13, s20;
	s14 =	sadd.s32 s20, s14  }
0xf: {  	s12 =	sadd.s32 s21, s2;
	s16 =	sadd.s32 s20, s16;
	s17 =	sadd.s32 s20, s17  }
0x10: {  	s20 =	sadd.s32 s20, s21;
	s21 =	simm.s32 $0x2;
	s23 =	sshrl.u32 s13, $0x3  }
0x11: {  	s24 =	sshrl.u32 s14, $0x3;
	s13 =	sadd.s32 s22, s15;
	s16 =	sshrl.u32 s16, $0x3  }
0x12: {  	s17 =	sshrl.u32 s17, $0x3;
	s20 =	sshrl.u32 s20, $0x3;
	s19 =	smax.u32 s19, $0x1  }
0x13: {  	s22 =	simm.s32 $0x80;
	s14 =	sadd.s32 s18, s23;
	s15 =	sadd.s32 s18, s24  }
0x14: {  	s16 =	sadd.s32 s18, s16;
	s17 =	sadd.s32 s18, s17;
	s18 =	sadd.s32 s18, s20  }
0x15: {  	s20 =	simm.s32 $0x100;
	s23 =	simm.s32 $0x1;
	s24 =	simm.s32 $0x0  }
.LBB2_1:
0x16: {  	[tilespmem:s20], [sflag:$0x2] =	stream.linear.gather [hbm4b:s7+s4], $0x4000, $0x38;
	[tilespmem:$0x18100] =	vst v63  }
0x17: {  	_ =	swait.ge [sflag:s21], $0x4000  }
0x18: {  	[sflag:s21] =	ssyncset.done $0x0  }
0x19: {  	[sflag:s21] =	ssyncadd.s32 $0xFFFFC000  }
0x1a: {  	[spmem:s8] =	stream.linear.scatter [tilespmem:s20], [sflag:$0x2], $0x4000, $0x38;
	[tilespmem:$0x18100] =	vst v63  }
0x1b: {  	_ =	swait.ge [sflag:s21], $0x4000  }
0x1c: {  	[sflag:s21] =	ssyncset.done $0x0  }
0x1d: {  	[sflag:s21] =	ssyncadd.s32 $0xFFFFC000  }
0x1e: {  	[spmem:s9] =	stream.linear.scatter [tilespmem:s20], [sflag:$0x2], $0x4000, $0x38;
	[tilespmem:$0x18100] =	vst v63  }
0x1f: {  	_ =	swait.ge [sflag:s21], $0x4000  }
0x20: {  	[sflag:s21] =	ssyncset.done $0x0  }
0x21: {  	[sflag:s21] =	ssyncadd.s32 $0xFFFFC000  }
0x22: {  	[spmem:s10] =	stream.linear.scatter [tilespmem:s20], [sflag:$0x2], $0x4000, $0x38;
	[tilespmem:$0x18100] =	vst v63  }
0x23: {  	_ =	swait.ge [sflag:s21], $0x4000  }
0x24: {  	[sflag:s21] =	ssyncset.done $0x0  }
0x25: {  	[sflag:s21] =	ssyncadd.s32 $0xFFFFC000  }
0x26: {  	[spmem:s11] =	stream.linear.scatter [tilespmem:s20], [sflag:$0x2], $0x4000, $0x38;
	[tilespmem:$0x18100] =	vst v63  }
0x27: {  	_ =	swait.ge [sflag:s21], $0x4000  }
0x28: {  	[sflag:s21] =	ssyncset.done $0x0  }
0x29: {  	s25 =	sand.u32 $0x3C00, s4;
	[sflag:s21] =	ssyncadd.s32 $0xFFFFC000  }
0x2a: {  	[spmem:s12] =	stream.linear.scatter [tilespmem:s20], [sflag:$0x2], $0x4000, $0x38;
	[tilespmem:$0x18100] =	vst v63  }
0x2b: {  	s26 =	sand.u32 $0x380, s4;
	s25 =	sadd.s32 s25, s13;
	_ =	swait.ge [sflag:s21], $0x4000  }
0x2c: {  	s25 =	sor.u32 s26, s25;
	[sflag:s21] =	ssyncset.done $0x0  }
0x2d: {  	s25 =	sshrl.u32 s25, $0x3;
	[sflag:s21] =	ssyncadd.s32 $0xFFFFC000  }
0x2e: {  	s29 =	sadd.s32 s6, s25;
	[bflag:$0x0] =	sbarrier.arrive $0xFFFF  }
0x2f: {  	[tilespmem:s4], [sflag:$0x2] =	stream.linear.gather [hbm4b:s29+s4], $0x80, $0x38;
	[tilespmem:$0x18100] =	vst v63  }
0x30: {  	_ =	swait.ge [sflag:s21], $0x80  }
0x31: {  	[sflag:s21] =	ssyncset.done $0x0  }
0x32: {  	s25 =	sadd.s32 s1, s25;
	[sflag:s21] =	ssyncadd.s32 $0xFFFFFF80  }
0x33: {  	[tilespmem:s22], [sflag:$0x2] =	stream.linear.gather [hbm4b:s25+s4], $0x80, $0x38;
	[tilespmem:$0x18100] =	vst v63  }
0x34: {  	_ =	swait.ge [sflag:s21], $0x80  }
0x35: {  	[sflag:s21] =	ssyncset.done $0x0  }
0x36: {  	[sflag:s21] =	ssyncadd.s32 $0xFFFFFF80  }
0x37: {  	[tilespmem:s20], [sflag:$0x1] =	stream.indirect.gather [hbm4b:s5+s22], $0x80, s4, s22, $0xb8;
	[tilespmem:$0x18100] =	vst v63  }
0x38: {  	_ =	swait.ge [sflag:s23], $0x4000  }
0x39: {  	s30 =	simm.s32 $0x80;
	[sflag:s23] =	ssyncset.done $0x0  }
0x3a: {  	s31 =	sand.u32 $0x3C00, s30;
	[sflag:s23] =	ssyncadd.s32 $0xFFFFC000  }
0x3b: {  	[spmem:s2] =	stream.indirect.scatter.add.f32 [tilespmem:s20], [sflag:$0x2], $0x80, s22, s22, $0xb8;
	[tilespmem:$0x18100] =	vst v63  }
0x3c: {  	s28 =	sand.u32 $0x380, s30;
	s26 =	sadd.s32 s31, s13;
	_ =	swait.ge [sflag:s21], $0x4000  }
0x3d: {  	s26 =	sor.u32 s28, s26;
	s25 =	simm.s32 $0x100;
	[sflag:s21] =	ssyncset.done $0x0  }
.LBB2_2:
0x3e: {  	s26 =	sshrl.u32 s26, $0x3  }
0x3f: {  	[sflag:s21] =	ssyncadd.s32 $0xFFFFC000;
	s28 =	smov.u32 s25;
	s29 =	sadd.s32 $0x80, s25  }
0x40: {  	p0 =	sne.s32 s25, $0x2700;
	s25 =	sadd.s32 s6, s26  }
0x41: {  	[tilespmem:s4], [sflag:$0x2] =	stream.linear.gather [hbm4b:s25+s4], $0x80, $0x38;
	[tilespmem:$0x18100] =	vst v63  }
0x42: {  	_ =	swait.ge [sflag:s21], $0x80  }
0x43: {  	[sflag:s21] =	ssyncset.done $0x0  }
0x44: {  	s25 =	sadd.s32 s1, s26;
	[sflag:s21] =	ssyncadd.s32 $0xFFFFFF80  }
0x45: {  	[tilespmem:s22], [sflag:$0x2] =	stream.linear.gather [hbm4b:s25+s4], $0x80, $0x38;
	[tilespmem:$0x18100] =	vst v63  }
0x46: {  	_ =	swait.ge [sflag:s21], $0x80  }
0x47: {  	[sflag:s21] =	ssyncset.done $0x0  }
0x48: {  	[sflag:s21] =	ssyncadd.s32 $0xFFFFFF80  }
0x49: {  	[tilespmem:s20], [sflag:$0x1] =	stream.indirect.gather [hbm4b:s5+s22], $0x80, s4, s22, $0xb8;
	[tilespmem:$0x18100] =	vst v63  }
0x4a: {  	_ =	swait.ge [sflag:s23], $0x4000  }
.Ltmp0:
0x4b: {  	[sflag:s23] =	ssyncset.done $0x0;
	(pc) =	sbr.rel @p0 .LBB2_2-.Ltmp0, $4  }
0x4c: {  	s25 =	sand.u32 $0x3C00, s28;
	[sflag:s23] =	ssyncadd.s32 $0xFFFFC000  }
0x4d: {  	[spmem:s2] =	stream.indirect.scatter.add.f32 [tilespmem:s20], [sflag:$0x2], $0x80, s22, s22, $0xb8;
	[tilespmem:$0x18100] =	vst v63  }
0x4e: {  	s26 =	sand.u32 $0x380, s28;
	s25 =	sadd.s32 s25, s13;
	_ =	swait.ge [sflag:s21], $0x4000  }
0x4f: {  	s26 =	sor.u32 s26, s25;
	s25 =	smov.u32 s29;
	[sflag:s21] =	ssyncset.done $0x0  }
0x50: {  	s25 =	sshrl.u32 s26, $0x3  }
0x51: {  	[sflag:s21] =	ssyncadd.s32 $0xFFFFC000;
	s26 =	sadd.s32 s6, s25  }
0x52: {  	[tilespmem:s4], [sflag:$0x2] =	stream.linear.gather [hbm4b:s26+s4], $0x80, $0x38;
	[tilespmem:$0x18100] =	vst v63  }
0x53: {  	_ =	swait.ge [sflag:s21], $0x80  }
0x54: {  	[sflag:s21] =	ssyncset.done $0x0  }
0x55: {  	s25 =	sadd.s32 s1, s25;
	[sflag:s21] =	ssyncadd.s32 $0xFFFFFF80  }
0x56: {  	[tilespmem:s22], [sflag:$0x2] =	stream.linear.gather [hbm4b:s25+s4], $0x80, $0x38;
	[tilespmem:$0x18100] =	vst v63  }
0x57: {  	_ =	swait.ge [sflag:s21], $0x80  }
0x58: {  	[sflag:s21] =	ssyncset.done $0x0  }
0x59: {  	[sflag:s21] =	ssyncadd.s32 $0xFFFFFF80  }
0x5a: {  	[tilespmem:s20], [sflag:$0x1] =	stream.indirect.gather [hbm4b:s5+s22], $0x80, s4, s22, $0xb8;
	[tilespmem:$0x18100] =	vst v63  }
0x5b: {  	_ =	swait.ge [sflag:s23], $0x4000  }
0x5c: {  	[sflag:s23] =	ssyncset.done $0x0  }
0x5d: {  	[sflag:s23] =	ssyncadd.s32 $0xFFFFC000  }
0x5e: {  	[spmem:s2] =	stream.indirect.scatter.add.f32 [tilespmem:s20], [sflag:$0x2], $0x80, s22, s22, $0xb8;
	[tilespmem:$0x18100] =	vst v63  }
0x5f: {  	_ =	swait.ge [sflag:s21], $0x4000  }
0x60: {  	[sflag:s21] =	ssyncset.done $0x0  }
0x61: {  	[sflag:s21] =	ssyncadd.s32 $0xFFFFC000  }
0x62: {  	[bflag:$0x0] =	sbarrier.arrive $0xFFFF  }
0x63: {  	[tilespmem:s20], [sflag:$0x2] =	stream.linear.gather [spmem:s8], $0x4000, $0x38;
	[tilespmem:$0x18100] =	vst v63  }
0x64: {  	_ =	swait.ge [sflag:s21], $0x4000  }
0x65: {  	[sflag:s21] =	ssyncset.done $0x0  }
0x66: {  	[sflag:s21] =	ssyncadd.s32 $0xFFFFC000  }
0x67: {  	[hbm4b:s14+s4] =	stream.linear.scatter [tilespmem:s20], [sflag:$0x2], $0x4000, $0x38;
	[tilespmem:$0x18100] =	vst v63  }
0x68: {  	_ =	swait.ge [sflag:s21], $0x4000  }
0x69: {  	[sflag:s21] =	ssyncset.done $0x0  }
0x6a: {  	[sflag:s21] =	ssyncadd.s32 $0xFFFFC000  }
0x6b: {  	[tilespmem:s20], [sflag:$0x2] =	stream.linear.gather [spmem:s9], $0x4000, $0x38;
	[tilespmem:$0x18100] =	vst v63  }
0x6c: {  	_ =	swait.ge [sflag:s21], $0x4000  }
0x6d: {  	[sflag:s21] =	ssyncset.done $0x0  }
0x6e: {  	[sflag:s21] =	ssyncadd.s32 $0xFFFFC000  }
0x6f: {  	[hbm4b:s15+s4] =	stream.linear.scatter [tilespmem:s20], [sflag:$0x2], $0x4000, $0x38;
	[tilespmem:$0x18100] =	vst v63  }
0x70: {  	_ =	swait.ge [sflag:s21], $0x4000  }
0x71: {  	[sflag:s21] =	ssyncset.done $0x0  }
0x72: {  	[sflag:s21] =	ssyncadd.s32 $0xFFFFC000  }
0x73: {  	[tilespmem:s20], [sflag:$0x2] =	stream.linear.gather [spmem:s10], $0x4000, $0x38;
	[tilespmem:$0x18100] =	vst v63  }
0x74: {  	_ =	swait.ge [sflag:s21], $0x4000  }
0x75: {  	[sflag:s21] =	ssyncset.done $0x0  }
0x76: {  	[sflag:s21] =	ssyncadd.s32 $0xFFFFC000  }
0x77: {  	[hbm4b:s16+s4] =	stream.linear.scatter [tilespmem:s20], [sflag:$0x2], $0x4000, $0x38;
	[tilespmem:$0x18100] =	vst v63  }
0x78: {  	_ =	swait.ge [sflag:s21], $0x4000  }
0x79: {  	[sflag:s21] =	ssyncset.done $0x0  }
0x7a: {  	[sflag:s21] =	ssyncadd.s32 $0xFFFFC000  }
0x7b: {  	[tilespmem:s20], [sflag:$0x2] =	stream.linear.gather [spmem:s11], $0x4000, $0x38;
	[tilespmem:$0x18100] =	vst v63  }
0x7c: {  	_ =	swait.ge [sflag:s21], $0x4000  }
0x7d: {  	[sflag:s21] =	ssyncset.done $0x0  }
0x7e: {  	[sflag:s21] =	ssyncadd.s32 $0xFFFFC000  }
0x7f: {  	[hbm4b:s17+s4] =	stream.linear.scatter [tilespmem:s20], [sflag:$0x2], $0x4000, $0x38;
	[tilespmem:$0x18100] =	vst v63  }
0x80: {  	_ =	swait.ge [sflag:s21], $0x4000  }
0x81: {  	[sflag:s21] =	ssyncset.done $0x0  }
0x82: {  	[sflag:s21] =	ssyncadd.s32 $0xFFFFC000  }
0x83: {  	[tilespmem:s20], [sflag:$0x2] =	stream.linear.gather [spmem:s12], $0x4000, $0x38;
	[tilespmem:$0x18100] =	vst v63  }
0x84: {  	s24 =	sadd.s32 $0x1, s24;
	_ =	swait.ge [sflag:s21], $0x4000  }
0x85: {  	p0 =	sne.s32 s24, s19;
	[sflag:s21] =	ssyncset.done $0x0  }
.Ltmp1:
0x86: {  	[sflag:s21] =	ssyncadd.s32 $0xFFFFC000;
	(pc) =	sbr.rel @p0 .LBB2_1-.Ltmp1, $4  }
0x87: {  	[hbm4b:s18+s4] =	stream.linear.scatter [tilespmem:s20], [sflag:$0x2], $0x4000, $0x38;
	[tilespmem:$0x18100] =	vst v63  }
0x88: {  	_ =	swait.ge [sflag:s21], $0x4000  }
0x89: {  	[sflag:s21] =	ssyncset.done $0x0  }
0x8a: {  	[sflag:s21] =	ssyncadd.s32 $0xFFFFC000  }
0x8b: {  	_ =	sfence.sel $0x180000  }
0x8c: {  	[bflag:$0x0] =	sbarrier.arrive $0xFFFF  }
0x8d: {  	p0 =	sne.s32 s3, $0x0;
	_ =	strace $0x9000004A  }
0x8e: {  	s0 =	sadd.s32 @!p0 $0x100000, s0;
	[bflag:$0x2] =	sbarrier.arrive $0xFFFF  }
0x8f: {  	[sflag:s0] =	ssyncadd.tile.s32 @!p0 $0x1;
	_ =	shalt  }
.Lfunc_end2:
_tile_overlayer_lowered:
.L_overlay_start_2:
0x90: {  	(tag) =	ssettag $0x2  }
0x91: {  	s0 =	rddreg [dreg:$0x0];
	s2 =	stileid.u32  }
0x92: {  	s1 =	rddreg [dreg:$0x1];
	p0 =	sne.s32 s2, $0x0  }
0x93: {  	s3 =	rddreg [dreg:$0x2];
	[bflag:$0x3] =	sbarrier.arrive $0xFFFF;
	s2 =	simm.s32 @!p0 $0x1C02  }
0x94: {  	[timem:s3], [sflag:s2] =	dma.local @!p0 [hbm:s0], s1  }
0x95: {  	s0 =	simm.s32 @!p0 $0x2  }
0x96: {  	_ =	swait.ge @!p0 [sflag:s0], s1  }
0x97: {  	s1 =	ssub.s32 @!p0 $0x0, s1;
	[sflag:s0] =	ssyncset.done @!p0 $0x0  }
0x98: {  	[sflag:s0] =	ssyncadd.s32 @!p0 s1  }
0x99: {  	[bflag:$0x3] =	sbarrier.arrive $0xFFFF  }
0x9a: {  	_ =	shalt  }

// kernel: kernel.18.cloned.1.call-start
scs
__scs_entry_jumppad:
0x0: {  	(pc) =	sbr.rel $0x88, $3  }
0x1: {  	(tag) =	ssettag $0x0;
	lr =	simm.s32 $0x1  }
0x2: {  	[smem:$0x3F93] =	sst lr;
	_ =	strace $0xD0000000  }
0x3: {  	_ = 	snop  }
0x4: {  	_ = 	snop  }
0x5: {  	_ = 	snop  }
0x6: {  	_ = 	snop  }
0x7: {  	_ = 	snop  }
__scs_overlays_trampoline_lowered:
0x8: {  	[smem:$0x3FA2] =	sst s0  }
0x9: {  	[smem:$0x3FA3] =	sst s1  }
0xa: {  	[smem:$0x3FA4] =	sst s2  }
0xb: {  	[smem:$0x3FA5] =	sst s3  }
0xc: {  	[smem:$0x3FA6] =	sst s4  }
0xd: {  	[smem:$0x3FA7] =	sst s5  }
0xe: {  	[smem:$0x3FA8] =	sst s6  }
0xf: {  	[smem:$0x3FA9] =	sst s7  }
0x10: {  	[smem:$0x3FAA] =	sst s8  }
0x11: {  	[smem:$0x3FAB] =	sst s9;
	s0 =	simm.s32 @!p0 $0x0  }
0x12: {  	s1 =	sld [smem:$0x3F91];
	s0 =	simm.s32 @p0 $0x1  }
0x13: {  	[smem:$0x3FAC] =	sst s0;
	s0 =	simm.s32 @!p1 $0x0  }
0x14: {  	s2 =	sld [smem:$0x3F90];
	s0 =	simm.s32 @p1 $0x1  }
0x15: {  	[smem:$0x3FAD] =	sst s0;
	s0 =	simm.s32 @!p2 $0x0  }
0x16: {  	s3 =	sld [smem:$0x3FDB];
	s0 =	simm.s32 @p2 $0x1  }
0x17: {  	s4 =	simm.s32 $0x1BF5;
	[smem:$0x3FAF] =	sst s0  }
0x18: {  	s0 =	sld [smem:$0x3F92];
	_ =	swait.ge [sflag:s4], $0x0  }
0x19: {  	s7 =	sld [smem:$0x3F93]  }
0x1a: {  	s8 =	sadd.s32 $0xFFFFE003, lr  }
0x1b: {  	s9 =	sadd.s32 $0xFFFFFEF7, lr;
	s5 =	simm.s32 $0xFFFFFFFF;
	p2 =	slt.u32 s8, $0xFFFFF086  }
0x1c: {  	p1 =	slt.u32 s9, $0xF7A;
	s5 =	simm.s32 @!p2 $0x0  }
0x1d: {  	s5 =	simm.s32 @p1 $0x1;
	p0 =	seq.s32 s7, s2  }
0x1e: {  	s7 =	smul.u32 @!p0 $0xF7A, s2;
	p2 =	seq.s32 @!p0 s5, $0x0  }
0x1f: {  	s9 =	smul.u32 $0xF7A, s1;
	s8 =	simm.s32 @!p0 $0x1BF5;
	p2 =	por !p2, p0  }
0x20: {  	[sflag:s8] =	ssyncset.s32 @!p0 $0xFFFFF086;
	s6 =	sadd.s32 @!p0 s3, s7;
	s7 =	simm.s32 @!p0 $0x108  }
0x21: {  	s3 =	sadd.s32 s3, s9;
	s6 =	sadd.s32 @!p0 $0x88, s6;
	s7 =	simm.s32 @p2 $0x1082  }
0x22: {  	[simem:s7], [sflag:s8] =	dma.local @!p0 [hbm:s6], $0xF7A  }
0x23: {  	s9 =	sor.u32 $0xD0000000, s2;
	s6 =	simm.s32 $0x108;
	_ =	swait.ge @!p0 [sflag:s8], $0x0  }
0x24: {  	s3 =	sadd.s32 $0x88, s3;
	s6 =	simm.s32 @!p1 $0x1082;
	[sflag:s4] =	ssyncset.s32 $0xFFFFF086  }
0x25: {  	[simem:s6], [sflag:s4] =	dma.local [hbm:s3], $0xF7A  }
0x26: {  	[smem:$0x3F93] =	sst s1;
	(tag) =	ssettag s2;
	_ =	strace s9  }
0x27: {  	s1 =	sld [smem:$0x3FA3]  }
0x28: {  	s2 =	sld [smem:$0x3FA4]  }
0x29: {  	s4 =	sld [smem:$0x3FA6]  }
0x2a: {  	p0 =	seq.s32 s5, $0x0;
	s5 =	sld [smem:$0x3FA7]  }
0x2b: {  	s6 =	sld [smem:$0x3FA8]  }
0x2c: {  	s7 =	sld [smem:$0x3FA9]  }
0x2d: {  	s3 =	simm.s32 $0x108;
	s8 =	sld [smem:$0x3FAA]  }
0x2e: {  	s3 =	simm.s32 @!p0 $0x1082;
	s9 =	sld [smem:$0x3FAB]  }
0x2f: {  	lr =	sadd.s32 s0, s3;
	s0 =	sld [smem:$0x3FA2]  }
0x30: {  	s3 =	sld [smem:$0x3FA5]  }
0x31: {  	[smem:$0x3FAE] =	sst s10  }
0x32: {  	s10 =	sld [smem:$0x3FAC];
	_ =	sdelay $0x3  }
0x33: {  	p0 =	seq.s32 s10, $0x1;
	s10 =	sld [smem:$0x3FAE];
	_ =	sdelay $0x3  }
0x34: {  	[smem:$0x3FAE] =	sst s10  }
0x35: {  	s10 =	sld [smem:$0x3FAD];
	_ =	sdelay $0x3  }
0x36: {  	p1 =	seq.s32 s10, $0x1;
	s10 =	sld [smem:$0x3FAE];
	_ =	sdelay $0x3  }
0x37: {  	[smem:$0x3FAE] =	sst s10  }
0x38: {  	s10 =	sld [smem:$0x3FAF]  }
0x39: {  	_ = 	snop;
	(pc) =	sbr.ind lr, $3  }
0x3a: {  	_ = 	snop  }
0x3b: {  	_ = 	snop  }
0x3c: {  	p2 =	seq.s32 s10, $0x1;
	s10 =	sld [smem:$0x3FAE]  }
0x3d: {  	_ =	shalt  }
0x3e: {  	_ =	shalt  }
0x3f: {  	_ =	shalt  }
0x40: {  	_ =	shalt  }
0x41: {  	_ =	shalt  }
0x42: {  	_ =	shalt  }
0x43: {  	_ =	shalt  }
0x44: {  	_ =	shalt  }
0x45: {  	_ =	shalt  }
0x46: {  	_ =	shalt  }
0x47: {  	_ =	shalt  }
0x48: {  	_ =	shalt  }
0x49: {  	_ =	shalt  }
0x4a: {  	_ =	shalt  }
0x4b: {  	_ =	shalt  }
0x4c: {  	_ =	shalt  }
0x4d: {  	_ =	shalt  }
0x4e: {  	_ =	shalt  }
0x4f: {  	_ =	shalt  }
0x50: {  	_ =	shalt  }
0x51: {  	_ =	shalt  }
0x52: {  	_ =	shalt  }
0x53: {  	_ =	shalt  }
0x54: {  	_ =	shalt  }
0x55: {  	_ =	shalt  }
0x56: {  	_ =	shalt  }
0x57: {  	_ =	shalt  }
0x58: {  	_ =	shalt  }
0x59: {  	_ =	shalt  }
0x5a: {  	_ =	shalt  }
0x5b: {  	_ =	shalt  }
0x5c: {  	_ =	shalt  }
0x5d: {  	_ =	shalt  }
0x5e: {  	_ =	shalt  }
0x5f: {  	_ =	shalt  }
0x60: {  	_ =	shalt  }
0x61: {  	_ =	shalt  }
0x62: {  	_ =	shalt  }
0x63: {  	_ =	shalt  }
0x64: {  	_ =	shalt  }
0x65: {  	_ =	shalt  }
0x66: {  	_ =	shalt  }
0x67: {  	_ =	shalt  }
0x68: {  	_ =	shalt  }
0x69: {  	_ =	shalt  }
0x6a: {  	_ =	shalt  }
0x6b: {  	_ =	shalt  }
0x6c: {  	_ =	shalt  }
0x6d: {  	_ =	shalt  }
0x6e: {  	_ =	shalt  }
0x6f: {  	_ =	shalt  }
0x70: {  	_ =	shalt  }
0x71: {  	_ =	shalt  }
0x72: {  	_ =	shalt  }
0x73: {  	_ =	shalt  }
0x74: {  	_ =	shalt  }
0x75: {  	_ =	shalt  }
0x76: {  	_ =	shalt  }
0x77: {  	_ =	shalt  }
0x78: {  	_ =	shalt  }
0x79: {  	_ =	shalt  }
0x7a: {  	_ =	shalt  }
0x7b: {  	_ =	shalt  }
0x7c: {  	_ =	shalt  }
0x7d: {  	_ =	shalt  }
0x7e: {  	_ =	shalt  }
0x7f: {  	_ =	shalt  }
0x80: {  	_ =	shalt  }
0x81: {  	_ =	shalt  }
0x82: {  	_ =	shalt  }
0x83: {  	_ =	shalt  }
0x84: {  	_ =	shalt  }
0x85: {  	_ =	shalt  }
0x86: {  	_ =	shalt  }
0x87: {  	_ =	shalt  }
.Lfunc_end0:
.L_simem_size_0:
called_computation.2_lowered:
.L_overlay_start_0:
0x88: {  	s2 =	sld [smem:$0x3FD9]  }
0x89: {  	s3 =	sld [smem:$0x3FFE];
	_ =	sdelay $0x1  }
0x8a: {  	s1 =	srdreg.scid  }
0x8b: {  	s0 =	sand.u32 $0x1, s1  }
0x8c: {  	s17 =	sshll.u32 s0, $0xA;
	s2 =	sadd.s32 s3, s2  }
0x8d: {  	s2 =	sadd.s32 s2, s17  }
0x8e: {  	[smem:$0x3FBA] =	sst s2  }
0x8f: {  	_ = 	snop  }
0x90: {  	s2 =	sld [smem:$0x3FD0];
	(tm) =	ssettm $0x1  }
0x91: {  	s18 =	sld [smem:$0x3FFB];
	_ =	sdelay $0x3  }
0x92: {  	_ =	strace s18  }
0x93: {  	s3 =	sld [smem:$0x3FFC];
	_ =	sdelay $0x3  }
0x94: {  	_ =	strace s3  }
0x95: {  	s3 =	sld [smem:$0x3FFD];
	_ =	sdelay $0x3  }
0x96: {  	_ =	strace s3  }
0x97: {  	_ =	strace $0x8FFFFFFF  }
0x98: {  	s19 =	sld [smem:$0x3FDB];
	_ =	sdelay $0x1  }
0x99: {  	s4 =	simm.s32 $_scs_section_size  }
0x9a: {  	s5 =	simm.s32 $_size__tile_overlayer_lowered;
	s6 =	simm.s32 $_tile_overlayer_lowered  }
0x9b: {  	s22 =	simm.s32 $0x1BFF;
	s21 =	sshll.u32 s6, $0x1;
	s3 =	sadd.s32 s4, s19  }
0x9c: {  	s7 =	simm.s32 $0x0;
	s20 =	sshll.u32 s5, $0x1;
	s5 =	sadd.s32 s21, s3  }
0x9d: {  	[timem:s7], [sflag:s22] =	dma.local [hbm:s5], s20  }
0x9e: {  	_ =	swait.ge [sflag:s22], s20  }
0x9f: {  	s4 =	ssub.s32 $0x0, s20;
	[sflag:s22] =	ssyncset.done $0x0  }
0xa0: {  	[sflag:s22] =	ssyncadd.s32 s4;
	_ =	sdelay $0x1  }
0xa1: {  	s23 =	simm.s32 $0x1B8B  }
0xa2: {  	_ =	swait.ge [sflag:s23], $0x1  }
0xa3: {  	[sflag:s23] =	ssyncset.done $0x0  }
0xa4: {  	s25 =	simm.s32 $0x1B8E;
	s24 =	sld [smem:$0x3FFE];
	[sflag:s23] =	ssyncadd.s32 $0xFFFFFFFF  }
0xa5: {  	s26 =	simm.s32 $execute0_lowered;
	[smem:$0x3FD2] =	sst s25  }
0xa6: {  	s5 =	sshll.u32 s26, $0x1;
	_ =	strace $0x8000004C;
	[dreg:$0x1] =	wrdreg $0xFFFFFFFF  }
0xa7: {  	s28 =	simm.s32 $_size_execute0_lowered;
	s3 =	sadd.s32 s3, s5;
	[dreg:$0x0] =	wrdreg $0x0  }
0xa8: {  	s5 =	sshll.u32 s28, $0x1;
	[dreg:$0x2] =	wrdreg s3  }
0xa9: {  	[dreg:$0x3] =	wrdreg s5  }
0xaa: {  	[dreg:$0x4] =	wrdreg $0xC0  }
0xab: {  	_ =	task [dreg:s7], $0x5FFFF  }
0xac: {  	[dreg:$0x1] =	wrdreg $0xFFFFFFFF  }
0xad: {  	[dreg:$0x0] =	wrdreg $0x60  }
0xae: {  	[dreg:$0x2] =	wrdreg s24  }
0xaf: {  	[dreg:$0x3] =	wrdreg s2  }
0xb0: {  	[dreg:$0x4] =	wrdreg $0x41000  }
0xb1: {  	[dreg:$0x5] =	wrdreg $0x9  }
0xb2: {  	_ =	task.clear_ibuf [dreg:s7], $0x6FFFF;
	_ =	strace $0x9000004C  }
0xb3: {  	s29 =	simm.s32 $0x9;
	_ =	strace $0x8000004E  }
0xb4: {  	_ =	swait.ge [sflag:s29], $0x1  }
0xb5: {  	[sflag:s29] =	ssyncadd.s32 $0xFFFFFFFF  }
0xb6: {  	_ =	strace $0x9000004E  }
0xb7: {  	_ =	sfence  }
0xb8: {  	s30 =	sld [smem:$0x0];
	_ =	sdelay $0x2  }
0xb9: {  	s31 =	sshll.u32 s1, $0xD;
	s1 =	sshrl.u32 s1, $0x2  }
0xba: {  	s3 =	sand.u32 $0x4000, s31;
	s1 =	sadd.s32 s1, s30  }
0xbb: {  	s0 =	sor.u32 s3, s0;
	s1 =	sshll.u32 s1, $0x11  }
0xbc: {  	s0 =	sor.u32 s1, s0  }
0xbd: {  	s0 =	sadd.s32 $0x8F2B, s0  }
0xbe: {  	[sflag:s0] =	ssyncadd.remote.s32 $0x1  }
0xbf: {  	_ =	sfence.sel $0xFFFF  }
0xc0: {  	[dreg:$0x0] =	wrdreg $0xFFFFFFFF;
	(pc) =	sbr.abs _section_cstart, $3  }
0xc1: {  	[dreg:$0x1] =	wrdreg $0xFFFFFFFF  }
0xc2: {  	_ =	task.clear_ibuf [dreg:s7], $0x2FFFF;
	_ =	strace $0x9FFFFFFF  }
0xc3: {  	(tm) =	ssettm $0x7FFFFFFF  }
tec
execute0_lowered:
.L_overlay_start_1:
0x0: {  	(tag) =	ssettag $0x1  }
0x1: {  	s8 =	rddreg [dreg:$0x0]  }
0x2: {  	s1 =	rddreg [dreg:$0x1]  }
0x3: {  	s2 =	rddreg [dreg:$0x2]  }
0x4: {  	s0 =	rddreg [dreg:$0x3]  }
0x5: {  	s4 =	simm.s32 $0x0;
	s6 =	srdreg.scid;
	s3 =	stileid.u32  }
0x6: {  	[smem:$0x7FF] =	sst s4;
	s9 =	smul.u32 $0x50000, s3  }
0x7: {  	s5 =	sadd.s32 $0x4E00, s8;
	s12 =	sand.u32 $0x1, s6;
	s13 =	smul.u32 $0x14000, s3  }
0x8: {  	s6 =	sadd.s32 $0x55600, s8;
	s7 =	sadd.s32 $0x4600, s8;
	s22 =	smul.u32 $0x2800, s3  }
0x9: {  	s18 =	sadd.s32 $0x5F600, s8;
	s10 =	ssub.s32 $0x2, s12;
	s20 =	smul.u32 $0x140000, s12  }
0xa: {  	_ =	strace $0x8000004D;
	s15 =	smul.u32 $0x28000, s12;
	s30 =	sshrl.u32 s10, $0x1  }
0xb: {  	s31 =	sshrl.u32 s9, $0x2;
	s14 =	sadd.s32 $0x4000, s13;
	s16 =	sadd.s32 $0x8000, s13  }
0xc: {  	s17 =	sadd.s32 $0xC000, s13;
	s21 =	sadd.s32 $0x10000, s13;
	s19 =	ssub.s32 s10, s30  }
0xd: {  	s8 =	sadd.s32 s31, s2;
	s9 =	sadd.s32 s14, s2;
	s10 =	sadd.s32 s16, s2  }
0xe: {  	s11 =	sadd.s32 s17, s2;
	s13 =	sadd.s32 s13, s20;
	s14 =	sadd.s32 s20, s14  }
0xf: {  	s12 =	sadd.s32 s21, s2;
	s16 =	sadd.s32 s20, s16;
	s17 =	sadd.s32 s20, s17  }
0x10: {  	s20 =	sadd.s32 s20, s21;
	s21 =	simm.s32 $0x2;
	s23 =	sshrl.u32 s13, $0x3  }
0x11: {  	s24 =	sshrl.u32 s14, $0x3;
	s13 =	sadd.s32 s22, s15;
	s16 =	sshrl.u32 s16, $0x3  }
0x12: {  	s17 =	sshrl.u32 s17, $0x3;
	s20 =	sshrl.u32 s20, $0x3;
	s19 =	smax.u32 s19, $0x1  }
0x13: {  	s22 =	simm.s32 $0x80;
	s14 =	sadd.s32 s18, s23;
	s15 =	sadd.s32 s18, s24  }
0x14: {  	s16 =	sadd.s32 s18, s16;
	s17 =	sadd.s32 s18, s17;
	s18 =	sadd.s32 s18, s20  }
0x15: {  	s20 =	simm.s32 $0x100;
	s23 =	simm.s32 $0x1;
	s24 =	simm.s32 $0x0  }
.LBB2_1:
0x16: {  	[tilespmem:s20], [sflag:$0x2] =	stream.linear.gather [hbm4b:s7+s4], $0x4000, $0x38;
	[tilespmem:$0x18100] =	vst v63  }
0x17: {  	_ =	swait.ge [sflag:s21], $0x4000  }
0x18: {  	[sflag:s21] =	ssyncset.done $0x0  }
0x19: {  	[sflag:s21] =	ssyncadd.s32 $0xFFFFC000  }
0x1a: {  	[spmem:s8] =	stream.linear.scatter [tilespmem:s20], [sflag:$0x2], $0x4000, $0x38;
	[tilespmem:$0x18100] =	vst v63  }
0x1b: {  	_ =	swait.ge [sflag:s21], $0x4000  }
0x1c: {  	[sflag:s21] =	ssyncset.done $0x0  }
0x1d: {  	[sflag:s21] =	ssyncadd.s32 $0xFFFFC000  }
0x1e: {  	[spmem:s9] =	stream.linear.scatter [tilespmem:s20], [sflag:$0x2], $0x4000, $0x38;
	[tilespmem:$0x18100] =	vst v63  }
0x1f: {  	_ =	swait.ge [sflag:s21], $0x4000  }
0x20: {  	[sflag:s21] =	ssyncset.done $0x0  }
0x21: {  	[sflag:s21] =	ssyncadd.s32 $0xFFFFC000  }
0x22: {  	[spmem:s10] =	stream.linear.scatter [tilespmem:s20], [sflag:$0x2], $0x4000, $0x38;
	[tilespmem:$0x18100] =	vst v63  }
0x23: {  	_ =	swait.ge [sflag:s21], $0x4000  }
0x24: {  	[sflag:s21] =	ssyncset.done $0x0  }
0x25: {  	[sflag:s21] =	ssyncadd.s32 $0xFFFFC000  }
0x26: {  	[spmem:s11] =	stream.linear.scatter [tilespmem:s20], [sflag:$0x2], $0x4000, $0x38;
	[tilespmem:$0x18100] =	vst v63  }
0x27: {  	_ =	swait.ge [sflag:s21], $0x4000  }
0x28: {  	[sflag:s21] =	ssyncset.done $0x0  }
0x29: {  	s25 =	sand.u32 $0x3C00, s4;
	[sflag:s21] =	ssyncadd.s32 $0xFFFFC000  }
0x2a: {  	[spmem:s12] =	stream.linear.scatter [tilespmem:s20], [sflag:$0x2], $0x4000, $0x38;
	[tilespmem:$0x18100] =	vst v63  }
0x2b: {  	s26 =	sand.u32 $0x380, s4;
	s25 =	sadd.s32 s25, s13;
	_ =	swait.ge [sflag:s21], $0x4000  }
0x2c: {  	s25 =	sor.u32 s26, s25;
	[sflag:s21] =	ssyncset.done $0x0  }
0x2d: {  	s25 =	sshrl.u32 s25, $0x3;
	[sflag:s21] =	ssyncadd.s32 $0xFFFFC000  }
0x2e: {  	s29 =	sadd.s32 s6, s25;
	[bflag:$0x0] =	sbarrier.arrive $0xFFFF  }
0x2f: {  	[tilespmem:s4], [sflag:$0x2] =	stream.linear.gather [hbm4b:s29+s4], $0x80, $0x38;
	[tilespmem:$0x18100] =	vst v63  }
0x30: {  	_ =	swait.ge [sflag:s21], $0x80  }
0x31: {  	[sflag:s21] =	ssyncset.done $0x0  }
0x32: {  	s25 =	sadd.s32 s1, s25;
	[sflag:s21] =	ssyncadd.s32 $0xFFFFFF80  }
0x33: {  	[tilespmem:s22], [sflag:$0x2] =	stream.linear.gather [hbm4b:s25+s4], $0x80, $0x38;
	[tilespmem:$0x18100] =	vst v63  }
0x34: {  	_ =	swait.ge [sflag:s21], $0x80  }
0x35: {  	[sflag:s21] =	ssyncset.done $0x0  }
0x36: {  	[sflag:s21] =	ssyncadd.s32 $0xFFFFFF80  }
0x37: {  	[tilespmem:s20], [sflag:$0x1] =	stream.indirect.gather [hbm4b:s5+s22], $0x80, s4, s22, $0xb8;
	[tilespmem:$0x18100] =	vst v63  }
0x38: {  	_ =	swait.ge [sflag:s23], $0x4000  }
0x39: {  	s30 =	simm.s32 $0x80;
	[sflag:s23] =	ssyncset.done $0x0  }
0x3a: {  	s31 =	sand.u32 $0x3C00, s30;
	[sflag:s23] =	ssyncadd.s32 $0xFFFFC000  }
0x3b: {  	[spmem:s2] =	stream.indirect.scatter.add.f32 [tilespmem:s20], [sflag:$0x2], $0x80, s22, s22, $0xb8;
	[tilespmem:$0x18100] =	vst v63  }
0x3c: {  	s28 =	sand.u32 $0x380, s30;
	s26 =	sadd.s32 s31, s13;
	_ =	swait.ge [sflag:s21], $0x4000  }
0x3d: {  	s26 =	sor.u32 s28, s26;
	s25 =	simm.s32 $0x100;
	[sflag:s21] =	ssyncset.done $0x0  }
.LBB2_2:
0x3e: {  	s26 =	sshrl.u32 s26, $0x3  }
0x3f: {  	[sflag:s21] =	ssyncadd.s32 $0xFFFFC000;
	s28 =	smov.u32 s25;
	s29 =	sadd.s32 $0x80, s25  }
0x40: {  	p0 =	sne.s32 s25, $0x2700;
	s25 =	sadd.s32 s6, s26  }
0x41: {  	[tilespmem:s4], [sflag:$0x2] =	stream.linear.gather [hbm4b:s25+s4], $0x80, $0x38;
	[tilespmem:$0x18100] =	vst v63  }
0x42: {  	_ =	swait.ge [sflag:s21], $0x80  }
0x43: {  	[sflag:s21] =	ssyncset.done $0x0  }
0x44: {  	s25 =	sadd.s32 s1, s26;
	[sflag:s21] =	ssyncadd.s32 $0xFFFFFF80  }
0x45: {  	[tilespmem:s22], [sflag:$0x2] =	stream.linear.gather [hbm4b:s25+s4], $0x80, $0x38;
	[tilespmem:$0x18100] =	vst v63  }
0x46: {  	_ =	swait.ge [sflag:s21], $0x80  }
0x47: {  	[sflag:s21] =	ssyncset.done $0x0  }
0x48: {  	[sflag:s21] =	ssyncadd.s32 $0xFFFFFF80  }
0x49: {  	[tilespmem:s20], [sflag:$0x1] =	stream.indirect.gather [hbm4b:s5+s22], $0x80, s4, s22, $0xb8;
	[tilespmem:$0x18100] =	vst v63  }
0x4a: {  	_ =	swait.ge [sflag:s23], $0x4000  }
.Ltmp0:
0x4b: {  	[sflag:s23] =	ssyncset.done $0x0;
	(pc) =	sbr.rel @p0 .LBB2_2-.Ltmp0, $4  }
0x4c: {  	s25 =	sand.u32 $0x3C00, s28;
	[sflag:s23] =	ssyncadd.s32 $0xFFFFC000  }
0x4d: {  	[spmem:s2] =	stream.indirect.scatter.add.f32 [tilespmem:s20], [sflag:$0x2], $0x80, s22, s22, $0xb8;
	[tilespmem:$0x18100] =	vst v63  }
0x4e: {  	s26 =	sand.u32 $0x380, s28;
	s25 =	sadd.s32 s25, s13;
	_ =	swait.ge [sflag:s21], $0x4000  }
0x4f: {  	s26 =	sor.u32 s26, s25;
	s25 =	smov.u32 s29;
	[sflag:s21] =	ssyncset.done $0x0  }
0x50: {  	s25 =	sshrl.u32 s26, $0x3  }
0x51: {  	[sflag:s21] =	ssyncadd.s32 $0xFFFFC000;
	s26 =	sadd.s32 s6, s25  }
0x52: {  	[tilespmem:s4], [sflag:$0x2] =	stream.linear.gather [hbm4b:s26+s4], $0x80, $0x38;
	[tilespmem:$0x18100] =	vst v63  }
0x53: {  	_ =	swait.ge [sflag:s21], $0x80  }
0x54: {  	[sflag:s21] =	ssyncset.done $0x0  }
0x55: {  	s25 =	sadd.s32 s1, s25;
	[sflag:s21] =	ssyncadd.s32 $0xFFFFFF80  }
0x56: {  	[tilespmem:s22], [sflag:$0x2] =	stream.linear.gather [hbm4b:s25+s4], $0x80, $0x38;
	[tilespmem:$0x18100] =	vst v63  }
0x57: {  	_ =	swait.ge [sflag:s21], $0x80  }
0x58: {  	[sflag:s21] =	ssyncset.done $0x0  }
0x59: {  	[sflag:s21] =	ssyncadd.s32 $0xFFFFFF80  }
0x5a: {  	[tilespmem:s20], [sflag:$0x1] =	stream.indirect.gather [hbm4b:s5+s22], $0x80, s4, s22, $0xb8;
	[tilespmem:$0x18100] =	vst v63  }
0x5b: {  	_ =	swait.ge [sflag:s23], $0x4000  }
0x5c: {  	[sflag:s23] =	ssyncset.done $0x0  }
0x5d: {  	[sflag:s23] =	ssyncadd.s32 $0xFFFFC000  }
0x5e: {  	[spmem:s2] =	stream.indirect.scatter.add.f32 [tilespmem:s20], [sflag:$0x2], $0x80, s22, s22, $0xb8;
	[tilespmem:$0x18100] =	vst v63  }
0x5f: {  	_ =	swait.ge [sflag:s21], $0x4000  }
0x60: {  	[sflag:s21] =	ssyncset.done $0x0  }
0x61: {  	[sflag:s21] =	ssyncadd.s32 $0xFFFFC000  }
0x62: {  	[bflag:$0x0] =	sbarrier.arrive $0xFFFF  }
0x63: {  	[tilespmem:s20], [sflag:$0x2] =	stream.linear.gather [spmem:s8], $0x4000, $0x38;
	[tilespmem:$0x18100] =	vst v63  }
0x64: {  	_ =	swait.ge [sflag:s21], $0x4000  }
0x65: {  	[sflag:s21] =	ssyncset.done $0x0  }
0x66: {  	[sflag:s21] =	ssyncadd.s32 $0xFFFFC000  }
0x67: {  	[hbm4b:s14+s4] =	stream.linear.scatter [tilespmem:s20], [sflag:$0x2], $0x4000, $0x38;
	[tilespmem:$0x18100] =	vst v63  }
0x68: {  	_ =	swait.ge [sflag:s21], $0x4000  }
0x69: {  	[sflag:s21] =	ssyncset.done $0x0  }
0x6a: {  	[sflag:s21] =	ssyncadd.s32 $0xFFFFC000  }
0x6b: {  	[tilespmem:s20], [sflag:$0x2] =	stream.linear.gather [spmem:s9], $0x4000, $0x38;
	[tilespmem:$0x18100] =	vst v63  }
0x6c: {  	_ =	swait.ge [sflag:s21], $0x4000  }
0x6d: {  	[sflag:s21] =	ssyncset.done $0x0  }
0x6e: {  	[sflag:s21] =	ssyncadd.s32 $0xFFFFC000  }
0x6f: {  	[hbm4b:s15+s4] =	stream.linear.scatter [tilespmem:s20], [sflag:$0x2], $0x4000, $0x38;
	[tilespmem:$0x18100] =	vst v63  }
0x70: {  	_ =	swait.ge [sflag:s21], $0x4000  }
0x71: {  	[sflag:s21] =	ssyncset.done $0x0  }
0x72: {  	[sflag:s21] =	ssyncadd.s32 $0xFFFFC000  }
0x73: {  	[tilespmem:s20], [sflag:$0x2] =	stream.linear.gather [spmem:s10], $0x4000, $0x38;
	[tilespmem:$0x18100] =	vst v63  }
0x74: {  	_ =	swait.ge [sflag:s21], $0x4000  }
0x75: {  	[sflag:s21] =	ssyncset.done $0x0  }
0x76: {  	[sflag:s21] =	ssyncadd.s32 $0xFFFFC000  }
0x77: {  	[hbm4b:s16+s4] =	stream.linear.scatter [tilespmem:s20], [sflag:$0x2], $0x4000, $0x38;
	[tilespmem:$0x18100] =	vst v63  }
0x78: {  	_ =	swait.ge [sflag:s21], $0x4000  }
0x79: {  	[sflag:s21] =	ssyncset.done $0x0  }
0x7a: {  	[sflag:s21] =	ssyncadd.s32 $0xFFFFC000  }
0x7b: {  	[tilespmem:s20], [sflag:$0x2] =	stream.linear.gather [spmem:s11], $0x4000, $0x38;
	[tilespmem:$0x18100] =	vst v63  }
0x7c: {  	_ =	swait.ge [sflag:s21], $0x4000  }
0x7d: {  	[sflag:s21] =	ssyncset.done $0x0  }
0x7e: {  	[sflag:s21] =	ssyncadd.s32 $0xFFFFC000  }
0x7f: {  	[hbm4b:s17+s4] =	stream.linear.scatter [tilespmem:s20], [sflag:$0x2], $0x4000, $0x38;
	[tilespmem:$0x18100] =	vst v63  }
0x80: {  	_ =	swait.ge [sflag:s21], $0x4000  }
0x81: {  	[sflag:s21] =	ssyncset.done $0x0  }
0x82: {  	[sflag:s21] =	ssyncadd.s32 $0xFFFFC000  }
0x83: {  	[tilespmem:s20], [sflag:$0x2] =	stream.linear.gather [spmem:s12], $0x4000, $0x38;
	[tilespmem:$0x18100] =	vst v63  }
0x84: {  	s24 =	sadd.s32 $0x1, s24;
	_ =	swait.ge [sflag:s21], $0x4000  }
0x85: {  	p0 =	sne.s32 s24, s19;
	[sflag:s21] =	ssyncset.done $0x0  }
.Ltmp1:
0x86: {  	[sflag:s21] =	ssyncadd.s32 $0xFFFFC000;
	(pc) =	sbr.rel @p0 .LBB2_1-.Ltmp1, $4  }
0x87: {  	[hbm4b:s18+s4] =	stream.linear.scatter [tilespmem:s20], [sflag:$0x2], $0x4000, $0x38;
	[tilespmem:$0x18100] =	vst v63  }
0x88: {  	_ =	swait.ge [sflag:s21], $0x4000  }
0x89: {  	[sflag:s21] =	ssyncset.done $0x0  }
0x8a: {  	[sflag:s21] =	ssyncadd.s32 $0xFFFFC000  }
0x8b: {  	_ =	sfence.sel $0x180000  }
0x8c: {  	[bflag:$0x0] =	sbarrier.arrive $0xFFFF  }
0x8d: {  	p0 =	sne.s32 s3, $0x0;
	_ =	strace $0x9000004D  }
0x8e: {  	s0 =	sadd.s32 @!p0 $0x100000, s0;
	[bflag:$0x2] =	sbarrier.arrive $0xFFFF  }
0x8f: {  	[sflag:s0] =	ssyncadd.tile.s32 @!p0 $0x1;
	_ =	shalt  }
.Lfunc_end2:
_tile_overlayer_lowered:
.L_overlay_start_2:
0x90: {  	(tag) =	ssettag $0x2  }
0x91: {  	s0 =	rddreg [dreg:$0x0];
	s2 =	stileid.u32  }
0x92: {  	s1 =	rddreg [dreg:$0x1];
	p0 =	sne.s32 s2, $0x0  }
0x93: {  	s3 =	rddreg [dreg:$0x2];
	[bflag:$0x3] =	sbarrier.arrive $0xFFFF;
	s2 =	simm.s32 @!p0 $0x1C02  }
0x94: {  	[timem:s3], [sflag:s2] =	dma.local @!p0 [hbm:s0], s1  }
0x95: {  	s0 =	simm.s32 @!p0 $0x2  }
0x96: {  	_ =	swait.ge @!p0 [sflag:s0], s1  }
0x97: {  	s1 =	ssub.s32 @!p0 $0x0, s1;
	[sflag:s0] =	ssyncset.done @!p0 $0x0  }
0x98: {  	[sflag:s0] =	ssyncadd.s32 @!p0 s1  }
0x99: {  	[bflag:$0x3] =	sbarrier.arrive $0xFFFF  }
0x9a: {  	_ =	shalt  }

// kernel: kernel.21.cloned.1.call-start
scs
__scs_entry_jumppad:
0x0: {  	(pc) =	sbr.rel $0x88, $3  }
0x1: {  	(tag) =	ssettag $0x0;
	lr =	simm.s32 $0x1  }
0x2: {  	[smem:$0x3F93] =	sst lr;
	_ =	strace $0xD0000000  }
0x3: {  	_ = 	snop  }
0x4: {  	_ = 	snop  }
0x5: {  	_ = 	snop  }
0x6: {  	_ = 	snop  }
0x7: {  	_ = 	snop  }
__scs_overlays_trampoline_lowered:
0x8: {  	[smem:$0x3FA2] =	sst s0  }
0x9: {  	[smem:$0x3FA3] =	sst s1  }
0xa: {  	[smem:$0x3FA4] =	sst s2  }
0xb: {  	[smem:$0x3FA5] =	sst s3  }
0xc: {  	[smem:$0x3FA6] =	sst s4  }
0xd: {  	[smem:$0x3FA7] =	sst s5  }
0xe: {  	[smem:$0x3FA8] =	sst s6  }
0xf: {  	[smem:$0x3FA9] =	sst s7  }
0x10: {  	[smem:$0x3FAA] =	sst s8  }
0x11: {  	[smem:$0x3FAB] =	sst s9;
	s0 =	simm.s32 @!p0 $0x0  }
0x12: {  	s1 =	sld [smem:$0x3F91];
	s0 =	simm.s32 @p0 $0x1  }
0x13: {  	[smem:$0x3FAC] =	sst s0;
	s0 =	simm.s32 @!p1 $0x0  }
0x14: {  	s2 =	sld [smem:$0x3F90];
	s0 =	simm.s32 @p1 $0x1  }
0x15: {  	[smem:$0x3FAD] =	sst s0;
	s0 =	simm.s32 @!p2 $0x0  }
0x16: {  	s3 =	sld [smem:$0x3FDB];
	s0 =	simm.s32 @p2 $0x1  }
0x17: {  	s4 =	simm.s32 $0x1BF5;
	[smem:$0x3FAF] =	sst s0  }
0x18: {  	s0 =	sld [smem:$0x3F92];
	_ =	swait.ge [sflag:s4], $0x0  }
0x19: {  	s7 =	sld [smem:$0x3F93]  }
0x1a: {  	s8 =	sadd.s32 $0xFFFFE003, lr  }
0x1b: {  	s9 =	sadd.s32 $0xFFFFFEF7, lr;
	s5 =	simm.s32 $0xFFFFFFFF;
	p2 =	slt.u32 s8, $0xFFFFF086  }
0x1c: {  	p1 =	slt.u32 s9, $0xF7A;
	s5 =	simm.s32 @!p2 $0x0  }
0x1d: {  	s5 =	simm.s32 @p1 $0x1;
	p0 =	seq.s32 s7, s2  }
0x1e: {  	s7 =	smul.u32 @!p0 $0xF7A, s2;
	p2 =	seq.s32 @!p0 s5, $0x0  }
0x1f: {  	s9 =	smul.u32 $0xF7A, s1;
	s8 =	simm.s32 @!p0 $0x1BF5;
	p2 =	por !p2, p0  }
0x20: {  	[sflag:s8] =	ssyncset.s32 @!p0 $0xFFFFF086;
	s6 =	sadd.s32 @!p0 s3, s7;
	s7 =	simm.s32 @!p0 $0x108  }
0x21: {  	s3 =	sadd.s32 s3, s9;
	s6 =	sadd.s32 @!p0 $0x88, s6;
	s7 =	simm.s32 @p2 $0x1082  }
0x22: {  	[simem:s7], [sflag:s8] =	dma.local @!p0 [hbm:s6], $0xF7A  }
0x23: {  	s9 =	sor.u32 $0xD0000000, s2;
	s6 =	simm.s32 $0x108;
	_ =	swait.ge @!p0 [sflag:s8], $0x0  }
0x24: {  	s3 =	sadd.s32 $0x88, s3;
	s6 =	simm.s32 @!p1 $0x1082;
	[sflag:s4] =	ssyncset.s32 $0xFFFFF086  }
0x25: {  	[simem:s6], [sflag:s4] =	dma.local [hbm:s3], $0xF7A  }
0x26: {  	[smem:$0x3F93] =	sst s1;
	(tag) =	ssettag s2;
	_ =	strace s9  }
0x27: {  	s1 =	sld [smem:$0x3FA3]  }
0x28: {  	s2 =	sld [smem:$0x3FA4]  }
0x29: {  	s4 =	sld [smem:$0x3FA6]  }
0x2a: {  	p0 =	seq.s32 s5, $0x0;
	s5 =	sld [smem:$0x3FA7]  }
0x2b: {  	s6 =	sld [smem:$0x3FA8]  }
0x2c: {  	s7 =	sld [smem:$0x3FA9]  }
0x2d: {  	s3 =	simm.s32 $0x108;
	s8 =	sld [smem:$0x3FAA]  }
0x2e: {  	s3 =	simm.s32 @!p0 $0x1082;
	s9 =	sld [smem:$0x3FAB]  }
0x2f: {  	lr =	sadd.s32 s0, s3;
	s0 =	sld [smem:$0x3FA2]  }
0x30: {  	s3 =	sld [smem:$0x3FA5]  }
0x31: {  	[smem:$0x3FAE] =	sst s10  }
0x32: {  	s10 =	sld [smem:$0x3FAC];
	_ =	sdelay $0x3  }
0x33: {  	p0 =	seq.s32 s10, $0x1;
	s10 =	sld [smem:$0x3FAE];
	_ =	sdelay $0x3  }
0x34: {  	[smem:$0x3FAE] =	sst s10  }
0x35: {  	s10 =	sld [smem:$0x3FAD];
	_ =	sdelay $0x3  }
0x36: {  	p1 =	seq.s32 s10, $0x1;
	s10 =	sld [smem:$0x3FAE];
	_ =	sdelay $0x3  }
0x37: {  	[smem:$0x3FAE] =	sst s10  }
0x38: {  	s10 =	sld [smem:$0x3FAF]  }
0x39: {  	_ = 	snop;
	(pc) =	sbr.ind lr, $3  }
0x3a: {  	_ = 	snop  }
0x3b: {  	_ = 	snop  }
0x3c: {  	p2 =	seq.s32 s10, $0x1;
	s10 =	sld [smem:$0x3FAE]  }
0x3d: {  	_ =	shalt  }
0x3e: {  	_ =	shalt  }
0x3f: {  	_ =	shalt  }
0x40: {  	_ =	shalt  }
0x41: {  	_ =	shalt  }
0x42: {  	_ =	shalt  }
0x43: {  	_ =	shalt  }
0x44: {  	_ =	shalt  }
0x45: {  	_ =	shalt  }
0x46: {  	_ =	shalt  }
0x47: {  	_ =	shalt  }
0x48: {  	_ =	shalt  }
0x49: {  	_ =	shalt  }
0x4a: {  	_ =	shalt  }
0x4b: {  	_ =	shalt  }
0x4c: {  	_ =	shalt  }
0x4d: {  	_ =	shalt  }
0x4e: {  	_ =	shalt  }
0x4f: {  	_ =	shalt  }
0x50: {  	_ =	shalt  }
0x51: {  	_ =	shalt  }
0x52: {  	_ =	shalt  }
0x53: {  	_ =	shalt  }
0x54: {  	_ =	shalt  }
0x55: {  	_ =	shalt  }
0x56: {  	_ =	shalt  }
0x57: {  	_ =	shalt  }
0x58: {  	_ =	shalt  }
0x59: {  	_ =	shalt  }
0x5a: {  	_ =	shalt  }
0x5b: {  	_ =	shalt  }
0x5c: {  	_ =	shalt  }
0x5d: {  	_ =	shalt  }
0x5e: {  	_ =	shalt  }
0x5f: {  	_ =	shalt  }
0x60: {  	_ =	shalt  }
0x61: {  	_ =	shalt  }
0x62: {  	_ =	shalt  }
0x63: {  	_ =	shalt  }
0x64: {  	_ =	shalt  }
0x65: {  	_ =	shalt  }
0x66: {  	_ =	shalt  }
0x67: {  	_ =	shalt  }
0x68: {  	_ =	shalt  }
0x69: {  	_ =	shalt  }
0x6a: {  	_ =	shalt  }
0x6b: {  	_ =	shalt  }
0x6c: {  	_ =	shalt  }
0x6d: {  	_ =	shalt  }
0x6e: {  	_ =	shalt  }
0x6f: {  	_ =	shalt  }
0x70: {  	_ =	shalt  }
0x71: {  	_ =	shalt  }
0x72: {  	_ =	shalt  }
0x73: {  	_ =	shalt  }
0x74: {  	_ =	shalt  }
0x75: {  	_ =	shalt  }
0x76: {  	_ =	shalt  }
0x77: {  	_ =	shalt  }
0x78: {  	_ =	shalt  }
0x79: {  	_ =	shalt  }
0x7a: {  	_ =	shalt  }
0x7b: {  	_ =	shalt  }
0x7c: {  	_ =	shalt  }
0x7d: {  	_ =	shalt  }
0x7e: {  	_ =	shalt  }
0x7f: {  	_ =	shalt  }
0x80: {  	_ =	shalt  }
0x81: {  	_ =	shalt  }
0x82: {  	_ =	shalt  }
0x83: {  	_ =	shalt  }
0x84: {  	_ =	shalt  }
0x85: {  	_ =	shalt  }
0x86: {  	_ =	shalt  }
0x87: {  	_ =	shalt  }
.Lfunc_end0:
.L_simem_size_0:
called_computation.3_lowered:
.L_overlay_start_0:
0x88: {  	s2 =	sld [smem:$0x3FD9]  }
0x89: {  	s3 =	sld [smem:$0x3FFE];
	_ =	sdelay $0x1  }
0x8a: {  	s1 =	srdreg.scid  }
0x8b: {  	s0 =	sand.u32 $0x1, s1  }
0x8c: {  	s17 =	sshll.u32 s0, $0xA;
	s2 =	sadd.s32 s3, s2  }
0x8d: {  	s2 =	sadd.s32 s2, s17  }
0x8e: {  	[smem:$0x3FBA] =	sst s2  }
0x8f: {  	_ = 	snop  }
0x90: {  	s2 =	sld [smem:$0x3FD0];
	(tm) =	ssettm $0x1  }
0x91: {  	s18 =	sld [smem:$0x3FFB];
	_ =	sdelay $0x3  }
0x92: {  	_ =	strace s18  }
0x93: {  	s3 =	sld [smem:$0x3FFC];
	_ =	sdelay $0x3  }
0x94: {  	_ =	strace s3  }
0x95: {  	s3 =	sld [smem:$0x3FFD];
	_ =	sdelay $0x3  }
0x96: {  	_ =	strace s3  }
0x97: {  	_ =	strace $0x8FFFFFFF  }
0x98: {  	s19 =	sld [smem:$0x3FDB];
	_ =	sdelay $0x1  }
0x99: {  	s4 =	simm.s32 $_scs_section_size  }
0x9a: {  	s5 =	simm.s32 $_size__tile_overlayer_lowered;
	s6 =	simm.s32 $_tile_overlayer_lowered  }
0x9b: {  	s22 =	simm.s32 $0x1BFF;
	s21 =	sshll.u32 s6, $0x1;
	s3 =	sadd.s32 s4, s19  }
0x9c: {  	s7 =	simm.s32 $0x0;
	s20 =	sshll.u32 s5, $0x1;
	s5 =	sadd.s32 s21, s3  }
0x9d: {  	[timem:s7], [sflag:s22] =	dma.local [hbm:s5], s20  }
0x9e: {  	_ =	swait.ge [sflag:s22], s20  }
0x9f: {  	s4 =	ssub.s32 $0x0, s20;
	[sflag:s22] =	ssyncset.done $0x0  }
0xa0: {  	[sflag:s22] =	ssyncadd.s32 s4;
	_ =	sdelay $0x1  }
0xa1: {  	s23 =	simm.s32 $0x1B8B  }
0xa2: {  	_ =	swait.ge [sflag:s23], $0x1  }
0xa3: {  	[sflag:s23] =	ssyncset.done $0x0  }
0xa4: {  	s25 =	simm.s32 $0x1B8E;
	s24 =	sld [smem:$0x3FFE];
	[sflag:s23] =	ssyncadd.s32 $0xFFFFFFFF  }
0xa5: {  	s26 =	simm.s32 $execute0_lowered;
	[smem:$0x3FD2] =	sst s25  }
0xa6: {  	s5 =	sshll.u32 s26, $0x1;
	_ =	strace $0x8000004F;
	[dreg:$0x1] =	wrdreg $0xFFFFFFFF  }
0xa7: {  	s28 =	simm.s32 $_size_execute0_lowered;
	s3 =	sadd.s32 s3, s5;
	[dreg:$0x0] =	wrdreg $0x0  }
0xa8: {  	s5 =	sshll.u32 s28, $0x1;
	[dreg:$0x2] =	wrdreg s3  }
0xa9: {  	[dreg:$0x3] =	wrdreg s5  }
0xaa: {  	[dreg:$0x4] =	wrdreg $0xC0  }
0xab: {  	_ =	task [dreg:s7], $0x5FFFF  }
0xac: {  	[dreg:$0x1] =	wrdreg $0xFFFFFFFF  }
0xad: {  	[dreg:$0x0] =	wrdreg $0x60  }
0xae: {  	[dreg:$0x2] =	wrdreg s24  }
0xaf: {  	[dreg:$0x3] =	wrdreg s2  }
0xb0: {  	[dreg:$0x4] =	wrdreg $0x41000  }
0xb1: {  	[dreg:$0x5] =	wrdreg $0x9  }
0xb2: {  	_ =	task.clear_ibuf [dreg:s7], $0x6FFFF;
	_ =	strace $0x9000004F  }
0xb3: {  	s29 =	simm.s32 $0x9;
	_ =	strace $0x80000051  }
0xb4: {  	_ =	swait.ge [sflag:s29], $0x1  }
0xb5: {  	[sflag:s29] =	ssyncadd.s32 $0xFFFFFFFF  }
0xb6: {  	_ =	strace $0x90000051  }
0xb7: {  	_ =	sfence  }
0xb8: {  	s30 =	sld [smem:$0x0];
	_ =	sdelay $0x2  }
0xb9: {  	s31 =	sshll.u32 s1, $0xD;
	s1 =	sshrl.u32 s1, $0x2  }
0xba: {  	s3 =	sand.u32 $0x4000, s31;
	s1 =	sadd.s32 s1, s30  }
0xbb: {  	s0 =	sor.u32 s3, s0;
	s1 =	sshll.u32 s1, $0x11  }
0xbc: {  	s0 =	sor.u32 s1, s0  }
0xbd: {  	s0 =	sadd.s32 $0x8F2B, s0  }
0xbe: {  	[sflag:s0] =	ssyncadd.remote.s32 $0x1  }
0xbf: {  	_ =	sfence.sel $0xFFFF  }
0xc0: {  	[dreg:$0x0] =	wrdreg $0xFFFFFFFF;
	(pc) =	sbr.abs _section_cstart, $3  }
0xc1: {  	[dreg:$0x1] =	wrdreg $0xFFFFFFFF  }
0xc2: {  	_ =	task.clear_ibuf [dreg:s7], $0x2FFFF;
	_ =	strace $0x9FFFFFFF  }
0xc3: {  	(tm) =	ssettm $0x7FFFFFFF  }
tec
execute0_lowered:
.L_overlay_start_1:
0x0: {  	(tag) =	ssettag $0x1  }
0x1: {  	s8 =	rddreg [dreg:$0x0]  }
0x2: {  	s1 =	rddreg [dreg:$0x1]  }
0x3: {  	s2 =	rddreg [dreg:$0x2]  }
0x4: {  	s0 =	rddreg [dreg:$0x3]  }
0x5: {  	s4 =	simm.s32 $0x0;
	s6 =	srdreg.scid;
	s3 =	stileid.u32  }
0x6: {  	[smem:$0x7FF] =	sst s4;
	s9 =	smul.u32 $0x50000, s3  }
0x7: {  	s5 =	sadd.s32 $0x4E00, s8;
	s12 =	sand.u32 $0x1, s6;
	s13 =	smul.u32 $0x14000, s3  }
0x8: {  	s6 =	sadd.s32 $0x55600, s8;
	s7 =	sadd.s32 $0x4600, s8;
	s22 =	smul.u32 $0x2800, s3  }
0x9: {  	s18 =	sadd.s32 $0x5F600, s8;
	s10 =	ssub.s32 $0x2, s12;
	s20 =	smul.u32 $0x140000, s12  }
0xa: {  	_ =	strace $0x80000050;
	s15 =	smul.u32 $0x28000, s12;
	s30 =	sshrl.u32 s10, $0x1  }
0xb: {  	s31 =	sshrl.u32 s9, $0x2;
	s14 =	sadd.s32 $0x4000, s13;
	s16 =	sadd.s32 $0x8000, s13  }
0xc: {  	s17 =	sadd.s32 $0xC000, s13;
	s21 =	sadd.s32 $0x10000, s13;
	s19 =	ssub.s32 s10, s30  }
0xd: {  	s8 =	sadd.s32 s31, s2;
	s9 =	sadd.s32 s14, s2;
	s10 =	sadd.s32 s16, s2  }
0xe: {  	s11 =	sadd.s32 s17, s2;
	s13 =	sadd.s32 s13, s20;
	s14 =	sadd.s32 s20, s14  }
0xf: {  	s12 =	sadd.s32 s21, s2;
	s16 =	sadd.s32 s20, s16;
	s17 =	sadd.s32 s20, s17  }
0x10: {  	s20 =	sadd.s32 s20, s21;
	s21 =	simm.s32 $0x2;
	s23 =	sshrl.u32 s13, $0x3  }
0x11: {  	s24 =	sshrl.u32 s14, $0x3;
	s13 =	sadd.s32 s22, s15;
	s16 =	sshrl.u32 s16, $0x3  }
0x12: {  	s17 =	sshrl.u32 s17, $0x3;
	s20 =	sshrl.u32 s20, $0x3;
	s19 =	smax.u32 s19, $0x1  }
0x13: {  	s22 =	simm.s32 $0x80;
	s14 =	sadd.s32 s18, s23;
	s15 =	sadd.s32 s18, s24  }
0x14: {  	s16 =	sadd.s32 s18, s16;
	s17 =	sadd.s32 s18, s17;
	s18 =	sadd.s32 s18, s20  }
0x15: {  	s20 =	simm.s32 $0x100;
	s23 =	simm.s32 $0x1;
	s24 =	simm.s32 $0x0  }
.LBB2_1:
0x16: {  	[tilespmem:s20], [sflag:$0x2] =	stream.linear.gather [hbm4b:s7+s4], $0x4000, $0x38;
	[tilespmem:$0x18100] =	vst v63  }
0x17: {  	_ =	swait.ge [sflag:s21], $0x4000  }
0x18: {  	[sflag:s21] =	ssyncset.done $0x0  }
0x19: {  	[sflag:s21] =	ssyncadd.s32 $0xFFFFC000  }
0x1a: {  	[spmem:s8] =	stream.linear.scatter [tilespmem:s20], [sflag:$0x2], $0x4000, $0x38;
	[tilespmem:$0x18100] =	vst v63  }
0x1b: {  	_ =	swait.ge [sflag:s21], $0x4000  }
0x1c: {  	[sflag:s21] =	ssyncset.done $0x0  }
0x1d: {  	[sflag:s21] =	ssyncadd.s32 $0xFFFFC000  }
0x1e: {  	[spmem:s9] =	stream.linear.scatter [tilespmem:s20], [sflag:$0x2], $0x4000, $0x38;
	[tilespmem:$0x18100] =	vst v63  }
0x1f: {  	_ =	swait.ge [sflag:s21], $0x4000  }
0x20: {  	[sflag:s21] =	ssyncset.done $0x0  }
0x21: {  	[sflag:s21] =	ssyncadd.s32 $0xFFFFC000  }
0x22: {  	[spmem:s10] =	stream.linear.scatter [tilespmem:s20], [sflag:$0x2], $0x4000, $0x38;
	[tilespmem:$0x18100] =	vst v63  }
0x23: {  	_ =	swait.ge [sflag:s21], $0x4000  }
0x24: {  	[sflag:s21] =	ssyncset.done $0x0  }
0x25: {  	[sflag:s21] =	ssyncadd.s32 $0xFFFFC000  }
0x26: {  	[spmem:s11] =	stream.linear.scatter [tilespmem:s20], [sflag:$0x2], $0x4000, $0x38;
	[tilespmem:$0x18100] =	vst v63  }
0x27: {  	_ =	swait.ge [sflag:s21], $0x4000  }
0x28: {  	[sflag:s21] =	ssyncset.done $0x0  }
0x29: {  	s25 =	sand.u32 $0x3C00, s4;
	[sflag:s21] =	ssyncadd.s32 $0xFFFFC000  }
0x2a: {  	[spmem:s12] =	stream.linear.scatter [tilespmem:s20], [sflag:$0x2], $0x4000, $0x38;
	[tilespmem:$0x18100] =	vst v63  }
0x2b: {  	s26 =	sand.u32 $0x380, s4;
	s25 =	sadd.s32 s25, s13;
	_ =	swait.ge [sflag:s21], $0x4000  }
0x2c: {  	s25 =	sor.u32 s26, s25;
	[sflag:s21] =	ssyncset.done $0x0  }
0x2d: {  	s25 =	sshrl.u32 s25, $0x3;
	[sflag:s21] =	ssyncadd.s32 $0xFFFFC000  }
0x2e: {  	s29 =	sadd.s32 s6, s25;
	[bflag:$0x0] =	sbarrier.arrive $0xFFFF  }
0x2f: {  	[tilespmem:s4], [sflag:$0x2] =	stream.linear.gather [hbm4b:s29+s4], $0x80, $0x38;
	[tilespmem:$0x18100] =	vst v63  }
0x30: {  	_ =	swait.ge [sflag:s21], $0x80  }
0x31: {  	[sflag:s21] =	ssyncset.done $0x0  }
0x32: {  	s25 =	sadd.s32 s1, s25;
	[sflag:s21] =	ssyncadd.s32 $0xFFFFFF80  }
0x33: {  	[tilespmem:s22], [sflag:$0x2] =	stream.linear.gather [hbm4b:s25+s4], $0x80, $0x38;
	[tilespmem:$0x18100] =	vst v63  }
0x34: {  	_ =	swait.ge [sflag:s21], $0x80  }
0x35: {  	[sflag:s21] =	ssyncset.done $0x0  }
0x36: {  	[sflag:s21] =	ssyncadd.s32 $0xFFFFFF80  }
0x37: {  	[tilespmem:s20], [sflag:$0x1] =	stream.indirect.gather [hbm4b:s5+s22], $0x80, s4, s22, $0xb8;
	[tilespmem:$0x18100] =	vst v63  }
0x38: {  	_ =	swait.ge [sflag:s23], $0x4000  }
0x39: {  	s30 =	simm.s32 $0x80;
	[sflag:s23] =	ssyncset.done $0x0  }
0x3a: {  	s31 =	sand.u32 $0x3C00, s30;
	[sflag:s23] =	ssyncadd.s32 $0xFFFFC000  }
0x3b: {  	[spmem:s2] =	stream.indirect.scatter.add.f32 [tilespmem:s20], [sflag:$0x2], $0x80, s22, s22, $0xb8;
	[tilespmem:$0x18100] =	vst v63  }
0x3c: {  	s28 =	sand.u32 $0x380, s30;
	s26 =	sadd.s32 s31, s13;
	_ =	swait.ge [sflag:s21], $0x4000  }
0x3d: {  	s26 =	sor.u32 s28, s26;
	s25 =	simm.s32 $0x100;
	[sflag:s21] =	ssyncset.done $0x0  }
.LBB2_2:
0x3e: {  	s26 =	sshrl.u32 s26, $0x3  }
0x3f: {  	[sflag:s21] =	ssyncadd.s32 $0xFFFFC000;
	s28 =	smov.u32 s25;
	s29 =	sadd.s32 $0x80, s25  }
0x40: {  	p0 =	sne.s32 s25, $0x2700;
	s25 =	sadd.s32 s6, s26  }
0x41: {  	[tilespmem:s4], [sflag:$0x2] =	stream.linear.gather [hbm4b:s25+s4], $0x80, $0x38;
	[tilespmem:$0x18100] =	vst v63  }
0x42: {  	_ =	swait.ge [sflag:s21], $0x80  }
0x43: {  	[sflag:s21] =	ssyncset.done $0x0  }
0x44: {  	s25 =	sadd.s32 s1, s26;
	[sflag:s21] =	ssyncadd.s32 $0xFFFFFF80  }
0x45: {  	[tilespmem:s22], [sflag:$0x2] =	stream.linear.gather [hbm4b:s25+s4], $0x80, $0x38;
	[tilespmem:$0x18100] =	vst v63  }
0x46: {  	_ =	swait.ge [sflag:s21], $0x80  }
0x47: {  	[sflag:s21] =	ssyncset.done $0x0  }
0x48: {  	[sflag:s21] =	ssyncadd.s32 $0xFFFFFF80  }
0x49: {  	[tilespmem:s20], [sflag:$0x1] =	stream.indirect.gather [hbm4b:s5+s22], $0x80, s4, s22, $0xb8;
	[tilespmem:$0x18100] =	vst v63  }
0x4a: {  	_ =	swait.ge [sflag:s23], $0x4000  }
.Ltmp0:
0x4b: {  	[sflag:s23] =	ssyncset.done $0x0;
	(pc) =	sbr.rel @p0 .LBB2_2-.Ltmp0, $4  }
0x4c: {  	s25 =	sand.u32 $0x3C00, s28;
	[sflag:s23] =	ssyncadd.s32 $0xFFFFC000  }
0x4d: {  	[spmem:s2] =	stream.indirect.scatter.add.f32 [tilespmem:s20], [sflag:$0x2], $0x80, s22, s22, $0xb8;
	[tilespmem:$0x18100] =	vst v63  }
0x4e: {  	s26 =	sand.u32 $0x380, s28;
	s25 =	sadd.s32 s25, s13;
	_ =	swait.ge [sflag:s21], $0x4000  }
0x4f: {  	s26 =	sor.u32 s26, s25;
	s25 =	smov.u32 s29;
	[sflag:s21] =	ssyncset.done $0x0  }
0x50: {  	s25 =	sshrl.u32 s26, $0x3  }
0x51: {  	[sflag:s21] =	ssyncadd.s32 $0xFFFFC000;
	s26 =	sadd.s32 s6, s25  }
0x52: {  	[tilespmem:s4], [sflag:$0x2] =	stream.linear.gather [hbm4b:s26+s4], $0x80, $0x38;
	[tilespmem:$0x18100] =	vst v63  }
0x53: {  	_ =	swait.ge [sflag:s21], $0x80  }
0x54: {  	[sflag:s21] =	ssyncset.done $0x0  }
0x55: {  	s25 =	sadd.s32 s1, s25;
	[sflag:s21] =	ssyncadd.s32 $0xFFFFFF80  }
0x56: {  	[tilespmem:s22], [sflag:$0x2] =	stream.linear.gather [hbm4b:s25+s4], $0x80, $0x38;
	[tilespmem:$0x18100] =	vst v63  }
0x57: {  	_ =	swait.ge [sflag:s21], $0x80  }
0x58: {  	[sflag:s21] =	ssyncset.done $0x0  }
0x59: {  	[sflag:s21] =	ssyncadd.s32 $0xFFFFFF80  }
0x5a: {  	[tilespmem:s20], [sflag:$0x1] =	stream.indirect.gather [hbm4b:s5+s22], $0x80, s4, s22, $0xb8;
	[tilespmem:$0x18100] =	vst v63  }
0x5b: {  	_ =	swait.ge [sflag:s23], $0x4000  }
0x5c: {  	[sflag:s23] =	ssyncset.done $0x0  }
0x5d: {  	[sflag:s23] =	ssyncadd.s32 $0xFFFFC000  }
0x5e: {  	[spmem:s2] =	stream.indirect.scatter.add.f32 [tilespmem:s20], [sflag:$0x2], $0x80, s22, s22, $0xb8;
	[tilespmem:$0x18100] =	vst v63  }
0x5f: {  	_ =	swait.ge [sflag:s21], $0x4000  }
0x60: {  	[sflag:s21] =	ssyncset.done $0x0  }
0x61: {  	[sflag:s21] =	ssyncadd.s32 $0xFFFFC000  }
0x62: {  	[bflag:$0x0] =	sbarrier.arrive $0xFFFF  }
0x63: {  	[tilespmem:s20], [sflag:$0x2] =	stream.linear.gather [spmem:s8], $0x4000, $0x38;
	[tilespmem:$0x18100] =	vst v63  }
0x64: {  	_ =	swait.ge [sflag:s21], $0x4000  }
0x65: {  	[sflag:s21] =	ssyncset.done $0x0  }
0x66: {  	[sflag:s21] =	ssyncadd.s32 $0xFFFFC000  }
0x67: {  	[hbm4b:s14+s4] =	stream.linear.scatter [tilespmem:s20], [sflag:$0x2], $0x4000, $0x38;
	[tilespmem:$0x18100] =	vst v63  }
0x68: {  	_ =	swait.ge [sflag:s21], $0x4000  }
0x69: {  	[sflag:s21] =	ssyncset.done $0x0  }
0x6a: {  	[sflag:s21] =	ssyncadd.s32 $0xFFFFC000  }
0x6b: {  	[tilespmem:s20], [sflag:$0x2] =	stream.linear.gather [spmem:s9], $0x4000, $0x38;
	[tilespmem:$0x18100] =	vst v63  }
0x6c: {  	_ =	swait.ge [sflag:s21], $0x4000  }
0x6d: {  	[sflag:s21] =	ssyncset.done $0x0  }
0x6e: {  	[sflag:s21] =	ssyncadd.s32 $0xFFFFC000  }
0x6f: {  	[hbm4b:s15+s4] =	stream.linear.scatter [tilespmem:s20], [sflag:$0x2], $0x4000, $0x38;
	[tilespmem:$0x18100] =	vst v63  }
0x70: {  	_ =	swait.ge [sflag:s21], $0x4000  }
0x71: {  	[sflag:s21] =	ssyncset.done $0x0  }
0x72: {  	[sflag:s21] =	ssyncadd.s32 $0xFFFFC000  }
0x73: {  	[tilespmem:s20], [sflag:$0x2] =	stream.linear.gather [spmem:s10], $0x4000, $0x38;
	[tilespmem:$0x18100] =	vst v63  }
0x74: {  	_ =	swait.ge [sflag:s21], $0x4000  }
0x75: {  	[sflag:s21] =	ssyncset.done $0x0  }
0x76: {  	[sflag:s21] =	ssyncadd.s32 $0xFFFFC000  }
0x77: {  	[hbm4b:s16+s4] =	stream.linear.scatter [tilespmem:s20], [sflag:$0x2], $0x4000, $0x38;
	[tilespmem:$0x18100] =	vst v63  }
0x78: {  	_ =	swait.ge [sflag:s21], $0x4000  }
0x79: {  	[sflag:s21] =	ssyncset.done $0x0  }
0x7a: {  	[sflag:s21] =	ssyncadd.s32 $0xFFFFC000  }
0x7b: {  	[tilespmem:s20], [sflag:$0x2] =	stream.linear.gather [spmem:s11], $0x4000, $0x38;
	[tilespmem:$0x18100] =	vst v63  }
0x7c: {  	_ =	swait.ge [sflag:s21], $0x4000  }
0x7d: {  	[sflag:s21] =	ssyncset.done $0x0  }
0x7e: {  	[sflag:s21] =	ssyncadd.s32 $0xFFFFC000  }
0x7f: {  	[hbm4b:s17+s4] =	stream.linear.scatter [tilespmem:s20], [sflag:$0x2], $0x4000, $0x38;
	[tilespmem:$0x18100] =	vst v63  }
0x80: {  	_ =	swait.ge [sflag:s21], $0x4000  }
0x81: {  	[sflag:s21] =	ssyncset.done $0x0  }
0x82: {  	[sflag:s21] =	ssyncadd.s32 $0xFFFFC000  }
0x83: {  	[tilespmem:s20], [sflag:$0x2] =	stream.linear.gather [spmem:s12], $0x4000, $0x38;
	[tilespmem:$0x18100] =	vst v63  }
0x84: {  	s24 =	sadd.s32 $0x1, s24;
	_ =	swait.ge [sflag:s21], $0x4000  }
0x85: {  	p0 =	sne.s32 s24, s19;
	[sflag:s21] =	ssyncset.done $0x0  }
.Ltmp1:
0x86: {  	[sflag:s21] =	ssyncadd.s32 $0xFFFFC000;
	(pc) =	sbr.rel @p0 .LBB2_1-.Ltmp1, $4  }
0x87: {  	[hbm4b:s18+s4] =	stream.linear.scatter [tilespmem:s20], [sflag:$0x2], $0x4000, $0x38;
	[tilespmem:$0x18100] =	vst v63  }
0x88: {  	_ =	swait.ge [sflag:s21], $0x4000  }
0x89: {  	[sflag:s21] =	ssyncset.done $0x0  }
0x8a: {  	[sflag:s21] =	ssyncadd.s32 $0xFFFFC000  }
0x8b: {  	_ =	sfence.sel $0x180000  }
0x8c: {  	[bflag:$0x0] =	sbarrier.arrive $0xFFFF  }
0x8d: {  	p0 =	sne.s32 s3, $0x0;
	_ =	strace $0x90000050  }
0x8e: {  	s0 =	sadd.s32 @!p0 $0x100000, s0;
	[bflag:$0x2] =	sbarrier.arrive $0xFFFF  }
0x8f: {  	[sflag:s0] =	ssyncadd.tile.s32 @!p0 $0x1;
	_ =	shalt  }
.Lfunc_end2:
_tile_overlayer_lowered:
.L_overlay_start_2:
0x90: {  	(tag) =	ssettag $0x2  }
0x91: {  	s0 =	rddreg [dreg:$0x0];
	s2 =	stileid.u32  }
0x92: {  	s1 =	rddreg [dreg:$0x1];
	p0 =	sne.s32 s2, $0x0  }
0x93: {  	s3 =	rddreg [dreg:$0x2];
	[bflag:$0x3] =	sbarrier.arrive $0xFFFF;
	s2 =	simm.s32 @!p0 $0x1C02  }
0x94: {  	[timem:s3], [sflag:s2] =	dma.local @!p0 [hbm:s0], s1  }
0x95: {  	s0 =	simm.s32 @!p0 $0x2  }
0x96: {  	_ =	swait.ge @!p0 [sflag:s0], s1  }
0x97: {  	s1 =	ssub.s32 @!p0 $0x0, s1;
	[sflag:s0] =	ssyncset.done @!p0 $0x0  }
0x98: {  	[sflag:s0] =	ssyncadd.s32 @!p0 s1  }
0x99: {  	[bflag:$0x3] =	sbarrier.arrive $0xFFFF  }
0x9a: {  	_ =	shalt  }

// kernel: kernel.24.cloned.1.call-start
scs
__scs_entry_jumppad:
0x0: {  	(pc) =	sbr.rel $0x88, $3  }
0x1: {  	(tag) =	ssettag $0x0;
	lr =	simm.s32 $0x1  }
0x2: {  	[smem:$0x3F93] =	sst lr;
	_ =	strace $0xD0000000  }
0x3: {  	_ = 	snop  }
0x4: {  	_ = 	snop  }
0x5: {  	_ = 	snop  }
0x6: {  	_ = 	snop  }
0x7: {  	_ = 	snop  }
__scs_overlays_trampoline_lowered:
0x8: {  	[smem:$0x3FA2] =	sst s0  }
0x9: {  	[smem:$0x3FA3] =	sst s1  }
0xa: {  	[smem:$0x3FA4] =	sst s2  }
0xb: {  	[smem:$0x3FA5] =	sst s3  }
0xc: {  	[smem:$0x3FA6] =	sst s4  }
0xd: {  	[smem:$0x3FA7] =	sst s5  }
0xe: {  	[smem:$0x3FA8] =	sst s6  }
0xf: {  	[smem:$0x3FA9] =	sst s7  }
0x10: {  	[smem:$0x3FAA] =	sst s8  }
0x11: {  	[smem:$0x3FAB] =	sst s9;
	s0 =	simm.s32 @!p0 $0x0  }
0x12: {  	s1 =	sld [smem:$0x3F91];
	s0 =	simm.s32 @p0 $0x1  }
0x13: {  	[smem:$0x3FAC] =	sst s0;
	s0 =	simm.s32 @!p1 $0x0  }
0x14: {  	s2 =	sld [smem:$0x3F90];
	s0 =	simm.s32 @p1 $0x1  }
0x15: {  	[smem:$0x3FAD] =	sst s0;
	s0 =	simm.s32 @!p2 $0x0  }
0x16: {  	s3 =	sld [smem:$0x3FDB];
	s0 =	simm.s32 @p2 $0x1  }
0x17: {  	s4 =	simm.s32 $0x1BF5;
	[smem:$0x3FAF] =	sst s0  }
0x18: {  	s0 =	sld [smem:$0x3F92];
	_ =	swait.ge [sflag:s4], $0x0  }
0x19: {  	s7 =	sld [smem:$0x3F93]  }
0x1a: {  	s8 =	sadd.s32 $0xFFFFE003, lr  }
0x1b: {  	s9 =	sadd.s32 $0xFFFFFEF7, lr;
	s5 =	simm.s32 $0xFFFFFFFF;
	p2 =	slt.u32 s8, $0xFFFFF086  }
0x1c: {  	p1 =	slt.u32 s9, $0xF7A;
	s5 =	simm.s32 @!p2 $0x0  }
0x1d: {  	s5 =	simm.s32 @p1 $0x1;
	p0 =	seq.s32 s7, s2  }
0x1e: {  	s7 =	smul.u32 @!p0 $0xF7A, s2;
	p2 =	seq.s32 @!p0 s5, $0x0  }
0x1f: {  	s9 =	smul.u32 $0xF7A, s1;
	s8 =	simm.s32 @!p0 $0x1BF5;
	p2 =	por !p2, p0  }
0x20: {  	[sflag:s8] =	ssyncset.s32 @!p0 $0xFFFFF086;
	s6 =	sadd.s32 @!p0 s3, s7;
	s7 =	simm.s32 @!p0 $0x108  }
0x21: {  	s3 =	sadd.s32 s3, s9;
	s6 =	sadd.s32 @!p0 $0x88, s6;
	s7 =	simm.s32 @p2 $0x1082  }
0x22: {  	[simem:s7], [sflag:s8] =	dma.local @!p0 [hbm:s6], $0xF7A  }
0x23: {  	s9 =	sor.u32 $0xD0000000, s2;
	s6 =	simm.s32 $0x108;
	_ =	swait.ge @!p0 [sflag:s8], $0x0  }
0x24: {  	s3 =	sadd.s32 $0x88, s3;
	s6 =	simm.s32 @!p1 $0x1082;
	[sflag:s4] =	ssyncset.s32 $0xFFFFF086  }
0x25: {  	[simem:s6], [sflag:s4] =	dma.local [hbm:s3], $0xF7A  }
0x26: {  	[smem:$0x3F93] =	sst s1;
	(tag) =	ssettag s2;
	_ =	strace s9  }
0x27: {  	s1 =	sld [smem:$0x3FA3]  }
0x28: {  	s2 =	sld [smem:$0x3FA4]  }
0x29: {  	s4 =	sld [smem:$0x3FA6]  }
0x2a: {  	p0 =	seq.s32 s5, $0x0;
	s5 =	sld [smem:$0x3FA7]  }
0x2b: {  	s6 =	sld [smem:$0x3FA8]  }
0x2c: {  	s7 =	sld [smem:$0x3FA9]  }
0x2d: {  	s3 =	simm.s32 $0x108;
	s8 =	sld [smem:$0x3FAA]  }
0x2e: {  	s3 =	simm.s32 @!p0 $0x1082;
	s9 =	sld [smem:$0x3FAB]  }
0x2f: {  	lr =	sadd.s32 s0, s3;
	s0 =	sld [smem:$0x3FA2]  }
0x30: {  	s3 =	sld [smem:$0x3FA5]  }
0x31: {  	[smem:$0x3FAE] =	sst s10  }
0x32: {  	s10 =	sld [smem:$0x3FAC];
	_ =	sdelay $0x3  }
0x33: {  	p0 =	seq.s32 s10, $0x1;
	s10 =	sld [smem:$0x3FAE];
	_ =	sdelay $0x3  }
0x34: {  	[smem:$0x3FAE] =	sst s10  }
0x35: {  	s10 =	sld [smem:$0x3FAD];
	_ =	sdelay $0x3  }
0x36: {  	p1 =	seq.s32 s10, $0x1;
	s10 =	sld [smem:$0x3FAE];
	_ =	sdelay $0x3  }
0x37: {  	[smem:$0x3FAE] =	sst s10  }
0x38: {  	s10 =	sld [smem:$0x3FAF]  }
0x39: {  	_ = 	snop;
	(pc) =	sbr.ind lr, $3  }
0x3a: {  	_ = 	snop  }
0x3b: {  	_ = 	snop  }
0x3c: {  	p2 =	seq.s32 s10, $0x1;
	s10 =	sld [smem:$0x3FAE]  }
0x3d: {  	_ =	shalt  }
0x3e: {  	_ =	shalt  }
0x3f: {  	_ =	shalt  }
0x40: {  	_ =	shalt  }
0x41: {  	_ =	shalt  }
0x42: {  	_ =	shalt  }
0x43: {  	_ =	shalt  }
0x44: {  	_ =	shalt  }
0x45: {  	_ =	shalt  }
0x46: {  	_ =	shalt  }
0x47: {  	_ =	shalt  }
0x48: {  	_ =	shalt  }
0x49: {  	_ =	shalt  }
0x4a: {  	_ =	shalt  }
0x4b: {  	_ =	shalt  }
0x4c: {  	_ =	shalt  }
0x4d: {  	_ =	shalt  }
0x4e: {  	_ =	shalt  }
0x4f: {  	_ =	shalt  }
0x50: {  	_ =	shalt  }
0x51: {  	_ =	shalt  }
0x52: {  	_ =	shalt  }
0x53: {  	_ =	shalt  }
0x54: {  	_ =	shalt  }
0x55: {  	_ =	shalt  }
0x56: {  	_ =	shalt  }
0x57: {  	_ =	shalt  }
0x58: {  	_ =	shalt  }
0x59: {  	_ =	shalt  }
0x5a: {  	_ =	shalt  }
0x5b: {  	_ =	shalt  }
0x5c: {  	_ =	shalt  }
0x5d: {  	_ =	shalt  }
0x5e: {  	_ =	shalt  }
0x5f: {  	_ =	shalt  }
0x60: {  	_ =	shalt  }
0x61: {  	_ =	shalt  }
0x62: {  	_ =	shalt  }
0x63: {  	_ =	shalt  }
0x64: {  	_ =	shalt  }
0x65: {  	_ =	shalt  }
0x66: {  	_ =	shalt  }
0x67: {  	_ =	shalt  }
0x68: {  	_ =	shalt  }
0x69: {  	_ =	shalt  }
0x6a: {  	_ =	shalt  }
0x6b: {  	_ =	shalt  }
0x6c: {  	_ =	shalt  }
0x6d: {  	_ =	shalt  }
0x6e: {  	_ =	shalt  }
0x6f: {  	_ =	shalt  }
0x70: {  	_ =	shalt  }
0x71: {  	_ =	shalt  }
0x72: {  	_ =	shalt  }
0x73: {  	_ =	shalt  }
0x74: {  	_ =	shalt  }
0x75: {  	_ =	shalt  }
0x76: {  	_ =	shalt  }
0x77: {  	_ =	shalt  }
0x78: {  	_ =	shalt  }
0x79: {  	_ =	shalt  }
0x7a: {  	_ =	shalt  }
0x7b: {  	_ =	shalt  }
0x7c: {  	_ =	shalt  }
0x7d: {  	_ =	shalt  }
0x7e: {  	_ =	shalt  }
0x7f: {  	_ =	shalt  }
0x80: {  	_ =	shalt  }
0x81: {  	_ =	shalt  }
0x82: {  	_ =	shalt  }
0x83: {  	_ =	shalt  }
0x84: {  	_ =	shalt  }
0x85: {  	_ =	shalt  }
0x86: {  	_ =	shalt  }
0x87: {  	_ =	shalt  }
.Lfunc_end0:
.L_simem_size_0:
called_computation.4_lowered:
.L_overlay_start_0:
0x88: {  	s2 =	sld [smem:$0x3FD9]  }
0x89: {  	s3 =	sld [smem:$0x3FFE];
	_ =	sdelay $0x1  }
0x8a: {  	s1 =	srdreg.scid  }
0x8b: {  	s0 =	sand.u32 $0x1, s1  }
0x8c: {  	s17 =	sshll.u32 s0, $0xA;
	s2 =	sadd.s32 s3, s2  }
0x8d: {  	s2 =	sadd.s32 s2, s17  }
0x8e: {  	[smem:$0x3FBA] =	sst s2  }
0x8f: {  	_ = 	snop  }
0x90: {  	s2 =	sld [smem:$0x3FD0];
	(tm) =	ssettm $0x1  }
0x91: {  	s18 =	sld [smem:$0x3FFB];
	_ =	sdelay $0x3  }
0x92: {  	_ =	strace s18  }
0x93: {  	s3 =	sld [smem:$0x3FFC];
	_ =	sdelay $0x3  }
0x94: {  	_ =	strace s3  }
0x95: {  	s3 =	sld [smem:$0x3FFD];
	_ =	sdelay $0x3  }
0x96: {  	_ =	strace s3  }
0x97: {  	_ =	strace $0x8FFFFFFF  }
0x98: {  	s19 =	sld [smem:$0x3FDB];
	_ =	sdelay $0x1  }
0x99: {  	s4 =	simm.s32 $_scs_section_size  }
0x9a: {  	s5 =	simm.s32 $_size__tile_overlayer_lowered;
	s6 =	simm.s32 $_tile_overlayer_lowered  }
0x9b: {  	s22 =	simm.s32 $0x1BFF;
	s21 =	sshll.u32 s6, $0x1;
	s3 =	sadd.s32 s4, s19  }
0x9c: {  	s7 =	simm.s32 $0x0;
	s20 =	sshll.u32 s5, $0x1;
	s5 =	sadd.s32 s21, s3  }
0x9d: {  	[timem:s7], [sflag:s22] =	dma.local [hbm:s5], s20  }
0x9e: {  	_ =	swait.ge [sflag:s22], s20  }
0x9f: {  	s4 =	ssub.s32 $0x0, s20;
	[sflag:s22] =	ssyncset.done $0x0  }
0xa0: {  	[sflag:s22] =	ssyncadd.s32 s4;
	_ =	sdelay $0x1  }
0xa1: {  	s23 =	simm.s32 $0x1B8B  }
0xa2: {  	_ =	swait.ge [sflag:s23], $0x1  }
0xa3: {  	[sflag:s23] =	ssyncset.done $0x0  }
0xa4: {  	s25 =	simm.s32 $0x1B8E;
	s24 =	sld [smem:$0x3FFE];
	[sflag:s23] =	ssyncadd.s32 $0xFFFFFFFF  }
0xa5: {  	s26 =	simm.s32 $execute0_lowered;
	[smem:$0x3FD2] =	sst s25  }
0xa6: {  	s5 =	sshll.u32 s26, $0x1;
	_ =	strace $0x80000052;
	[dreg:$0x1] =	wrdreg $0xFFFFFFFF  }
0xa7: {  	s28 =	simm.s32 $_size_execute0_lowered;
	s3 =	sadd.s32 s3, s5;
	[dreg:$0x0] =	wrdreg $0x0  }
0xa8: {  	s5 =	sshll.u32 s28, $0x1;
	[dreg:$0x2] =	wrdreg s3  }
0xa9: {  	[dreg:$0x3] =	wrdreg s5  }
0xaa: {  	[dreg:$0x4] =	wrdreg $0xC0  }
0xab: {  	_ =	task [dreg:s7], $0x5FFFF  }
0xac: {  	[dreg:$0x1] =	wrdreg $0xFFFFFFFF  }
0xad: {  	[dreg:$0x0] =	wrdreg $0x60  }
0xae: {  	[dreg:$0x2] =	wrdreg s24  }
0xaf: {  	[dreg:$0x3] =	wrdreg s2  }
0xb0: {  	[dreg:$0x4] =	wrdreg $0x41000  }
0xb1: {  	[dreg:$0x5] =	wrdreg $0x9  }
0xb2: {  	_ =	task.clear_ibuf [dreg:s7], $0x6FFFF;
	_ =	strace $0x90000052  }
0xb3: {  	s29 =	simm.s32 $0x9;
	_ =	strace $0x80000054  }
0xb4: {  	_ =	swait.ge [sflag:s29], $0x1  }
0xb5: {  	[sflag:s29] =	ssyncadd.s32 $0xFFFFFFFF  }
0xb6: {  	_ =	strace $0x90000054  }
0xb7: {  	_ =	sfence  }
0xb8: {  	s30 =	sld [smem:$0x0];
	_ =	sdelay $0x2  }
0xb9: {  	s31 =	sshll.u32 s1, $0xD;
	s1 =	sshrl.u32 s1, $0x2  }
0xba: {  	s3 =	sand.u32 $0x4000, s31;
	s1 =	sadd.s32 s1, s30  }
0xbb: {  	s0 =	sor.u32 s3, s0;
	s1 =	sshll.u32 s1, $0x11  }
0xbc: {  	s0 =	sor.u32 s1, s0  }
0xbd: {  	s0 =	sadd.s32 $0x8F2B, s0  }
0xbe: {  	[sflag:s0] =	ssyncadd.remote.s32 $0x1  }
0xbf: {  	_ =	sfence.sel $0xFFFF  }
0xc0: {  	[dreg:$0x0] =	wrdreg $0xFFFFFFFF;
	(pc) =	sbr.abs _section_cstart, $3  }
0xc1: {  	[dreg:$0x1] =	wrdreg $0xFFFFFFFF  }
0xc2: {  	_ =	task.clear_ibuf [dreg:s7], $0x2FFFF;
	_ =	strace $0x9FFFFFFF  }
0xc3: {  	(tm) =	ssettm $0x7FFFFFFF  }
tec
execute0_lowered:
.L_overlay_start_1:
0x0: {  	(tag) =	ssettag $0x1  }
0x1: {  	s8 =	rddreg [dreg:$0x0]  }
0x2: {  	s1 =	rddreg [dreg:$0x1]  }
0x3: {  	s2 =	rddreg [dreg:$0x2]  }
0x4: {  	s0 =	rddreg [dreg:$0x3]  }
0x5: {  	s4 =	simm.s32 $0x0;
	s6 =	srdreg.scid;
	s3 =	stileid.u32  }
0x6: {  	[smem:$0x7FF] =	sst s4;
	s9 =	smul.u32 $0x50000, s3  }
0x7: {  	s5 =	sadd.s32 $0x4E00, s8;
	s12 =	sand.u32 $0x1, s6;
	s13 =	smul.u32 $0x14000, s3  }
0x8: {  	s6 =	sadd.s32 $0x55600, s8;
	s7 =	sadd.s32 $0x4600, s8;
	s22 =	smul.u32 $0x2800, s3  }
0x9: {  	s18 =	sadd.s32 $0x5F600, s8;
	s10 =	ssub.s32 $0x2, s12;
	s20 =	smul.u32 $0x140000, s12  }
0xa: {  	_ =	strace $0x80000053;
	s15 =	smul.u32 $0x28000, s12;
	s30 =	sshrl.u32 s10, $0x1  }
0xb: {  	s31 =	sshrl.u32 s9, $0x2;
	s14 =	sadd.s32 $0x4000, s13;
	s16 =	sadd.s32 $0x8000, s13  }
0xc: {  	s17 =	sadd.s32 $0xC000, s13;
	s21 =	sadd.s32 $0x10000, s13;
	s19 =	ssub.s32 s10, s30  }
0xd: {  	s8 =	sadd.s32 s31, s2;
	s9 =	sadd.s32 s14, s2;
	s10 =	sadd.s32 s16, s2  }
0xe: {  	s11 =	sadd.s32 s17, s2;
	s13 =	sadd.s32 s13, s20;
	s14 =	sadd.s32 s20, s14  }
0xf: {  	s12 =	sadd.s32 s21, s2;
	s16 =	sadd.s32 s20, s16;
	s17 =	sadd.s32 s20, s17  }
0x10: {  	s20 =	sadd.s32 s20, s21;
	s21 =	simm.s32 $0x2;
	s23 =	sshrl.u32 s13, $0x3  }
0x11: {  	s24 =	sshrl.u32 s14, $0x3;
	s13 =	sadd.s32 s22, s15;
	s16 =	sshrl.u32 s16, $0x3  }
0x12: {  	s17 =	sshrl.u32 s17, $0x3;
	s20 =	sshrl.u32 s20, $0x3;
	s19 =	smax.u32 s19, $0x1  }
0x13: {  	s22 =	simm.s32 $0x80;
	s14 =	sadd.s32 s18, s23;
	s15 =	sadd.s32 s18, s24  }
0x14: {  	s16 =	sadd.s32 s18, s16;
	s17 =	sadd.s32 s18, s17;
	s18 =	sadd.s32 s18, s20  }
0x15: {  	s20 =	simm.s32 $0x100;
	s23 =	simm.s32 $0x1;
	s24 =	simm.s32 $0x0  }
.LBB2_1:
0x16: {  	[tilespmem:s20], [sflag:$0x2] =	stream.linear.gather [hbm4b:s7+s4], $0x4000, $0x38;
	[tilespmem:$0x18100] =	vst v63  }
0x17: {  	_ =	swait.ge [sflag:s21], $0x4000  }
0x18: {  	[sflag:s21] =	ssyncset.done $0x0  }
0x19: {  	[sflag:s21] =	ssyncadd.s32 $0xFFFFC000  }
0x1a: {  	[spmem:s8] =	stream.linear.scatter [tilespmem:s20], [sflag:$0x2], $0x4000, $0x38;
	[tilespmem:$0x18100] =	vst v63  }
0x1b: {  	_ =	swait.ge [sflag:s21], $0x4000  }
0x1c: {  	[sflag:s21] =	ssyncset.done $0x0  }
0x1d: {  	[sflag:s21] =	ssyncadd.s32 $0xFFFFC000  }
0x1e: {  	[spmem:s9] =	stream.linear.scatter [tilespmem:s20], [sflag:$0x2], $0x4000, $0x38;
	[tilespmem:$0x18100] =	vst v63  }
0x1f: {  	_ =	swait.ge [sflag:s21], $0x4000  }
0x20: {  	[sflag:s21] =	ssyncset.done $0x0  }
0x21: {  	[sflag:s21] =	ssyncadd.s32 $0xFFFFC000  }
0x22: {  	[spmem:s10] =	stream.linear.scatter [tilespmem:s20], [sflag:$0x2], $0x4000, $0x38;
	[tilespmem:$0x18100] =	vst v63  }
0x23: {  	_ =	swait.ge [sflag:s21], $0x4000  }
0x24: {  	[sflag:s21] =	ssyncset.done $0x0  }
0x25: {  	[sflag:s21] =	ssyncadd.s32 $0xFFFFC000  }
0x26: {  	[spmem:s11] =	stream.linear.scatter [tilespmem:s20], [sflag:$0x2], $0x4000, $0x38;
	[tilespmem:$0x18100] =	vst v63  }
0x27: {  	_ =	swait.ge [sflag:s21], $0x4000  }
0x28: {  	[sflag:s21] =	ssyncset.done $0x0  }
0x29: {  	s25 =	sand.u32 $0x3C00, s4;
	[sflag:s21] =	ssyncadd.s32 $0xFFFFC000  }
0x2a: {  	[spmem:s12] =	stream.linear.scatter [tilespmem:s20], [sflag:$0x2], $0x4000, $0x38;
	[tilespmem:$0x18100] =	vst v63  }
0x2b: {  	s26 =	sand.u32 $0x380, s4;
	s25 =	sadd.s32 s25, s13;
	_ =	swait.ge [sflag:s21], $0x4000  }
0x2c: {  	s25 =	sor.u32 s26, s25;
	[sflag:s21] =	ssyncset.done $0x0  }
0x2d: {  	s25 =	sshrl.u32 s25, $0x3;
	[sflag:s21] =	ssyncadd.s32 $0xFFFFC000  }
0x2e: {  	s29 =	sadd.s32 s6, s25;
	[bflag:$0x0] =	sbarrier.arrive $0xFFFF  }
0x2f: {  	[tilespmem:s4], [sflag:$0x2] =	stream.linear.gather [hbm4b:s29+s4], $0x80, $0x38;
	[tilespmem:$0x18100] =	vst v63  }
0x30: {  	_ =	swait.ge [sflag:s21], $0x80  }
0x31: {  	[sflag:s21] =	ssyncset.done $0x0  }
0x32: {  	s25 =	sadd.s32 s1, s25;
	[sflag:s21] =	ssyncadd.s32 $0xFFFFFF80  }
0x33: {  	[tilespmem:s22], [sflag:$0x2] =	stream.linear.gather [hbm4b:s25+s4], $0x80, $0x38;
	[tilespmem:$0x18100] =	vst v63  }
0x34: {  	_ =	swait.ge [sflag:s21], $0x80  }
0x35: {  	[sflag:s21] =	ssyncset.done $0x0  }
0x36: {  	[sflag:s21] =	ssyncadd.s32 $0xFFFFFF80  }
0x37: {  	[tilespmem:s20], [sflag:$0x1] =	stream.indirect.gather [hbm4b:s5+s22], $0x80, s4, s22, $0xb8;
	[tilespmem:$0x18100] =	vst v63  }
0x38: {  	_ =	swait.ge [sflag:s23], $0x4000  }
0x39: {  	s30 =	simm.s32 $0x80;
	[sflag:s23] =	ssyncset.done $0x0  }
0x3a: {  	s31 =	sand.u32 $0x3C00, s30;
	[sflag:s23] =	ssyncadd.s32 $0xFFFFC000  }
0x3b: {  	[spmem:s2] =	stream.indirect.scatter.add.f32 [tilespmem:s20], [sflag:$0x2], $0x80, s22, s22, $0xb8;
	[tilespmem:$0x18100] =	vst v63  }
0x3c: {  	s28 =	sand.u32 $0x380, s30;
	s26 =	sadd.s32 s31, s13;
	_ =	swait.ge [sflag:s21], $0x4000  }
0x3d: {  	s26 =	sor.u32 s28, s26;
	s25 =	simm.s32 $0x100;
	[sflag:s21] =	ssyncset.done $0x0  }
.LBB2_2:
0x3e: {  	s26 =	sshrl.u32 s26, $0x3  }
0x3f: {  	[sflag:s21] =	ssyncadd.s32 $0xFFFFC000;
	s28 =	smov.u32 s25;
	s29 =	sadd.s32 $0x80, s25  }
0x40: {  	p0 =	sne.s32 s25, $0x2700;
	s25 =	sadd.s32 s6, s26  }
0x41: {  	[tilespmem:s4], [sflag:$0x2] =	stream.linear.gather [hbm4b:s25+s4], $0x80, $0x38;
	[tilespmem:$0x18100] =	vst v63  }
0x42: {  	_ =	swait.ge [sflag:s21], $0x80  }
0x43: {  	[sflag:s21] =	ssyncset.done $0x0  }
0x44: {  	s25 =	sadd.s32 s1, s26;
	[sflag:s21] =	ssyncadd.s32 $0xFFFFFF80  }
0x45: {  	[tilespmem:s22], [sflag:$0x2] =	stream.linear.gather [hbm4b:s25+s4], $0x80, $0x38;
	[tilespmem:$0x18100] =	vst v63  }
0x46: {  	_ =	swait.ge [sflag:s21], $0x80  }
0x47: {  	[sflag:s21] =	ssyncset.done $0x0  }
0x48: {  	[sflag:s21] =	ssyncadd.s32 $0xFFFFFF80  }
0x49: {  	[tilespmem:s20], [sflag:$0x1] =	stream.indirect.gather [hbm4b:s5+s22], $0x80, s4, s22, $0xb8;
	[tilespmem:$0x18100] =	vst v63  }
0x4a: {  	_ =	swait.ge [sflag:s23], $0x4000  }
.Ltmp0:
0x4b: {  	[sflag:s23] =	ssyncset.done $0x0;
	(pc) =	sbr.rel @p0 .LBB2_2-.Ltmp0, $4  }
0x4c: {  	s25 =	sand.u32 $0x3C00, s28;
	[sflag:s23] =	ssyncadd.s32 $0xFFFFC000  }
0x4d: {  	[spmem:s2] =	stream.indirect.scatter.add.f32 [tilespmem:s20], [sflag:$0x2], $0x80, s22, s22, $0xb8;
	[tilespmem:$0x18100] =	vst v63  }
0x4e: {  	s26 =	sand.u32 $0x380, s28;
	s25 =	sadd.s32 s25, s13;
	_ =	swait.ge [sflag:s21], $0x4000  }
0x4f: {  	s26 =	sor.u32 s26, s25;
	s25 =	smov.u32 s29;
	[sflag:s21] =	ssyncset.done $0x0  }
0x50: {  	s25 =	sshrl.u32 s26, $0x3  }
0x51: {  	[sflag:s21] =	ssyncadd.s32 $0xFFFFC000;
	s26 =	sadd.s32 s6, s25  }
0x52: {  	[tilespmem:s4], [sflag:$0x2] =	stream.linear.gather [hbm4b:s26+s4], $0x80, $0x38;
	[tilespmem:$0x18100] =	vst v63  }
0x53: {  	_ =	swait.ge [sflag:s21], $0x80  }
0x54: {  	[sflag:s21] =	ssyncset.done $0x0  }
0x55: {  	s25 =	sadd.s32 s1, s25;
	[sflag:s21] =	ssyncadd.s32 $0xFFFFFF80  }
0x56: {  	[tilespmem:s22], [sflag:$0x2] =	stream.linear.gather [hbm4b:s25+s4], $0x80, $0x38;
	[tilespmem:$0x18100] =	vst v63  }
0x57: {  	_ =	swait.ge [sflag:s21], $0x80  }
0x58: {  	[sflag:s21] =	ssyncset.done $0x0  }
0x59: {  	[sflag:s21] =	ssyncadd.s32 $0xFFFFFF80  }
0x5a: {  	[tilespmem:s20], [sflag:$0x1] =	stream.indirect.gather [hbm4b:s5+s22], $0x80, s4, s22, $0xb8;
	[tilespmem:$0x18100] =	vst v63  }
0x5b: {  	_ =	swait.ge [sflag:s23], $0x4000  }
0x5c: {  	[sflag:s23] =	ssyncset.done $0x0  }
0x5d: {  	[sflag:s23] =	ssyncadd.s32 $0xFFFFC000  }
0x5e: {  	[spmem:s2] =	stream.indirect.scatter.add.f32 [tilespmem:s20], [sflag:$0x2], $0x80, s22, s22, $0xb8;
	[tilespmem:$0x18100] =	vst v63  }
0x5f: {  	_ =	swait.ge [sflag:s21], $0x4000  }
0x60: {  	[sflag:s21] =	ssyncset.done $0x0  }
0x61: {  	[sflag:s21] =	ssyncadd.s32 $0xFFFFC000  }
0x62: {  	[bflag:$0x0] =	sbarrier.arrive $0xFFFF  }
0x63: {  	[tilespmem:s20], [sflag:$0x2] =	stream.linear.gather [spmem:s8], $0x4000, $0x38;
	[tilespmem:$0x18100] =	vst v63  }
0x64: {  	_ =	swait.ge [sflag:s21], $0x4000  }
0x65: {  	[sflag:s21] =	ssyncset.done $0x0  }
0x66: {  	[sflag:s21] =	ssyncadd.s32 $0xFFFFC000  }
0x67: {  	[hbm4b:s14+s4] =	stream.linear.scatter [tilespmem:s20], [sflag:$0x2], $0x4000, $0x38;
	[tilespmem:$0x18100] =	vst v63  }
0x68: {  	_ =	swait.ge [sflag:s21], $0x4000  }
0x69: {  	[sflag:s21] =	ssyncset.done $0x0  }
0x6a: {  	[sflag:s21] =	ssyncadd.s32 $0xFFFFC000  }
0x6b: {  	[tilespmem:s20], [sflag:$0x2] =	stream.linear.gather [spmem:s9], $0x4000, $0x38;
	[tilespmem:$0x18100] =	vst v63  }
0x6c: {  	_ =	swait.ge [sflag:s21], $0x4000  }
0x6d: {  	[sflag:s21] =	ssyncset.done $0x0  }
0x6e: {  	[sflag:s21] =	ssyncadd.s32 $0xFFFFC000  }
0x6f: {  	[hbm4b:s15+s4] =	stream.linear.scatter [tilespmem:s20], [sflag:$0x2], $0x4000, $0x38;
	[tilespmem:$0x18100] =	vst v63  }
0x70: {  	_ =	swait.ge [sflag:s21], $0x4000  }
0x71: {  	[sflag:s21] =	ssyncset.done $0x0  }
0x72: {  	[sflag:s21] =	ssyncadd.s32 $0xFFFFC000  }
0x73: {  	[tilespmem:s20], [sflag:$0x2] =	stream.linear.gather [spmem:s10], $0x4000, $0x38;
	[tilespmem:$0x18100] =	vst v63  }
0x74: {  	_ =	swait.ge [sflag:s21], $0x4000  }
0x75: {  	[sflag:s21] =	ssyncset.done $0x0  }
0x76: {  	[sflag:s21] =	ssyncadd.s32 $0xFFFFC000  }
0x77: {  	[hbm4b:s16+s4] =	stream.linear.scatter [tilespmem:s20], [sflag:$0x2], $0x4000, $0x38;
	[tilespmem:$0x18100] =	vst v63  }
0x78: {  	_ =	swait.ge [sflag:s21], $0x4000  }
0x79: {  	[sflag:s21] =	ssyncset.done $0x0  }
0x7a: {  	[sflag:s21] =	ssyncadd.s32 $0xFFFFC000  }
0x7b: {  	[tilespmem:s20], [sflag:$0x2] =	stream.linear.gather [spmem:s11], $0x4000, $0x38;
	[tilespmem:$0x18100] =	vst v63  }
0x7c: {  	_ =	swait.ge [sflag:s21], $0x4000  }
0x7d: {  	[sflag:s21] =	ssyncset.done $0x0  }
0x7e: {  	[sflag:s21] =	ssyncadd.s32 $0xFFFFC000  }
0x7f: {  	[hbm4b:s17+s4] =	stream.linear.scatter [tilespmem:s20], [sflag:$0x2], $0x4000, $0x38;
	[tilespmem:$0x18100] =	vst v63  }
0x80: {  	_ =	swait.ge [sflag:s21], $0x4000  }
0x81: {  	[sflag:s21] =	ssyncset.done $0x0  }
0x82: {  	[sflag:s21] =	ssyncadd.s32 $0xFFFFC000  }
0x83: {  	[tilespmem:s20], [sflag:$0x2] =	stream.linear.gather [spmem:s12], $0x4000, $0x38;
	[tilespmem:$0x18100] =	vst v63  }
0x84: {  	s24 =	sadd.s32 $0x1, s24;
	_ =	swait.ge [sflag:s21], $0x4000  }
0x85: {  	p0 =	sne.s32 s24, s19;
	[sflag:s21] =	ssyncset.done $0x0  }
.Ltmp1:
0x86: {  	[sflag:s21] =	ssyncadd.s32 $0xFFFFC000;
	(pc) =	sbr.rel @p0 .LBB2_1-.Ltmp1, $4  }
0x87: {  	[hbm4b:s18+s4] =	stream.linear.scatter [tilespmem:s20], [sflag:$0x2], $0x4000, $0x38;
	[tilespmem:$0x18100] =	vst v63  }
0x88: {  	_ =	swait.ge [sflag:s21], $0x4000  }
0x89: {  	[sflag:s21] =	ssyncset.done $0x0  }
0x8a: {  	[sflag:s21] =	ssyncadd.s32 $0xFFFFC000  }
0x8b: {  	_ =	sfence.sel $0x180000  }
0x8c: {  	[bflag:$0x0] =	sbarrier.arrive $0xFFFF  }
0x8d: {  	p0 =	sne.s32 s3, $0x0;
	_ =	strace $0x90000053  }
0x8e: {  	s0 =	sadd.s32 @!p0 $0x100000, s0;
	[bflag:$0x2] =	sbarrier.arrive $0xFFFF  }
0x8f: {  	[sflag:s0] =	ssyncadd.tile.s32 @!p0 $0x1;
	_ =	shalt  }
.Lfunc_end2:
_tile_overlayer_lowered:
.L_overlay_start_2:
0x90: {  	(tag) =	ssettag $0x2  }
0x91: {  	s0 =	rddreg [dreg:$0x0];
	s2 =	stileid.u32  }
0x92: {  	s1 =	rddreg [dreg:$0x1];
	p0 =	sne.s32 s2, $0x0  }
0x93: {  	s3 =	rddreg [dreg:$0x2];
	[bflag:$0x3] =	sbarrier.arrive $0xFFFF;
	s2 =	simm.s32 @!p0 $0x1C02  }
0x94: {  	[timem:s3], [sflag:s2] =	dma.local @!p0 [hbm:s0], s1  }
0x95: {  	s0 =	simm.s32 @!p0 $0x2  }
0x96: {  	_ =	swait.ge @!p0 [sflag:s0], s1  }
0x97: {  	s1 =	ssub.s32 @!p0 $0x0, s1;
	[sflag:s0] =	ssyncset.done @!p0 $0x0  }
0x98: {  	[sflag:s0] =	ssyncadd.s32 @!p0 s1  }
0x99: {  	[bflag:$0x3] =	sbarrier.arrive $0xFFFF  }
0x9a: {  	_ =	shalt  }

</sc_bundles>
